<compile_context>
chip_gen: v7x
topology: tpu7x:2x2x1
jax: 0.10.2.dev20260603
libtpu: 0.0.44.dev20260713+nightly
codegen_flags: <defaults>
</compile_context>

<pallas_src>
import functools

import jax
import jax.numpy as jnp
from jax import lax
from jax.experimental import pallas as pl
from jax.experimental.pallas import tpu as pltpu
from jax.experimental.pallas import tpu_sc as plsc

N = 50000
D = 128
C = 128
KNN = 8

NC = 2
NS = 16
RB = 32
ROWS_W0 = 2560
ROWS_W1 = 640
NOUT = NS * (ROWS_W0 + ROWS_W1)
IDX_ROWS = RB * KNN // 128
IDXW_ROWS = ROWS_W0 * KNN // 128
LANES = 16

_EPS = 1e-5


def _stage1_body(x_ref, wcat_ref, bcat_ref, g_ref, b_ref, a_ref, bb_ref, go_ref):
    x = x_ref[...]
    m = jnp.mean(x, axis=-1, keepdims=True)
    v = jnp.mean((x - m) * (x - m), axis=-1, keepdims=True)
    xn = (x - m) * lax.rsqrt(v + _EPS) * g_ref[...] + b_ref[...]
    y = jnp.dot(xn, wcat_ref[...], preferred_element_type=jnp.float32) + bcat_ref[...]
    a_ref[...] = jax.nn.sigmoid(y[:, 0:C]) * y[:, C:2 * C]
    bb_ref[...] = jax.nn.sigmoid(y[:, 2 * C:3 * C]) * y[:, 3 * C:4 * C]
    go_ref[...] = jax.nn.sigmoid(y[:, 4 * C:5 * C])


def _stage3_body(a_ref, s_ref, go_ref, wlo_ref, blo_ref, g_ref, b_ref, out_ref):
    k = a_ref[...] * s_ref[...]
    m = jnp.mean(k, axis=-1, keepdims=True)
    v = jnp.mean((k - m) * (k - m), axis=-1, keepdims=True)
    kn = (k - m) * lax.rsqrt(v + _EPS) * g_ref[...] + b_ref[...]
    y = jnp.dot(kn, wlo_ref[...], preferred_element_type=jnp.float32) + blo_ref[...]
    out_ref[...] = go_ref[...] * y


_BLK1 = 1000


def _stage1(x, wcat, bcat, g, b):
    grid = (N // _BLK1,)
    return pl.pallas_call(
        _stage1_body,
        grid=grid,
        in_specs=[
            pl.BlockSpec((_BLK1, D), lambda i: (i, 0)),
            pl.BlockSpec((D, 5 * C), lambda i: (0, 0)),
            pl.BlockSpec((1, 5 * C), lambda i: (0, 0)),
            pl.BlockSpec((1, D), lambda i: (0, 0)),
            pl.BlockSpec((1, D), lambda i: (0, 0)),
        ],
        out_specs=[
            pl.BlockSpec((_BLK1, C), lambda i: (i, 0)),
            pl.BlockSpec((_BLK1, C), lambda i: (i, 0)),
            pl.BlockSpec((_BLK1, C), lambda i: (i, 0)),
        ],
        out_shape=[
            jax.ShapeDtypeStruct((N, C), jnp.float32),
            jax.ShapeDtypeStruct((N, C), jnp.float32),
            jax.ShapeDtypeStruct((N, C), jnp.float32),
        ],
    )(x, wcat, bcat, g, b)


def _stage3(a, s, go, wlo, blo, g, b):
    grid = (N // _BLK1,)
    return pl.pallas_call(
        _stage3_body,
        grid=grid,
        in_specs=[
            pl.BlockSpec((_BLK1, C), lambda i: (i, 0)),
            pl.BlockSpec((_BLK1, C), lambda i: (i, 0)),
            pl.BlockSpec((_BLK1, C), lambda i: (i, 0)),
            pl.BlockSpec((C, D), lambda i: (0, 0)),
            pl.BlockSpec((1, D), lambda i: (0, 0)),
            pl.BlockSpec((1, C), lambda i: (0, 0)),
            pl.BlockSpec((1, C), lambda i: (0, 0)),
        ],
        out_specs=pl.BlockSpec((_BLK1, D), lambda i: (i, 0)),
        out_shape=jax.ShapeDtypeStruct((N, D), jnp.float32),
    )(a, s, go, wlo, blo, g, b)


def _gather_sum_body(bb_hbm, idx_hbm, out_hbm,
                     idx_v, gat0, gat1, acc0, acc1,
                     sg0, sg1, so0, so1):
    cid = lax.axis_index("c")
    sid = lax.axis_index("s")
    gat_v = (gat0, gat1)
    acc_v = (acc0, acc1)
    sem_g = (sg0, sg1)
    sem_o = (so0, so1)
    rows_base = pl.multiple_of(
        jnp.where(cid == 0, sid * ROWS_W0, NS * ROWS_W0 + sid * ROWS_W1), RB)
    nblk = jnp.where(cid == 0, ROWS_W0 // RB, ROWS_W1 // RB)
    idx_base = pl.multiple_of(rows_base // (128 // KNN), 8)

    pltpu.sync_copy(idx_hbm.at[pl.ds(idx_base, IDXW_ROWS)], idx_v)

    def fire_gathers(bi, k):
        for g in range(IDX_ROWS):
            pltpu.async_copy(
                bb_hbm.at[idx_v.at[bi * IDX_ROWS + g]],
                gat_v[k].at[pl.ds(g * 128, 128)], sem_g[k])

    def wait_gathers(k):
        for g in range(IDX_ROWS):
            pltpu.make_async_copy(
                bb_hbm.at[pl.ds(0, 128)],
                gat_v[k].at[pl.ds(g * 128, 128)], sem_g[k]).wait()

    def wait_out(k):
        pltpu.make_async_copy(
            acc_v[k], out_hbm.at[pl.ds(0, RB)], sem_o[k]).wait()

    def compute(k):
        def row_body(r2, rcarry):
            for u in range(2):
                r = r2 * 2 + u
                for cseg in range(C // LANES):
                    acc = gat_v[k][r * KNN, pl.ds(cseg * LANES, LANES)]
                    for j in range(1, KNN):
                        acc = acc + gat_v[k][r * KNN + j,
                                            pl.ds(cseg * LANES, LANES)]
                    acc_v[k][r, pl.ds(cseg * LANES, LANES)] = acc
            return rcarry
        lax.fori_loop(0, RB // 2, row_body, 0)

    for k in (0, 1):
        pltpu.async_copy(bb_hbm.at[pl.ds(0, RB)], acc_v[k], sem_o[k])
        fire_gathers(k, k)

    def it_body(it, carry):
        for b in (0, 1):
            bi = it * 2 + b
            nxt = jnp.minimum(bi + 2, nblk - 1)
            wait_gathers(b)
            wait_out(b)
            compute(b)
            pltpu.async_copy(
                acc_v[b], out_hbm.at[pl.ds(rows_base + bi * RB, RB)],
                sem_o[b])
            fire_gathers(nxt, b)
        return carry

    lax.fori_loop(0, nblk // 2, it_body, 0)

    for k in (0, 1):
        wait_gathers(k)
        wait_out(k)


def _gather_sum(bb, idx2d):
    mesh = plsc.VectorSubcoreMesh(core_axis_name="c", subcore_axis_name="s")
    fn = functools.partial(
        pl.kernel,
        mesh=mesh,
        out_type=jax.ShapeDtypeStruct((NOUT, C), jnp.float32),
        scratch_types=[
            pltpu.VMEM((IDXW_ROWS, 128), jnp.int32),
            pltpu.VMEM((RB * KNN, C), jnp.float32),
            pltpu.VMEM((RB * KNN, C), jnp.float32),
            pltpu.VMEM((RB, C), jnp.float32),
            pltpu.VMEM((RB, C), jnp.float32),
            pltpu.SemaphoreType.DMA,
            pltpu.SemaphoreType.DMA,
            pltpu.SemaphoreType.DMA,
            pltpu.SemaphoreType.DMA,
        ],
    )(_gather_sum_body)
    return fn(bb, idx2d)


def kernel(x, indices, ln_in_g, ln_in_b, W_ga, b_ga, W_la, b_la,
           W_gb, b_gb, W_lb, b_lb, ln_o_g, ln_o_b, W_go, b_go, W_lo, b_lo):
    wcat = jnp.concatenate(
        [W_ga.T, W_la.T, W_gb.T, W_lb.T, W_go.T], axis=1)
    bcat = jnp.concatenate([b_ga, b_la, b_gb, b_lb, b_go])[None, :]
    a, bb, go = _stage1(x, wcat, bcat, ln_in_g[None, :], ln_in_b[None, :])

    idx2d = indices.reshape(2 * N * KNN // 128, 128)
    s = _gather_sum(bb, idx2d)

    return _stage3(a, s, go, W_lo.T, b_lo[None, :],
                   ln_o_g[None, :], ln_o_b[None, :])

# --- scband reference (transcript-rebuilt; emitter-appended) ---
"""Pipeline reference for scband-spars-triangular-update-57415122813175 (READ-ONLY COPY).

The authoritative reference and input builder live on the scoring server;
editing this copy changes nothing except your own understanding.
"""

import jax, jax.numpy as jnp
import numpy as np

N = 50000
D = 128   # input_dim
C = 128   # channel_dim
KNN = 8


def _layernorm(x, g, b, eps=1e-5):
    m = jnp.mean(x, axis=-1, keepdims=True)
    v = jnp.var(x, axis=-1, keepdims=True)
    return (x - m) / jnp.sqrt(v + eps) * g + b


def setup_inputs(seed: int = 0) -> dict:
    key = jax.random.key(seed)
    ks = jax.random.split(key, 24)
    inp = {}
    inp["x"] = jax.random.normal(ks[0], (N, D), dtype=jnp.float32)
    inp["indices"] = jax.random.randint(ks[1], (2, N, KNN), 0, N, dtype=jnp.int32)
    # learned parameters (torch nn.Linear: weight [out, in], y = x @ W.T + b)
    inp["ln_in_g"] = jnp.ones((D,), dtype=jnp.float32)
    inp["ln_in_b"] = jnp.zeros((D,), dtype=jnp.float32)
    inp["W_ga"] = jax.random.normal(ks[2], (C, D), dtype=jnp.float32) * 0.05
    inp["b_ga"] = jax.random.normal(ks[3], (C,), dtype=jnp.float32) * 0.02
    inp["W_la"] = jax.random.normal(ks[4], (C, D), dtype=jnp.float32) * 0.05
    inp["b_la"] = jnp.zeros((C,), dtype=jnp.float32)
    inp["W_gb"] = jax.random.normal(ks[5], (C, D), dtype=jnp.float32) * 0.05
    inp["b_gb"] = jax.random.normal(ks[6], (C,), dtype=jnp.float32) * 0.02
    inp["W_lb"] = jax.random.normal(ks[7], (C, D), dtype=jnp.float32) * 0.05
    inp["b_lb"] = jnp.zeros((C,), dtype=jnp.float32)
    inp["ln_o_g"] = jnp.ones((C,), dtype=jnp.float32)
    inp["ln_o_b"] = jnp.zeros((C,), dtype=jnp.float32)
    inp["W_go"] = jax.random.normal(ks[8], (D, D), dtype=jnp.float32) * 0.05
    inp["b_go"] = jax.random.normal(ks[9], (D,), dtype=jnp.float32) * 0.02
    inp["W_lo"] = jax.random.normal(ks[10], (D, C), dtype=jnp.float32) * 0.05
    inp["b_lo"] = jnp.zeros((D,), dtype=jnp.float32)
    return inp


def reference(x, indices, ln_in_g, ln_in_b, W_ga, b_ga, W_la, b_la,
              W_gb, b_gb, W_lb, b_lb, ln_o_g, ln_o_b, W_go, b_go, W_lo, b_lo):
    xn = _layernorm(x, ln_in_g, ln_in_b)
    a = jax.nn.sigmoid(xn @ W_ga.T + b_ga) * (xn @ W_la.T + b_la)
    bb = jax.nn.sigmoid(xn @ W_gb.T + b_gb) * (xn @ W_lb.T + b_lb)
    # axis == 1 -> use indices[0]; b[indices[0]] : [N, KNN, C]
    gathered = jnp.take(bb, indices[0], axis=0)
    # einsum 'ik,ijk->ik' : a_{ik} * sum_j gathered_{ijk}
    k = a * jnp.sum(gathered, axis=1)
    out = jax.nn.sigmoid(xn @ W_go.T + b_go) * (_layernorm(k, ln_o_g, ln_o_b) @ W_lo.T + b_lo)
    return out

if __name__ == "__main__":
    import jax
    _d = setup_inputs()
    print(jax.jit(kernel)(*tuple(_d.values())))

</pallas_src>

<mosaic_0001>
#map = affine_map<(d0, d1) -> (0, 0)>
module attributes {stable_mosaic.version = 14 : i64} {
  func.func @_gather_sum_body(%arg0: i32, %arg1: i32, %arg2: memref<50000x128xf32, #tpu.memory_space<hbm>>, %arg3: memref<6250x128xi32, #tpu.memory_space<hbm>>, %arg4: memref<51200x128xf32, #tpu.memory_space<hbm>>, %arg5: memref<160x128xi32, #tpu.memory_space<vmem>>, %arg6: memref<256x128xf32, #tpu.memory_space<vmem>>, %arg7: memref<256x128xf32, #tpu.memory_space<vmem>>, %arg8: memref<32x128xf32, #tpu.memory_space<vmem>>, %arg9: memref<32x128xf32, #tpu.memory_space<vmem>>, %arg10: memref<!tpu.dma_semaphore, #tpu.memory_space<semaphore_mem>>, %arg11: memref<!tpu.dma_semaphore, #tpu.memory_space<semaphore_mem>>, %arg12: memref<!tpu.dma_semaphore, #tpu.memory_space<semaphore_mem>>, %arg13: memref<!tpu.dma_semaphore, #tpu.memory_space<semaphore_mem>>) attributes {dimension_semantics = [#tpu.dimension_semantics<core_parallel>, #tpu.dimension_semantics<subcore_parallel>], iteration_bounds = array<i64: 2, 16>, scalar_prefetch = 0 : i64, scratch_operands = 9 : i64, tpu.core_type = #tpu.core_type<sc_vector_subcore>, window_params = [{transform_indices = #map}, {transform_indices = #map}, {transform_indices = #map}]} {
    %eq3A = arith.constant 0 : i32
    %eq3A_0 = arith.cmpi eq, %arg0, %eq3A : i32
    %mul3A = arith.constant 2560 : i32
    %mul3A_1 = arith.muli %arg1, %mul3A : i32
    %mul3A_2 = arith.constant 640 : i32
    %mul3A_3 = arith.muli %arg1, %mul3A_2 : i32
    %add3A = arith.constant 40960 : i32
    %add3A_4 = arith.addi %add3A, %mul3A_3 : i32
    %select_n3A = arith.select %eq3A_0, %mul3A_1, %add3A_4 : i32
    %multiple_of3A = tpu.assume_multiple %select_n3A, 32 : i32
    %eq3A_5 = arith.constant 0 : i32
    %eq3A_6 = arith.cmpi eq, %arg0, %eq3A_5 : i32
    %jit3A = arith.constant 80 : i32
    %jit3A_7 = arith.constant 20 : i32
    %select_n3A_8 = arith.select %eq3A_6, %jit3A, %jit3A_7 : i32
    %jit3A_9 = arith.constant 16 : i32
    %div3A = arith.divsi %multiple_of3A, %jit3A_9 : i32
    %sign3A = arith.constant 0 : i32
    %sign3A_10 = arith.cmpi sgt, %multiple_of3A, %sign3A : i32
    %sign3A_11 = arith.extui %sign3A_10 : i1 to i32
    %sign3A_12 = arith.constant 0 : i32
    %sign3A_13 = arith.cmpi slt, %multiple_of3A, %sign3A_12 : i32
    %sign3A_14 = arith.extui %sign3A_13 : i1 to i32
    %sign3A_15 = arith.subi %sign3A_11, %sign3A_14 : i32
    %sign3A_16 = arith.constant 0 : i32
    %sign3A_17 = arith.cmpi sgt, %jit3A_9, %sign3A_16 : i32
    %sign3A_18 = arith.extui %sign3A_17 : i1 to i32
    %sign3A_19 = arith.constant 0 : i32
    %sign3A_20 = arith.cmpi slt, %jit3A_9, %sign3A_19 : i32
    %sign3A_21 = arith.extui %sign3A_20 : i1 to i32
    %sign3A_22 = arith.subi %sign3A_18, %sign3A_21 : i32
    %ne3A = arith.cmpi ne, %sign3A_15, %sign3A_22 : i32
    %rem3A = arith.remsi %multiple_of3A, %jit3A_9 : i32
    %ne3A_23 = arith.constant 0 : i32
    %ne3A_24 = arith.cmpi ne, %rem3A, %ne3A_23 : i32
    %and3A = arith.andi %ne3A, %ne3A_24 : i1
    %sub3A = arith.constant 1 : i32
    %sub3A_25 = arith.subi %div3A, %sub3A : i32
    %select_n3A_26 = arith.select %and3A, %sub3A_25, %div3A : i32
    %multiple_of3A_27 = tpu.assume_multiple %select_n3A_26, 8 : i32
    "tpu.region"() ({
      %run_scoped3A = tpu.sem_alloc : memref<!tpu.dma_semaphore, #tpu.memory_space<semaphore_mem>>
      %dma_start3A_171 = arith.constant 0 : i32
      %dma_start3A_172 = tpu.memref_slice %arg3[%multiple_of3A_27, %dma_start3A_171] : memref<6250x128xi32, #tpu.memory_space<hbm>> -> memref<160x128xi32, #tpu.memory_space<hbm>>
      %dma_start3A_173 = arith.constant 0 : i32
      %dma_start3A_174 = tpu.memref_slice %arg3[%multiple_of3A_27, %dma_start3A_173] : memref<6250x128xi32, #tpu.memory_space<hbm>> -> memref<160x128xi32, #tpu.memory_space<hbm>>
      tpu.enqueue_dma source(%dma_start3A_174 : memref<160x128xi32, #tpu.memory_space<hbm>>) target(%arg5 : memref<160x128xi32, #tpu.memory_space<vmem>>) target_semaphore(%run_scoped3A : memref<!tpu.dma_semaphore, #tpu.memory_space<semaphore_mem>>)
      %dma_wait3A_175 = arith.constant 0 : i32
      %dma_wait3A_176 = tpu.memref_slice %arg3[%multiple_of3A_27, %dma_wait3A_175] : memref<6250x128xi32, #tpu.memory_space<hbm>> -> memref<160x128xi32, #tpu.memory_space<hbm>>
      %dma_wait3A_177 = arith.constant 0 : i32
      %dma_wait3A_178 = tpu.memref_slice %arg3[%multiple_of3A_27, %dma_wait3A_177] : memref<6250x128xi32, #tpu.memory_space<hbm>> -> memref<160x128xi32, #tpu.memory_space<hbm>>
      tpu.wait_dma2 semaphore(%run_scoped3A : memref<!tpu.dma_semaphore, #tpu.memory_space<semaphore_mem>>) src(%dma_wait3A_178 : memref<160x128xi32, #tpu.memory_space<hbm>>) dst(%arg5 : memref<160x128xi32, #tpu.memory_space<vmem>>)
      tpu.yield
    }) : () -> ()
    %dma_start3A = arith.constant 0 : i32
    %dma_start3A_28 = arith.constant 0 : i32
    %dma_start3A_29 = tpu.memref_slice %arg2[%dma_start3A, %dma_start3A_28] : memref<50000x128xf32, #tpu.memory_space<hbm>> -> memref<32x128xf32, #tpu.memory_space<hbm>>
    %dma_start3A_30 = arith.constant 0 : i32
    %dma_start3A_31 = arith.constant 0 : i32
    %dma_start3A_32 = tpu.memref_slice %arg2[%dma_start3A_30, %dma_start3A_31] : memref<50000x128xf32, #tpu.memory_space<hbm>> -> memref<32x128xf32, #tpu.memory_space<hbm>>
    tpu.enqueue_dma source(%dma_start3A_32 : memref<32x128xf32, #tpu.memory_space<hbm>>) target(%arg8 : memref<32x128xf32, #tpu.memory_space<vmem>>) target_semaphore(%arg12 : memref<!tpu.dma_semaphore, #tpu.memory_space<semaphore_mem>>)
    %dma_start3A_33 = arith.constant 0 : i32
    %dma_start3A_34 = arith.constant 0 : i32
    %dma_start3A_35 = arith.constant 0 : i32
    %dma_start3A_36 = tpu.memref_slice %arg6[%dma_start3A_34, %dma_start3A_35] : memref<256x128xf32, #tpu.memory_space<vmem>> -> memref<128x128xf32, #tpu.memory_space<vmem>>
    %dma_start3A_37 = arith.constant 0 : i32
    %dma_start3A_38 = tpu.memref_slice %arg5[%dma_start3A_33, %dma_start3A_37] : memref<160x128xi32, #tpu.memory_space<vmem>> -> memref<1x128xi32, #tpu.memory_space<vmem>>
    %dma_start3A_39 = tpu.memref_squeeze %dma_start3A_38 : memref<1x128xi32, #tpu.memory_space<vmem>> -> memref<128xi32, #tpu.memory_space<vmem>>
    %dma_start3A_40 = arith.constant 0 : i32
    %dma_start3A_41 = arith.constant 0 : i32
    %dma_start3A_42 = tpu.memref_slice %arg2[%dma_start3A_40, %dma_start3A_41] : memref<50000x128xf32, #tpu.memory_space<hbm>> -> memref<50000x128xf32, #tpu.memory_space<hbm>>
    tpu.enqueue_indirect_dma source(%dma_start3A_42 : memref<50000x128xf32, #tpu.memory_space<hbm>>) target(%dma_start3A_36 : memref<128x128xf32, #tpu.memory_space<vmem>>) offsets(%dma_start3A_39 : memref<128xi32, #tpu.memory_space<vmem>>) semaphore(%arg10 : memref<!tpu.dma_semaphore, #tpu.memory_space<semaphore_mem>>)
    %dma_start3A_43 = arith.constant 1 : i32
    %dma_start3A_44 = arith.constant 128 : i32
    %dma_start3A_45 = arith.constant 0 : i32
    %dma_start3A_46 = tpu.memref_slice %arg6[%dma_start3A_44, %dma_start3A_45] : memref<256x128xf32, #tpu.memory_space<vmem>> -> memref<128x128xf32, #tpu.memory_space<vmem>>
    %dma_start3A_47 = arith.constant 0 : i32
    %dma_start3A_48 = tpu.memref_slice %arg5[%dma_start3A_43, %dma_start3A_47] : memref<160x128xi32, #tpu.memory_space<vmem>> -> memref<1x128xi32, #tpu.memory_space<vmem>>
    %dma_start3A_49 = tpu.memref_squeeze %dma_start3A_48 : memref<1x128xi32, #tpu.memory_space<vmem>> -> memref<128xi32, #tpu.memory_space<vmem>>
    %dma_start3A_50 = arith.constant 0 : i32
    %dma_start3A_51 = arith.constant 0 : i32
    %dma_start3A_52 = tpu.memref_slice %arg2[%dma_start3A_50, %dma_start3A_51] : memref<50000x128xf32, #tpu.memory_space<hbm>> -> memref<50000x128xf32, #tpu.memory_space<hbm>>
    tpu.enqueue_indirect_dma source(%dma_start3A_52 : memref<50000x128xf32, #tpu.memory_space<hbm>>) target(%dma_start3A_46 : memref<128x128xf32, #tpu.memory_space<vmem>>) offsets(%dma_start3A_49 : memref<128xi32, #tpu.memory_space<vmem>>) semaphore(%arg10 : memref<!tpu.dma_semaphore, #tpu.memory_space<semaphore_mem>>)
    %dma_start3A_53 = arith.constant 0 : i32
    %dma_start3A_54 = arith.constant 0 : i32
    %dma_start3A_55 = tpu.memref_slice %arg2[%dma_start3A_53, %dma_start3A_54] : memref<50000x128xf32, #tpu.memory_space<hbm>> -> memref<32x128xf32, #tpu.memory_space<hbm>>
    %dma_start3A_56 = arith.constant 0 : i32
    %dma_start3A_57 = arith.constant 0 : i32
    %dma_start3A_58 = tpu.memref_slice %arg2[%dma_start3A_56, %dma_start3A_57] : memref<50000x128xf32, #tpu.memory_space<hbm>> -> memref<32x128xf32, #tpu.memory_space<hbm>>
    tpu.enqueue_dma source(%dma_start3A_58 : memref<32x128xf32, #tpu.memory_space<hbm>>) target(%arg9 : memref<32x128xf32, #tpu.memory_space<vmem>>) target_semaphore(%arg13 : memref<!tpu.dma_semaphore, #tpu.memory_space<semaphore_mem>>)
    %dma_start3A_59 = arith.constant 2 : i32
    %dma_start3A_60 = arith.constant 0 : i32
    %dma_start3A_61 = arith.constant 0 : i32
    %dma_start3A_62 = tpu.memref_slice %arg7[%dma_start3A_60, %dma_start3A_61] : memref<256x128xf32, #tpu.memory_space<vmem>> -> memref<128x128xf32, #tpu.memory_space<vmem>>
    %dma_start3A_63 = arith.constant 0 : i32
    %dma_start3A_64 = tpu.memref_slice %arg5[%dma_start3A_59, %dma_start3A_63] : memref<160x128xi32, #tpu.memory_space<vmem>> -> memref<1x128xi32, #tpu.memory_space<vmem>>
    %dma_start3A_65 = tpu.memref_squeeze %dma_start3A_64 : memref<1x128xi32, #tpu.memory_space<vmem>> -> memref<128xi32, #tpu.memory_space<vmem>>
    %dma_start3A_66 = arith.constant 0 : i32
    %dma_start3A_67 = arith.constant 0 : i32
    %dma_start3A_68 = tpu.memref_slice %arg2[%dma_start3A_66, %dma_start3A_67] : memref<50000x128xf32, #tpu.memory_space<hbm>> -> memref<50000x128xf32, #tpu.memory_space<hbm>>
    tpu.enqueue_indirect_dma source(%dma_start3A_68 : memref<50000x128xf32, #tpu.memory_space<hbm>>) target(%dma_start3A_62 : memref<128x128xf32, #tpu.memory_space<vmem>>) offsets(%dma_start3A_65 : memref<128xi32, #tpu.memory_space<vmem>>) semaphore(%arg11 : memref<!tpu.dma_semaphore, #tpu.memory_space<semaphore_mem>>)
    %dma_start3A_69 = arith.constant 3 : i32
    %dma_start3A_70 = arith.constant 128 : i32
    %dma_start3A_71 = arith.constant 0 : i32
    %dma_start3A_72 = tpu.memref_slice %arg7[%dma_start3A_70, %dma_start3A_71] : memref<256x128xf32, #tpu.memory_space<vmem>> -> memref<128x128xf32, #tpu.memory_space<vmem>>
    %dma_start3A_73 = arith.constant 0 : i32
    %dma_start3A_74 = tpu.memref_slice %arg5[%dma_start3A_69, %dma_start3A_73] : memref<160x128xi32, #tpu.memory_space<vmem>> -> memref<1x128xi32, #tpu.memory_space<vmem>>
    %dma_start3A_75 = tpu.memref_squeeze %dma_start3A_74 : memref<1x128xi32, #tpu.memory_space<vmem>> -> memref<128xi32, #tpu.memory_space<vmem>>
    %dma_start3A_76 = arith.constant 0 : i32
    %dma_start3A_77 = arith.constant 0 : i32
    %dma_start3A_78 = tpu.memref_slice %arg2[%dma_start3A_76, %dma_start3A_77] : memref<50000x128xf32, #tpu.memory_space<hbm>> -> memref<50000x128xf32, #tpu.memory_space<hbm>>
    tpu.enqueue_indirect_dma source(%dma_start3A_78 : memref<50000x128xf32, #tpu.memory_space<hbm>>) target(%dma_start3A_72 : memref<128x128xf32, #tpu.memory_space<vmem>>) offsets(%dma_start3A_75 : memref<128xi32, #tpu.memory_space<vmem>>) semaphore(%arg11 : memref<!tpu.dma_semaphore, #tpu.memory_space<semaphore_mem>>)
    %jit3A_79 = arith.constant 2 : i32
    %div3A_80 = arith.divsi %select_n3A_8, %jit3A_79 : i32
    %sign3A_81 = arith.constant 0 : i32
    %sign3A_82 = arith.cmpi sgt, %select_n3A_8, %sign3A_81 : i32
    %sign3A_83 = arith.extui %sign3A_82 : i1 to i32
    %sign3A_84 = arith.constant 0 : i32
    %sign3A_85 = arith.cmpi slt, %select_n3A_8, %sign3A_84 : i32
    %sign3A_86 = arith.extui %sign3A_85 : i1 to i32
    %sign3A_87 = arith.subi %sign3A_83, %sign3A_86 : i32
    %sign3A_88 = arith.constant 0 : i32
    %sign3A_89 = arith.cmpi sgt, %jit3A_79, %sign3A_88 : i32
    %sign3A_90 = arith.extui %sign3A_89 : i1 to i32
    %sign3A_91 = arith.constant 0 : i32
    %sign3A_92 = arith.cmpi slt, %jit3A_79, %sign3A_91 : i32
    %sign3A_93 = arith.extui %sign3A_92 : i1 to i32
    %sign3A_94 = arith.subi %sign3A_90, %sign3A_93 : i32
    %ne3A_95 = arith.cmpi ne, %sign3A_87, %sign3A_94 : i32
    %rem3A_96 = arith.remsi %select_n3A_8, %jit3A_79 : i32
    %ne3A_97 = arith.constant 0 : i32
    %ne3A_98 = arith.cmpi ne, %rem3A_96, %ne3A_97 : i32
    %and3A_99 = arith.andi %ne3A_95, %ne3A_98 : i1
    %sub3A_100 = arith.constant 1 : i32
    %sub3A_101 = arith.subi %div3A_80, %sub3A_100 : i32
    %select_n3A_102 = arith.select %and3A_99, %sub3A_101, %div3A_80 : i32
    %while3A = arith.constant 0 : i32
    %while3A_103 = arith.constant 0 : i32
    %while3A_104 = arith.subi %select_n3A_102, %while3A_103 : i32
    %while3A_105 = arith.addi %while3A_103, %while3A_104 : i32
    %while3A_106 = arith.constant 1 : i32
    %while3A_107 = arith.divsi %while3A_104, %while3A_106 : i32
    %while3A_108 = arith.muli %while3A_107, %while3A_106 : i32
    %while3A_109 = arith.addi %while3A_103, %while3A_108 : i32
    %while3A_110 = arith.constant 1 : i32
    scf.for %while3A_171 = %while3A_103 to %while3A_109 step %while3A_110  : i32 {
      %mul3A_172 = arith.constant 2 : i32
      %mul3A_173 = arith.muli %while3A_171, %mul3A_172 : i32
      %add3A_174 = arith.constant 0 : i32
      %add3A_175 = arith.addi %mul3A_173, %add3A_174 : i32
      %add3A_176 = arith.constant 2 : i32
      %add3A_177 = arith.addi %add3A_175, %add3A_176 : i32
      %sub3A_178 = arith.constant 1 : i32
      %sub3A_179 = arith.subi %select_n3A_8, %sub3A_178 : i32
      %min3A = arith.minsi %add3A_177, %sub3A_179 : i32
      %dma_wait3A_180 = arith.constant 0 : i32
      %dma_wait3A_181 = arith.constant 0 : i32
      %dma_wait3A_182 = tpu.memref_slice %arg6[%dma_wait3A_180, %dma_wait3A_181] : memref<256x128xf32, #tpu.memory_space<vmem>> -> memref<128x128xf32, #tpu.memory_space<vmem>>
      %dma_wait3A_183 = arith.constant 0 : i32
      %dma_wait3A_184 = arith.constant 0 : i32
      %dma_wait3A_185 = tpu.memref_slice %arg2[%dma_wait3A_183, %dma_wait3A_184] : memref<50000x128xf32, #tpu.memory_space<hbm>> -> memref<128x128xf32, #tpu.memory_space<hbm>>
      %dma_wait3A_186 = arith.constant 0 : i32
      %dma_wait3A_187 = arith.constant 0 : i32
      %dma_wait3A_188 = tpu.memref_slice %arg6[%dma_wait3A_186, %dma_wait3A_187] : memref<256x128xf32, #tpu.memory_space<vmem>> -> memref<128x128xf32, #tpu.memory_space<vmem>>
      %dma_wait3A_189 = arith.constant 0 : i32
      %dma_wait3A_190 = arith.constant 0 : i32
      %dma_wait3A_191 = tpu.memref_slice %arg2[%dma_wait3A_189, %dma_wait3A_190] : memref<50000x128xf32, #tpu.memory_space<hbm>> -> memref<128x128xf32, #tpu.memory_space<hbm>>
      tpu.wait_dma2 semaphore(%arg10 : memref<!tpu.dma_semaphore, #tpu.memory_space<semaphore_mem>>) src(%dma_wait3A_191 : memref<128x128xf32, #tpu.memory_space<hbm>>) dst(%dma_wait3A_188 : memref<128x128xf32, #tpu.memory_space<vmem>>)
      %dma_wait3A_192 = arith.constant 128 : i32
      %dma_wait3A_193 = arith.constant 0 : i32
      %dma_wait3A_194 = tpu.memref_slice %arg6[%dma_wait3A_192, %dma_wait3A_193] : memref<256x128xf32, #tpu.memory_space<vmem>> -> memref<128x128xf32, #tpu.memory_space<vmem>>
      %dma_wait3A_195 = arith.constant 0 : i32
      %dma_wait3A_196 = arith.constant 0 : i32
      %dma_wait3A_197 = tpu.memref_slice %arg2[%dma_wait3A_195, %dma_wait3A_196] : memref<50000x128xf32, #tpu.memory_space<hbm>> -> memref<128x128xf32, #tpu.memory_space<hbm>>
      %dma_wait3A_198 = arith.constant 128 : i32
      %dma_wait3A_199 = arith.constant 0 : i32
      %dma_wait3A_200 = tpu.memref_slice %arg6[%dma_wait3A_198, %dma_wait3A_199] : memref<256x128xf32, #tpu.memory_space<vmem>> -> memref<128x128xf32, #tpu.memory_space<vmem>>
      %dma_wait3A_201 = arith.constant 0 : i32
      %dma_wait3A_202 = arith.constant 0 : i32
      %dma_wait3A_203 = tpu.memref_slice %arg2[%dma_wait3A_201, %dma_wait3A_202] : memref<50000x128xf32, #tpu.memory_space<hbm>> -> memref<128x128xf32, #tpu.memory_space<hbm>>
      tpu.wait_dma2 semaphore(%arg10 : memref<!tpu.dma_semaphore, #tpu.memory_space<semaphore_mem>>) src(%dma_wait3A_203 : memref<128x128xf32, #tpu.memory_space<hbm>>) dst(%dma_wait3A_200 : memref<128x128xf32, #tpu.memory_space<vmem>>)
      %dma_wait3A_204 = arith.constant 0 : i32
      %dma_wait3A_205 = arith.constant 0 : i32
      %dma_wait3A_206 = tpu.memref_slice %arg4[%dma_wait3A_204, %dma_wait3A_205] : memref<51200x128xf32, #tpu.memory_space<hbm>> -> memref<32x128xf32, #tpu.memory_space<hbm>>
      %dma_wait3A_207 = arith.constant 0 : i32
      %dma_wait3A_208 = arith.constant 0 : i32
      %dma_wait3A_209 = tpu.memref_slice %arg4[%dma_wait3A_207, %dma_wait3A_208] : memref<51200x128xf32, #tpu.memory_space<hbm>> -> memref<32x128xf32, #tpu.memory_space<hbm>>
      tpu.wait_dma2 semaphore(%arg12 : memref<!tpu.dma_semaphore, #tpu.memory_space<semaphore_mem>>) src(%arg8 : memref<32x128xf32, #tpu.memory_space<vmem>>) dst(%dma_wait3A_209 : memref<32x128xf32, #tpu.memory_space<hbm>>)
      %scan3A = arith.constant 0 : i32
      %scan3A_210 = arith.constant 0 : i32
      %scan3A_211 = arith.constant 16 : i32
      %scan3A_212 = arith.addi %scan3A_210, %scan3A_211 : i32
      %scan3A_213 = arith.constant 1 : i32
      scf.for %scan3A_326 = %scan3A_210 to %scan3A_212 step %scan3A_213  : i32 {
        %mul3A_327 = arith.constant 2 : i32
        %mul3A_328 = arith.muli %scan3A_326, %mul3A_327 : i32
        %add3A_329 = arith.constant 0 : i32
        %add3A_330 = arith.addi %mul3A_328, %add3A_329 : i32
        %mul3A_331 = arith.constant 8 : i32
        %mul3A_332 = arith.muli %add3A_330, %mul3A_331 : i32
        %get3A = arith.index_cast %mul3A_332 : i32 to index
        %get3A_333 = arith.constant 0 : index
        %get3A_334 = tpu.vector_load %arg6[%get3A, %get3A_333] {strides = array<i32>} : memref<256x128xf32, #tpu.memory_space<vmem>>, vector<1x16xf32>,
        %get3A_335 = vector.shape_cast %get3A_334 : vector<1x16xf32> to vector<16xf32>
        %mul3A_336 = arith.constant 8 : i32
        %mul3A_337 = arith.muli %add3A_330, %mul3A_336 : i32
        %add3A_338 = arith.constant 1 : i32
        %add3A_339 = arith.addi %mul3A_337, %add3A_338 : i32
        %get3A_340 = arith.index_cast %add3A_339 : i32 to index
        %get3A_341 = arith.constant 0 : index
        %get3A_342 = tpu.vector_load %arg6[%get3A_340, %get3A_341] {strides = array<i32>} : memref<256x128xf32, #tpu.memory_space<vmem>>, vector<1x16xf32>,
        %get3A_343 = vector.shape_cast %get3A_342 : vector<1x16xf32> to vector<16xf32>
        %add3A_344 = arith.addf %get3A_335, %get3A_343 : vector<16xf32>
        %mul3A_345 = arith.constant 8 : i32
        %mul3A_346 = arith.muli %add3A_330, %mul3A_345 : i32
        %add3A_347 = arith.constant 2 : i32
        %add3A_348 = arith.addi %mul3A_346, %add3A_347 : i32
        %get3A_349 = arith.index_cast %add3A_348 : i32 to index
        %get3A_350 = arith.constant 0 : index
        %get3A_351 = tpu.vector_load %arg6[%get3A_349, %get3A_350] {strides = array<i32>} : memref<256x128xf32, #tpu.memory_space<vmem>>, vector<1x16xf32>,
        %get3A_352 = vector.shape_cast %get3A_351 : vector<1x16xf32> to vector<16xf32>
        %add3A_353 = arith.addf %add3A_344, %get3A_352 : vector<16xf32>
        %mul3A_354 = arith.constant 8 : i32
        %mul3A_355 = arith.muli %add3A_330, %mul3A_354 : i32
        %add3A_356 = arith.constant 3 : i32
        %add3A_357 = arith.addi %mul3A_355, %add3A_356 : i32
        %get3A_358 = arith.index_cast %add3A_357 : i32 to index
        %get3A_359 = arith.constant 0 : index
        %get3A_360 = tpu.vector_load %arg6[%get3A_358, %get3A_359] {strides = array<i32>} : memref<256x128xf32, #tpu.memory_space<vmem>>, vector<1x16xf32>,
        %get3A_361 = vector.shape_cast %get3A_360 : vector<1x16xf32> to vector<16xf32>
        %add3A_362 = arith.addf %add3A_353, %get3A_361 : vector<16xf32>
        %mul3A_363 = arith.constant 8 : i32
        %mul3A_364 = arith.muli %add3A_330, %mul3A_363 : i32
        %add3A_365 = arith.constant 4 : i32
        %add3A_366 = arith.addi %mul3A_364, %add3A_365 : i32
        %get3A_367 = arith.index_cast %add3A_366 : i32 to index
        %get3A_368 = arith.constant 0 : index
        %get3A_369 = tpu.vector_load %arg6[%get3A_367, %get3A_368] {strides = array<i32>} : memref<256x128xf32, #tpu.memory_space<vmem>>, vector<1x16xf32>,
        %get3A_370 = vector.shape_cast %get3A_369 : vector<1x16xf32> to vector<16xf32>
        %add3A_371 = arith.addf %add3A_362, %get3A_370 : vector<16xf32>
        %mul3A_372 = arith.constant 8 : i32
        %mul3A_373 = arith.muli %add3A_330, %mul3A_372 : i32
        %add3A_374 = arith.constant 5 : i32
        %add3A_375 = arith.addi %mul3A_373, %add3A_374 : i32
        %get3A_376 = arith.index_cast %add3A_375 : i32 to index
        %get3A_377 = arith.constant 0 : index
        %get3A_378 = tpu.vector_load %arg6[%get3A_376, %get3A_377] {strides = array<i32>} : memref<256x128xf32, #tpu.memory_space<vmem>>, vector<1x16xf32>,
        %get3A_379 = vector.shape_cast %get3A_378 : vector<1x16xf32> to vector<16xf32>
        %add3A_380 = arith.addf %add3A_371, %get3A_379 : vector<16xf32>
        %mul3A_381 = arith.constant 8 : i32
        %mul3A_382 = arith.muli %add3A_330, %mul3A_381 : i32
        %add3A_383 = arith.constant 6 : i32
        %add3A_384 = arith.addi %mul3A_382, %add3A_383 : i32
        %get3A_385 = arith.index_cast %add3A_384 : i32 to index
        %get3A_386 = arith.constant 0 : index
        %get3A_387 = tpu.vector_load %arg6[%get3A_385, %get3A_386] {strides = array<i32>} : memref<256x128xf32, #tpu.memory_space<vmem>>, vector<1x16xf32>,
        %get3A_388 = vector.shape_cast %get3A_387 : vector<1x16xf32> to vector<16xf32>
        %add3A_389 = arith.addf %add3A_380, %get3A_388 : vector<16xf32>
        %mul3A_390 = arith.constant 8 : i32
        %mul3A_391 = arith.muli %add3A_330, %mul3A_390 : i32
        %add3A_392 = arith.constant 7 : i32
        %add3A_393 = arith.addi %mul3A_391, %add3A_392 : i32
        %get3A_394 = arith.index_cast %add3A_393 : i32 to index
        %get3A_395 = arith.constant 0 : index
        %get3A_396 = tpu.vector_load %arg6[%get3A_394, %get3A_395] {strides = array<i32>} : memref<256x128xf32, #tpu.memory_space<vmem>>, vector<1x16xf32>,
        %get3A_397 = vector.shape_cast %get3A_396 : vector<1x16xf32> to vector<16xf32>
        %add3A_398 = arith.addf %add3A_389, %get3A_397 : vector<16xf32>
        %swap3A = arith.index_cast %add3A_330 : i32 to index
        %swap3A_399 = arith.constant 0 : index
        %swap3A_400 = tpu.vector_load %arg8[%swap3A, %swap3A_399] {strides = array<i32>} : memref<32x128xf32, #tpu.memory_space<vmem>>, vector<1x16xf32>,
        %swap3A_401 = vector.shape_cast %swap3A_400 : vector<1x16xf32> to vector<16xf32>
        %swap3A_402 = vector.shape_cast %add3A_398 : vector<16xf32> to vector<1x16xf32>
        tpu.vector_store %arg8[%swap3A, %swap3A_399], %swap3A_402 {strides = array<i32>} : memref<32x128xf32, #tpu.memory_space<vmem>>, vector<1x16xf32>,
        %mul3A_403 = arith.constant 8 : i32
        %mul3A_404 = arith.muli %add3A_330, %mul3A_403 : i32
        %get3A_405 = arith.index_cast %mul3A_404 : i32 to index
        %get3A_406 = arith.constant 16 : index
        %get3A_407 = tpu.vector_load %arg6[%get3A_405, %get3A_406] {strides = array<i32>} : memref<256x128xf32, #tpu.memory_space<vmem>>, vector<1x16xf32>,
        %get3A_408 = vector.shape_cast %get3A_407 : vector<1x16xf32> to vector<16xf32>
        %mul3A_409 = arith.constant 8 : i32
        %mul3A_410 = arith.muli %add3A_330, %mul3A_409 : i32
        %add3A_411 = arith.constant 1 : i32
        %add3A_412 = arith.addi %mul3A_410, %add3A_411 : i32
        %get3A_413 = arith.index_cast %add3A_412 : i32 to index
        %get3A_414 = arith.constant 16 : index
        %get3A_415 = tpu.vector_load %arg6[%get3A_413, %get3A_414] {strides = array<i32>} : memref<256x128xf32, #tpu.memory_space<vmem>>, vector<1x16xf32>,
        %get3A_416 = vector.shape_cast %get3A_415 : vector<1x16xf32> to vector<16xf32>
        %add3A_417 = arith.addf %get3A_408, %get3A_416 : vector<16xf32>
        %mul3A_418 = arith.constant 8 : i32
        %mul3A_419 = arith.muli %add3A_330, %mul3A_418 : i32
        %add3A_420 = arith.constant 2 : i32
        %add3A_421 = arith.addi %mul3A_419, %add3A_420 : i32
        %get3A_422 = arith.index_cast %add3A_421 : i32 to index
        %get3A_423 = arith.constant 16 : index
        %get3A_424 = tpu.vector_load %arg6[%get3A_422, %get3A_423] {strides = array<i32>} : memref<256x128xf32, #tpu.memory_space<vmem>>, vector<1x16xf32>,
        %get3A_425 = vector.shape_cast %get3A_424 : vector<1x16xf32> to vector<16xf32>
        %add3A_426 = arith.addf %add3A_417, %get3A_425 : vector<16xf32>
        %mul3A_427 = arith.constant 8 : i32
        %mul3A_428 = arith.muli %add3A_330, %mul3A_427 : i32
        %add3A_429 = arith.constant 3 : i32
        %add3A_430 = arith.addi %mul3A_428, %add3A_429 : i32
        %get3A_431 = arith.index_cast %add3A_430 : i32 to index
        %get3A_432 = arith.constant 16 : index
        %get3A_433 = tpu.vector_load %arg6[%get3A_431, %get3A_432] {strides = array<i32>} : memref<256x128xf32, #tpu.memory_space<vmem>>, vector<1x16xf32>,
        %get3A_434 = vector.shape_cast %get3A_433 : vector<1x16xf32> to vector<16xf32>
        %add3A_435 = arith.addf %add3A_426, %get3A_434 : vector<16xf32>
        %mul3A_436 = arith.constant 8 : i32
        %mul3A_437 = arith.muli %add3A_330, %mul3A_436 : i32
        %add3A_438 = arith.constant 4 : i32
        %add3A_439 = arith.addi %mul3A_437, %add3A_438 : i32
        %get3A_440 = arith.index_cast %add3A_439 : i32 to index
        %get3A_441 = arith.constant 16 : index
        %get3A_442 = tpu.vector_load %arg6[%get3A_440, %get3A_441] {strides = array<i32>} : memref<256x128xf32, #tpu.memory_space<vmem>>, vector<1x16xf32>,
        %get3A_443 = vector.shape_cast %get3A_442 : vector<1x16xf32> to vector<16xf32>
        %add3A_444 = arith.addf %add3A_435, %get3A_443 : vector<16xf32>
        %mul3A_445 = arith.constant 8 : i32
        %mul3A_446 = arith.muli %add3A_330, %mul3A_445 : i32
        %add3A_447 = arith.constant 5 : i32
        %add3A_448 = arith.addi %mul3A_446, %add3A_447 : i32
        %get3A_449 = arith.index_cast %add3A_448 : i32 to index
        %get3A_450 = arith.constant 16 : index
        %get3A_451 = tpu.vector_load %arg6[%get3A_449, %get3A_450] {strides = array<i32>} : memref<256x128xf32, #tpu.memory_space<vmem>>, vector<1x16xf32>,
        %get3A_452 = vector.shape_cast %get3A_451 : vector<1x16xf32> to vector<16xf32>
        %add3A_453 = arith.addf %add3A_444, %get3A_452 : vector<16xf32>
        %mul3A_454 = arith.constant 8 : i32
        %mul3A_455 = arith.muli %add3A_330, %mul3A_454 : i32
        %add3A_456 = arith.constant 6 : i32
        %add3A_457 = arith.addi %mul3A_455, %add3A_456 : i32
        %get3A_458 = arith.index_cast %add3A_457 : i32 to index
        %get3A_459 = arith.constant 16 : index
        %get3A_460 = tpu.vector_load %arg6[%get3A_458, %get3A_459] {strides = array<i32>} : memref<256x128xf32, #tpu.memory_space<vmem>>, vector<1x16xf32>,
        %get3A_461 = vector.shape_cast %get3A_460 : vector<1x16xf32> to vector<16xf32>
        %add3A_462 = arith.addf %add3A_453, %get3A_461 : vector<16xf32>
        %mul3A_463 = arith.constant 8 : i32
        %mul3A_464 = arith.muli %add3A_330, %mul3A_463 : i32
        %add3A_465 = arith.constant 7 : i32
        %add3A_466 = arith.addi %mul3A_464, %add3A_465 : i32
        %get3A_467 = arith.index_cast %add3A_466 : i32 to index
        %get3A_468 = arith.constant 16 : index
        %get3A_469 = tpu.vector_load %arg6[%get3A_467, %get3A_468] {strides = array<i32>} : memref<256x128xf32, #tpu.memory_space<vmem>>, vector<1x16xf32>,
        %get3A_470 = vector.shape_cast %get3A_469 : vector<1x16xf32> to vector<16xf32>
        %add3A_471 = arith.addf %add3A_462, %get3A_470 : vector<16xf32>
        %swap3A_472 = arith.index_cast %add3A_330 : i32 to index
        %swap3A_473 = arith.constant 16 : index
        %swap3A_474 = tpu.vector_load %arg8[%swap3A_472, %swap3A_473] {strides = array<i32>} : memref<32x128xf32, #tpu.memory_space<vmem>>, vector<1x16xf32>,
        %swap3A_475 = vector.shape_cast %swap3A_474 : vector<1x16xf32> to vector<16xf32>
        %swap3A_476 = vector.shape_cast %add3A_471 : vector<16xf32> to vector<1x16xf32>
        tpu.vector_store %arg8[%swap3A_472, %swap3A_473], %swap3A_476 {strides = array<i32>} : memref<32x128xf32, #tpu.memory_space<vmem>>, vector<1x16xf32>,
        %mul3A_477 = arith.constant 8 : i32
        %mul3A_478 = arith.muli %add3A_330, %mul3A_477 : i32
        %get3A_479 = arith.index_cast %mul3A_478 : i32 to index
        %get3A_480 = arith.constant 32 : index
        %get3A_481 = tpu.vector_load %arg6[%get3A_479, %get3A_480] {strides = array<i32>} : memref<256x128xf32, #tpu.memory_space<vmem>>, vector<1x16xf32>,
        %get3A_482 = vector.shape_cast %get3A_481 : vector<1x16xf32> to vector<16xf32>
        %mul3A_483 = arith.constant 8 : i32
        %mul3A_484 = arith.muli %add3A_330, %mul3A_483 : i32
        %add3A_485 = arith.constant 1 : i32
        %add3A_486 = arith.addi %mul3A_484, %add3A_485 : i32
        %get3A_487 = arith.index_cast %add3A_486 : i32 to index
        %get3A_488 = arith.constant 32 : index
        %get3A_489 = tpu.vector_load %arg6[%get3A_487, %get3A_488] {strides = array<i32>} : memref<256x128xf32, #tpu.memory_space<vmem>>, vector<1x16xf32>,
        %get3A_490 = vector.shape_cast %get3A_489 : vector<1x16xf32> to vector<16xf32>
        %add3A_491 = arith.addf %get3A_482, %get3A_490 : vector<16xf32>
        %mul3A_492 = arith.constant 8 : i32
        %mul3A_493 = arith.muli %add3A_330, %mul3A_492 : i32
        %add3A_494 = arith.constant 2 : i32
        %add3A_495 = arith.addi %mul3A_493, %add3A_494 : i32
        %get3A_496 = arith.index_cast %add3A_495 : i32 to index
        %get3A_497 = arith.constant 32 : index
        %get3A_498 = tpu.vector_load %arg6[%get3A_496, %get3A_497] {strides = array<i32>} : memref<256x128xf32, #tpu.memory_space<vmem>>, vector<1x16xf32>,
        %get3A_499 = vector.shape_cast %get3A_498 : vector<1x16xf32> to vector<16xf32>
        %add3A_500 = arith.addf %add3A_491, %get3A_499 : vector<16xf32>
        %mul3A_501 = arith.constant 8 : i32
        %mul3A_502 = arith.muli %add3A_330, %mul3A_501 : i32
        %add3A_503 = arith.constant 3 : i32
        %add3A_504 = arith.addi %mul3A_502, %add3A_503 : i32
        %get3A_505 = arith.index_cast %add3A_504 : i32 to index
        %get3A_506 = arith.constant 32 : index
        %get3A_507 = tpu.vector_load %arg6[%get3A_505, %get3A_506] {strides = array<i32>} : memref<256x128xf32, #tpu.memory_space<vmem>>, vector<1x16xf32>,
        %get3A_508 = vector.shape_cast %get3A_507 : vector<1x16xf32> to vector<16xf32>
        %add3A_509 = arith.addf %add3A_500, %get3A_508 : vector<16xf32>
        %mul3A_510 = arith.constant 8 : i32
        %mul3A_511 = arith.muli %add3A_330, %mul3A_510 : i32
        %add3A_512 = arith.constant 4 : i32
        %add3A_513 = arith.addi %mul3A_511, %add3A_512 : i32
        %get3A_514 = arith.index_cast %add3A_513 : i32 to index
        %get3A_515 = arith.constant 32 : index
        %get3A_516 = tpu.vector_load %arg6[%get3A_514, %get3A_515] {strides = array<i32>} : memref<256x128xf32, #tpu.memory_space<vmem>>, vector<1x16xf32>,
        %get3A_517 = vector.shape_cast %get3A_516 : vector<1x16xf32> to vector<16xf32>
        %add3A_518 = arith.addf %add3A_509, %get3A_517 : vector<16xf32>
        %mul3A_519 = arith.constant 8 : i32
        %mul3A_520 = arith.muli %add3A_330, %mul3A_519 : i32
        %add3A_521 = arith.constant 5 : i32
        %add3A_522 = arith.addi %mul3A_520, %add3A_521 : i32
        %get3A_523 = arith.index_cast %add3A_522 : i32 to index
        %get3A_524 = arith.constant 32 : index
        %get3A_525 = tpu.vector_load %arg6[%get3A_523, %get3A_524] {strides = array<i32>} : memref<256x128xf32, #tpu.memory_space<vmem>>, vector<1x16xf32>,
        %get3A_526 = vector.shape_cast %get3A_525 : vector<1x16xf32> to vector<16xf32>
        %add3A_527 = arith.addf %add3A_518, %get3A_526 : vector<16xf32>
        %mul3A_528 = arith.constant 8 : i32
        %mul3A_529 = arith.muli %add3A_330, %mul3A_528 : i32
        %add3A_530 = arith.constant 6 : i32
        %add3A_531 = arith.addi %mul3A_529, %add3A_530 : i32
        %get3A_532 = arith.index_cast %add3A_531 : i32 to index
        %get3A_533 = arith.constant 32 : index
        %get3A_534 = tpu.vector_load %arg6[%get3A_532, %get3A_533] {strides = array<i32>} : memref<256x128xf32, #tpu.memory_space<vmem>>, vector<1x16xf32>,
        %get3A_535 = vector.shape_cast %get3A_534 : vector<1x16xf32> to vector<16xf32>
        %add3A_536 = arith.addf %add3A_527, %get3A_535 : vector<16xf32>
        %mul3A_537 = arith.constant 8 : i32
        %mul3A_538 = arith.muli %add3A_330, %mul3A_537 : i32
        %add3A_539 = arith.constant 7 : i32
        %add3A_540 = arith.addi %mul3A_538, %add3A_539 : i32
        %get3A_541 = arith.index_cast %add3A_540 : i32 to index
        %get3A_542 = arith.constant 32 : index
        %get3A_543 = tpu.vector_load %arg6[%get3A_541, %get3A_542] {strides = array<i32>} : memref<256x128xf32, #tpu.memory_space<vmem>>, vector<1x16xf32>,
        %get3A_544 = vector.shape_cast %get3A_543 : vector<1x16xf32> to vector<16xf32>
        %add3A_545 = arith.addf %add3A_536, %get3A_544 : vector<16xf32>
        %swap3A_546 = arith.index_cast %add3A_330 : i32 to index
        %swap3A_547 = arith.constant 32 : index
        %swap3A_548 = tpu.vector_load %arg8[%swap3A_546, %swap3A_547] {strides = array<i32>} : memref<32x128xf32, #tpu.memory_space<vmem>>, vector<1x16xf32>,
        %swap3A_549 = vector.shape_cast %swap3A_548 : vector<1x16xf32> to vector<16xf32>
        %swap3A_550 = vector.shape_cast %add3A_545 : vector<16xf32> to vector<1x16xf32>
        tpu.vector_store %arg8[%swap3A_546, %swap3A_547], %swap3A_550 {strides = array<i32>} : memref<32x128xf32, #tpu.memory_space<vmem>>, vector<1x16xf32>,
        %mul3A_551 = arith.constant 8 : i32
        %mul3A_552 = arith.muli %add3A_330, %mul3A_551 : i32
        %get3A_553 = arith.index_cast %mul3A_552 : i32 to index
        %get3A_554 = arith.constant 48 : index
        %get3A_555 = tpu.vector_load %arg6[%get3A_553, %get3A_554] {strides = array<i32>} : memref<256x128xf32, #tpu.memory_space<vmem>>, vector<1x16xf32>,
        %get3A_556 = vector.shape_cast %get3A_555 : vector<1x16xf32> to vector<16xf32>
        %mul3A_557 = arith.constant 8 : i32
        %mul3A_558 = arith.muli %add3A_330, %mul3A_557 : i32
        %add3A_559 = arith.constant 1 : i32
        %add3A_560 = arith.addi %mul3A_558, %add3A_559 : i32
        %get3A_561 = arith.index_cast %add3A_560 : i32 to index
        %get3A_562 = arith.constant 48 : index
        %get3A_563 = tpu.vector_load %arg6[%get3A_561, %get3A_562] {strides = array<i32>} : memref<256x128xf32, #tpu.memory_space<vmem>>, vector<1x16xf32>,
        %get3A_564 = vector.shape_cast %get3A_563 : vector<1x16xf32> to vector<16xf32>
        %add3A_565 = arith.addf %get3A_556, %get3A_564 : vector<16xf32>
        %mul3A_566 = arith.constant 8 : i32
        %mul3A_567 = arith.muli %add3A_330, %mul3A_566 : i32
        %add3A_568 = arith.constant 2 : i32
        %add3A_569 = arith.addi %mul3A_567, %add3A_568 : i32
        %get3A_570 = arith.index_cast %add3A_569 : i32 to index
        %get3A_571 = arith.constant 48 : index
        %get3A_572 = tpu.vector_load %arg6[%get3A_570, %get3A_571] {strides = array<i32>} : memref<256x128xf32, #tpu.memory_space<vmem>>, vector<1x16xf32>,
        %get3A_573 = vector.shape_cast %get3A_572 : vector<1x16xf32> to vector<16xf32>
        %add3A_574 = arith.addf %add3A_565, %get3A_573 : vector<16xf32>
        %mul3A_575 = arith.constant 8 : i32
        %mul3A_576 = arith.muli %add3A_330, %mul3A_575 : i32
        %add3A_577 = arith.constant 3 : i32
        %add3A_578 = arith.addi %mul3A_576, %add3A_577 : i32
        %get3A_579 = arith.index_cast %add3A_578 : i32 to index
        %get3A_580 = arith.constant 48 : index
        %get3A_581 = tpu.vector_load %arg6[%get3A_579, %get3A_580] {strides = array<i32>} : memref<256x128xf32, #tpu.memory_space<vmem>>, vector<1x16xf32>,
        %get3A_582 = vector.shape_cast %get3A_581 : vector<1x16xf32> to vector<16xf32>
        %add3A_583 = arith.addf %add3A_574, %get3A_582 : vector<16xf32>
        %mul3A_584 = arith.constant 8 : i32
        %mul3A_585 = arith.muli %add3A_330, %mul3A_584 : i32
        %add3A_586 = arith.constant 4 : i32
        %add3A_587 = arith.addi %mul3A_585, %add3A_586 : i32
        %get3A_588 = arith.index_cast %add3A_587 : i32 to index
        %get3A_589 = arith.constant 48 : index
        %get3A_590 = tpu.vector_load %arg6[%get3A_588, %get3A_589] {strides = array<i32>} : memref<256x128xf32, #tpu.memory_space<vmem>>, vector<1x16xf32>,
        %get3A_591 = vector.shape_cast %get3A_590 : vector<1x16xf32> to vector<16xf32>
        %add3A_592 = arith.addf %add3A_583, %get3A_591 : vector<16xf32>
        %mul3A_593 = arith.constant 8 : i32
        %mul3A_594 = arith.muli %add3A_330, %mul3A_593 : i32
        %add3A_595 = arith.constant 5 : i32
        %add3A_596 = arith.addi %mul3A_594, %add3A_595 : i32
        %get3A_597 = arith.index_cast %add3A_596 : i32 to index
        %get3A_598 = arith.constant 48 : index
        %get3A_599 = tpu.vector_load %arg6[%get3A_597, %get3A_598] {strides = array<i32>} : memref<256x128xf32, #tpu.memory_space<vmem>>, vector<1x16xf32>,
        %get3A_600 = vector.shape_cast %get3A_599 : vector<1x16xf32> to vector<16xf32>
        %add3A_601 = arith.addf %add3A_592, %get3A_600 : vector<16xf32>
        %mul3A_602 = arith.constant 8 : i32
        %mul3A_603 = arith.muli %add3A_330, %mul3A_602 : i32
        %add3A_604 = arith.constant 6 : i32
        %add3A_605 = arith.addi %mul3A_603, %add3A_604 : i32
        %get3A_606 = arith.index_cast %add3A_605 : i32 to index
        %get3A_607 = arith.constant 48 : index
        %get3A_608 = tpu.vector_load %arg6[%get3A_606, %get3A_607] {strides = array<i32>} : memref<256x128xf32, #tpu.memory_space<vmem>>, vector<1x16xf32>,
        %get3A_609 = vector.shape_cast %get3A_608 : vector<1x16xf32> to vector<16xf32>
        %add3A_610 = arith.addf %add3A_601, %get3A_609 : vector<16xf32>
        %mul3A_611 = arith.constant 8 : i32
        %mul3A_612 = arith.muli %add3A_330, %mul3A_611 : i32
        %add3A_613 = arith.constant 7 : i32
        %add3A_614 = arith.addi %mul3A_612, %add3A_613 : i32
        %get3A_615 = arith.index_cast %add3A_614 : i32 to index
        %get3A_616 = arith.constant 48 : index
        %get3A_617 = tpu.vector_load %arg6[%get3A_615, %get3A_616] {strides = array<i32>} : memref<256x128xf32, #tpu.memory_space<vmem>>, vector<1x16xf32>,
        %get3A_618 = vector.shape_cast %get3A_617 : vector<1x16xf32> to vector<16xf32>
        %add3A_619 = arith.addf %add3A_610, %get3A_618 : vector<16xf32>
        %swap3A_620 = arith.index_cast %add3A_330 : i32 to index
        %swap3A_621 = arith.constant 48 : index
        %swap3A_622 = tpu.vector_load %arg8[%swap3A_620, %swap3A_621] {strides = array<i32>} : memref<32x128xf32, #tpu.memory_space<vmem>>, vector<1x16xf32>,
        %swap3A_623 = vector.shape_cast %swap3A_622 : vector<1x16xf32> to vector<16xf32>
        %swap3A_624 = vector.shape_cast %add3A_619 : vector<16xf32> to vector<1x16xf32>
        tpu.vector_store %arg8[%swap3A_620, %swap3A_621], %swap3A_624 {strides = array<i32>} : memref<32x128xf32, #tpu.memory_space<vmem>>, vector<1x16xf32>,
        %mul3A_625 = arith.constant 8 : i32
        %mul3A_626 = arith.muli %add3A_330, %mul3A_625 : i32
        %get3A_627 = arith.index_cast %mul3A_626 : i32 to index
        %get3A_628 = arith.constant 64 : index
        %get3A_629 = tpu.vector_load %arg6[%get3A_627, %get3A_628] {strides = array<i32>} : memref<256x128xf32, #tpu.memory_space<vmem>>, vector<1x16xf32>,
        %get3A_630 = vector.shape_cast %get3A_629 : vector<1x16xf32> to vector<16xf32>
        %mul3A_631 = arith.constant 8 : i32
        %mul3A_632 = arith.muli %add3A_330, %mul3A_631 : i32
        %add3A_633 = arith.constant 1 : i32
        %add3A_634 = arith.addi %mul3A_632, %add3A_633 : i32
        %get3A_635 = arith.index_cast %add3A_634 : i32 to index
        %get3A_636 = arith.constant 64 : index
        %get3A_637 = tpu.vector_load %arg6[%get3A_635, %get3A_636] {strides = array<i32>} : memref<256x128xf32, #tpu.memory_space<vmem>>, vector<1x16xf32>,
        %get3A_638 = vector.shape_cast %get3A_637 : vector<1x16xf32> to vector<16xf32>
        %add3A_639 = arith.addf %get3A_630, %get3A_638 : vector<16xf32>
        %mul3A_640 = arith.constant 8 : i32
        %mul3A_641 = arith.muli %add3A_330, %mul3A_640 : i32
        %add3A_642 = arith.constant 2 : i32
        %add3A_643 = arith.addi %mul3A_641, %add3A_642 : i32
        %get3A_644 = arith.index_cast %add3A_643 : i32 to index
        %get3A_645 = arith.constant 64 : index
        %get3A_646 = tpu.vector_load %arg6[%get3A_644, %get3A_645] {strides = array<i32>} : memref<256x128xf32, #tpu.memory_space<vmem>>, vector<1x16xf32>,
        %get3A_647 = vector.shape_cast %get3A_646 : vector<1x16xf32> to vector<16xf32>
        %add3A_648 = arith.addf %add3A_639, %get3A_647 : vector<16xf32>
        %mul3A_649 = arith.constant 8 : i32
        %mul3A_650 = arith.muli %add3A_330, %mul3A_649 : i32
        %add3A_651 = arith.constant 3 : i32
        %add3A_652 = arith.addi %mul3A_650, %add3A_651 : i32
        %get3A_653 = arith.index_cast %add3A_652 : i32 to index
        %get3A_654 = arith.constant 64 : index
        %get3A_655 = tpu.vector_load %arg6[%get3A_653, %get3A_654] {strides = array<i32>} : memref<256x128xf32, #tpu.memory_space<vmem>>, vector<1x16xf32>,
        %get3A_656 = vector.shape_cast %get3A_655 : vector<1x16xf32> to vector<16xf32>
        %add3A_657 = arith.addf %add3A_648, %get3A_656 : vector<16xf32>
        %mul3A_658 = arith.constant 8 : i32
        %mul3A_659 = arith.muli %add3A_330, %mul3A_658 : i32
        %add3A_660 = arith.constant 4 : i32
        %add3A_661 = arith.addi %mul3A_659, %add3A_660 : i32
        %get3A_662 = arith.index_cast %add3A_661 : i32 to index
        %get3A_663 = arith.constant 64 : index
        %get3A_664 = tpu.vector_load %arg6[%get3A_662, %get3A_663] {strides = array<i32>} : memref<256x128xf32, #tpu.memory_space<vmem>>, vector<1x16xf32>,
        %get3A_665 = vector.shape_cast %get3A_664 : vector<1x16xf32> to vector<16xf32>
        %add3A_666 = arith.addf %add3A_657, %get3A_665 : vector<16xf32>
        %mul3A_667 = arith.constant 8 : i32
        %mul3A_668 = arith.muli %add3A_330, %mul3A_667 : i32
        %add3A_669 = arith.constant 5 : i32
        %add3A_670 = arith.addi %mul3A_668, %add3A_669 : i32
        %get3A_671 = arith.index_cast %add3A_670 : i32 to index
        %get3A_672 = arith.constant 64 : index
        %get3A_673 = tpu.vector_load %arg6[%get3A_671, %get3A_672] {strides = array<i32>} : memref<256x128xf32, #tpu.memory_space<vmem>>, vector<1x16xf32>,
        %get3A_674 = vector.shape_cast %get3A_673 : vector<1x16xf32> to vector<16xf32>
        %add3A_675 = arith.addf %add3A_666, %get3A_674 : vector<16xf32>
        %mul3A_676 = arith.constant 8 : i32
        %mul3A_677 = arith.muli %add3A_330, %mul3A_676 : i32
        %add3A_678 = arith.constant 6 : i32
        %add3A_679 = arith.addi %mul3A_677, %add3A_678 : i32
        %get3A_680 = arith.index_cast %add3A_679 : i32 to index
        %get3A_681 = arith.constant 64 : index
        %get3A_682 = tpu.vector_load %arg6[%get3A_680, %get3A_681] {strides = array<i32>} : memref<256x128xf32, #tpu.memory_space<vmem>>, vector<1x16xf32>,
        %get3A_683 = vector.shape_cast %get3A_682 : vector<1x16xf32> to vector<16xf32>
        %add3A_684 = arith.addf %add3A_675, %get3A_683 : vector<16xf32>
        %mul3A_685 = arith.constant 8 : i32
        %mul3A_686 = arith.muli %add3A_330, %mul3A_685 : i32
        %add3A_687 = arith.constant 7 : i32
        %add3A_688 = arith.addi %mul3A_686, %add3A_687 : i32
        %get3A_689 = arith.index_cast %add3A_688 : i32 to index
        %get3A_690 = arith.constant 64 : index
        %get3A_691 = tpu.vector_load %arg6[%get3A_689, %get3A_690] {strides = array<i32>} : memref<256x128xf32, #tpu.memory_space<vmem>>, vector<1x16xf32>,
        %get3A_692 = vector.shape_cast %get3A_691 : vector<1x16xf32> to vector<16xf32>
        %add3A_693 = arith.addf %add3A_684, %get3A_692 : vector<16xf32>
        %swap3A_694 = arith.index_cast %add3A_330 : i32 to index
        %swap3A_695 = arith.constant 64 : index
        %swap3A_696 = tpu.vector_load %arg8[%swap3A_694, %swap3A_695] {strides = array<i32>} : memref<32x128xf32, #tpu.memory_space<vmem>>, vector<1x16xf32>,
        %swap3A_697 = vector.shape_cast %swap3A_696 : vector<1x16xf32> to vector<16xf32>
        %swap3A_698 = vector.shape_cast %add3A_693 : vector<16xf32> to vector<1x16xf32>
        tpu.vector_store %arg8[%swap3A_694, %swap3A_695], %swap3A_698 {strides = array<i32>} : memref<32x128xf32, #tpu.memory_space<vmem>>, vector<1x16xf32>,
        %mul3A_699 = arith.constant 8 : i32
        %mul3A_700 = arith.muli %add3A_330, %mul3A_699 : i32
        %get3A_701 = arith.index_cast %mul3A_700 : i32 to index
        %get3A_702 = arith.constant 80 : index
        %get3A_703 = tpu.vector_load %arg6[%get3A_701, %get3A_702] {strides = array<i32>} : memref<256x128xf32, #tpu.memory_space<vmem>>, vector<1x16xf32>,
        %get3A_704 = vector.shape_cast %get3A_703 : vector<1x16xf32> to vector<16xf32>
        %mul3A_705 = arith.constant 8 : i32
        %mul3A_706 = arith.muli %add3A_330, %mul3A_705 : i32
        %add3A_707 = arith.constant 1 : i32
        %add3A_708 = arith.addi %mul3A_706, %add3A_707 : i32
        %get3A_709 = arith.index_cast %add3A_708 : i32 to index
        %get3A_710 = arith.constant 80 : index
        %get3A_711 = tpu.vector_load %arg6[%get3A_709, %get3A_710] {strides = array<i32>} : memref<256x128xf32, #tpu.memory_space<vmem>>, vector<1x16xf32>,
        %get3A_712 = vector.shape_cast %get3A_711 : vector<1x16xf32> to vector<16xf32>
        %add3A_713 = arith.addf %get3A_704, %get3A_712 : vector<16xf32>
        %mul3A_714 = arith.constant 8 : i32
        %mul3A_715 = arith.muli %add3A_330, %mul3A_714 : i32
        %add3A_716 = arith.constant 2 : i32
        %add3A_717 = arith.addi %mul3A_715, %add3A_716 : i32
        %get3A_718 = arith.index_cast %add3A_717 : i32 to index
        %get3A_719 = arith.constant 80 : index
        %get3A_720 = tpu.vector_load %arg6[%get3A_718, %get3A_719] {strides = array<i32>} : memref<256x128xf32, #tpu.memory_space<vmem>>, vector<1x16xf32>,
        %get3A_721 = vector.shape_cast %get3A_720 : vector<1x16xf32> to vector<16xf32>
        %add3A_722 = arith.addf %add3A_713, %get3A_721 : vector<16xf32>
        %mul3A_723 = arith.constant 8 : i32
        %mul3A_724 = arith.muli %add3A_330, %mul3A_723 : i32
        %add3A_725 = arith.constant 3 : i32
        %add3A_726 = arith.addi %mul3A_724, %add3A_725 : i32
        %get3A_727 = arith.index_cast %add3A_726 : i32 to index
        %get3A_728 = arith.constant 80 : index
        %get3A_729 = tpu.vector_load %arg6[%get3A_727, %get3A_728] {strides = array<i32>} : memref<256x128xf32, #tpu.memory_space<vmem>>, vector<1x16xf32>,
        %get3A_730 = vector.shape_cast %get3A_729 : vector<1x16xf32> to vector<16xf32>
        %add3A_731 = arith.addf %add3A_722, %get3A_730 : vector<16xf32>
        %mul3A_732 = arith.constant 8 : i32
        %mul3A_733 = arith.muli %add3A_330, %mul3A_732 : i32
        %add3A_734 = arith.constant 4 : i32
        %add3A_735 = arith.addi %mul3A_733, %add3A_734 : i32
        %get3A_736 = arith.index_cast %add3A_735 : i32 to index
        %get3A_737 = arith.constant 80 : index
        %get3A_738 = tpu.vector_load %arg6[%get3A_736, %get3A_737] {strides = array<i32>} : memref<256x128xf32, #tpu.memory_space<vmem>>, vector<1x16xf32>,
        %get3A_739 = vector.shape_cast %get3A_738 : vector<1x16xf32> to vector<16xf32>
        %add3A_740 = arith.addf %add3A_731, %get3A_739 : vector<16xf32>
        %mul3A_741 = arith.constant 8 : i32
        %mul3A_742 = arith.muli %add3A_330, %mul3A_741 : i32
        %add3A_743 = arith.constant 5 : i32
        %add3A_744 = arith.addi %mul3A_742, %add3A_743 : i32
        %get3A_745 = arith.index_cast %add3A_744 : i32 to index
        %get3A_746 = arith.constant 80 : index
        %get3A_747 = tpu.vector_load %arg6[%get3A_745, %get3A_746] {strides = array<i32>} : memref<256x128xf32, #tpu.memory_space<vmem>>, vector<1x16xf32>,
        %get3A_748 = vector.shape_cast %get3A_747 : vector<1x16xf32> to vector<16xf32>
        %add3A_749 = arith.addf %add3A_740, %get3A_748 : vector<16xf32>
        %mul3A_750 = arith.constant 8 : i32
        %mul3A_751 = arith.muli %add3A_330, %mul3A_750 : i32
        %add3A_752 = arith.constant 6 : i32
        %add3A_753 = arith.addi %mul3A_751, %add3A_752 : i32
        %get3A_754 = arith.index_cast %add3A_753 : i32 to index
        %get3A_755 = arith.constant 80 : index
        %get3A_756 = tpu.vector_load %arg6[%get3A_754, %get3A_755] {strides = array<i32>} : memref<256x128xf32, #tpu.memory_space<vmem>>, vector<1x16xf32>,
        %get3A_757 = vector.shape_cast %get3A_756 : vector<1x16xf32> to vector<16xf32>
        %add3A_758 = arith.addf %add3A_749, %get3A_757 : vector<16xf32>
        %mul3A_759 = arith.constant 8 : i32
        %mul3A_760 = arith.muli %add3A_330, %mul3A_759 : i32
        %add3A_761 = arith.constant 7 : i32
        %add3A_762 = arith.addi %mul3A_760, %add3A_761 : i32
        %get3A_763 = arith.index_cast %add3A_762 : i32 to index
        %get3A_764 = arith.constant 80 : index
        %get3A_765 = tpu.vector_load %arg6[%get3A_763, %get3A_764] {strides = array<i32>} : memref<256x128xf32, #tpu.memory_space<vmem>>, vector<1x16xf32>,
        %get3A_766 = vector.shape_cast %get3A_765 : vector<1x16xf32> to vector<16xf32>
        %add3A_767 = arith.addf %add3A_758, %get3A_766 : vector<16xf32>
        %swap3A_768 = arith.index_cast %add3A_330 : i32 to index
        %swap3A_769 = arith.constant 80 : index
        %swap3A_770 = tpu.vector_load %arg8[%swap3A_768, %swap3A_769] {strides = array<i32>} : memref<32x128xf32, #tpu.memory_space<vmem>>, vector<1x16xf32>,
        %swap3A_771 = vector.shape_cast %swap3A_770 : vector<1x16xf32> to vector<16xf32>
        %swap3A_772 = vector.shape_cast %add3A_767 : vector<16xf32> to vector<1x16xf32>
        tpu.vector_store %arg8[%swap3A_768, %swap3A_769], %swap3A_772 {strides = array<i32>} : memref<32x128xf32, #tpu.memory_space<vmem>>, vector<1x16xf32>,
        %mul3A_773 = arith.constant 8 : i32
        %mul3A_774 = arith.muli %add3A_330, %mul3A_773 : i32
        %get3A_775 = arith.index_cast %mul3A_774 : i32 to index
        %get3A_776 = arith.constant 96 : index
        %get3A_777 = tpu.vector_load %arg6[%get3A_775, %get3A_776] {strides = array<i32>} : memref<256x128xf32, #tpu.memory_space<vmem>>, vector<1x16xf32>,
        %get3A_778 = vector.shape_cast %get3A_777 : vector<1x16xf32> to vector<16xf32>
        %mul3A_779 = arith.constant 8 : i32
        %mul3A_780 = arith.muli %add3A_330, %mul3A_779 : i32
        %add3A_781 = arith.constant 1 : i32
        %add3A_782 = arith.addi %mul3A_780, %add3A_781 : i32
        %get3A_783 = arith.index_cast %add3A_782 : i32 to index
        %get3A_784 = arith.constant 96 : index
        %get3A_785 = tpu.vector_load %arg6[%get3A_783, %get3A_784] {strides = array<i32>} : memref<256x128xf32, #tpu.memory_space<vmem>>, vector<1x16xf32>,
        %get3A_786 = vector.shape_cast %get3A_785 : vector<1x16xf32> to vector<16xf32>
        %add3A_787 = arith.addf %get3A_778, %get3A_786 : vector<16xf32>
        %mul3A_788 = arith.constant 8 : i32
        %mul3A_789 = arith.muli %add3A_330, %mul3A_788 : i32
        %add3A_790 = arith.constant 2 : i32
        %add3A_791 = arith.addi %mul3A_789, %add3A_790 : i32
        %get3A_792 = arith.index_cast %add3A_791 : i32 to index
        %get3A_793 = arith.constant 96 : index
        %get3A_794 = tpu.vector_load %arg6[%get3A_792, %get3A_793] {strides = array<i32>} : memref<256x128xf32, #tpu.memory_space<vmem>>, vector<1x16xf32>,
        %get3A_795 = vector.shape_cast %get3A_794 : vector<1x16xf32> to vector<16xf32>
        %add3A_796 = arith.addf %add3A_787, %get3A_795 : vector<16xf32>
        %mul3A_797 = arith.constant 8 : i32
        %mul3A_798 = arith.muli %add3A_330, %mul3A_797 : i32
        %add3A_799 = arith.constant 3 : i32
        %add3A_800 = arith.addi %mul3A_798, %add3A_799 : i32
        %get3A_801 = arith.index_cast %add3A_800 : i32 to index
        %get3A_802 = arith.constant 96 : index
        %get3A_803 = tpu.vector_load %arg6[%get3A_801, %get3A_802] {strides = array<i32>} : memref<256x128xf32, #tpu.memory_space<vmem>>, vector<1x16xf32>,
        %get3A_804 = vector.shape_cast %get3A_803 : vector<1x16xf32> to vector<16xf32>
        %add3A_805 = arith.addf %add3A_796, %get3A_804 : vector<16xf32>
        %mul3A_806 = arith.constant 8 : i32
        %mul3A_807 = arith.muli %add3A_330, %mul3A_806 : i32
        %add3A_808 = arith.constant 4 : i32
        %add3A_809 = arith.addi %mul3A_807, %add3A_808 : i32
        %get3A_810 = arith.index_cast %add3A_809 : i32 to index
        %get3A_811 = arith.constant 96 : index
        %get3A_812 = tpu.vector_load %arg6[%get3A_810, %get3A_811] {strides = array<i32>} : memref<256x128xf32, #tpu.memory_space<vmem>>, vector<1x16xf32>,
        %get3A_813 = vector.shape_cast %get3A_812 : vector<1x16xf32> to vector<16xf32>
        %add3A_814 = arith.addf %add3A_805, %get3A_813 : vector<16xf32>
        %mul3A_815 = arith.constant 8 : i32
        %mul3A_816 = arith.muli %add3A_330, %mul3A_815 : i32
        %add3A_817 = arith.constant 5 : i32
        %add3A_818 = arith.addi %mul3A_816, %add3A_817 : i32
        %get3A_819 = arith.index_cast %add3A_818 : i32 to index
        %get3A_820 = arith.constant 96 : index
        %get3A_821 = tpu.vector_load %arg6[%get3A_819, %get3A_820] {strides = array<i32>} : memref<256x128xf32, #tpu.memory_space<vmem>>, vector<1x16xf32>,
        %get3A_822 = vector.shape_cast %get3A_821 : vector<1x16xf32> to vector<16xf32>
        %add3A_823 = arith.addf %add3A_814, %get3A_822 : vector<16xf32>
        %mul3A_824 = arith.constant 8 : i32
        %mul3A_825 = arith.muli %add3A_330, %mul3A_824 : i32
        %add3A_826 = arith.constant 6 : i32
        %add3A_827 = arith.addi %mul3A_825, %add3A_826 : i32
        %get3A_828 = arith.index_cast %add3A_827 : i32 to index
        %get3A_829 = arith.constant 96 : index
        %get3A_830 = tpu.vector_load %arg6[%get3A_828, %get3A_829] {strides = array<i32>} : memref<256x128xf32, #tpu.memory_space<vmem>>, vector<1x16xf32>,
        %get3A_831 = vector.shape_cast %get3A_830 : vector<1x16xf32> to vector<16xf32>
        %add3A_832 = arith.addf %add3A_823, %get3A_831 : vector<16xf32>
        %mul3A_833 = arith.constant 8 : i32
        %mul3A_834 = arith.muli %add3A_330, %mul3A_833 : i32
        %add3A_835 = arith.constant 7 : i32
        %add3A_836 = arith.addi %mul3A_834, %add3A_835 : i32
        %get3A_837 = arith.index_cast %add3A_836 : i32 to index
        %get3A_838 = arith.constant 96 : index
        %get3A_839 = tpu.vector_load %arg6[%get3A_837, %get3A_838] {strides = array<i32>} : memref<256x128xf32, #tpu.memory_space<vmem>>, vector<1x16xf32>,
        %get3A_840 = vector.shape_cast %get3A_839 : vector<1x16xf32> to vector<16xf32>
        %add3A_841 = arith.addf %add3A_832, %get3A_840 : vector<16xf32>
        %swap3A_842 = arith.index_cast %add3A_330 : i32 to index
        %swap3A_843 = arith.constant 96 : index
        %swap3A_844 = tpu.vector_load %arg8[%swap3A_842, %swap3A_843] {strides = array<i32>} : memref<32x128xf32, #tpu.memory_space<vmem>>, vector<1x16xf32>,
        %swap3A_845 = vector.shape_cast %swap3A_844 : vector<1x16xf32> to vector<16xf32>
        %swap3A_846 = vector.shape_cast %add3A_841 : vector<16xf32> to vector<1x16xf32>
        tpu.vector_store %arg8[%swap3A_842, %swap3A_843], %swap3A_846 {strides = array<i32>} : memref<32x128xf32, #tpu.memory_space<vmem>>, vector<1x16xf32>,
        %mul3A_847 = arith.constant 8 : i32
        %mul3A_848 = arith.muli %add3A_330, %mul3A_847 : i32
        %get3A_849 = arith.index_cast %mul3A_848 : i32 to index
        %get3A_850 = arith.constant 112 : index
        %get3A_851 = tpu.vector_load %arg6[%get3A_849, %get3A_850] {strides = array<i32>} : memref<256x128xf32, #tpu.memory_space<vmem>>, vector<1x16xf32>,
        %get3A_852 = vector.shape_cast %get3A_851 : vector<1x16xf32> to vector<16xf32>
        %mul3A_853 = arith.constant 8 : i32
        %mul3A_854 = arith.muli %add3A_330, %mul3A_853 : i32
        %add3A_855 = arith.constant 1 : i32
        %add3A_856 = arith.addi %mul3A_854, %add3A_855 : i32
        %get3A_857 = arith.index_cast %add3A_856 : i32 to index
        %get3A_858 = arith.constant 112 : index
        %get3A_859 = tpu.vector_load %arg6[%get3A_857, %get3A_858] {strides = array<i32>} : memref<256x128xf32, #tpu.memory_space<vmem>>, vector<1x16xf32>,
        %get3A_860 = vector.shape_cast %get3A_859 : vector<1x16xf32> to vector<16xf32>
        %add3A_861 = arith.addf %get3A_852, %get3A_860 : vector<16xf32>
        %mul3A_862 = arith.constant 8 : i32
        %mul3A_863 = arith.muli %add3A_330, %mul3A_862 : i32
        %add3A_864 = arith.constant 2 : i32
        %add3A_865 = arith.addi %mul3A_863, %add3A_864 : i32
        %get3A_866 = arith.index_cast %add3A_865 : i32 to index
        %get3A_867 = arith.constant 112 : index
        %get3A_868 = tpu.vector_load %arg6[%get3A_866, %get3A_867] {strides = array<i32>} : memref<256x128xf32, #tpu.memory_space<vmem>>, vector<1x16xf32>,
        %get3A_869 = vector.shape_cast %get3A_868 : vector<1x16xf32> to vector<16xf32>
        %add3A_870 = arith.addf %add3A_861, %get3A_869 : vector<16xf32>
        %mul3A_871 = arith.constant 8 : i32
        %mul3A_872 = arith.muli %add3A_330, %mul3A_871 : i32
        %add3A_873 = arith.constant 3 : i32
        %add3A_874 = arith.addi %mul3A_872, %add3A_873 : i32
        %get3A_875 = arith.index_cast %add3A_874 : i32 to index
        %get3A_876 = arith.constant 112 : index
        %get3A_877 = tpu.vector_load %arg6[%get3A_875, %get3A_876] {strides = array<i32>} : memref<256x128xf32, #tpu.memory_space<vmem>>, vector<1x16xf32>,
        %get3A_878 = vector.shape_cast %get3A_877 : vector<1x16xf32> to vector<16xf32>
        %add3A_879 = arith.addf %add3A_870, %get3A_878 : vector<16xf32>
        %mul3A_880 = arith.constant 8 : i32
        %mul3A_881 = arith.muli %add3A_330, %mul3A_880 : i32
        %add3A_882 = arith.constant 4 : i32
        %add3A_883 = arith.addi %mul3A_881, %add3A_882 : i32
        %get3A_884 = arith.index_cast %add3A_883 : i32 to index
        %get3A_885 = arith.constant 112 : index
        %get3A_886 = tpu.vector_load %arg6[%get3A_884, %get3A_885] {strides = array<i32>} : memref<256x128xf32, #tpu.memory_space<vmem>>, vector<1x16xf32>,
        %get3A_887 = vector.shape_cast %get3A_886 : vector<1x16xf32> to vector<16xf32>
        %add3A_888 = arith.addf %add3A_879, %get3A_887 : vector<16xf32>
        %mul3A_889 = arith.constant 8 : i32
        %mul3A_890 = arith.muli %add3A_330, %mul3A_889 : i32
        %add3A_891 = arith.constant 5 : i32
        %add3A_892 = arith.addi %mul3A_890, %add3A_891 : i32
        %get3A_893 = arith.index_cast %add3A_892 : i32 to index
        %get3A_894 = arith.constant 112 : index
        %get3A_895 = tpu.vector_load %arg6[%get3A_893, %get3A_894] {strides = array<i32>} : memref<256x128xf32, #tpu.memory_space<vmem>>, vector<1x16xf32>,
        %get3A_896 = vector.shape_cast %get3A_895 : vector<1x16xf32> to vector<16xf32>
        %add3A_897 = arith.addf %add3A_888, %get3A_896 : vector<16xf32>
        %mul3A_898 = arith.constant 8 : i32
        %mul3A_899 = arith.muli %add3A_330, %mul3A_898 : i32
        %add3A_900 = arith.constant 6 : i32
        %add3A_901 = arith.addi %mul3A_899, %add3A_900 : i32
        %get3A_902 = arith.index_cast %add3A_901 : i32 to index
        %get3A_903 = arith.constant 112 : index
        %get3A_904 = tpu.vector_load %arg6[%get3A_902, %get3A_903] {strides = array<i32>} : memref<256x128xf32, #tpu.memory_space<vmem>>, vector<1x16xf32>,
        %get3A_905 = vector.shape_cast %get3A_904 : vector<1x16xf32> to vector<16xf32>
        %add3A_906 = arith.addf %add3A_897, %get3A_905 : vector<16xf32>
        %mul3A_907 = arith.constant 8 : i32
        %mul3A_908 = arith.muli %add3A_330, %mul3A_907 : i32
        %add3A_909 = arith.constant 7 : i32
        %add3A_910 = arith.addi %mul3A_908, %add3A_909 : i32
        %get3A_911 = arith.index_cast %add3A_910 : i32 to index
        %get3A_912 = arith.constant 112 : index
        %get3A_913 = tpu.vector_load %arg6[%get3A_911, %get3A_912] {strides = array<i32>} : memref<256x128xf32, #tpu.memory_space<vmem>>, vector<1x16xf32>,
        %get3A_914 = vector.shape_cast %get3A_913 : vector<1x16xf32> to vector<16xf32>
        %add3A_915 = arith.addf %add3A_906, %get3A_914 : vector<16xf32>
        %swap3A_916 = arith.index_cast %add3A_330 : i32 to index
        %swap3A_917 = arith.constant 112 : index
        %swap3A_918 = tpu.vector_load %arg8[%swap3A_916, %swap3A_917] {strides = array<i32>} : memref<32x128xf32, #tpu.memory_space<vmem>>, vector<1x16xf32>,
        %swap3A_919 = vector.shape_cast %swap3A_918 : vector<1x16xf32> to vector<16xf32>
        %swap3A_920 = vector.shape_cast %add3A_915 : vector<16xf32> to vector<1x16xf32>
        tpu.vector_store %arg8[%swap3A_916, %swap3A_917], %swap3A_920 {strides = array<i32>} : memref<32x128xf32, #tpu.memory_space<vmem>>, vector<1x16xf32>,
        %mul3A_921 = arith.constant 2 : i32
        %mul3A_922 = arith.muli %scan3A_326, %mul3A_921 : i32
        %add3A_923 = arith.constant 1 : i32
        %add3A_924 = arith.addi %mul3A_922, %add3A_923 : i32
        %mul3A_925 = arith.constant 8 : i32
        %mul3A_926 = arith.muli %add3A_924, %mul3A_925 : i32
        %get3A_927 = arith.index_cast %mul3A_926 : i32 to index
        %get3A_928 = arith.constant 0 : index
        %get3A_929 = tpu.vector_load %arg6[%get3A_927, %get3A_928] {strides = array<i32>} : memref<256x128xf32, #tpu.memory_space<vmem>>, vector<1x16xf32>,
        %get3A_930 = vector.shape_cast %get3A_929 : vector<1x16xf32> to vector<16xf32>
        %mul3A_931 = arith.constant 8 : i32
        %mul3A_932 = arith.muli %add3A_924, %mul3A_931 : i32
        %add3A_933 = arith.constant 1 : i32
        %add3A_934 = arith.addi %mul3A_932, %add3A_933 : i32
        %get3A_935 = arith.index_cast %add3A_934 : i32 to index
        %get3A_936 = arith.constant 0 : index
        %get3A_937 = tpu.vector_load %arg6[%get3A_935, %get3A_936] {strides = array<i32>} : memref<256x128xf32, #tpu.memory_space<vmem>>, vector<1x16xf32>,
        %get3A_938 = vector.shape_cast %get3A_937 : vector<1x16xf32> to vector<16xf32>
        %add3A_939 = arith.addf %get3A_930, %get3A_938 : vector<16xf32>
        %mul3A_940 = arith.constant 8 : i32
        %mul3A_941 = arith.muli %add3A_924, %mul3A_940 : i32
        %add3A_942 = arith.constant 2 : i32
        %add3A_943 = arith.addi %mul3A_941, %add3A_942 : i32
        %get3A_944 = arith.index_cast %add3A_943 : i32 to index
        %get3A_945 = arith.constant 0 : index
        %get3A_946 = tpu.vector_load %arg6[%get3A_944, %get3A_945] {strides = array<i32>} : memref<256x128xf32, #tpu.memory_space<vmem>>, vector<1x16xf32>,
        %get3A_947 = vector.shape_cast %get3A_946 : vector<1x16xf32> to vector<16xf32>
        %add3A_948 = arith.addf %add3A_939, %get3A_947 : vector<16xf32>
        %mul3A_949 = arith.constant 8 : i32
        %mul3A_950 = arith.muli %add3A_924, %mul3A_949 : i32
        %add3A_951 = arith.constant 3 : i32
        %add3A_952 = arith.addi %mul3A_950, %add3A_951 : i32
        %get3A_953 = arith.index_cast %add3A_952 : i32 to index
        %get3A_954 = arith.constant 0 : index
        %get3A_955 = tpu.vector_load %arg6[%get3A_953, %get3A_954] {strides = array<i32>} : memref<256x128xf32, #tpu.memory_space<vmem>>, vector<1x16xf32>,
        %get3A_956 = vector.shape_cast %get3A_955 : vector<1x16xf32> to vector<16xf32>
        %add3A_957 = arith.addf %add3A_948, %get3A_956 : vector<16xf32>
        %mul3A_958 = arith.constant 8 : i32
        %mul3A_959 = arith.muli %add3A_924, %mul3A_958 : i32
        %add3A_960 = arith.constant 4 : i32
        %add3A_961 = arith.addi %mul3A_959, %add3A_960 : i32
        %get3A_962 = arith.index_cast %add3A_961 : i32 to index
        %get3A_963 = arith.constant 0 : index
        %get3A_964 = tpu.vector_load %arg6[%get3A_962, %get3A_963] {strides = array<i32>} : memref<256x128xf32, #tpu.memory_space<vmem>>, vector<1x16xf32>,
        %get3A_965 = vector.shape_cast %get3A_964 : vector<1x16xf32> to vector<16xf32>
        %add3A_966 = arith.addf %add3A_957, %get3A_965 : vector<16xf32>
        %mul3A_967 = arith.constant 8 : i32
        %mul3A_968 = arith.muli %add3A_924, %mul3A_967 : i32
        %add3A_969 = arith.constant 5 : i32
        %add3A_970 = arith.addi %mul3A_968, %add3A_969 : i32
        %get3A_971 = arith.index_cast %add3A_970 : i32 to index
        %get3A_972 = arith.constant 0 : index
        %get3A_973 = tpu.vector_load %arg6[%get3A_971, %get3A_972] {strides = array<i32>} : memref<256x128xf32, #tpu.memory_space<vmem>>, vector<1x16xf32>,
        %get3A_974 = vector.shape_cast %get3A_973 : vector<1x16xf32> to vector<16xf32>
        %add3A_975 = arith.addf %add3A_966, %get3A_974 : vector<16xf32>
        %mul3A_976 = arith.constant 8 : i32
        %mul3A_977 = arith.muli %add3A_924, %mul3A_976 : i32
        %add3A_978 = arith.constant 6 : i32
        %add3A_979 = arith.addi %mul3A_977, %add3A_978 : i32
        %get3A_980 = arith.index_cast %add3A_979 : i32 to index
        %get3A_981 = arith.constant 0 : index
        %get3A_982 = tpu.vector_load %arg6[%get3A_980, %get3A_981] {strides = array<i32>} : memref<256x128xf32, #tpu.memory_space<vmem>>, vector<1x16xf32>,
        %get3A_983 = vector.shape_cast %get3A_982 : vector<1x16xf32> to vector<16xf32>
        %add3A_984 = arith.addf %add3A_975, %get3A_983 : vector<16xf32>
        %mul3A_985 = arith.constant 8 : i32
        %mul3A_986 = arith.muli %add3A_924, %mul3A_985 : i32
        %add3A_987 = arith.constant 7 : i32
        %add3A_988 = arith.addi %mul3A_986, %add3A_987 : i32
        %get3A_989 = arith.index_cast %add3A_988 : i32 to index
        %get3A_990 = arith.constant 0 : index
        %get3A_991 = tpu.vector_load %arg6[%get3A_989, %get3A_990] {strides = array<i32>} : memref<256x128xf32, #tpu.memory_space<vmem>>, vector<1x16xf32>,
        %get3A_992 = vector.shape_cast %get3A_991 : vector<1x16xf32> to vector<16xf32>
        %add3A_993 = arith.addf %add3A_984, %get3A_992 : vector<16xf32>
        %swap3A_994 = arith.index_cast %add3A_924 : i32 to index
        %swap3A_995 = arith.constant 0 : index
        %swap3A_996 = tpu.vector_load %arg8[%swap3A_994, %swap3A_995] {strides = array<i32>} : memref<32x128xf32, #tpu.memory_space<vmem>>, vector<1x16xf32>,
        %swap3A_997 = vector.shape_cast %swap3A_996 : vector<1x16xf32> to vector<16xf32>
        %swap3A_998 = vector.shape_cast %add3A_993 : vector<16xf32> to vector<1x16xf32>
        tpu.vector_store %arg8[%swap3A_994, %swap3A_995], %swap3A_998 {strides = array<i32>} : memref<32x128xf32, #tpu.memory_space<vmem>>, vector<1x16xf32>,
        %mul3A_999 = arith.constant 8 : i32
        %mul3A_1000 = arith.muli %add3A_924, %mul3A_999 : i32
        %get3A_1001 = arith.index_cast %mul3A_1000 : i32 to index
        %get3A_1002 = arith.constant 16 : index
        %get3A_1003 = tpu.vector_load %arg6[%get3A_1001, %get3A_1002] {strides = array<i32>} : memref<256x128xf32, #tpu.memory_space<vmem>>, vector<1x16xf32>,
        %get3A_1004 = vector.shape_cast %get3A_1003 : vector<1x16xf32> to vector<16xf32>
        %mul3A_1005 = arith.constant 8 : i32
        %mul3A_1006 = arith.muli %add3A_924, %mul3A_1005 : i32
        %add3A_1007 = arith.constant 1 : i32
        %add3A_1008 = arith.addi %mul3A_1006, %add3A_1007 : i32
        %get3A_1009 = arith.index_cast %add3A_1008 : i32 to index
        %get3A_1010 = arith.constant 16 : index
        %get3A_1011 = tpu.vector_load %arg6[%get3A_1009, %get3A_1010] {strides = array<i32>} : memref<256x128xf32, #tpu.memory_space<vmem>>, vector<1x16xf32>,
        %get3A_1012 = vector.shape_cast %get3A_1011 : vector<1x16xf32> to vector<16xf32>
        %add3A_1013 = arith.addf %get3A_1004, %get3A_1012 : vector<16xf32>
        %mul3A_1014 = arith.constant 8 : i32
        %mul3A_1015 = arith.muli %add3A_924, %mul3A_1014 : i32
        %add3A_1016 = arith.constant 2 : i32
        %add3A_1017 = arith.addi %mul3A_1015, %add3A_1016 : i32
        %get3A_1018 = arith.index_cast %add3A_1017 : i32 to index
        %get3A_1019 = arith.constant 16 : index
        %get3A_1020 = tpu.vector_load %arg6[%get3A_1018, %get3A_1019] {strides = array<i32>} : memref<256x128xf32, #tpu.memory_space<vmem>>, vector<1x16xf32>,
        %get3A_1021 = vector.shape_cast %get3A_1020 : vector<1x16xf32> to vector<16xf32>
        %add3A_1022 = arith.addf %add3A_1013, %get3A_1021 : vector<16xf32>
        %mul3A_1023 = arith.constant 8 : i32
        %mul3A_1024 = arith.muli %add3A_924, %mul3A_1023 : i32
        %add3A_1025 = arith.constant 3 : i32
        %add3A_1026 = arith.addi %mul3A_1024, %add3A_1025 : i32
        %get3A_1027 = arith.index_cast %add3A_1026 : i32 to index
        %get3A_1028 = arith.constant 16 : index
        %get3A_1029 = tpu.vector_load %arg6[%get3A_1027, %get3A_1028] {strides = array<i32>} : memref<256x128xf32, #tpu.memory_space<vmem>>, vector<1x16xf32>,
        %get3A_1030 = vector.shape_cast %get3A_1029 : vector<1x16xf32> to vector<16xf32>
        %add3A_1031 = arith.addf %add3A_1022, %get3A_1030 : vector<16xf32>
        %mul3A_1032 = arith.constant 8 : i32
        %mul3A_1033 = arith.muli %add3A_924, %mul3A_1032 : i32
        %add3A_1034 = arith.constant 4 : i32
        %add3A_1035 = arith.addi %mul3A_1033, %add3A_1034 : i32
        %get3A_1036 = arith.index_cast %add3A_1035 : i32 to index
        %get3A_1037 = arith.constant 16 : index
        %get3A_1038 = tpu.vector_load %arg6[%get3A_1036, %get3A_1037] {strides = array<i32>} : memref<256x128xf32, #tpu.memory_space<vmem>>, vector<1x16xf32>,
        %get3A_1039 = vector.shape_cast %get3A_1038 : vector<1x16xf32> to vector<16xf32>
        %add3A_1040 = arith.addf %add3A_1031, %get3A_1039 : vector<16xf32>
        %mul3A_1041 = arith.constant 8 : i32
        %mul3A_1042 = arith.muli %add3A_924, %mul3A_1041 : i32
        %add3A_1043 = arith.constant 5 : i32
        %add3A_1044 = arith.addi %mul3A_1042, %add3A_1043 : i32
        %get3A_1045 = arith.index_cast %add3A_1044 : i32 to index
        %get3A_1046 = arith.constant 16 : index
        %get3A_1047 = tpu.vector_load %arg6[%get3A_1045, %get3A_1046] {strides = array<i32>} : memref<256x128xf32, #tpu.memory_space<vmem>>, vector<1x16xf32>,
        %get3A_1048 = vector.shape_cast %get3A_1047 : vector<1x16xf32> to vector<16xf32>
        %add3A_1049 = arith.addf %add3A_1040, %get3A_1048 : vector<16xf32>
        %mul3A_1050 = arith.constant 8 : i32
        %mul3A_1051 = arith.muli %add3A_924, %mul3A_1050 : i32
        %add3A_1052 = arith.constant 6 : i32
        %add3A_1053 = arith.addi %mul3A_1051, %add3A_1052 : i32
        %get3A_1054 = arith.index_cast %add3A_1053 : i32 to index
        %get3A_1055 = arith.constant 16 : index
        %get3A_1056 = tpu.vector_load %arg6[%get3A_1054, %get3A_1055] {strides = array<i32>} : memref<256x128xf32, #tpu.memory_space<vmem>>, vector<1x16xf32>,
        %get3A_1057 = vector.shape_cast %get3A_1056 : vector<1x16xf32> to vector<16xf32>
        %add3A_1058 = arith.addf %add3A_1049, %get3A_1057 : vector<16xf32>
        %mul3A_1059 = arith.constant 8 : i32
        %mul3A_1060 = arith.muli %add3A_924, %mul3A_1059 : i32
        %add3A_1061 = arith.constant 7 : i32
        %add3A_1062 = arith.addi %mul3A_1060, %add3A_1061 : i32
        %get3A_1063 = arith.index_cast %add3A_1062 : i32 to index
        %get3A_1064 = arith.constant 16 : index
        %get3A_1065 = tpu.vector_load %arg6[%get3A_1063, %get3A_1064] {strides = array<i32>} : memref<256x128xf32, #tpu.memory_space<vmem>>, vector<1x16xf32>,
        %get3A_1066 = vector.shape_cast %get3A_1065 : vector<1x16xf32> to vector<16xf32>
        %add3A_1067 = arith.addf %add3A_1058, %get3A_1066 : vector<16xf32>
        %swap3A_1068 = arith.index_cast %add3A_924 : i32 to index
        %swap3A_1069 = arith.constant 16 : index
        %swap3A_1070 = tpu.vector_load %arg8[%swap3A_1068, %swap3A_1069] {strides = array<i32>} : memref<32x128xf32, #tpu.memory_space<vmem>>, vector<1x16xf32>,
        %swap3A_1071 = vector.shape_cast %swap3A_1070 : vector<1x16xf32> to vector<16xf32>
        %swap3A_1072 = vector.shape_cast %add3A_1067 : vector<16xf32> to vector<1x16xf32>
        tpu.vector_store %arg8[%swap3A_1068, %swap3A_1069], %swap3A_1072 {strides = array<i32>} : memref<32x128xf32, #tpu.memory_space<vmem>>, vector<1x16xf32>,
        %mul3A_1073 = arith.constant 8 : i32
        %mul3A_1074 = arith.muli %add3A_924, %mul3A_1073 : i32
        %get3A_1075 = arith.index_cast %mul3A_1074 : i32 to index
        %get3A_1076 = arith.constant 32 : index
        %get3A_1077 = tpu.vector_load %arg6[%get3A_1075, %get3A_1076] {strides = array<i32>} : memref<256x128xf32, #tpu.memory_space<vmem>>, vector<1x16xf32>,
        %get3A_1078 = vector.shape_cast %get3A_1077 : vector<1x16xf32> to vector<16xf32>
        %mul3A_1079 = arith.constant 8 : i32
        %mul3A_1080 = arith.muli %add3A_924, %mul3A_1079 : i32
        %add3A_1081 = arith.constant 1 : i32
        %add3A_1082 = arith.addi %mul3A_1080, %add3A_1081 : i32
        %get3A_1083 = arith.index_cast %add3A_1082 : i32 to index
        %get3A_1084 = arith.constant 32 : index
        %get3A_1085 = tpu.vector_load %arg6[%get3A_1083, %get3A_1084] {strides = array<i32>} : memref<256x128xf32, #tpu.memory_space<vmem>>, vector<1x16xf32>,
        %get3A_1086 = vector.shape_cast %get3A_1085 : vector<1x16xf32> to vector<16xf32>
        %add3A_1087 = arith.addf %get3A_1078, %get3A_1086 : vector<16xf32>
        %mul3A_1088 = arith.constant 8 : i32
        %mul3A_1089 = arith.muli %add3A_924, %mul3A_1088 : i32
        %add3A_1090 = arith.constant 2 : i32
        %add3A_1091 = arith.addi %mul3A_1089, %add3A_1090 : i32
        %get3A_1092 = arith.index_cast %add3A_1091 : i32 to index
        %get3A_1093 = arith.constant 32 : index
        %get3A_1094 = tpu.vector_load %arg6[%get3A_1092, %get3A_1093] {strides = array<i32>} : memref<256x128xf32, #tpu.memory_space<vmem>>, vector<1x16xf32>,
        %get3A_1095 = vector.shape_cast %get3A_1094 : vector<1x16xf32> to vector<16xf32>
        %add3A_1096 = arith.addf %add3A_1087, %get3A_1095 : vector<16xf32>
        %mul3A_1097 = arith.constant 8 : i32
        %mul3A_1098 = arith.muli %add3A_924, %mul3A_1097 : i32
        %add3A_1099 = arith.constant 3 : i32
        %add3A_1100 = arith.addi %mul3A_1098, %add3A_1099 : i32
        %get3A_1101 = arith.index_cast %add3A_1100 : i32 to index
        %get3A_1102 = arith.constant 32 : index
        %get3A_1103 = tpu.vector_load %arg6[%get3A_1101, %get3A_1102] {strides = array<i32>} : memref<256x128xf32, #tpu.memory_space<vmem>>, vector<1x16xf32>,
        %get3A_1104 = vector.shape_cast %get3A_1103 : vector<1x16xf32> to vector<16xf32>
        %add3A_1105 = arith.addf %add3A_1096, %get3A_1104 : vector<16xf32>
        %mul3A_1106 = arith.constant 8 : i32
        %mul3A_1107 = arith.muli %add3A_924, %mul3A_1106 : i32
        %add3A_1108 = arith.constant 4 : i32
        %add3A_1109 = arith.addi %mul3A_1107, %add3A_1108 : i32
        %get3A_1110 = arith.index_cast %add3A_1109 : i32 to index
        %get3A_1111 = arith.constant 32 : index
        %get3A_1112 = tpu.vector_load %arg6[%get3A_1110, %get3A_1111] {strides = array<i32>} : memref<256x128xf32, #tpu.memory_space<vmem>>, vector<1x16xf32>,
        %get3A_1113 = vector.shape_cast %get3A_1112 : vector<1x16xf32> to vector<16xf32>
        %add3A_1114 = arith.addf %add3A_1105, %get3A_1113 : vector<16xf32>
        %mul3A_1115 = arith.constant 8 : i32
        %mul3A_1116 = arith.muli %add3A_924, %mul3A_1115 : i32
        %add3A_1117 = arith.constant 5 : i32
        %add3A_1118 = arith.addi %mul3A_1116, %add3A_1117 : i32
        %get3A_1119 = arith.index_cast %add3A_1118 : i32 to index
        %get3A_1120 = arith.constant 32 : index
        %get3A_1121 = tpu.vector_load %arg6[%get3A_1119, %get3A_1120] {strides = array<i32>} : memref<256x128xf32, #tpu.memory_space<vmem>>, vector<1x16xf32>,
        %get3A_1122 = vector.shape_cast %get3A_1121 : vector<1x16xf32> to vector<16xf32>
        %add3A_1123 = arith.addf %add3A_1114, %get3A_1122 : vector<16xf32>
        %mul3A_1124 = arith.constant 8 : i32
        %mul3A_1125 = arith.muli %add3A_924, %mul3A_1124 : i32
        %add3A_1126 = arith.constant 6 : i32
        %add3A_1127 = arith.addi %mul3A_1125, %add3A_1126 : i32
        %get3A_1128 = arith.index_cast %add3A_1127 : i32 to index
        %get3A_1129 = arith.constant 32 : index
        %get3A_1130 = tpu.vector_load %arg6[%get3A_1128, %get3A_1129] {strides = array<i32>} : memref<256x128xf32, #tpu.memory_space<vmem>>, vector<1x16xf32>,
        %get3A_1131 = vector.shape_cast %get3A_1130 : vector<1x16xf32> to vector<16xf32>
        %add3A_1132 = arith.addf %add3A_1123, %get3A_1131 : vector<16xf32>
        %mul3A_1133 = arith.constant 8 : i32
        %mul3A_1134 = arith.muli %add3A_924, %mul3A_1133 : i32
        %add3A_1135 = arith.constant 7 : i32
        %add3A_1136 = arith.addi %mul3A_1134, %add3A_1135 : i32
        %get3A_1137 = arith.index_cast %add3A_1136 : i32 to index
        %get3A_1138 = arith.constant 32 : index
        %get3A_1139 = tpu.vector_load %arg6[%get3A_1137, %get3A_1138] {strides = array<i32>} : memref<256x128xf32, #tpu.memory_space<vmem>>, vector<1x16xf32>,
        %get3A_1140 = vector.shape_cast %get3A_1139 : vector<1x16xf32> to vector<16xf32>
        %add3A_1141 = arith.addf %add3A_1132, %get3A_1140 : vector<16xf32>
        %swap3A_1142 = arith.index_cast %add3A_924 : i32 to index
        %swap3A_1143 = arith.constant 32 : index
        %swap3A_1144 = tpu.vector_load %arg8[%swap3A_1142, %swap3A_1143] {strides = array<i32>} : memref<32x128xf32, #tpu.memory_space<vmem>>, vector<1x16xf32>,
        %swap3A_1145 = vector.shape_cast %swap3A_1144 : vector<1x16xf32> to vector<16xf32>
        %swap3A_1146 = vector.shape_cast %add3A_1141 : vector<16xf32> to vector<1x16xf32>
        tpu.vector_store %arg8[%swap3A_1142, %swap3A_1143], %swap3A_1146 {strides = array<i32>} : memref<32x128xf32, #tpu.memory_space<vmem>>, vector<1x16xf32>,
        %mul3A_1147 = arith.constant 8 : i32
        %mul3A_1148 = arith.muli %add3A_924, %mul3A_1147 : i32
        %get3A_1149 = arith.index_cast %mul3A_1148 : i32 to index
        %get3A_1150 = arith.constant 48 : index
        %get3A_1151 = tpu.vector_load %arg6[%get3A_1149, %get3A_1150] {strides = array<i32>} : memref<256x128xf32, #tpu.memory_space<vmem>>, vector<1x16xf32>,
        %get3A_1152 = vector.shape_cast %get3A_1151 : vector<1x16xf32> to vector<16xf32>
        %mul3A_1153 = arith.constant 8 : i32
        %mul3A_1154 = arith.muli %add3A_924, %mul3A_1153 : i32
        %add3A_1155 = arith.constant 1 : i32
        %add3A_1156 = arith.addi %mul3A_1154, %add3A_1155 : i32
        %get3A_1157 = arith.index_cast %add3A_1156 : i32 to index
        %get3A_1158 = arith.constant 48 : index
        %get3A_1159 = tpu.vector_load %arg6[%get3A_1157, %get3A_1158] {strides = array<i32>} : memref<256x128xf32, #tpu.memory_space<vmem>>, vector<1x16xf32>,
        %get3A_1160 = vector.shape_cast %get3A_1159 : vector<1x16xf32> to vector<16xf32>
        %add3A_1161 = arith.addf %get3A_1152, %get3A_1160 : vector<16xf32>
        %mul3A_1162 = arith.constant 8 : i32
        %mul3A_1163 = arith.muli %add3A_924, %mul3A_1162 : i32
        %add3A_1164 = arith.constant 2 : i32
        %add3A_1165 = arith.addi %mul3A_1163, %add3A_1164 : i32
        %get3A_1166 = arith.index_cast %add3A_1165 : i32 to index
        %get3A_1167 = arith.constant 48 : index
        %get3A_1168 = tpu.vector_load %arg6[%get3A_1166, %get3A_1167] {strides = array<i32>} : memref<256x128xf32, #tpu.memory_space<vmem>>, vector<1x16xf32>,
        %get3A_1169 = vector.shape_cast %get3A_1168 : vector<1x16xf32> to vector<16xf32>
        %add3A_1170 = arith.addf %add3A_1161, %get3A_1169 : vector<16xf32>
        %mul3A_1171 = arith.constant 8 : i32
        %mul3A_1172 = arith.muli %add3A_924, %mul3A_1171 : i32
        %add3A_1173 = arith.constant 3 : i32
        %add3A_1174 = arith.addi %mul3A_1172, %add3A_1173 : i32
        %get3A_1175 = arith.index_cast %add3A_1174 : i32 to index
        %get3A_1176 = arith.constant 48 : index
        %get3A_1177 = tpu.vector_load %arg6[%get3A_1175, %get3A_1176] {strides = array<i32>} : memref<256x128xf32, #tpu.memory_space<vmem>>, vector<1x16xf32>,
        %get3A_1178 = vector.shape_cast %get3A_1177 : vector<1x16xf32> to vector<16xf32>
        %add3A_1179 = arith.addf %add3A_1170, %get3A_1178 : vector<16xf32>
        %mul3A_1180 = arith.constant 8 : i32
        %mul3A_1181 = arith.muli %add3A_924, %mul3A_1180 : i32
        %add3A_1182 = arith.constant 4 : i32
        %add3A_1183 = arith.addi %mul3A_1181, %add3A_1182 : i32
        %get3A_1184 = arith.index_cast %add3A_1183 : i32 to index
        %get3A_1185 = arith.constant 48 : index
        %get3A_1186 = tpu.vector_load %arg6[%get3A_1184, %get3A_1185] {strides = array<i32>} : memref<256x128xf32, #tpu.memory_space<vmem>>, vector<1x16xf32>,
        %get3A_1187 = vector.shape_cast %get3A_1186 : vector<1x16xf32> to vector<16xf32>
        %add3A_1188 = arith.addf %add3A_1179, %get3A_1187 : vector<16xf32>
        %mul3A_1189 = arith.constant 8 : i32
        %mul3A_1190 = arith.muli %add3A_924, %mul3A_1189 : i32
        %add3A_1191 = arith.constant 5 : i32
        %add3A_1192 = arith.addi %mul3A_1190, %add3A_1191 : i32
        %get3A_1193 = arith.index_cast %add3A_1192 : i32 to index
        %get3A_1194 = arith.constant 48 : index
        %get3A_1195 = tpu.vector_load %arg6[%get3A_1193, %get3A_1194] {strides = array<i32>} : memref<256x128xf32, #tpu.memory_space<vmem>>, vector<1x16xf32>,
        %get3A_1196 = vector.shape_cast %get3A_1195 : vector<1x16xf32> to vector<16xf32>
        %add3A_1197 = arith.addf %add3A_1188, %get3A_1196 : vector<16xf32>
        %mul3A_1198 = arith.constant 8 : i32
        %mul3A_1199 = arith.muli %add3A_924, %mul3A_1198 : i32
        %add3A_1200 = arith.constant 6 : i32
        %add3A_1201 = arith.addi %mul3A_1199, %add3A_1200 : i32
        %get3A_1202 = arith.index_cast %add3A_1201 : i32 to index
        %get3A_1203 = arith.constant 48 : index
        %get3A_1204 = tpu.vector_load %arg6[%get3A_1202, %get3A_1203] {strides = array<i32>} : memref<256x128xf32, #tpu.memory_space<vmem>>, vector<1x16xf32>,
        %get3A_1205 = vector.shape_cast %get3A_1204 : vector<1x16xf32> to vector<16xf32>
        %add3A_1206 = arith.addf %add3A_1197, %get3A_1205 : vector<16xf32>
        %mul3A_1207 = arith.constant 8 : i32
        %mul3A_1208 = arith.muli %add3A_924, %mul3A_1207 : i32
        %add3A_1209 = arith.constant 7 : i32
        %add3A_1210 = arith.addi %mul3A_1208, %add3A_1209 : i32
        %get3A_1211 = arith.index_cast %add3A_1210 : i32 to index
        %get3A_1212 = arith.constant 48 : index
        %get3A_1213 = tpu.vector_load %arg6[%get3A_1211, %get3A_1212] {strides = array<i32>} : memref<256x128xf32, #tpu.memory_space<vmem>>, vector<1x16xf32>,
        %get3A_1214 = vector.shape_cast %get3A_1213 : vector<1x16xf32> to vector<16xf32>
        %add3A_1215 = arith.addf %add3A_1206, %get3A_1214 : vector<16xf32>
        %swap3A_1216 = arith.index_cast %add3A_924 : i32 to index
        %swap3A_1217 = arith.constant 48 : index
        %swap3A_1218 = tpu.vector_load %arg8[%swap3A_1216, %swap3A_1217] {strides = array<i32>} : memref<32x128xf32, #tpu.memory_space<vmem>>, vector<1x16xf32>,
        %swap3A_1219 = vector.shape_cast %swap3A_1218 : vector<1x16xf32> to vector<16xf32>
        %swap3A_1220 = vector.shape_cast %add3A_1215 : vector<16xf32> to vector<1x16xf32>
        tpu.vector_store %arg8[%swap3A_1216, %swap3A_1217], %swap3A_1220 {strides = array<i32>} : memref<32x128xf32, #tpu.memory_space<vmem>>, vector<1x16xf32>,
        %mul3A_1221 = arith.constant 8 : i32
        %mul3A_1222 = arith.muli %add3A_924, %mul3A_1221 : i32
        %get3A_1223 = arith.index_cast %mul3A_1222 : i32 to index
        %get3A_1224 = arith.constant 64 : index
        %get3A_1225 = tpu.vector_load %arg6[%get3A_1223, %get3A_1224] {strides = array<i32>} : memref<256x128xf32, #tpu.memory_space<vmem>>, vector<1x16xf32>,
        %get3A_1226 = vector.shape_cast %get3A_1225 : vector<1x16xf32> to vector<16xf32>
        %mul3A_1227 = arith.constant 8 : i32
        %mul3A_1228 = arith.muli %add3A_924, %mul3A_1227 : i32
        %add3A_1229 = arith.constant 1 : i32
        %add3A_1230 = arith.addi %mul3A_1228, %add3A_1229 : i32
        %get3A_1231 = arith.index_cast %add3A_1230 : i32 to index
        %get3A_1232 = arith.constant 64 : index
        %get3A_1233 = tpu.vector_load %arg6[%get3A_1231, %get3A_1232] {strides = array<i32>} : memref<256x128xf32, #tpu.memory_space<vmem>>, vector<1x16xf32>,
        %get3A_1234 = vector.shape_cast %get3A_1233 : vector<1x16xf32> to vector<16xf32>
        %add3A_1235 = arith.addf %get3A_1226, %get3A_1234 : vector<16xf32>
        %mul3A_1236 = arith.constant 8 : i32
        %mul3A_1237 = arith.muli %add3A_924, %mul3A_1236 : i32
        %add3A_1238 = arith.constant 2 : i32
        %add3A_1239 = arith.addi %mul3A_1237, %add3A_1238 : i32
        %get3A_1240 = arith.index_cast %add3A_1239 : i32 to index
        %get3A_1241 = arith.constant 64 : index
        %get3A_1242 = tpu.vector_load %arg6[%get3A_1240, %get3A_1241] {strides = array<i32>} : memref<256x128xf32, #tpu.memory_space<vmem>>, vector<1x16xf32>,
        %get3A_1243 = vector.shape_cast %get3A_1242 : vector<1x16xf32> to vector<16xf32>
        %add3A_1244 = arith.addf %add3A_1235, %get3A_1243 : vector<16xf32>
        %mul3A_1245 = arith.constant 8 : i32
        %mul3A_1246 = arith.muli %add3A_924, %mul3A_1245 : i32
        %add3A_1247 = arith.constant 3 : i32
        %add3A_1248 = arith.addi %mul3A_1246, %add3A_1247 : i32
        %get3A_1249 = arith.index_cast %add3A_1248 : i32 to index
        %get3A_1250 = arith.constant 64 : index
        %get3A_1251 = tpu.vector_load %arg6[%get3A_1249, %get3A_1250] {strides = array<i32>} : memref<256x128xf32, #tpu.memory_space<vmem>>, vector<1x16xf32>,
        %get3A_1252 = vector.shape_cast %get3A_1251 : vector<1x16xf32> to vector<16xf32>
        %add3A_1253 = arith.addf %add3A_1244, %get3A_1252 : vector<16xf32>
        %mul3A_1254 = arith.constant 8 : i32
        %mul3A_1255 = arith.muli %add3A_924, %mul3A_1254 : i32
        %add3A_1256 = arith.constant 4 : i32
        %add3A_1257 = arith.addi %mul3A_1255, %add3A_1256 : i32
        %get3A_1258 = arith.index_cast %add3A_1257 : i32 to index
        %get3A_1259 = arith.constant 64 : index
        %get3A_1260 = tpu.vector_load %arg6[%get3A_1258, %get3A_1259] {strides = array<i32>} : memref<256x128xf32, #tpu.memory_space<vmem>>, vector<1x16xf32>,
        %get3A_1261 = vector.shape_cast %get3A_1260 : vector<1x16xf32> to vector<16xf32>
        %add3A_1262 = arith.addf %add3A_1253, %get3A_1261 : vector<16xf32>
        %mul3A_1263 = arith.constant 8 : i32
        %mul3A_1264 = arith.muli %add3A_924, %mul3A_1263 : i32
        %add3A_1265 = arith.constant 5 : i32
        %add3A_1266 = arith.addi %mul3A_1264, %add3A_1265 : i32
        %get3A_1267 = arith.index_cast %add3A_1266 : i32 to index
        %get3A_1268 = arith.constant 64 : index
        %get3A_1269 = tpu.vector_load %arg6[%get3A_1267, %get3A_1268] {strides = array<i32>} : memref<256x128xf32, #tpu.memory_space<vmem>>, vector<1x16xf32>,
        %get3A_1270 = vector.shape_cast %get3A_1269 : vector<1x16xf32> to vector<16xf32>
        %add3A_1271 = arith.addf %add3A_1262, %get3A_1270 : vector<16xf32>
        %mul3A_1272 = arith.constant 8 : i32
        %mul3A_1273 = arith.muli %add3A_924, %mul3A_1272 : i32
        %add3A_1274 = arith.constant 6 : i32
        %add3A_1275 = arith.addi %mul3A_1273, %add3A_1274 : i32
        %get3A_1276 = arith.index_cast %add3A_1275 : i32 to index
        %get3A_1277 = arith.constant 64 : index
        %get3A_1278 = tpu.vector_load %arg6[%get3A_1276, %get3A_1277] {strides = array<i32>} : memref<256x128xf32, #tpu.memory_space<vmem>>, vector<1x16xf32>,
        %get3A_1279 = vector.shape_cast %get3A_1278 : vector<1x16xf32> to vector<16xf32>
        %add3A_1280 = arith.addf %add3A_1271, %get3A_1279 : vector<16xf32>
        %mul3A_1281 = arith.constant 8 : i32
        %mul3A_1282 = arith.muli %add3A_924, %mul3A_1281 : i32
        %add3A_1283 = arith.constant 7 : i32
        %add3A_1284 = arith.addi %mul3A_1282, %add3A_1283 : i32
        %get3A_1285 = arith.index_cast %add3A_1284 : i32 to index
        %get3A_1286 = arith.constant 64 : index
        %get3A_1287 = tpu.vector_load %arg6[%get3A_1285, %get3A_1286] {strides = array<i32>} : memref<256x128xf32, #tpu.memory_space<vmem>>, vector<1x16xf32>,
        %get3A_1288 = vector.shape_cast %get3A_1287 : vector<1x16xf32> to vector<16xf32>
        %add3A_1289 = arith.addf %add3A_1280, %get3A_1288 : vector<16xf32>
        %swap3A_1290 = arith.index_cast %add3A_924 : i32 to index
        %swap3A_1291 = arith.constant 64 : index
        %swap3A_1292 = tpu.vector_load %arg8[%swap3A_1290, %swap3A_1291] {strides = array<i32>} : memref<32x128xf32, #tpu.memory_space<vmem>>, vector<1x16xf32>,
        %swap3A_1293 = vector.shape_cast %swap3A_1292 : vector<1x16xf32> to vector<16xf32>
        %swap3A_1294 = vector.shape_cast %add3A_1289 : vector<16xf32> to vector<1x16xf32>
        tpu.vector_store %arg8[%swap3A_1290, %swap3A_1291], %swap3A_1294 {strides = array<i32>} : memref<32x128xf32, #tpu.memory_space<vmem>>, vector<1x16xf32>,
        %mul3A_1295 = arith.constant 8 : i32
        %mul3A_1296 = arith.muli %add3A_924, %mul3A_1295 : i32
        %get3A_1297 = arith.index_cast %mul3A_1296 : i32 to index
        %get3A_1298 = arith.constant 80 : index
        %get3A_1299 = tpu.vector_load %arg6[%get3A_1297, %get3A_1298] {strides = array<i32>} : memref<256x128xf32, #tpu.memory_space<vmem>>, vector<1x16xf32>,
        %get3A_1300 = vector.shape_cast %get3A_1299 : vector<1x16xf32> to vector<16xf32>
        %mul3A_1301 = arith.constant 8 : i32
        %mul3A_1302 = arith.muli %add3A_924, %mul3A_1301 : i32
        %add3A_1303 = arith.constant 1 : i32
        %add3A_1304 = arith.addi %mul3A_1302, %add3A_1303 : i32
        %get3A_1305 = arith.index_cast %add3A_1304 : i32 to index
        %get3A_1306 = arith.constant 80 : index
        %get3A_1307 = tpu.vector_load %arg6[%get3A_1305, %get3A_1306] {strides = array<i32>} : memref<256x128xf32, #tpu.memory_space<vmem>>, vector<1x16xf32>,
        %get3A_1308 = vector.shape_cast %get3A_1307 : vector<1x16xf32> to vector<16xf32>
        %add3A_1309 = arith.addf %get3A_1300, %get3A_1308 : vector<16xf32>
        %mul3A_1310 = arith.constant 8 : i32
        %mul3A_1311 = arith.muli %add3A_924, %mul3A_1310 : i32
        %add3A_1312 = arith.constant 2 : i32
        %add3A_1313 = arith.addi %mul3A_1311, %add3A_1312 : i32
        %get3A_1314 = arith.index_cast %add3A_1313 : i32 to index
        %get3A_1315 = arith.constant 80 : index
        %get3A_1316 = tpu.vector_load %arg6[%get3A_1314, %get3A_1315] {strides = array<i32>} : memref<256x128xf32, #tpu.memory_space<vmem>>, vector<1x16xf32>,
        %get3A_1317 = vector.shape_cast %get3A_1316 : vector<1x16xf32> to vector<16xf32>
        %add3A_1318 = arith.addf %add3A_1309, %get3A_1317 : vector<16xf32>
        %mul3A_1319 = arith.constant 8 : i32
        %mul3A_1320 = arith.muli %add3A_924, %mul3A_1319 : i32
        %add3A_1321 = arith.constant 3 : i32
        %add3A_1322 = arith.addi %mul3A_1320, %add3A_1321 : i32
        %get3A_1323 = arith.index_cast %add3A_1322 : i32 to index
        %get3A_1324 = arith.constant 80 : index
        %get3A_1325 = tpu.vector_load %arg6[%get3A_1323, %get3A_1324] {strides = array<i32>} : memref<256x128xf32, #tpu.memory_space<vmem>>, vector<1x16xf32>,
        %get3A_1326 = vector.shape_cast %get3A_1325 : vector<1x16xf32> to vector<16xf32>
        %add3A_1327 = arith.addf %add3A_1318, %get3A_1326 : vector<16xf32>
        %mul3A_1328 = arith.constant 8 : i32
        %mul3A_1329 = arith.muli %add3A_924, %mul3A_1328 : i32
        %add3A_1330 = arith.constant 4 : i32
        %add3A_1331 = arith.addi %mul3A_1329, %add3A_1330 : i32
        %get3A_1332 = arith.index_cast %add3A_1331 : i32 to index
        %get3A_1333 = arith.constant 80 : index
        %get3A_1334 = tpu.vector_load %arg6[%get3A_1332, %get3A_1333] {strides = array<i32>} : memref<256x128xf32, #tpu.memory_space<vmem>>, vector<1x16xf32>,
        %get3A_1335 = vector.shape_cast %get3A_1334 : vector<1x16xf32> to vector<16xf32>
        %add3A_1336 = arith.addf %add3A_1327, %get3A_1335 : vector<16xf32>
        %mul3A_1337 = arith.constant 8 : i32
        %mul3A_1338 = arith.muli %add3A_924, %mul3A_1337 : i32
        %add3A_1339 = arith.constant 5 : i32
        %add3A_1340 = arith.addi %mul3A_1338, %add3A_1339 : i32
        %get3A_1341 = arith.index_cast %add3A_1340 : i32 to index
        %get3A_1342 = arith.constant 80 : index
        %get3A_1343 = tpu.vector_load %arg6[%get3A_1341, %get3A_1342] {strides = array<i32>} : memref<256x128xf32, #tpu.memory_space<vmem>>, vector<1x16xf32>,
        %get3A_1344 = vector.shape_cast %get3A_1343 : vector<1x16xf32> to vector<16xf32>
        %add3A_1345 = arith.addf %add3A_1336, %get3A_1344 : vector<16xf32>
        %mul3A_1346 = arith.constant 8 : i32
        %mul3A_1347 = arith.muli %add3A_924, %mul3A_1346 : i32
        %add3A_1348 = arith.constant 6 : i32
        %add3A_1349 = arith.addi %mul3A_1347, %add3A_1348 : i32
        %get3A_1350 = arith.index_cast %add3A_1349 : i32 to index
        %get3A_1351 = arith.constant 80 : index
        %get3A_1352 = tpu.vector_load %arg6[%get3A_1350, %get3A_1351] {strides = array<i32>} : memref<256x128xf32, #tpu.memory_space<vmem>>, vector<1x16xf32>,
        %get3A_1353 = vector.shape_cast %get3A_1352 : vector<1x16xf32> to vector<16xf32>
        %add3A_1354 = arith.addf %add3A_1345, %get3A_1353 : vector<16xf32>
        %mul3A_1355 = arith.constant 8 : i32
        %mul3A_1356 = arith.muli %add3A_924, %mul3A_1355 : i32
        %add3A_1357 = arith.constant 7 : i32
        %add3A_1358 = arith.addi %mul3A_1356, %add3A_1357 : i32
        %get3A_1359 = arith.index_cast %add3A_1358 : i32 to index
        %get3A_1360 = arith.constant 80 : index
        %get3A_1361 = tpu.vector_load %arg6[%get3A_1359, %get3A_1360] {strides = array<i32>} : memref<256x128xf32, #tpu.memory_space<vmem>>, vector<1x16xf32>,
        %get3A_1362 = vector.shape_cast %get3A_1361 : vector<1x16xf32> to vector<16xf32>
        %add3A_1363 = arith.addf %add3A_1354, %get3A_1362 : vector<16xf32>
        %swap3A_1364 = arith.index_cast %add3A_924 : i32 to index
        %swap3A_1365 = arith.constant 80 : index
        %swap3A_1366 = tpu.vector_load %arg8[%swap3A_1364, %swap3A_1365] {strides = array<i32>} : memref<32x128xf32, #tpu.memory_space<vmem>>, vector<1x16xf32>,
        %swap3A_1367 = vector.shape_cast %swap3A_1366 : vector<1x16xf32> to vector<16xf32>
        %swap3A_1368 = vector.shape_cast %add3A_1363 : vector<16xf32> to vector<1x16xf32>
        tpu.vector_store %arg8[%swap3A_1364, %swap3A_1365], %swap3A_1368 {strides = array<i32>} : memref<32x128xf32, #tpu.memory_space<vmem>>, vector<1x16xf32>,
        %mul3A_1369 = arith.constant 8 : i32
        %mul3A_1370 = arith.muli %add3A_924, %mul3A_1369 : i32
        %get3A_1371 = arith.index_cast %mul3A_1370 : i32 to index
        %get3A_1372 = arith.constant 96 : index
        %get3A_1373 = tpu.vector_load %arg6[%get3A_1371, %get3A_1372] {strides = array<i32>} : memref<256x128xf32, #tpu.memory_space<vmem>>, vector<1x16xf32>,
        %get3A_1374 = vector.shape_cast %get3A_1373 : vector<1x16xf32> to vector<16xf32>
        %mul3A_1375 = arith.constant 8 : i32
        %mul3A_1376 = arith.muli %add3A_924, %mul3A_1375 : i32
        %add3A_1377 = arith.constant 1 : i32
        %add3A_1378 = arith.addi %mul3A_1376, %add3A_1377 : i32
        %get3A_1379 = arith.index_cast %add3A_1378 : i32 to index
        %get3A_1380 = arith.constant 96 : index
        %get3A_1381 = tpu.vector_load %arg6[%get3A_1379, %get3A_1380] {strides = array<i32>} : memref<256x128xf32, #tpu.memory_space<vmem>>, vector<1x16xf32>,
        %get3A_1382 = vector.shape_cast %get3A_1381 : vector<1x16xf32> to vector<16xf32>
        %add3A_1383 = arith.addf %get3A_1374, %get3A_1382 : vector<16xf32>
        %mul3A_1384 = arith.constant 8 : i32
        %mul3A_1385 = arith.muli %add3A_924, %mul3A_1384 : i32
        %add3A_1386 = arith.constant 2 : i32
        %add3A_1387 = arith.addi %mul3A_1385, %add3A_1386 : i32
        %get3A_1388 = arith.index_cast %add3A_1387 : i32 to index
        %get3A_1389 = arith.constant 96 : index
        %get3A_1390 = tpu.vector_load %arg6[%get3A_1388, %get3A_1389] {strides = array<i32>} : memref<256x128xf32, #tpu.memory_space<vmem>>, vector<1x16xf32>,
        %get3A_1391 = vector.shape_cast %get3A_1390 : vector<1x16xf32> to vector<16xf32>
        %add3A_1392 = arith.addf %add3A_1383, %get3A_1391 : vector<16xf32>
        %mul3A_1393 = arith.constant 8 : i32
        %mul3A_1394 = arith.muli %add3A_924, %mul3A_1393 : i32
        %add3A_1395 = arith.constant 3 : i32
        %add3A_1396 = arith.addi %mul3A_1394, %add3A_1395 : i32
        %get3A_1397 = arith.index_cast %add3A_1396 : i32 to index
        %get3A_1398 = arith.constant 96 : index
        %get3A_1399 = tpu.vector_load %arg6[%get3A_1397, %get3A_1398] {strides = array<i32>} : memref<256x128xf32, #tpu.memory_space<vmem>>, vector<1x16xf32>,
        %get3A_1400 = vector.shape_cast %get3A_1399 : vector<1x16xf32> to vector<16xf32>
        %add3A_1401 = arith.addf %add3A_1392, %get3A_1400 : vector<16xf32>
        %mul3A_1402 = arith.constant 8 : i32
        %mul3A_1403 = arith.muli %add3A_924, %mul3A_1402 : i32
        %add3A_1404 = arith.constant 4 : i32
        %add3A_1405 = arith.addi %mul3A_1403, %add3A_1404 : i32
        %get3A_1406 = arith.index_cast %add3A_1405 : i32 to index
        %get3A_1407 = arith.constant 96 : index
        %get3A_1408 = tpu.vector_load %arg6[%get3A_1406, %get3A_1407] {strides = array<i32>} : memref<256x128xf32, #tpu.memory_space<vmem>>, vector<1x16xf32>,
        %get3A_1409 = vector.shape_cast %get3A_1408 : vector<1x16xf32> to vector<16xf32>
        %add3A_1410 = arith.addf %add3A_1401, %get3A_1409 : vector<16xf32>
        %mul3A_1411 = arith.constant 8 : i32
        %mul3A_1412 = arith.muli %add3A_924, %mul3A_1411 : i32
        %add3A_1413 = arith.constant 5 : i32
        %add3A_1414 = arith.addi %mul3A_1412, %add3A_1413 : i32
        %get3A_1415 = arith.index_cast %add3A_1414 : i32 to index
        %get3A_1416 = arith.constant 96 : index
        %get3A_1417 = tpu.vector_load %arg6[%get3A_1415, %get3A_1416] {strides = array<i32>} : memref<256x128xf32, #tpu.memory_space<vmem>>, vector<1x16xf32>,
        %get3A_1418 = vector.shape_cast %get3A_1417 : vector<1x16xf32> to vector<16xf32>
        %add3A_1419 = arith.addf %add3A_1410, %get3A_1418 : vector<16xf32>
        %mul3A_1420 = arith.constant 8 : i32
        %mul3A_1421 = arith.muli %add3A_924, %mul3A_1420 : i32
        %add3A_1422 = arith.constant 6 : i32
        %add3A_1423 = arith.addi %mul3A_1421, %add3A_1422 : i32
        %get3A_1424 = arith.index_cast %add3A_1423 : i32 to index
        %get3A_1425 = arith.constant 96 : index
        %get3A_1426 = tpu.vector_load %arg6[%get3A_1424, %get3A_1425] {strides = array<i32>} : memref<256x128xf32, #tpu.memory_space<vmem>>, vector<1x16xf32>,
        %get3A_1427 = vector.shape_cast %get3A_1426 : vector<1x16xf32> to vector<16xf32>
        %add3A_1428 = arith.addf %add3A_1419, %get3A_1427 : vector<16xf32>
        %mul3A_1429 = arith.constant 8 : i32
        %mul3A_1430 = arith.muli %add3A_924, %mul3A_1429 : i32
        %add3A_1431 = arith.constant 7 : i32
        %add3A_1432 = arith.addi %mul3A_1430, %add3A_1431 : i32
        %get3A_1433 = arith.index_cast %add3A_1432 : i32 to index
        %get3A_1434 = arith.constant 96 : index
        %get3A_1435 = tpu.vector_load %arg6[%get3A_1433, %get3A_1434] {strides = array<i32>} : memref<256x128xf32, #tpu.memory_space<vmem>>, vector<1x16xf32>,
        %get3A_1436 = vector.shape_cast %get3A_1435 : vector<1x16xf32> to vector<16xf32>
        %add3A_1437 = arith.addf %add3A_1428, %get3A_1436 : vector<16xf32>
        %swap3A_1438 = arith.index_cast %add3A_924 : i32 to index
        %swap3A_1439 = arith.constant 96 : index
        %swap3A_1440 = tpu.vector_load %arg8[%swap3A_1438, %swap3A_1439] {strides = array<i32>} : memref<32x128xf32, #tpu.memory_space<vmem>>, vector<1x16xf32>,
        %swap3A_1441 = vector.shape_cast %swap3A_1440 : vector<1x16xf32> to vector<16xf32>
        %swap3A_1442 = vector.shape_cast %add3A_1437 : vector<16xf32> to vector<1x16xf32>
        tpu.vector_store %arg8[%swap3A_1438, %swap3A_1439], %swap3A_1442 {strides = array<i32>} : memref<32x128xf32, #tpu.memory_space<vmem>>, vector<1x16xf32>,
        %mul3A_1443 = arith.constant 8 : i32
        %mul3A_1444 = arith.muli %add3A_924, %mul3A_1443 : i32
        %get3A_1445 = arith.index_cast %mul3A_1444 : i32 to index
        %get3A_1446 = arith.constant 112 : index
        %get3A_1447 = tpu.vector_load %arg6[%get3A_1445, %get3A_1446] {strides = array<i32>} : memref<256x128xf32, #tpu.memory_space<vmem>>, vector<1x16xf32>,
        %get3A_1448 = vector.shape_cast %get3A_1447 : vector<1x16xf32> to vector<16xf32>
        %mul3A_1449 = arith.constant 8 : i32
        %mul3A_1450 = arith.muli %add3A_924, %mul3A_1449 : i32
        %add3A_1451 = arith.constant 1 : i32
        %add3A_1452 = arith.addi %mul3A_1450, %add3A_1451 : i32
        %get3A_1453 = arith.index_cast %add3A_1452 : i32 to index
        %get3A_1454 = arith.constant 112 : index
        %get3A_1455 = tpu.vector_load %arg6[%get3A_1453, %get3A_1454] {strides = array<i32>} : memref<256x128xf32, #tpu.memory_space<vmem>>, vector<1x16xf32>,
        %get3A_1456 = vector.shape_cast %get3A_1455 : vector<1x16xf32> to vector<16xf32>
        %add3A_1457 = arith.addf %get3A_1448, %get3A_1456 : vector<16xf32>
        %mul3A_1458 = arith.constant 8 : i32
        %mul3A_1459 = arith.muli %add3A_924, %mul3A_1458 : i32
        %add3A_1460 = arith.constant 2 : i32
        %add3A_1461 = arith.addi %mul3A_1459, %add3A_1460 : i32
        %get3A_1462 = arith.index_cast %add3A_1461 : i32 to index
        %get3A_1463 = arith.constant 112 : index
        %get3A_1464 = tpu.vector_load %arg6[%get3A_1462, %get3A_1463] {strides = array<i32>} : memref<256x128xf32, #tpu.memory_space<vmem>>, vector<1x16xf32>,
        %get3A_1465 = vector.shape_cast %get3A_1464 : vector<1x16xf32> to vector<16xf32>
        %add3A_1466 = arith.addf %add3A_1457, %get3A_1465 : vector<16xf32>
        %mul3A_1467 = arith.constant 8 : i32
        %mul3A_1468 = arith.muli %add3A_924, %mul3A_1467 : i32
        %add3A_1469 = arith.constant 3 : i32
        %add3A_1470 = arith.addi %mul3A_1468, %add3A_1469 : i32
        %get3A_1471 = arith.index_cast %add3A_1470 : i32 to index
        %get3A_1472 = arith.constant 112 : index
        %get3A_1473 = tpu.vector_load %arg6[%get3A_1471, %get3A_1472] {strides = array<i32>} : memref<256x128xf32, #tpu.memory_space<vmem>>, vector<1x16xf32>,
        %get3A_1474 = vector.shape_cast %get3A_1473 : vector<1x16xf32> to vector<16xf32>
        %add3A_1475 = arith.addf %add3A_1466, %get3A_1474 : vector<16xf32>
        %mul3A_1476 = arith.constant 8 : i32
        %mul3A_1477 = arith.muli %add3A_924, %mul3A_1476 : i32
        %add3A_1478 = arith.constant 4 : i32
        %add3A_1479 = arith.addi %mul3A_1477, %add3A_1478 : i32
        %get3A_1480 = arith.index_cast %add3A_1479 : i32 to index
        %get3A_1481 = arith.constant 112 : index
        %get3A_1482 = tpu.vector_load %arg6[%get3A_1480, %get3A_1481] {strides = array<i32>} : memref<256x128xf32, #tpu.memory_space<vmem>>, vector<1x16xf32>,
        %get3A_1483 = vector.shape_cast %get3A_1482 : vector<1x16xf32> to vector<16xf32>
        %add3A_1484 = arith.addf %add3A_1475, %get3A_1483 : vector<16xf32>
        %mul3A_1485 = arith.constant 8 : i32
        %mul3A_1486 = arith.muli %add3A_924, %mul3A_1485 : i32
        %add3A_1487 = arith.constant 5 : i32
        %add3A_1488 = arith.addi %mul3A_1486, %add3A_1487 : i32
        %get3A_1489 = arith.index_cast %add3A_1488 : i32 to index
        %get3A_1490 = arith.constant 112 : index
        %get3A_1491 = tpu.vector_load %arg6[%get3A_1489, %get3A_1490] {strides = array<i32>} : memref<256x128xf32, #tpu.memory_space<vmem>>, vector<1x16xf32>,
        %get3A_1492 = vector.shape_cast %get3A_1491 : vector<1x16xf32> to vector<16xf32>
        %add3A_1493 = arith.addf %add3A_1484, %get3A_1492 : vector<16xf32>
        %mul3A_1494 = arith.constant 8 : i32
        %mul3A_1495 = arith.muli %add3A_924, %mul3A_1494 : i32
        %add3A_1496 = arith.constant 6 : i32
        %add3A_1497 = arith.addi %mul3A_1495, %add3A_1496 : i32
        %get3A_1498 = arith.index_cast %add3A_1497 : i32 to index
        %get3A_1499 = arith.constant 112 : index
        %get3A_1500 = tpu.vector_load %arg6[%get3A_1498, %get3A_1499] {strides = array<i32>} : memref<256x128xf32, #tpu.memory_space<vmem>>, vector<1x16xf32>,
        %get3A_1501 = vector.shape_cast %get3A_1500 : vector<1x16xf32> to vector<16xf32>
        %add3A_1502 = arith.addf %add3A_1493, %get3A_1501 : vector<16xf32>
        %mul3A_1503 = arith.constant 8 : i32
        %mul3A_1504 = arith.muli %add3A_924, %mul3A_1503 : i32
        %add3A_1505 = arith.constant 7 : i32
        %add3A_1506 = arith.addi %mul3A_1504, %add3A_1505 : i32
        %get3A_1507 = arith.index_cast %add3A_1506 : i32 to index
        %get3A_1508 = arith.constant 112 : index
        %get3A_1509 = tpu.vector_load %arg6[%get3A_1507, %get3A_1508] {strides = array<i32>} : memref<256x128xf32, #tpu.memory_space<vmem>>, vector<1x16xf32>,
        %get3A_1510 = vector.shape_cast %get3A_1509 : vector<1x16xf32> to vector<16xf32>
        %add3A_1511 = arith.addf %add3A_1502, %get3A_1510 : vector<16xf32>
        %swap3A_1512 = arith.index_cast %add3A_924 : i32 to index
        %swap3A_1513 = arith.constant 112 : index
        %swap3A_1514 = tpu.vector_load %arg8[%swap3A_1512, %swap3A_1513] {strides = array<i32>} : memref<32x128xf32, #tpu.memory_space<vmem>>, vector<1x16xf32>,
        %swap3A_1515 = vector.shape_cast %swap3A_1514 : vector<1x16xf32> to vector<16xf32>
        %swap3A_1516 = vector.shape_cast %add3A_1511 : vector<16xf32> to vector<1x16xf32>
        tpu.vector_store %arg8[%swap3A_1512, %swap3A_1513], %swap3A_1516 {strides = array<i32>} : memref<32x128xf32, #tpu.memory_space<vmem>>, vector<1x16xf32>,
      }
      %scan3A_214 = arith.constant 16 : i32
      %mul3A_215 = arith.constant 32 : i32
      %mul3A_216 = arith.muli %add3A_175, %mul3A_215 : i32
      %add3A_217 = arith.addi %multiple_of3A, %mul3A_216 : i32
      %dma_start3A_218 = arith.constant 0 : i32
      %dma_start3A_219 = tpu.memref_slice %arg4[%add3A_217, %dma_start3A_218] : memref<51200x128xf32, #tpu.memory_space<hbm>> -> memref<32x128xf32, #tpu.memory_space<hbm>>
      %dma_start3A_220 = arith.constant 0 : i32
      %dma_start3A_221 = tpu.memref_slice %arg4[%add3A_217, %dma_start3A_220] : memref<51200x128xf32, #tpu.memory_space<hbm>> -> memref<32x128xf32, #tpu.memory_space<hbm>>
      tpu.enqueue_dma source(%arg8 : memref<32x128xf32, #tpu.memory_space<vmem>>) target(%dma_start3A_221 : memref<32x128xf32, #tpu.memory_space<hbm>>) target_semaphore(%arg12 : memref<!tpu.dma_semaphore, #tpu.memory_space<semaphore_mem>>)
      %mul3A_222 = arith.constant 2 : i32
      %mul3A_223 = arith.muli %min3A, %mul3A_222 : i32
      %add3A_224 = arith.constant 0 : i32
      %add3A_225 = arith.addi %mul3A_223, %add3A_224 : i32
      %dma_start3A_226 = arith.constant 0 : i32
      %dma_start3A_227 = arith.constant 0 : i32
      %dma_start3A_228 = tpu.memref_slice %arg6[%dma_start3A_226, %dma_start3A_227] : memref<256x128xf32, #tpu.memory_space<vmem>> -> memref<128x128xf32, #tpu.memory_space<vmem>>
      %dma_start3A_229 = arith.constant 0 : i32
      %dma_start3A_230 = tpu.memref_slice %arg5[%add3A_225, %dma_start3A_229] : memref<160x128xi32, #tpu.memory_space<vmem>> -> memref<1x128xi32, #tpu.memory_space<vmem>>
      %dma_start3A_231 = tpu.memref_squeeze %dma_start3A_230 : memref<1x128xi32, #tpu.memory_space<vmem>> -> memref<128xi32, #tpu.memory_space<vmem>>
      %dma_start3A_232 = arith.constant 0 : i32
      %dma_start3A_233 = arith.constant 0 : i32
      %dma_start3A_234 = tpu.memref_slice %arg2[%dma_start3A_232, %dma_start3A_233] : memref<50000x128xf32, #tpu.memory_space<hbm>> -> memref<50000x128xf32, #tpu.memory_space<hbm>>
      tpu.enqueue_indirect_dma source(%dma_start3A_234 : memref<50000x128xf32, #tpu.memory_space<hbm>>) target(%dma_start3A_228 : memref<128x128xf32, #tpu.memory_space<vmem>>) offsets(%dma_start3A_231 : memref<128xi32, #tpu.memory_space<vmem>>) semaphore(%arg10 : memref<!tpu.dma_semaphore, #tpu.memory_space<semaphore_mem>>)
      %mul3A_235 = arith.constant 2 : i32
      %mul3A_236 = arith.muli %min3A, %mul3A_235 : i32
      %add3A_237 = arith.constant 1 : i32
      %add3A_238 = arith.addi %mul3A_236, %add3A_237 : i32
      %dma_start3A_239 = arith.constant 128 : i32
      %dma_start3A_240 = arith.constant 0 : i32
      %dma_start3A_241 = tpu.memref_slice %arg6[%dma_start3A_239, %dma_start3A_240] : memref<256x128xf32, #tpu.memory_space<vmem>> -> memref<128x128xf32, #tpu.memory_space<vmem>>
      %dma_start3A_242 = arith.constant 0 : i32
      %dma_start3A_243 = tpu.memref_slice %arg5[%add3A_238, %dma_start3A_242] : memref<160x128xi32, #tpu.memory_space<vmem>> -> memref<1x128xi32, #tpu.memory_space<vmem>>
      %dma_start3A_244 = tpu.memref_squeeze %dma_start3A_243 : memref<1x128xi32, #tpu.memory_space<vmem>> -> memref<128xi32, #tpu.memory_space<vmem>>
      %dma_start3A_245 = arith.constant 0 : i32
      %dma_start3A_246 = arith.constant 0 : i32
      %dma_start3A_247 = tpu.memref_slice %arg2[%dma_start3A_245, %dma_start3A_246] : memref<50000x128xf32, #tpu.memory_space<hbm>> -> memref<50000x128xf32, #tpu.memory_space<hbm>>
      tpu.enqueue_indirect_dma source(%dma_start3A_247 : memref<50000x128xf32, #tpu.memory_space<hbm>>) target(%dma_start3A_241 : memref<128x128xf32, #tpu.memory_space<vmem>>) offsets(%dma_start3A_244 : memref<128xi32, #tpu.memory_space<vmem>>) semaphore(%arg10 : memref<!tpu.dma_semaphore, #tpu.memory_space<semaphore_mem>>)
      %mul3A_248 = arith.constant 2 : i32
      %mul3A_249 = arith.muli %while3A_171, %mul3A_248 : i32
      %add3A_250 = arith.constant 1 : i32
      %add3A_251 = arith.addi %mul3A_249, %add3A_250 : i32
      %add3A_252 = arith.constant 2 : i32
      %add3A_253 = arith.addi %add3A_251, %add3A_252 : i32
      %sub3A_254 = arith.constant 1 : i32
      %sub3A_255 = arith.subi %select_n3A_8, %sub3A_254 : i32
      %min3A_256 = arith.minsi %add3A_253, %sub3A_255 : i32
      %dma_wait3A_257 = arith.constant 0 : i32
      %dma_wait3A_258 = arith.constant 0 : i32
      %dma_wait3A_259 = tpu.memref_slice %arg7[%dma_wait3A_257, %dma_wait3A_258] : memref<256x128xf32, #tpu.memory_space<vmem>> -> memref<128x128xf32, #tpu.memory_space<vmem>>
      %dma_wait3A_260 = arith.constant 0 : i32
      %dma_wait3A_261 = arith.constant 0 : i32
      %dma_wait3A_262 = tpu.memref_slice %arg2[%dma_wait3A_260, %dma_wait3A_261] : memref<50000x128xf32, #tpu.memory_space<hbm>> -> memref<128x128xf32, #tpu.memory_space<hbm>>
      %dma_wait3A_263 = arith.constant 0 : i32
      %dma_wait3A_264 = arith.constant 0 : i32
      %dma_wait3A_265 = tpu.memref_slice %arg7[%dma_wait3A_263, %dma_wait3A_264] : memref<256x128xf32, #tpu.memory_space<vmem>> -> memref<128x128xf32, #tpu.memory_space<vmem>>
      %dma_wait3A_266 = arith.constant 0 : i32
      %dma_wait3A_267 = arith.constant 0 : i32
      %dma_wait3A_268 = tpu.memref_slice %arg2[%dma_wait3A_266, %dma_wait3A_267] : memref<50000x128xf32, #tpu.memory_space<hbm>> -> memref<128x128xf32, #tpu.memory_space<hbm>>
      tpu.wait_dma2 semaphore(%arg11 : memref<!tpu.dma_semaphore, #tpu.memory_space<semaphore_mem>>) src(%dma_wait3A_268 : memref<128x128xf32, #tpu.memory_space<hbm>>) dst(%dma_wait3A_265 : memref<128x128xf32, #tpu.memory_space<vmem>>)
      %dma_wait3A_269 = arith.constant 128 : i32
      %dma_wait3A_270 = arith.constant 0 : i32
      %dma_wait3A_271 = tpu.memref_slice %arg7[%dma_wait3A_269, %dma_wait3A_270] : memref<256x128xf32, #tpu.memory_space<vmem>> -> memref<128x128xf32, #tpu.memory_space<vmem>>
      %dma_wait3A_272 = arith.constant 0 : i32
      %dma_wait3A_273 = arith.constant 0 : i32
      %dma_wait3A_274 = tpu.memref_slice %arg2[%dma_wait3A_272, %dma_wait3A_273] : memref<50000x128xf32, #tpu.memory_space<hbm>> -> memref<128x128xf32, #tpu.memory_space<hbm>>
      %dma_wait3A_275 = arith.constant 128 : i32
      %dma_wait3A_276 = arith.constant 0 : i32
      %dma_wait3A_277 = tpu.memref_slice %arg7[%dma_wait3A_275, %dma_wait3A_276] : memref<256x128xf32, #tpu.memory_space<vmem>> -> memref<128x128xf32, #tpu.memory_space<vmem>>
      %dma_wait3A_278 = arith.constant 0 : i32
      %dma_wait3A_279 = arith.constant 0 : i32
      %dma_wait3A_280 = tpu.memref_slice %arg2[%dma_wait3A_278, %dma_wait3A_279] : memref<50000x128xf32, #tpu.memory_space<hbm>> -> memref<128x128xf32, #tpu.memory_space<hbm>>
      tpu.wait_dma2 semaphore(%arg11 : memref<!tpu.dma_semaphore, #tpu.memory_space<semaphore_mem>>) src(%dma_wait3A_280 : memref<128x128xf32, #tpu.memory_space<hbm>>) dst(%dma_wait3A_277 : memref<128x128xf32, #tpu.memory_space<vmem>>)
      %dma_wait3A_281 = arith.constant 0 : i32
      %dma_wait3A_282 = arith.constant 0 : i32
      %dma_wait3A_283 = tpu.memref_slice %arg4[%dma_wait3A_281, %dma_wait3A_282] : memref<51200x128xf32, #tpu.memory_space<hbm>> -> memref<32x128xf32, #tpu.memory_space<hbm>>
      %dma_wait3A_284 = arith.constant 0 : i32
      %dma_wait3A_285 = arith.constant 0 : i32
      %dma_wait3A_286 = tpu.memref_slice %arg4[%dma_wait3A_284, %dma_wait3A_285] : memref<51200x128xf32, #tpu.memory_space<hbm>> -> memref<32x128xf32, #tpu.memory_space<hbm>>
      tpu.wait_dma2 semaphore(%arg13 : memref<!tpu.dma_semaphore, #tpu.memory_space<semaphore_mem>>) src(%arg9 : memref<32x128xf32, #tpu.memory_space<vmem>>) dst(%dma_wait3A_286 : memref<32x128xf32, #tpu.memory_space<hbm>>)
      %scan3A_287 = arith.constant 0 : i32
      %scan3A_288 = arith.constant 0 : i32
      %scan3A_289 = arith.constant 16 : i32
      %scan3A_290 = arith.addi %scan3A_288, %scan3A_289 : i32
      %scan3A_291 = arith.constant 1 : i32
      scf.for %scan3A_326 = %scan3A_288 to %scan3A_290 step %scan3A_291  : i32 {
        %mul3A_327 = arith.constant 2 : i32
        %mul3A_328 = arith.muli %scan3A_326, %mul3A_327 : i32
        %add3A_329 = arith.constant 0 : i32
        %add3A_330 = arith.addi %mul3A_328, %add3A_329 : i32
        %mul3A_331 = arith.constant 8 : i32
        %mul3A_332 = arith.muli %add3A_330, %mul3A_331 : i32
        %get3A = arith.index_cast %mul3A_332 : i32 to index
        %get3A_333 = arith.constant 0 : index
        %get3A_334 = tpu.vector_load %arg7[%get3A, %get3A_333] {strides = array<i32>} : memref<256x128xf32, #tpu.memory_space<vmem>>, vector<1x16xf32>,
        %get3A_335 = vector.shape_cast %get3A_334 : vector<1x16xf32> to vector<16xf32>
        %mul3A_336 = arith.constant 8 : i32
        %mul3A_337 = arith.muli %add3A_330, %mul3A_336 : i32
        %add3A_338 = arith.constant 1 : i32
        %add3A_339 = arith.addi %mul3A_337, %add3A_338 : i32
        %get3A_340 = arith.index_cast %add3A_339 : i32 to index
        %get3A_341 = arith.constant 0 : index
        %get3A_342 = tpu.vector_load %arg7[%get3A_340, %get3A_341] {strides = array<i32>} : memref<256x128xf32, #tpu.memory_space<vmem>>, vector<1x16xf32>,
        %get3A_343 = vector.shape_cast %get3A_342 : vector<1x16xf32> to vector<16xf32>
        %add3A_344 = arith.addf %get3A_335, %get3A_343 : vector<16xf32>
        %mul3A_345 = arith.constant 8 : i32
        %mul3A_346 = arith.muli %add3A_330, %mul3A_345 : i32
        %add3A_347 = arith.constant 2 : i32
        %add3A_348 = arith.addi %mul3A_346, %add3A_347 : i32
        %get3A_349 = arith.index_cast %add3A_348 : i32 to index
        %get3A_350 = arith.constant 0 : index
        %get3A_351 = tpu.vector_load %arg7[%get3A_349, %get3A_350] {strides = array<i32>} : memref<256x128xf32, #tpu.memory_space<vmem>>, vector<1x16xf32>,
        %get3A_352 = vector.shape_cast %get3A_351 : vector<1x16xf32> to vector<16xf32>
        %add3A_353 = arith.addf %add3A_344, %get3A_352 : vector<16xf32>
        %mul3A_354 = arith.constant 8 : i32
        %mul3A_355 = arith.muli %add3A_330, %mul3A_354 : i32
        %add3A_356 = arith.constant 3 : i32
        %add3A_357 = arith.addi %mul3A_355, %add3A_356 : i32
        %get3A_358 = arith.index_cast %add3A_357 : i32 to index
        %get3A_359 = arith.constant 0 : index
        %get3A_360 = tpu.vector_load %arg7[%get3A_358, %get3A_359] {strides = array<i32>} : memref<256x128xf32, #tpu.memory_space<vmem>>, vector<1x16xf32>,
        %get3A_361 = vector.shape_cast %get3A_360 : vector<1x16xf32> to vector<16xf32>
        %add3A_362 = arith.addf %add3A_353, %get3A_361 : vector<16xf32>
        %mul3A_363 = arith.constant 8 : i32
        %mul3A_364 = arith.muli %add3A_330, %mul3A_363 : i32
        %add3A_365 = arith.constant 4 : i32
        %add3A_366 = arith.addi %mul3A_364, %add3A_365 : i32
        %get3A_367 = arith.index_cast %add3A_366 : i32 to index
        %get3A_368 = arith.constant 0 : index
        %get3A_369 = tpu.vector_load %arg7[%get3A_367, %get3A_368] {strides = array<i32>} : memref<256x128xf32, #tpu.memory_space<vmem>>, vector<1x16xf32>,
        %get3A_370 = vector.shape_cast %get3A_369 : vector<1x16xf32> to vector<16xf32>
        %add3A_371 = arith.addf %add3A_362, %get3A_370 : vector<16xf32>
        %mul3A_372 = arith.constant 8 : i32
        %mul3A_373 = arith.muli %add3A_330, %mul3A_372 : i32
        %add3A_374 = arith.constant 5 : i32
        %add3A_375 = arith.addi %mul3A_373, %add3A_374 : i32
        %get3A_376 = arith.index_cast %add3A_375 : i32 to index
        %get3A_377 = arith.constant 0 : index
        %get3A_378 = tpu.vector_load %arg7[%get3A_376, %get3A_377] {strides = array<i32>} : memref<256x128xf32, #tpu.memory_space<vmem>>, vector<1x16xf32>,
        %get3A_379 = vector.shape_cast %get3A_378 : vector<1x16xf32> to vector<16xf32>
        %add3A_380 = arith.addf %add3A_371, %get3A_379 : vector<16xf32>
        %mul3A_381 = arith.constant 8 : i32
        %mul3A_382 = arith.muli %add3A_330, %mul3A_381 : i32
        %add3A_383 = arith.constant 6 : i32
        %add3A_384 = arith.addi %mul3A_382, %add3A_383 : i32
        %get3A_385 = arith.index_cast %add3A_384 : i32 to index
        %get3A_386 = arith.constant 0 : index
        %get3A_387 = tpu.vector_load %arg7[%get3A_385, %get3A_386] {strides = array<i32>} : memref<256x128xf32, #tpu.memory_space<vmem>>, vector<1x16xf32>,
        %get3A_388 = vector.shape_cast %get3A_387 : vector<1x16xf32> to vector<16xf32>
        %add3A_389 = arith.addf %add3A_380, %get3A_388 : vector<16xf32>
        %mul3A_390 = arith.constant 8 : i32
        %mul3A_391 = arith.muli %add3A_330, %mul3A_390 : i32
        %add3A_392 = arith.constant 7 : i32
        %add3A_393 = arith.addi %mul3A_391, %add3A_392 : i32
        %get3A_394 = arith.index_cast %add3A_393 : i32 to index
        %get3A_395 = arith.constant 0 : index
        %get3A_396 = tpu.vector_load %arg7[%get3A_394, %get3A_395] {strides = array<i32>} : memref<256x128xf32, #tpu.memory_space<vmem>>, vector<1x16xf32>,
        %get3A_397 = vector.shape_cast %get3A_396 : vector<1x16xf32> to vector<16xf32>
        %add3A_398 = arith.addf %add3A_389, %get3A_397 : vector<16xf32>
        %swap3A = arith.index_cast %add3A_330 : i32 to index
        %swap3A_399 = arith.constant 0 : index
        %swap3A_400 = tpu.vector_load %arg9[%swap3A, %swap3A_399] {strides = array<i32>} : memref<32x128xf32, #tpu.memory_space<vmem>>, vector<1x16xf32>,
        %swap3A_401 = vector.shape_cast %swap3A_400 : vector<1x16xf32> to vector<16xf32>
        %swap3A_402 = vector.shape_cast %add3A_398 : vector<16xf32> to vector<1x16xf32>
        tpu.vector_store %arg9[%swap3A, %swap3A_399], %swap3A_402 {strides = array<i32>} : memref<32x128xf32, #tpu.memory_space<vmem>>, vector<1x16xf32>,
        %mul3A_403 = arith.constant 8 : i32
        %mul3A_404 = arith.muli %add3A_330, %mul3A_403 : i32
        %get3A_405 = arith.index_cast %mul3A_404 : i32 to index
        %get3A_406 = arith.constant 16 : index
        %get3A_407 = tpu.vector_load %arg7[%get3A_405, %get3A_406] {strides = array<i32>} : memref<256x128xf32, #tpu.memory_space<vmem>>, vector<1x16xf32>,
        %get3A_408 = vector.shape_cast %get3A_407 : vector<1x16xf32> to vector<16xf32>
        %mul3A_409 = arith.constant 8 : i32
        %mul3A_410 = arith.muli %add3A_330, %mul3A_409 : i32
        %add3A_411 = arith.constant 1 : i32
        %add3A_412 = arith.addi %mul3A_410, %add3A_411 : i32
        %get3A_413 = arith.index_cast %add3A_412 : i32 to index
        %get3A_414 = arith.constant 16 : index
        %get3A_415 = tpu.vector_load %arg7[%get3A_413, %get3A_414] {strides = array<i32>} : memref<256x128xf32, #tpu.memory_space<vmem>>, vector<1x16xf32>,
        %get3A_416 = vector.shape_cast %get3A_415 : vector<1x16xf32> to vector<16xf32>
        %add3A_417 = arith.addf %get3A_408, %get3A_416 : vector<16xf32>
        %mul3A_418 = arith.constant 8 : i32
        %mul3A_419 = arith.muli %add3A_330, %mul3A_418 : i32
        %add3A_420 = arith.constant 2 : i32
        %add3A_421 = arith.addi %mul3A_419, %add3A_420 : i32
        %get3A_422 = arith.index_cast %add3A_421 : i32 to index
        %get3A_423 = arith.constant 16 : index
        %get3A_424 = tpu.vector_load %arg7[%get3A_422, %get3A_423] {strides = array<i32>} : memref<256x128xf32, #tpu.memory_space<vmem>>, vector<1x16xf32>,
        %get3A_425 = vector.shape_cast %get3A_424 : vector<1x16xf32> to vector<16xf32>
        %add3A_426 = arith.addf %add3A_417, %get3A_425 : vector<16xf32>
        %mul3A_427 = arith.constant 8 : i32
        %mul3A_428 = arith.muli %add3A_330, %mul3A_427 : i32
        %add3A_429 = arith.constant 3 : i32
        %add3A_430 = arith.addi %mul3A_428, %add3A_429 : i32
        %get3A_431 = arith.index_cast %add3A_430 : i32 to index
        %get3A_432 = arith.constant 16 : index
        %get3A_433 = tpu.vector_load %arg7[%get3A_431, %get3A_432] {strides = array<i32>} : memref<256x128xf32, #tpu.memory_space<vmem>>, vector<1x16xf32>,
        %get3A_434 = vector.shape_cast %get3A_433 : vector<1x16xf32> to vector<16xf32>
        %add3A_435 = arith.addf %add3A_426, %get3A_434 : vector<16xf32>
        %mul3A_436 = arith.constant 8 : i32
        %mul3A_437 = arith.muli %add3A_330, %mul3A_436 : i32
        %add3A_438 = arith.constant 4 : i32
        %add3A_439 = arith.addi %mul3A_437, %add3A_438 : i32
        %get3A_440 = arith.index_cast %add3A_439 : i32 to index
        %get3A_441 = arith.constant 16 : index
        %get3A_442 = tpu.vector_load %arg7[%get3A_440, %get3A_441] {strides = array<i32>} : memref<256x128xf32, #tpu.memory_space<vmem>>, vector<1x16xf32>,
        %get3A_443 = vector.shape_cast %get3A_442 : vector<1x16xf32> to vector<16xf32>
        %add3A_444 = arith.addf %add3A_435, %get3A_443 : vector<16xf32>
        %mul3A_445 = arith.constant 8 : i32
        %mul3A_446 = arith.muli %add3A_330, %mul3A_445 : i32
        %add3A_447 = arith.constant 5 : i32
        %add3A_448 = arith.addi %mul3A_446, %add3A_447 : i32
        %get3A_449 = arith.index_cast %add3A_448 : i32 to index
        %get3A_450 = arith.constant 16 : index
        %get3A_451 = tpu.vector_load %arg7[%get3A_449, %get3A_450] {strides = array<i32>} : memref<256x128xf32, #tpu.memory_space<vmem>>, vector<1x16xf32>,
        %get3A_452 = vector.shape_cast %get3A_451 : vector<1x16xf32> to vector<16xf32>
        %add3A_453 = arith.addf %add3A_444, %get3A_452 : vector<16xf32>
        %mul3A_454 = arith.constant 8 : i32
        %mul3A_455 = arith.muli %add3A_330, %mul3A_454 : i32
        %add3A_456 = arith.constant 6 : i32
        %add3A_457 = arith.addi %mul3A_455, %add3A_456 : i32
        %get3A_458 = arith.index_cast %add3A_457 : i32 to index
        %get3A_459 = arith.constant 16 : index
        %get3A_460 = tpu.vector_load %arg7[%get3A_458, %get3A_459] {strides = array<i32>} : memref<256x128xf32, #tpu.memory_space<vmem>>, vector<1x16xf32>,
        %get3A_461 = vector.shape_cast %get3A_460 : vector<1x16xf32> to vector<16xf32>
        %add3A_462 = arith.addf %add3A_453, %get3A_461 : vector<16xf32>
        %mul3A_463 = arith.constant 8 : i32
        %mul3A_464 = arith.muli %add3A_330, %mul3A_463 : i32
        %add3A_465 = arith.constant 7 : i32
        %add3A_466 = arith.addi %mul3A_464, %add3A_465 : i32
        %get3A_467 = arith.index_cast %add3A_466 : i32 to index
        %get3A_468 = arith.constant 16 : index
        %get3A_469 = tpu.vector_load %arg7[%get3A_467, %get3A_468] {strides = array<i32>} : memref<256x128xf32, #tpu.memory_space<vmem>>, vector<1x16xf32>,
        %get3A_470 = vector.shape_cast %get3A_469 : vector<1x16xf32> to vector<16xf32>
        %add3A_471 = arith.addf %add3A_462, %get3A_470 : vector<16xf32>
        %swap3A_472 = arith.index_cast %add3A_330 : i32 to index
        %swap3A_473 = arith.constant 16 : index
        %swap3A_474 = tpu.vector_load %arg9[%swap3A_472, %swap3A_473] {strides = array<i32>} : memref<32x128xf32, #tpu.memory_space<vmem>>, vector<1x16xf32>,
        %swap3A_475 = vector.shape_cast %swap3A_474 : vector<1x16xf32> to vector<16xf32>
        %swap3A_476 = vector.shape_cast %add3A_471 : vector<16xf32> to vector<1x16xf32>
        tpu.vector_store %arg9[%swap3A_472, %swap3A_473], %swap3A_476 {strides = array<i32>} : memref<32x128xf32, #tpu.memory_space<vmem>>, vector<1x16xf32>,
        %mul3A_477 = arith.constant 8 : i32
        %mul3A_478 = arith.muli %add3A_330, %mul3A_477 : i32
        %get3A_479 = arith.index_cast %mul3A_478 : i32 to index
        %get3A_480 = arith.constant 32 : index
        %get3A_481 = tpu.vector_load %arg7[%get3A_479, %get3A_480] {strides = array<i32>} : memref<256x128xf32, #tpu.memory_space<vmem>>, vector<1x16xf32>,
        %get3A_482 = vector.shape_cast %get3A_481 : vector<1x16xf32> to vector<16xf32>
        %mul3A_483 = arith.constant 8 : i32
        %mul3A_484 = arith.muli %add3A_330, %mul3A_483 : i32
        %add3A_485 = arith.constant 1 : i32
        %add3A_486 = arith.addi %mul3A_484, %add3A_485 : i32
        %get3A_487 = arith.index_cast %add3A_486 : i32 to index
        %get3A_488 = arith.constant 32 : index
        %get3A_489 = tpu.vector_load %arg7[%get3A_487, %get3A_488] {strides = array<i32>} : memref<256x128xf32, #tpu.memory_space<vmem>>, vector<1x16xf32>,
        %get3A_490 = vector.shape_cast %get3A_489 : vector<1x16xf32> to vector<16xf32>
        %add3A_491 = arith.addf %get3A_482, %get3A_490 : vector<16xf32>
        %mul3A_492 = arith.constant 8 : i32
        %mul3A_493 = arith.muli %add3A_330, %mul3A_492 : i32
        %add3A_494 = arith.constant 2 : i32
        %add3A_495 = arith.addi %mul3A_493, %add3A_494 : i32
        %get3A_496 = arith.index_cast %add3A_495 : i32 to index
        %get3A_497 = arith.constant 32 : index
        %get3A_498 = tpu.vector_load %arg7[%get3A_496, %get3A_497] {strides = array<i32>} : memref<256x128xf32, #tpu.memory_space<vmem>>, vector<1x16xf32>,
        %get3A_499 = vector.shape_cast %get3A_498 : vector<1x16xf32> to vector<16xf32>
        %add3A_500 = arith.addf %add3A_491, %get3A_499 : vector<16xf32>
        %mul3A_501 = arith.constant 8 : i32
        %mul3A_502 = arith.muli %add3A_330, %mul3A_501 : i32
        %add3A_503 = arith.constant 3 : i32
        %add3A_504 = arith.addi %mul3A_502, %add3A_503 : i32
        %get3A_505 = arith.index_cast %add3A_504 : i32 to index
        %get3A_506 = arith.constant 32 : index
        %get3A_507 = tpu.vector_load %arg7[%get3A_505, %get3A_506] {strides = array<i32>} : memref<256x128xf32, #tpu.memory_space<vmem>>, vector<1x16xf32>,
        %get3A_508 = vector.shape_cast %get3A_507 : vector<1x16xf32> to vector<16xf32>
        %add3A_509 = arith.addf %add3A_500, %get3A_508 : vector<16xf32>
        %mul3A_510 = arith.constant 8 : i32
        %mul3A_511 = arith.muli %add3A_330, %mul3A_510 : i32
        %add3A_512 = arith.constant 4 : i32
        %add3A_513 = arith.addi %mul3A_511, %add3A_512 : i32
        %get3A_514 = arith.index_cast %add3A_513 : i32 to index
        %get3A_515 = arith.constant 32 : index
        %get3A_516 = tpu.vector_load %arg7[%get3A_514, %get3A_515] {strides = array<i32>} : memref<256x128xf32, #tpu.memory_space<vmem>>, vector<1x16xf32>,
        %get3A_517 = vector.shape_cast %get3A_516 : vector<1x16xf32> to vector<16xf32>
        %add3A_518 = arith.addf %add3A_509, %get3A_517 : vector<16xf32>
        %mul3A_519 = arith.constant 8 : i32
        %mul3A_520 = arith.muli %add3A_330, %mul3A_519 : i32
        %add3A_521 = arith.constant 5 : i32
        %add3A_522 = arith.addi %mul3A_520, %add3A_521 : i32
        %get3A_523 = arith.index_cast %add3A_522 : i32 to index
        %get3A_524 = arith.constant 32 : index
        %get3A_525 = tpu.vector_load %arg7[%get3A_523, %get3A_524] {strides = array<i32>} : memref<256x128xf32, #tpu.memory_space<vmem>>, vector<1x16xf32>,
        %get3A_526 = vector.shape_cast %get3A_525 : vector<1x16xf32> to vector<16xf32>
        %add3A_527 = arith.addf %add3A_518, %get3A_526 : vector<16xf32>
        %mul3A_528 = arith.constant 8 : i32
        %mul3A_529 = arith.muli %add3A_330, %mul3A_528 : i32
        %add3A_530 = arith.constant 6 : i32
        %add3A_531 = arith.addi %mul3A_529, %add3A_530 : i32
        %get3A_532 = arith.index_cast %add3A_531 : i32 to index
        %get3A_533 = arith.constant 32 : index
        %get3A_534 = tpu.vector_load %arg7[%get3A_532, %get3A_533] {strides = array<i32>} : memref<256x128xf32, #tpu.memory_space<vmem>>, vector<1x16xf32>,
        %get3A_535 = vector.shape_cast %get3A_534 : vector<1x16xf32> to vector<16xf32>
        %add3A_536 = arith.addf %add3A_527, %get3A_535 : vector<16xf32>
        %mul3A_537 = arith.constant 8 : i32
        %mul3A_538 = arith.muli %add3A_330, %mul3A_537 : i32
        %add3A_539 = arith.constant 7 : i32
        %add3A_540 = arith.addi %mul3A_538, %add3A_539 : i32
        %get3A_541 = arith.index_cast %add3A_540 : i32 to index
        %get3A_542 = arith.constant 32 : index
        %get3A_543 = tpu.vector_load %arg7[%get3A_541, %get3A_542] {strides = array<i32>} : memref<256x128xf32, #tpu.memory_space<vmem>>, vector<1x16xf32>,
        %get3A_544 = vector.shape_cast %get3A_543 : vector<1x16xf32> to vector<16xf32>
        %add3A_545 = arith.addf %add3A_536, %get3A_544 : vector<16xf32>
        %swap3A_546 = arith.index_cast %add3A_330 : i32 to index
        %swap3A_547 = arith.constant 32 : index
        %swap3A_548 = tpu.vector_load %arg9[%swap3A_546, %swap3A_547] {strides = array<i32>} : memref<32x128xf32, #tpu.memory_space<vmem>>, vector<1x16xf32>,
        %swap3A_549 = vector.shape_cast %swap3A_548 : vector<1x16xf32> to vector<16xf32>
        %swap3A_550 = vector.shape_cast %add3A_545 : vector<16xf32> to vector<1x16xf32>
        tpu.vector_store %arg9[%swap3A_546, %swap3A_547], %swap3A_550 {strides = array<i32>} : memref<32x128xf32, #tpu.memory_space<vmem>>, vector<1x16xf32>,
        %mul3A_551 = arith.constant 8 : i32
        %mul3A_552 = arith.muli %add3A_330, %mul3A_551 : i32
        %get3A_553 = arith.index_cast %mul3A_552 : i32 to index
        %get3A_554 = arith.constant 48 : index
        %get3A_555 = tpu.vector_load %arg7[%get3A_553, %get3A_554] {strides = array<i32>} : memref<256x128xf32, #tpu.memory_space<vmem>>, vector<1x16xf32>,
        %get3A_556 = vector.shape_cast %get3A_555 : vector<1x16xf32> to vector<16xf32>
        %mul3A_557 = arith.constant 8 : i32
        %mul3A_558 = arith.muli %add3A_330, %mul3A_557 : i32
        %add3A_559 = arith.constant 1 : i32
        %add3A_560 = arith.addi %mul3A_558, %add3A_559 : i32
        %get3A_561 = arith.index_cast %add3A_560 : i32 to index
        %get3A_562 = arith.constant 48 : index
        %get3A_563 = tpu.vector_load %arg7[%get3A_561, %get3A_562] {strides = array<i32>} : memref<256x128xf32, #tpu.memory_space<vmem>>, vector<1x16xf32>,
        %get3A_564 = vector.shape_cast %get3A_563 : vector<1x16xf32> to vector<16xf32>
        %add3A_565 = arith.addf %get3A_556, %get3A_564 : vector<16xf32>
        %mul3A_566 = arith.constant 8 : i32
        %mul3A_567 = arith.muli %add3A_330, %mul3A_566 : i32
        %add3A_568 = arith.constant 2 : i32
        %add3A_569 = arith.addi %mul3A_567, %add3A_568 : i32
        %get3A_570 = arith.index_cast %add3A_569 : i32 to index
        %get3A_571 = arith.constant 48 : index
        %get3A_572 = tpu.vector_load %arg7[%get3A_570, %get3A_571] {strides = array<i32>} : memref<256x128xf32, #tpu.memory_space<vmem>>, vector<1x16xf32>,
        %get3A_573 = vector.shape_cast %get3A_572 : vector<1x16xf32> to vector<16xf32>
        %add3A_574 = arith.addf %add3A_565, %get3A_573 : vector<16xf32>
        %mul3A_575 = arith.constant 8 : i32
        %mul3A_576 = arith.muli %add3A_330, %mul3A_575 : i32
        %add3A_577 = arith.constant 3 : i32
        %add3A_578 = arith.addi %mul3A_576, %add3A_577 : i32
        %get3A_579 = arith.index_cast %add3A_578 : i32 to index
        %get3A_580 = arith.constant 48 : index
        %get3A_581 = tpu.vector_load %arg7[%get3A_579, %get3A_580] {strides = array<i32>} : memref<256x128xf32, #tpu.memory_space<vmem>>, vector<1x16xf32>,
        %get3A_582 = vector.shape_cast %get3A_581 : vector<1x16xf32> to vector<16xf32>
        %add3A_583 = arith.addf %add3A_574, %get3A_582 : vector<16xf32>
        %mul3A_584 = arith.constant 8 : i32
        %mul3A_585 = arith.muli %add3A_330, %mul3A_584 : i32
        %add3A_586 = arith.constant 4 : i32
        %add3A_587 = arith.addi %mul3A_585, %add3A_586 : i32
        %get3A_588 = arith.index_cast %add3A_587 : i32 to index
        %get3A_589 = arith.constant 48 : index
        %get3A_590 = tpu.vector_load %arg7[%get3A_588, %get3A_589] {strides = array<i32>} : memref<256x128xf32, #tpu.memory_space<vmem>>, vector<1x16xf32>,
        %get3A_591 = vector.shape_cast %get3A_590 : vector<1x16xf32> to vector<16xf32>
        %add3A_592 = arith.addf %add3A_583, %get3A_591 : vector<16xf32>
        %mul3A_593 = arith.constant 8 : i32
        %mul3A_594 = arith.muli %add3A_330, %mul3A_593 : i32
        %add3A_595 = arith.constant 5 : i32
        %add3A_596 = arith.addi %mul3A_594, %add3A_595 : i32
        %get3A_597 = arith.index_cast %add3A_596 : i32 to index
        %get3A_598 = arith.constant 48 : index
        %get3A_599 = tpu.vector_load %arg7[%get3A_597, %get3A_598] {strides = array<i32>} : memref<256x128xf32, #tpu.memory_space<vmem>>, vector<1x16xf32>,
        %get3A_600 = vector.shape_cast %get3A_599 : vector<1x16xf32> to vector<16xf32>
        %add3A_601 = arith.addf %add3A_592, %get3A_600 : vector<16xf32>
        %mul3A_602 = arith.constant 8 : i32
        %mul3A_603 = arith.muli %add3A_330, %mul3A_602 : i32
        %add3A_604 = arith.constant 6 : i32
        %add3A_605 = arith.addi %mul3A_603, %add3A_604 : i32
        %get3A_606 = arith.index_cast %add3A_605 : i32 to index
        %get3A_607 = arith.constant 48 : index
        %get3A_608 = tpu.vector_load %arg7[%get3A_606, %get3A_607] {strides = array<i32>} : memref<256x128xf32, #tpu.memory_space<vmem>>, vector<1x16xf32>,
        %get3A_609 = vector.shape_cast %get3A_608 : vector<1x16xf32> to vector<16xf32>
        %add3A_610 = arith.addf %add3A_601, %get3A_609 : vector<16xf32>
        %mul3A_611 = arith.constant 8 : i32
        %mul3A_612 = arith.muli %add3A_330, %mul3A_611 : i32
        %add3A_613 = arith.constant 7 : i32
        %add3A_614 = arith.addi %mul3A_612, %add3A_613 : i32
        %get3A_615 = arith.index_cast %add3A_614 : i32 to index
        %get3A_616 = arith.constant 48 : index
        %get3A_617 = tpu.vector_load %arg7[%get3A_615, %get3A_616] {strides = array<i32>} : memref<256x128xf32, #tpu.memory_space<vmem>>, vector<1x16xf32>,
        %get3A_618 = vector.shape_cast %get3A_617 : vector<1x16xf32> to vector<16xf32>
        %add3A_619 = arith.addf %add3A_610, %get3A_618 : vector<16xf32>
        %swap3A_620 = arith.index_cast %add3A_330 : i32 to index
        %swap3A_621 = arith.constant 48 : index
        %swap3A_622 = tpu.vector_load %arg9[%swap3A_620, %swap3A_621] {strides = array<i32>} : memref<32x128xf32, #tpu.memory_space<vmem>>, vector<1x16xf32>,
        %swap3A_623 = vector.shape_cast %swap3A_622 : vector<1x16xf32> to vector<16xf32>
        %swap3A_624 = vector.shape_cast %add3A_619 : vector<16xf32> to vector<1x16xf32>
        tpu.vector_store %arg9[%swap3A_620, %swap3A_621], %swap3A_624 {strides = array<i32>} : memref<32x128xf32, #tpu.memory_space<vmem>>, vector<1x16xf32>,
        %mul3A_625 = arith.constant 8 : i32
        %mul3A_626 = arith.muli %add3A_330, %mul3A_625 : i32
        %get3A_627 = arith.index_cast %mul3A_626 : i32 to index
        %get3A_628 = arith.constant 64 : index
        %get3A_629 = tpu.vector_load %arg7[%get3A_627, %get3A_628] {strides = array<i32>} : memref<256x128xf32, #tpu.memory_space<vmem>>, vector<1x16xf32>,
        %get3A_630 = vector.shape_cast %get3A_629 : vector<1x16xf32> to vector<16xf32>
        %mul3A_631 = arith.constant 8 : i32
        %mul3A_632 = arith.muli %add3A_330, %mul3A_631 : i32
        %add3A_633 = arith.constant 1 : i32
        %add3A_634 = arith.addi %mul3A_632, %add3A_633 : i32
        %get3A_635 = arith.index_cast %add3A_634 : i32 to index
        %get3A_636 = arith.constant 64 : index
        %get3A_637 = tpu.vector_load %arg7[%get3A_635, %get3A_636] {strides = array<i32>} : memref<256x128xf32, #tpu.memory_space<vmem>>, vector<1x16xf32>,
        %get3A_638 = vector.shape_cast %get3A_637 : vector<1x16xf32> to vector<16xf32>
        %add3A_639 = arith.addf %get3A_630, %get3A_638 : vector<16xf32>
        %mul3A_640 = arith.constant 8 : i32
        %mul3A_641 = arith.muli %add3A_330, %mul3A_640 : i32
        %add3A_642 = arith.constant 2 : i32
        %add3A_643 = arith.addi %mul3A_641, %add3A_642 : i32
        %get3A_644 = arith.index_cast %add3A_643 : i32 to index
        %get3A_645 = arith.constant 64 : index
        %get3A_646 = tpu.vector_load %arg7[%get3A_644, %get3A_645] {strides = array<i32>} : memref<256x128xf32, #tpu.memory_space<vmem>>, vector<1x16xf32>,
        %get3A_647 = vector.shape_cast %get3A_646 : vector<1x16xf32> to vector<16xf32>
        %add3A_648 = arith.addf %add3A_639, %get3A_647 : vector<16xf32>
        %mul3A_649 = arith.constant 8 : i32
        %mul3A_650 = arith.muli %add3A_330, %mul3A_649 : i32
        %add3A_651 = arith.constant 3 : i32
        %add3A_652 = arith.addi %mul3A_650, %add3A_651 : i32
        %get3A_653 = arith.index_cast %add3A_652 : i32 to index
        %get3A_654 = arith.constant 64 : index
        %get3A_655 = tpu.vector_load %arg7[%get3A_653, %get3A_654] {strides = array<i32>} : memref<256x128xf32, #tpu.memory_space<vmem>>, vector<1x16xf32>,
        %get3A_656 = vector.shape_cast %get3A_655 : vector<1x16xf32> to vector<16xf32>
        %add3A_657 = arith.addf %add3A_648, %get3A_656 : vector<16xf32>
        %mul3A_658 = arith.constant 8 : i32
        %mul3A_659 = arith.muli %add3A_330, %mul3A_658 : i32
        %add3A_660 = arith.constant 4 : i32
        %add3A_661 = arith.addi %mul3A_659, %add3A_660 : i32
        %get3A_662 = arith.index_cast %add3A_661 : i32 to index
        %get3A_663 = arith.constant 64 : index
        %get3A_664 = tpu.vector_load %arg7[%get3A_662, %get3A_663] {strides = array<i32>} : memref<256x128xf32, #tpu.memory_space<vmem>>, vector<1x16xf32>,
        %get3A_665 = vector.shape_cast %get3A_664 : vector<1x16xf32> to vector<16xf32>
        %add3A_666 = arith.addf %add3A_657, %get3A_665 : vector<16xf32>
        %mul3A_667 = arith.constant 8 : i32
        %mul3A_668 = arith.muli %add3A_330, %mul3A_667 : i32
        %add3A_669 = arith.constant 5 : i32
        %add3A_670 = arith.addi %mul3A_668, %add3A_669 : i32
        %get3A_671 = arith.index_cast %add3A_670 : i32 to index
        %get3A_672 = arith.constant 64 : index
        %get3A_673 = tpu.vector_load %arg7[%get3A_671, %get3A_672] {strides = array<i32>} : memref<256x128xf32, #tpu.memory_space<vmem>>, vector<1x16xf32>,
        %get3A_674 = vector.shape_cast %get3A_673 : vector<1x16xf32> to vector<16xf32>
        %add3A_675 = arith.addf %add3A_666, %get3A_674 : vector<16xf32>
        %mul3A_676 = arith.constant 8 : i32
        %mul3A_677 = arith.muli %add3A_330, %mul3A_676 : i32
        %add3A_678 = arith.constant 6 : i32
        %add3A_679 = arith.addi %mul3A_677, %add3A_678 : i32
        %get3A_680 = arith.index_cast %add3A_679 : i32 to index
        %get3A_681 = arith.constant 64 : index
        %get3A_682 = tpu.vector_load %arg7[%get3A_680, %get3A_681] {strides = array<i32>} : memref<256x128xf32, #tpu.memory_space<vmem>>, vector<1x16xf32>,
        %get3A_683 = vector.shape_cast %get3A_682 : vector<1x16xf32> to vector<16xf32>
        %add3A_684 = arith.addf %add3A_675, %get3A_683 : vector<16xf32>
        %mul3A_685 = arith.constant 8 : i32
        %mul3A_686 = arith.muli %add3A_330, %mul3A_685 : i32
        %add3A_687 = arith.constant 7 : i32
        %add3A_688 = arith.addi %mul3A_686, %add3A_687 : i32
        %get3A_689 = arith.index_cast %add3A_688 : i32 to index
        %get3A_690 = arith.constant 64 : index
        %get3A_691 = tpu.vector_load %arg7[%get3A_689, %get3A_690] {strides = array<i32>} : memref<256x128xf32, #tpu.memory_space<vmem>>, vector<1x16xf32>,
        %get3A_692 = vector.shape_cast %get3A_691 : vector<1x16xf32> to vector<16xf32>
        %add3A_693 = arith.addf %add3A_684, %get3A_692 : vector<16xf32>
        %swap3A_694 = arith.index_cast %add3A_330 : i32 to index
        %swap3A_695 = arith.constant 64 : index
        %swap3A_696 = tpu.vector_load %arg9[%swap3A_694, %swap3A_695] {strides = array<i32>} : memref<32x128xf32, #tpu.memory_space<vmem>>, vector<1x16xf32>,
        %swap3A_697 = vector.shape_cast %swap3A_696 : vector<1x16xf32> to vector<16xf32>
        %swap3A_698 = vector.shape_cast %add3A_693 : vector<16xf32> to vector<1x16xf32>
        tpu.vector_store %arg9[%swap3A_694, %swap3A_695], %swap3A_698 {strides = array<i32>} : memref<32x128xf32, #tpu.memory_space<vmem>>, vector<1x16xf32>,
        %mul3A_699 = arith.constant 8 : i32
        %mul3A_700 = arith.muli %add3A_330, %mul3A_699 : i32
        %get3A_701 = arith.index_cast %mul3A_700 : i32 to index
        %get3A_702 = arith.constant 80 : index
        %get3A_703 = tpu.vector_load %arg7[%get3A_701, %get3A_702] {strides = array<i32>} : memref<256x128xf32, #tpu.memory_space<vmem>>, vector<1x16xf32>,
        %get3A_704 = vector.shape_cast %get3A_703 : vector<1x16xf32> to vector<16xf32>
        %mul3A_705 = arith.constant 8 : i32
        %mul3A_706 = arith.muli %add3A_330, %mul3A_705 : i32
        %add3A_707 = arith.constant 1 : i32
        %add3A_708 = arith.addi %mul3A_706, %add3A_707 : i32
        %get3A_709 = arith.index_cast %add3A_708 : i32 to index
        %get3A_710 = arith.constant 80 : index
        %get3A_711 = tpu.vector_load %arg7[%get3A_709, %get3A_710] {strides = array<i32>} : memref<256x128xf32, #tpu.memory_space<vmem>>, vector<1x16xf32>,
        %get3A_712 = vector.shape_cast %get3A_711 : vector<1x16xf32> to vector<16xf32>
        %add3A_713 = arith.addf %get3A_704, %get3A_712 : vector<16xf32>
        %mul3A_714 = arith.constant 8 : i32
        %mul3A_715 = arith.muli %add3A_330, %mul3A_714 : i32
        %add3A_716 = arith.constant 2 : i32
        %add3A_717 = arith.addi %mul3A_715, %add3A_716 : i32
        %get3A_718 = arith.index_cast %add3A_717 : i32 to index
        %get3A_719 = arith.constant 80 : index
        %get3A_720 = tpu.vector_load %arg7[%get3A_718, %get3A_719] {strides = array<i32>} : memref<256x128xf32, #tpu.memory_space<vmem>>, vector<1x16xf32>,
        %get3A_721 = vector.shape_cast %get3A_720 : vector<1x16xf32> to vector<16xf32>
        %add3A_722 = arith.addf %add3A_713, %get3A_721 : vector<16xf32>
        %mul3A_723 = arith.constant 8 : i32
        %mul3A_724 = arith.muli %add3A_330, %mul3A_723 : i32
        %add3A_725 = arith.constant 3 : i32
        %add3A_726 = arith.addi %mul3A_724, %add3A_725 : i32
        %get3A_727 = arith.index_cast %add3A_726 : i32 to index
        %get3A_728 = arith.constant 80 : index
        %get3A_729 = tpu.vector_load %arg7[%get3A_727, %get3A_728] {strides = array<i32>} : memref<256x128xf32, #tpu.memory_space<vmem>>, vector<1x16xf32>,
        %get3A_730 = vector.shape_cast %get3A_729 : vector<1x16xf32> to vector<16xf32>
        %add3A_731 = arith.addf %add3A_722, %get3A_730 : vector<16xf32>
        %mul3A_732 = arith.constant 8 : i32
        %mul3A_733 = arith.muli %add3A_330, %mul3A_732 : i32
        %add3A_734 = arith.constant 4 : i32
        %add3A_735 = arith.addi %mul3A_733, %add3A_734 : i32
        %get3A_736 = arith.index_cast %add3A_735 : i32 to index
        %get3A_737 = arith.constant 80 : index
        %get3A_738 = tpu.vector_load %arg7[%get3A_736, %get3A_737] {strides = array<i32>} : memref<256x128xf32, #tpu.memory_space<vmem>>, vector<1x16xf32>,
        %get3A_739 = vector.shape_cast %get3A_738 : vector<1x16xf32> to vector<16xf32>
        %add3A_740 = arith.addf %add3A_731, %get3A_739 : vector<16xf32>
        %mul3A_741 = arith.constant 8 : i32
        %mul3A_742 = arith.muli %add3A_330, %mul3A_741 : i32
        %add3A_743 = arith.constant 5 : i32
        %add3A_744 = arith.addi %mul3A_742, %add3A_743 : i32
        %get3A_745 = arith.index_cast %add3A_744 : i32 to index
        %get3A_746 = arith.constant 80 : index
        %get3A_747 = tpu.vector_load %arg7[%get3A_745, %get3A_746] {strides = array<i32>} : memref<256x128xf32, #tpu.memory_space<vmem>>, vector<1x16xf32>,
        %get3A_748 = vector.shape_cast %get3A_747 : vector<1x16xf32> to vector<16xf32>
        %add3A_749 = arith.addf %add3A_740, %get3A_748 : vector<16xf32>
        %mul3A_750 = arith.constant 8 : i32
        %mul3A_751 = arith.muli %add3A_330, %mul3A_750 : i32
        %add3A_752 = arith.constant 6 : i32
        %add3A_753 = arith.addi %mul3A_751, %add3A_752 : i32
        %get3A_754 = arith.index_cast %add3A_753 : i32 to index
        %get3A_755 = arith.constant 80 : index
        %get3A_756 = tpu.vector_load %arg7[%get3A_754, %get3A_755] {strides = array<i32>} : memref<256x128xf32, #tpu.memory_space<vmem>>, vector<1x16xf32>,
        %get3A_757 = vector.shape_cast %get3A_756 : vector<1x16xf32> to vector<16xf32>
        %add3A_758 = arith.addf %add3A_749, %get3A_757 : vector<16xf32>
        %mul3A_759 = arith.constant 8 : i32
        %mul3A_760 = arith.muli %add3A_330, %mul3A_759 : i32
        %add3A_761 = arith.constant 7 : i32
        %add3A_762 = arith.addi %mul3A_760, %add3A_761 : i32
        %get3A_763 = arith.index_cast %add3A_762 : i32 to index
        %get3A_764 = arith.constant 80 : index
        %get3A_765 = tpu.vector_load %arg7[%get3A_763, %get3A_764] {strides = array<i32>} : memref<256x128xf32, #tpu.memory_space<vmem>>, vector<1x16xf32>,
        %get3A_766 = vector.shape_cast %get3A_765 : vector<1x16xf32> to vector<16xf32>
        %add3A_767 = arith.addf %add3A_758, %get3A_766 : vector<16xf32>
        %swap3A_768 = arith.index_cast %add3A_330 : i32 to index
        %swap3A_769 = arith.constant 80 : index
        %swap3A_770 = tpu.vector_load %arg9[%swap3A_768, %swap3A_769] {strides = array<i32>} : memref<32x128xf32, #tpu.memory_space<vmem>>, vector<1x16xf32>,
        %swap3A_771 = vector.shape_cast %swap3A_770 : vector<1x16xf32> to vector<16xf32>
        %swap3A_772 = vector.shape_cast %add3A_767 : vector<16xf32> to vector<1x16xf32>
        tpu.vector_store %arg9[%swap3A_768, %swap3A_769], %swap3A_772 {strides = array<i32>} : memref<32x128xf32, #tpu.memory_space<vmem>>, vector<1x16xf32>,
        %mul3A_773 = arith.constant 8 : i32
        %mul3A_774 = arith.muli %add3A_330, %mul3A_773 : i32
        %get3A_775 = arith.index_cast %mul3A_774 : i32 to index
        %get3A_776 = arith.constant 96 : index
        %get3A_777 = tpu.vector_load %arg7[%get3A_775, %get3A_776] {strides = array<i32>} : memref<256x128xf32, #tpu.memory_space<vmem>>, vector<1x16xf32>,
        %get3A_778 = vector.shape_cast %get3A_777 : vector<1x16xf32> to vector<16xf32>
        %mul3A_779 = arith.constant 8 : i32
        %mul3A_780 = arith.muli %add3A_330, %mul3A_779 : i32
        %add3A_781 = arith.constant 1 : i32
        %add3A_782 = arith.addi %mul3A_780, %add3A_781 : i32
        %get3A_783 = arith.index_cast %add3A_782 : i32 to index
        %get3A_784 = arith.constant 96 : index
        %get3A_785 = tpu.vector_load %arg7[%get3A_783, %get3A_784] {strides = array<i32>} : memref<256x128xf32, #tpu.memory_space<vmem>>, vector<1x16xf32>,
        %get3A_786 = vector.shape_cast %get3A_785 : vector<1x16xf32> to vector<16xf32>
        %add3A_787 = arith.addf %get3A_778, %get3A_786 : vector<16xf32>
        %mul3A_788 = arith.constant 8 : i32
        %mul3A_789 = arith.muli %add3A_330, %mul3A_788 : i32
        %add3A_790 = arith.constant 2 : i32
        %add3A_791 = arith.addi %mul3A_789, %add3A_790 : i32
        %get3A_792 = arith.index_cast %add3A_791 : i32 to index
        %get3A_793 = arith.constant 96 : index
        %get3A_794 = tpu.vector_load %arg7[%get3A_792, %get3A_793] {strides = array<i32>} : memref<256x128xf32, #tpu.memory_space<vmem>>, vector<1x16xf32>,
        %get3A_795 = vector.shape_cast %get3A_794 : vector<1x16xf32> to vector<16xf32>
        %add3A_796 = arith.addf %add3A_787, %get3A_795 : vector<16xf32>
        %mul3A_797 = arith.constant 8 : i32
        %mul3A_798 = arith.muli %add3A_330, %mul3A_797 : i32
        %add3A_799 = arith.constant 3 : i32
        %add3A_800 = arith.addi %mul3A_798, %add3A_799 : i32
        %get3A_801 = arith.index_cast %add3A_800 : i32 to index
        %get3A_802 = arith.constant 96 : index
        %get3A_803 = tpu.vector_load %arg7[%get3A_801, %get3A_802] {strides = array<i32>} : memref<256x128xf32, #tpu.memory_space<vmem>>, vector<1x16xf32>,
        %get3A_804 = vector.shape_cast %get3A_803 : vector<1x16xf32> to vector<16xf32>
        %add3A_805 = arith.addf %add3A_796, %get3A_804 : vector<16xf32>
        %mul3A_806 = arith.constant 8 : i32
        %mul3A_807 = arith.muli %add3A_330, %mul3A_806 : i32
        %add3A_808 = arith.constant 4 : i32
        %add3A_809 = arith.addi %mul3A_807, %add3A_808 : i32
        %get3A_810 = arith.index_cast %add3A_809 : i32 to index
        %get3A_811 = arith.constant 96 : index
        %get3A_812 = tpu.vector_load %arg7[%get3A_810, %get3A_811] {strides = array<i32>} : memref<256x128xf32, #tpu.memory_space<vmem>>, vector<1x16xf32>,
        %get3A_813 = vector.shape_cast %get3A_812 : vector<1x16xf32> to vector<16xf32>
        %add3A_814 = arith.addf %add3A_805, %get3A_813 : vector<16xf32>
        %mul3A_815 = arith.constant 8 : i32
        %mul3A_816 = arith.muli %add3A_330, %mul3A_815 : i32
        %add3A_817 = arith.constant 5 : i32
        %add3A_818 = arith.addi %mul3A_816, %add3A_817 : i32
        %get3A_819 = arith.index_cast %add3A_818 : i32 to index
        %get3A_820 = arith.constant 96 : index
        %get3A_821 = tpu.vector_load %arg7[%get3A_819, %get3A_820] {strides = array<i32>} : memref<256x128xf32, #tpu.memory_space<vmem>>, vector<1x16xf32>,
        %get3A_822 = vector.shape_cast %get3A_821 : vector<1x16xf32> to vector<16xf32>
        %add3A_823 = arith.addf %add3A_814, %get3A_822 : vector<16xf32>
        %mul3A_824 = arith.constant 8 : i32
        %mul3A_825 = arith.muli %add3A_330, %mul3A_824 : i32
        %add3A_826 = arith.constant 6 : i32
        %add3A_827 = arith.addi %mul3A_825, %add3A_826 : i32
        %get3A_828 = arith.index_cast %add3A_827 : i32 to index
        %get3A_829 = arith.constant 96 : index
        %get3A_830 = tpu.vector_load %arg7[%get3A_828, %get3A_829] {strides = array<i32>} : memref<256x128xf32, #tpu.memory_space<vmem>>, vector<1x16xf32>,
        %get3A_831 = vector.shape_cast %get3A_830 : vector<1x16xf32> to vector<16xf32>
        %add3A_832 = arith.addf %add3A_823, %get3A_831 : vector<16xf32>
        %mul3A_833 = arith.constant 8 : i32
        %mul3A_834 = arith.muli %add3A_330, %mul3A_833 : i32
        %add3A_835 = arith.constant 7 : i32
        %add3A_836 = arith.addi %mul3A_834, %add3A_835 : i32
        %get3A_837 = arith.index_cast %add3A_836 : i32 to index
        %get3A_838 = arith.constant 96 : index
        %get3A_839 = tpu.vector_load %arg7[%get3A_837, %get3A_838] {strides = array<i32>} : memref<256x128xf32, #tpu.memory_space<vmem>>, vector<1x16xf32>,
        %get3A_840 = vector.shape_cast %get3A_839 : vector<1x16xf32> to vector<16xf32>
        %add3A_841 = arith.addf %add3A_832, %get3A_840 : vector<16xf32>
        %swap3A_842 = arith.index_cast %add3A_330 : i32 to index
        %swap3A_843 = arith.constant 96 : index
        %swap3A_844 = tpu.vector_load %arg9[%swap3A_842, %swap3A_843] {strides = array<i32>} : memref<32x128xf32, #tpu.memory_space<vmem>>, vector<1x16xf32>,
        %swap3A_845 = vector.shape_cast %swap3A_844 : vector<1x16xf32> to vector<16xf32>
        %swap3A_846 = vector.shape_cast %add3A_841 : vector<16xf32> to vector<1x16xf32>
        tpu.vector_store %arg9[%swap3A_842, %swap3A_843], %swap3A_846 {strides = array<i32>} : memref<32x128xf32, #tpu.memory_space<vmem>>, vector<1x16xf32>,
        %mul3A_847 = arith.constant 8 : i32
        %mul3A_848 = arith.muli %add3A_330, %mul3A_847 : i32
        %get3A_849 = arith.index_cast %mul3A_848 : i32 to index
        %get3A_850 = arith.constant 112 : index
        %get3A_851 = tpu.vector_load %arg7[%get3A_849, %get3A_850] {strides = array<i32>} : memref<256x128xf32, #tpu.memory_space<vmem>>, vector<1x16xf32>,
        %get3A_852 = vector.shape_cast %get3A_851 : vector<1x16xf32> to vector<16xf32>
        %mul3A_853 = arith.constant 8 : i32
        %mul3A_854 = arith.muli %add3A_330, %mul3A_853 : i32
        %add3A_855 = arith.constant 1 : i32
        %add3A_856 = arith.addi %mul3A_854, %add3A_855 : i32
        %get3A_857 = arith.index_cast %add3A_856 : i32 to index
        %get3A_858 = arith.constant 112 : index
        %get3A_859 = tpu.vector_load %arg7[%get3A_857, %get3A_858] {strides = array<i32>} : memref<256x128xf32, #tpu.memory_space<vmem>>, vector<1x16xf32>,
        %get3A_860 = vector.shape_cast %get3A_859 : vector<1x16xf32> to vector<16xf32>
        %add3A_861 = arith.addf %get3A_852, %get3A_860 : vector<16xf32>
        %mul3A_862 = arith.constant 8 : i32
        %mul3A_863 = arith.muli %add3A_330, %mul3A_862 : i32
        %add3A_864 = arith.constant 2 : i32
        %add3A_865 = arith.addi %mul3A_863, %add3A_864 : i32
        %get3A_866 = arith.index_cast %add3A_865 : i32 to index
        %get3A_867 = arith.constant 112 : index
        %get3A_868 = tpu.vector_load %arg7[%get3A_866, %get3A_867] {strides = array<i32>} : memref<256x128xf32, #tpu.memory_space<vmem>>, vector<1x16xf32>,
        %get3A_869 = vector.shape_cast %get3A_868 : vector<1x16xf32> to vector<16xf32>
        %add3A_870 = arith.addf %add3A_861, %get3A_869 : vector<16xf32>
        %mul3A_871 = arith.constant 8 : i32
        %mul3A_872 = arith.muli %add3A_330, %mul3A_871 : i32
        %add3A_873 = arith.constant 3 : i32
        %add3A_874 = arith.addi %mul3A_872, %add3A_873 : i32
        %get3A_875 = arith.index_cast %add3A_874 : i32 to index
        %get3A_876 = arith.constant 112 : index
        %get3A_877 = tpu.vector_load %arg7[%get3A_875, %get3A_876] {strides = array<i32>} : memref<256x128xf32, #tpu.memory_space<vmem>>, vector<1x16xf32>,
        %get3A_878 = vector.shape_cast %get3A_877 : vector<1x16xf32> to vector<16xf32>
        %add3A_879 = arith.addf %add3A_870, %get3A_878 : vector<16xf32>
        %mul3A_880 = arith.constant 8 : i32
        %mul3A_881 = arith.muli %add3A_330, %mul3A_880 : i32
        %add3A_882 = arith.constant 4 : i32
        %add3A_883 = arith.addi %mul3A_881, %add3A_882 : i32
        %get3A_884 = arith.index_cast %add3A_883 : i32 to index
        %get3A_885 = arith.constant 112 : index
        %get3A_886 = tpu.vector_load %arg7[%get3A_884, %get3A_885] {strides = array<i32>} : memref<256x128xf32, #tpu.memory_space<vmem>>, vector<1x16xf32>,
        %get3A_887 = vector.shape_cast %get3A_886 : vector<1x16xf32> to vector<16xf32>
        %add3A_888 = arith.addf %add3A_879, %get3A_887 : vector<16xf32>
        %mul3A_889 = arith.constant 8 : i32
        %mul3A_890 = arith.muli %add3A_330, %mul3A_889 : i32
        %add3A_891 = arith.constant 5 : i32
        %add3A_892 = arith.addi %mul3A_890, %add3A_891 : i32
        %get3A_893 = arith.index_cast %add3A_892 : i32 to index
        %get3A_894 = arith.constant 112 : index
        %get3A_895 = tpu.vector_load %arg7[%get3A_893, %get3A_894] {strides = array<i32>} : memref<256x128xf32, #tpu.memory_space<vmem>>, vector<1x16xf32>,
        %get3A_896 = vector.shape_cast %get3A_895 : vector<1x16xf32> to vector<16xf32>
        %add3A_897 = arith.addf %add3A_888, %get3A_896 : vector<16xf32>
        %mul3A_898 = arith.constant 8 : i32
        %mul3A_899 = arith.muli %add3A_330, %mul3A_898 : i32
        %add3A_900 = arith.constant 6 : i32
        %add3A_901 = arith.addi %mul3A_899, %add3A_900 : i32
        %get3A_902 = arith.index_cast %add3A_901 : i32 to index
        %get3A_903 = arith.constant 112 : index
        %get3A_904 = tpu.vector_load %arg7[%get3A_902, %get3A_903] {strides = array<i32>} : memref<256x128xf32, #tpu.memory_space<vmem>>, vector<1x16xf32>,
        %get3A_905 = vector.shape_cast %get3A_904 : vector<1x16xf32> to vector<16xf32>
        %add3A_906 = arith.addf %add3A_897, %get3A_905 : vector<16xf32>
        %mul3A_907 = arith.constant 8 : i32
        %mul3A_908 = arith.muli %add3A_330, %mul3A_907 : i32
        %add3A_909 = arith.constant 7 : i32
        %add3A_910 = arith.addi %mul3A_908, %add3A_909 : i32
        %get3A_911 = arith.index_cast %add3A_910 : i32 to index
        %get3A_912 = arith.constant 112 : index
        %get3A_913 = tpu.vector_load %arg7[%get3A_911, %get3A_912] {strides = array<i32>} : memref<256x128xf32, #tpu.memory_space<vmem>>, vector<1x16xf32>,
        %get3A_914 = vector.shape_cast %get3A_913 : vector<1x16xf32> to vector<16xf32>
        %add3A_915 = arith.addf %add3A_906, %get3A_914 : vector<16xf32>
        %swap3A_916 = arith.index_cast %add3A_330 : i32 to index
        %swap3A_917 = arith.constant 112 : index
        %swap3A_918 = tpu.vector_load %arg9[%swap3A_916, %swap3A_917] {strides = array<i32>} : memref<32x128xf32, #tpu.memory_space<vmem>>, vector<1x16xf32>,
        %swap3A_919 = vector.shape_cast %swap3A_918 : vector<1x16xf32> to vector<16xf32>
        %swap3A_920 = vector.shape_cast %add3A_915 : vector<16xf32> to vector<1x16xf32>
        tpu.vector_store %arg9[%swap3A_916, %swap3A_917], %swap3A_920 {strides = array<i32>} : memref<32x128xf32, #tpu.memory_space<vmem>>, vector<1x16xf32>,
        %mul3A_921 = arith.constant 2 : i32
        %mul3A_922 = arith.muli %scan3A_326, %mul3A_921 : i32
        %add3A_923 = arith.constant 1 : i32
        %add3A_924 = arith.addi %mul3A_922, %add3A_923 : i32
        %mul3A_925 = arith.constant 8 : i32
        %mul3A_926 = arith.muli %add3A_924, %mul3A_925 : i32
        %get3A_927 = arith.index_cast %mul3A_926 : i32 to index
        %get3A_928 = arith.constant 0 : index
        %get3A_929 = tpu.vector_load %arg7[%get3A_927, %get3A_928] {strides = array<i32>} : memref<256x128xf32, #tpu.memory_space<vmem>>, vector<1x16xf32>,
        %get3A_930 = vector.shape_cast %get3A_929 : vector<1x16xf32> to vector<16xf32>
        %mul3A_931 = arith.constant 8 : i32
        %mul3A_932 = arith.muli %add3A_924, %mul3A_931 : i32
        %add3A_933 = arith.constant 1 : i32
        %add3A_934 = arith.addi %mul3A_932, %add3A_933 : i32
        %get3A_935 = arith.index_cast %add3A_934 : i32 to index
        %get3A_936 = arith.constant 0 : index
        %get3A_937 = tpu.vector_load %arg7[%get3A_935, %get3A_936] {strides = array<i32>} : memref<256x128xf32, #tpu.memory_space<vmem>>, vector<1x16xf32>,
        %get3A_938 = vector.shape_cast %get3A_937 : vector<1x16xf32> to vector<16xf32>
        %add3A_939 = arith.addf %get3A_930, %get3A_938 : vector<16xf32>
        %mul3A_940 = arith.constant 8 : i32
        %mul3A_941 = arith.muli %add3A_924, %mul3A_940 : i32
        %add3A_942 = arith.constant 2 : i32
        %add3A_943 = arith.addi %mul3A_941, %add3A_942 : i32
        %get3A_944 = arith.index_cast %add3A_943 : i32 to index
        %get3A_945 = arith.constant 0 : index
        %get3A_946 = tpu.vector_load %arg7[%get3A_944, %get3A_945] {strides = array<i32>} : memref<256x128xf32, #tpu.memory_space<vmem>>, vector<1x16xf32>,
        %get3A_947 = vector.shape_cast %get3A_946 : vector<1x16xf32> to vector<16xf32>
        %add3A_948 = arith.addf %add3A_939, %get3A_947 : vector<16xf32>
        %mul3A_949 = arith.constant 8 : i32
        %mul3A_950 = arith.muli %add3A_924, %mul3A_949 : i32
        %add3A_951 = arith.constant 3 : i32
        %add3A_952 = arith.addi %mul3A_950, %add3A_951 : i32
        %get3A_953 = arith.index_cast %add3A_952 : i32 to index
        %get3A_954 = arith.constant 0 : index
        %get3A_955 = tpu.vector_load %arg7[%get3A_953, %get3A_954] {strides = array<i32>} : memref<256x128xf32, #tpu.memory_space<vmem>>, vector<1x16xf32>,
        %get3A_956 = vector.shape_cast %get3A_955 : vector<1x16xf32> to vector<16xf32>
        %add3A_957 = arith.addf %add3A_948, %get3A_956 : vector<16xf32>
        %mul3A_958 = arith.constant 8 : i32
        %mul3A_959 = arith.muli %add3A_924, %mul3A_958 : i32
        %add3A_960 = arith.constant 4 : i32
        %add3A_961 = arith.addi %mul3A_959, %add3A_960 : i32
        %get3A_962 = arith.index_cast %add3A_961 : i32 to index
        %get3A_963 = arith.constant 0 : index
        %get3A_964 = tpu.vector_load %arg7[%get3A_962, %get3A_963] {strides = array<i32>} : memref<256x128xf32, #tpu.memory_space<vmem>>, vector<1x16xf32>,
        %get3A_965 = vector.shape_cast %get3A_964 : vector<1x16xf32> to vector<16xf32>
        %add3A_966 = arith.addf %add3A_957, %get3A_965 : vector<16xf32>
        %mul3A_967 = arith.constant 8 : i32
        %mul3A_968 = arith.muli %add3A_924, %mul3A_967 : i32
        %add3A_969 = arith.constant 5 : i32
        %add3A_970 = arith.addi %mul3A_968, %add3A_969 : i32
        %get3A_971 = arith.index_cast %add3A_970 : i32 to index
        %get3A_972 = arith.constant 0 : index
        %get3A_973 = tpu.vector_load %arg7[%get3A_971, %get3A_972] {strides = array<i32>} : memref<256x128xf32, #tpu.memory_space<vmem>>, vector<1x16xf32>,
        %get3A_974 = vector.shape_cast %get3A_973 : vector<1x16xf32> to vector<16xf32>
        %add3A_975 = arith.addf %add3A_966, %get3A_974 : vector<16xf32>
        %mul3A_976 = arith.constant 8 : i32
        %mul3A_977 = arith.muli %add3A_924, %mul3A_976 : i32
        %add3A_978 = arith.constant 6 : i32
        %add3A_979 = arith.addi %mul3A_977, %add3A_978 : i32
        %get3A_980 = arith.index_cast %add3A_979 : i32 to index
        %get3A_981 = arith.constant 0 : index
        %get3A_982 = tpu.vector_load %arg7[%get3A_980, %get3A_981] {strides = array<i32>} : memref<256x128xf32, #tpu.memory_space<vmem>>, vector<1x16xf32>,
        %get3A_983 = vector.shape_cast %get3A_982 : vector<1x16xf32> to vector<16xf32>
        %add3A_984 = arith.addf %add3A_975, %get3A_983 : vector<16xf32>
        %mul3A_985 = arith.constant 8 : i32
        %mul3A_986 = arith.muli %add3A_924, %mul3A_985 : i32
        %add3A_987 = arith.constant 7 : i32
        %add3A_988 = arith.addi %mul3A_986, %add3A_987 : i32
        %get3A_989 = arith.index_cast %add3A_988 : i32 to index
        %get3A_990 = arith.constant 0 : index
        %get3A_991 = tpu.vector_load %arg7[%get3A_989, %get3A_990] {strides = array<i32>} : memref<256x128xf32, #tpu.memory_space<vmem>>, vector<1x16xf32>,
        %get3A_992 = vector.shape_cast %get3A_991 : vector<1x16xf32> to vector<16xf32>
        %add3A_993 = arith.addf %add3A_984, %get3A_992 : vector<16xf32>
        %swap3A_994 = arith.index_cast %add3A_924 : i32 to index
        %swap3A_995 = arith.constant 0 : index
        %swap3A_996 = tpu.vector_load %arg9[%swap3A_994, %swap3A_995] {strides = array<i32>} : memref<32x128xf32, #tpu.memory_space<vmem>>, vector<1x16xf32>,
        %swap3A_997 = vector.shape_cast %swap3A_996 : vector<1x16xf32> to vector<16xf32>
        %swap3A_998 = vector.shape_cast %add3A_993 : vector<16xf32> to vector<1x16xf32>
        tpu.vector_store %arg9[%swap3A_994, %swap3A_995], %swap3A_998 {strides = array<i32>} : memref<32x128xf32, #tpu.memory_space<vmem>>, vector<1x16xf32>,
        %mul3A_999 = arith.constant 8 : i32
        %mul3A_1000 = arith.muli %add3A_924, %mul3A_999 : i32
        %get3A_1001 = arith.index_cast %mul3A_1000 : i32 to index
        %get3A_1002 = arith.constant 16 : index
        %get3A_1003 = tpu.vector_load %arg7[%get3A_1001, %get3A_1002] {strides = array<i32>} : memref<256x128xf32, #tpu.memory_space<vmem>>, vector<1x16xf32>,
        %get3A_1004 = vector.shape_cast %get3A_1003 : vector<1x16xf32> to vector<16xf32>
        %mul3A_1005 = arith.constant 8 : i32
        %mul3A_1006 = arith.muli %add3A_924, %mul3A_1005 : i32
        %add3A_1007 = arith.constant 1 : i32
        %add3A_1008 = arith.addi %mul3A_1006, %add3A_1007 : i32
        %get3A_1009 = arith.index_cast %add3A_1008 : i32 to index
        %get3A_1010 = arith.constant 16 : index
        %get3A_1011 = tpu.vector_load %arg7[%get3A_1009, %get3A_1010] {strides = array<i32>} : memref<256x128xf32, #tpu.memory_space<vmem>>, vector<1x16xf32>,
        %get3A_1012 = vector.shape_cast %get3A_1011 : vector<1x16xf32> to vector<16xf32>
        %add3A_1013 = arith.addf %get3A_1004, %get3A_1012 : vector<16xf32>
        %mul3A_1014 = arith.constant 8 : i32
        %mul3A_1015 = arith.muli %add3A_924, %mul3A_1014 : i32
        %add3A_1016 = arith.constant 2 : i32
        %add3A_1017 = arith.addi %mul3A_1015, %add3A_1016 : i32
        %get3A_1018 = arith.index_cast %add3A_1017 : i32 to index
        %get3A_1019 = arith.constant 16 : index
        %get3A_1020 = tpu.vector_load %arg7[%get3A_1018, %get3A_1019] {strides = array<i32>} : memref<256x128xf32, #tpu.memory_space<vmem>>, vector<1x16xf32>,
        %get3A_1021 = vector.shape_cast %get3A_1020 : vector<1x16xf32> to vector<16xf32>
        %add3A_1022 = arith.addf %add3A_1013, %get3A_1021 : vector<16xf32>
        %mul3A_1023 = arith.constant 8 : i32
        %mul3A_1024 = arith.muli %add3A_924, %mul3A_1023 : i32
        %add3A_1025 = arith.constant 3 : i32
        %add3A_1026 = arith.addi %mul3A_1024, %add3A_1025 : i32
        %get3A_1027 = arith.index_cast %add3A_1026 : i32 to index
        %get3A_1028 = arith.constant 16 : index
        %get3A_1029 = tpu.vector_load %arg7[%get3A_1027, %get3A_1028] {strides = array<i32>} : memref<256x128xf32, #tpu.memory_space<vmem>>, vector<1x16xf32>,
        %get3A_1030 = vector.shape_cast %get3A_1029 : vector<1x16xf32> to vector<16xf32>
        %add3A_1031 = arith.addf %add3A_1022, %get3A_1030 : vector<16xf32>
        %mul3A_1032 = arith.constant 8 : i32
        %mul3A_1033 = arith.muli %add3A_924, %mul3A_1032 : i32
        %add3A_1034 = arith.constant 4 : i32
        %add3A_1035 = arith.addi %mul3A_1033, %add3A_1034 : i32
        %get3A_1036 = arith.index_cast %add3A_1035 : i32 to index
        %get3A_1037 = arith.constant 16 : index
        %get3A_1038 = tpu.vector_load %arg7[%get3A_1036, %get3A_1037] {strides = array<i32>} : memref<256x128xf32, #tpu.memory_space<vmem>>, vector<1x16xf32>,
        %get3A_1039 = vector.shape_cast %get3A_1038 : vector<1x16xf32> to vector<16xf32>
        %add3A_1040 = arith.addf %add3A_1031, %get3A_1039 : vector<16xf32>
        %mul3A_1041 = arith.constant 8 : i32
        %mul3A_1042 = arith.muli %add3A_924, %mul3A_1041 : i32
        %add3A_1043 = arith.constant 5 : i32
        %add3A_1044 = arith.addi %mul3A_1042, %add3A_1043 : i32
        %get3A_1045 = arith.index_cast %add3A_1044 : i32 to index
        %get3A_1046 = arith.constant 16 : index
        %get3A_1047 = tpu.vector_load %arg7[%get3A_1045, %get3A_1046] {strides = array<i32>} : memref<256x128xf32, #tpu.memory_space<vmem>>, vector<1x16xf32>,
        %get3A_1048 = vector.shape_cast %get3A_1047 : vector<1x16xf32> to vector<16xf32>
        %add3A_1049 = arith.addf %add3A_1040, %get3A_1048 : vector<16xf32>
        %mul3A_1050 = arith.constant 8 : i32
        %mul3A_1051 = arith.muli %add3A_924, %mul3A_1050 : i32
        %add3A_1052 = arith.constant 6 : i32
        %add3A_1053 = arith.addi %mul3A_1051, %add3A_1052 : i32
        %get3A_1054 = arith.index_cast %add3A_1053 : i32 to index
        %get3A_1055 = arith.constant 16 : index
        %get3A_1056 = tpu.vector_load %arg7[%get3A_1054, %get3A_1055] {strides = array<i32>} : memref<256x128xf32, #tpu.memory_space<vmem>>, vector<1x16xf32>,
        %get3A_1057 = vector.shape_cast %get3A_1056 : vector<1x16xf32> to vector<16xf32>
        %add3A_1058 = arith.addf %add3A_1049, %get3A_1057 : vector<16xf32>
        %mul3A_1059 = arith.constant 8 : i32
        %mul3A_1060 = arith.muli %add3A_924, %mul3A_1059 : i32
        %add3A_1061 = arith.constant 7 : i32
        %add3A_1062 = arith.addi %mul3A_1060, %add3A_1061 : i32
        %get3A_1063 = arith.index_cast %add3A_1062 : i32 to index
        %get3A_1064 = arith.constant 16 : index
        %get3A_1065 = tpu.vector_load %arg7[%get3A_1063, %get3A_1064] {strides = array<i32>} : memref<256x128xf32, #tpu.memory_space<vmem>>, vector<1x16xf32>,
        %get3A_1066 = vector.shape_cast %get3A_1065 : vector<1x16xf32> to vector<16xf32>
        %add3A_1067 = arith.addf %add3A_1058, %get3A_1066 : vector<16xf32>
        %swap3A_1068 = arith.index_cast %add3A_924 : i32 to index
        %swap3A_1069 = arith.constant 16 : index
        %swap3A_1070 = tpu.vector_load %arg9[%swap3A_1068, %swap3A_1069] {strides = array<i32>} : memref<32x128xf32, #tpu.memory_space<vmem>>, vector<1x16xf32>,
        %swap3A_1071 = vector.shape_cast %swap3A_1070 : vector<1x16xf32> to vector<16xf32>
        %swap3A_1072 = vector.shape_cast %add3A_1067 : vector<16xf32> to vector<1x16xf32>
        tpu.vector_store %arg9[%swap3A_1068, %swap3A_1069], %swap3A_1072 {strides = array<i32>} : memref<32x128xf32, #tpu.memory_space<vmem>>, vector<1x16xf32>,
        %mul3A_1073 = arith.constant 8 : i32
        %mul3A_1074 = arith.muli %add3A_924, %mul3A_1073 : i32
        %get3A_1075 = arith.index_cast %mul3A_1074 : i32 to index
        %get3A_1076 = arith.constant 32 : index
        %get3A_1077 = tpu.vector_load %arg7[%get3A_1075, %get3A_1076] {strides = array<i32>} : memref<256x128xf32, #tpu.memory_space<vmem>>, vector<1x16xf32>,
        %get3A_1078 = vector.shape_cast %get3A_1077 : vector<1x16xf32> to vector<16xf32>
        %mul3A_1079 = arith.constant 8 : i32
        %mul3A_1080 = arith.muli %add3A_924, %mul3A_1079 : i32
        %add3A_1081 = arith.constant 1 : i32
        %add3A_1082 = arith.addi %mul3A_1080, %add3A_1081 : i32
        %get3A_1083 = arith.index_cast %add3A_1082 : i32 to index
        %get3A_1084 = arith.constant 32 : index
        %get3A_1085 = tpu.vector_load %arg7[%get3A_1083, %get3A_1084] {strides = array<i32>} : memref<256x128xf32, #tpu.memory_space<vmem>>, vector<1x16xf32>,
        %get3A_1086 = vector.shape_cast %get3A_1085 : vector<1x16xf32> to vector<16xf32>
        %add3A_1087 = arith.addf %get3A_1078, %get3A_1086 : vector<16xf32>
        %mul3A_1088 = arith.constant 8 : i32
        %mul3A_1089 = arith.muli %add3A_924, %mul3A_1088 : i32
        %add3A_1090 = arith.constant 2 : i32
        %add3A_1091 = arith.addi %mul3A_1089, %add3A_1090 : i32
        %get3A_1092 = arith.index_cast %add3A_1091 : i32 to index
        %get3A_1093 = arith.constant 32 : index
        %get3A_1094 = tpu.vector_load %arg7[%get3A_1092, %get3A_1093] {strides = array<i32>} : memref<256x128xf32, #tpu.memory_space<vmem>>, vector<1x16xf32>,
        %get3A_1095 = vector.shape_cast %get3A_1094 : vector<1x16xf32> to vector<16xf32>
        %add3A_1096 = arith.addf %add3A_1087, %get3A_1095 : vector<16xf32>
        %mul3A_1097 = arith.constant 8 : i32
        %mul3A_1098 = arith.muli %add3A_924, %mul3A_1097 : i32
        %add3A_1099 = arith.constant 3 : i32
        %add3A_1100 = arith.addi %mul3A_1098, %add3A_1099 : i32
        %get3A_1101 = arith.index_cast %add3A_1100 : i32 to index
        %get3A_1102 = arith.constant 32 : index
        %get3A_1103 = tpu.vector_load %arg7[%get3A_1101, %get3A_1102] {strides = array<i32>} : memref<256x128xf32, #tpu.memory_space<vmem>>, vector<1x16xf32>,
        %get3A_1104 = vector.shape_cast %get3A_1103 : vector<1x16xf32> to vector<16xf32>
        %add3A_1105 = arith.addf %add3A_1096, %get3A_1104 : vector<16xf32>
        %mul3A_1106 = arith.constant 8 : i32
        %mul3A_1107 = arith.muli %add3A_924, %mul3A_1106 : i32
        %add3A_1108 = arith.constant 4 : i32
        %add3A_1109 = arith.addi %mul3A_1107, %add3A_1108 : i32
        %get3A_1110 = arith.index_cast %add3A_1109 : i32 to index
        %get3A_1111 = arith.constant 32 : index
        %get3A_1112 = tpu.vector_load %arg7[%get3A_1110, %get3A_1111] {strides = array<i32>} : memref<256x128xf32, #tpu.memory_space<vmem>>, vector<1x16xf32>,
        %get3A_1113 = vector.shape_cast %get3A_1112 : vector<1x16xf32> to vector<16xf32>
        %add3A_1114 = arith.addf %add3A_1105, %get3A_1113 : vector<16xf32>
        %mul3A_1115 = arith.constant 8 : i32
        %mul3A_1116 = arith.muli %add3A_924, %mul3A_1115 : i32
        %add3A_1117 = arith.constant 5 : i32
        %add3A_1118 = arith.addi %mul3A_1116, %add3A_1117 : i32
        %get3A_1119 = arith.index_cast %add3A_1118 : i32 to index
        %get3A_1120 = arith.constant 32 : index
        %get3A_1121 = tpu.vector_load %arg7[%get3A_1119, %get3A_1120] {strides = array<i32>} : memref<256x128xf32, #tpu.memory_space<vmem>>, vector<1x16xf32>,
        %get3A_1122 = vector.shape_cast %get3A_1121 : vector<1x16xf32> to vector<16xf32>
        %add3A_1123 = arith.addf %add3A_1114, %get3A_1122 : vector<16xf32>
        %mul3A_1124 = arith.constant 8 : i32
        %mul3A_1125 = arith.muli %add3A_924, %mul3A_1124 : i32
        %add3A_1126 = arith.constant 6 : i32
        %add3A_1127 = arith.addi %mul3A_1125, %add3A_1126 : i32
        %get3A_1128 = arith.index_cast %add3A_1127 : i32 to index
        %get3A_1129 = arith.constant 32 : index
        %get3A_1130 = tpu.vector_load %arg7[%get3A_1128, %get3A_1129] {strides = array<i32>} : memref<256x128xf32, #tpu.memory_space<vmem>>, vector<1x16xf32>,
        %get3A_1131 = vector.shape_cast %get3A_1130 : vector<1x16xf32> to vector<16xf32>
        %add3A_1132 = arith.addf %add3A_1123, %get3A_1131 : vector<16xf32>
        %mul3A_1133 = arith.constant 8 : i32
        %mul3A_1134 = arith.muli %add3A_924, %mul3A_1133 : i32
        %add3A_1135 = arith.constant 7 : i32
        %add3A_1136 = arith.addi %mul3A_1134, %add3A_1135 : i32
        %get3A_1137 = arith.index_cast %add3A_1136 : i32 to index
        %get3A_1138 = arith.constant 32 : index
        %get3A_1139 = tpu.vector_load %arg7[%get3A_1137, %get3A_1138] {strides = array<i32>} : memref<256x128xf32, #tpu.memory_space<vmem>>, vector<1x16xf32>,
        %get3A_1140 = vector.shape_cast %get3A_1139 : vector<1x16xf32> to vector<16xf32>
        %add3A_1141 = arith.addf %add3A_1132, %get3A_1140 : vector<16xf32>
        %swap3A_1142 = arith.index_cast %add3A_924 : i32 to index
        %swap3A_1143 = arith.constant 32 : index
        %swap3A_1144 = tpu.vector_load %arg9[%swap3A_1142, %swap3A_1143] {strides = array<i32>} : memref<32x128xf32, #tpu.memory_space<vmem>>, vector<1x16xf32>,
        %swap3A_1145 = vector.shape_cast %swap3A_1144 : vector<1x16xf32> to vector<16xf32>
        %swap3A_1146 = vector.shape_cast %add3A_1141 : vector<16xf32> to vector<1x16xf32>
        tpu.vector_store %arg9[%swap3A_1142, %swap3A_1143], %swap3A_1146 {strides = array<i32>} : memref<32x128xf32, #tpu.memory_space<vmem>>, vector<1x16xf32>,
        %mul3A_1147 = arith.constant 8 : i32
        %mul3A_1148 = arith.muli %add3A_924, %mul3A_1147 : i32
        %get3A_1149 = arith.index_cast %mul3A_1148 : i32 to index
        %get3A_1150 = arith.constant 48 : index
        %get3A_1151 = tpu.vector_load %arg7[%get3A_1149, %get3A_1150] {strides = array<i32>} : memref<256x128xf32, #tpu.memory_space<vmem>>, vector<1x16xf32>,
        %get3A_1152 = vector.shape_cast %get3A_1151 : vector<1x16xf32> to vector<16xf32>
        %mul3A_1153 = arith.constant 8 : i32
        %mul3A_1154 = arith.muli %add3A_924, %mul3A_1153 : i32
        %add3A_1155 = arith.constant 1 : i32
        %add3A_1156 = arith.addi %mul3A_1154, %add3A_1155 : i32
        %get3A_1157 = arith.index_cast %add3A_1156 : i32 to index
        %get3A_1158 = arith.constant 48 : index
        %get3A_1159 = tpu.vector_load %arg7[%get3A_1157, %get3A_1158] {strides = array<i32>} : memref<256x128xf32, #tpu.memory_space<vmem>>, vector<1x16xf32>,
        %get3A_1160 = vector.shape_cast %get3A_1159 : vector<1x16xf32> to vector<16xf32>
        %add3A_1161 = arith.addf %get3A_1152, %get3A_1160 : vector<16xf32>
        %mul3A_1162 = arith.constant 8 : i32
        %mul3A_1163 = arith.muli %add3A_924, %mul3A_1162 : i32
        %add3A_1164 = arith.constant 2 : i32
        %add3A_1165 = arith.addi %mul3A_1163, %add3A_1164 : i32
        %get3A_1166 = arith.index_cast %add3A_1165 : i32 to index
        %get3A_1167 = arith.constant 48 : index
        %get3A_1168 = tpu.vector_load %arg7[%get3A_1166, %get3A_1167] {strides = array<i32>} : memref<256x128xf32, #tpu.memory_space<vmem>>, vector<1x16xf32>,
        %get3A_1169 = vector.shape_cast %get3A_1168 : vector<1x16xf32> to vector<16xf32>
        %add3A_1170 = arith.addf %add3A_1161, %get3A_1169 : vector<16xf32>
        %mul3A_1171 = arith.constant 8 : i32
        %mul3A_1172 = arith.muli %add3A_924, %mul3A_1171 : i32
        %add3A_1173 = arith.constant 3 : i32
        %add3A_1174 = arith.addi %mul3A_1172, %add3A_1173 : i32
        %get3A_1175 = arith.index_cast %add3A_1174 : i32 to index
        %get3A_1176 = arith.constant 48 : index
        %get3A_1177 = tpu.vector_load %arg7[%get3A_1175, %get3A_1176] {strides = array<i32>} : memref<256x128xf32, #tpu.memory_space<vmem>>, vector<1x16xf32>,
        %get3A_1178 = vector.shape_cast %get3A_1177 : vector<1x16xf32> to vector<16xf32>
        %add3A_1179 = arith.addf %add3A_1170, %get3A_1178 : vector<16xf32>
        %mul3A_1180 = arith.constant 8 : i32
        %mul3A_1181 = arith.muli %add3A_924, %mul3A_1180 : i32
        %add3A_1182 = arith.constant 4 : i32
        %add3A_1183 = arith.addi %mul3A_1181, %add3A_1182 : i32
        %get3A_1184 = arith.index_cast %add3A_1183 : i32 to index
        %get3A_1185 = arith.constant 48 : index
        %get3A_1186 = tpu.vector_load %arg7[%get3A_1184, %get3A_1185] {strides = array<i32>} : memref<256x128xf32, #tpu.memory_space<vmem>>, vector<1x16xf32>,
        %get3A_1187 = vector.shape_cast %get3A_1186 : vector<1x16xf32> to vector<16xf32>
        %add3A_1188 = arith.addf %add3A_1179, %get3A_1187 : vector<16xf32>
        %mul3A_1189 = arith.constant 8 : i32
        %mul3A_1190 = arith.muli %add3A_924, %mul3A_1189 : i32
        %add3A_1191 = arith.constant 5 : i32
        %add3A_1192 = arith.addi %mul3A_1190, %add3A_1191 : i32
        %get3A_1193 = arith.index_cast %add3A_1192 : i32 to index
        %get3A_1194 = arith.constant 48 : index
        %get3A_1195 = tpu.vector_load %arg7[%get3A_1193, %get3A_1194] {strides = array<i32>} : memref<256x128xf32, #tpu.memory_space<vmem>>, vector<1x16xf32>,
        %get3A_1196 = vector.shape_cast %get3A_1195 : vector<1x16xf32> to vector<16xf32>
        %add3A_1197 = arith.addf %add3A_1188, %get3A_1196 : vector<16xf32>
        %mul3A_1198 = arith.constant 8 : i32
        %mul3A_1199 = arith.muli %add3A_924, %mul3A_1198 : i32
        %add3A_1200 = arith.constant 6 : i32
        %add3A_1201 = arith.addi %mul3A_1199, %add3A_1200 : i32
        %get3A_1202 = arith.index_cast %add3A_1201 : i32 to index
        %get3A_1203 = arith.constant 48 : index
        %get3A_1204 = tpu.vector_load %arg7[%get3A_1202, %get3A_1203] {strides = array<i32>} : memref<256x128xf32, #tpu.memory_space<vmem>>, vector<1x16xf32>,
        %get3A_1205 = vector.shape_cast %get3A_1204 : vector<1x16xf32> to vector<16xf32>
        %add3A_1206 = arith.addf %add3A_1197, %get3A_1205 : vector<16xf32>
        %mul3A_1207 = arith.constant 8 : i32
        %mul3A_1208 = arith.muli %add3A_924, %mul3A_1207 : i32
        %add3A_1209 = arith.constant 7 : i32
        %add3A_1210 = arith.addi %mul3A_1208, %add3A_1209 : i32
        %get3A_1211 = arith.index_cast %add3A_1210 : i32 to index
        %get3A_1212 = arith.constant 48 : index
        %get3A_1213 = tpu.vector_load %arg7[%get3A_1211, %get3A_1212] {strides = array<i32>} : memref<256x128xf32, #tpu.memory_space<vmem>>, vector<1x16xf32>,
        %get3A_1214 = vector.shape_cast %get3A_1213 : vector<1x16xf32> to vector<16xf32>
        %add3A_1215 = arith.addf %add3A_1206, %get3A_1214 : vector<16xf32>
        %swap3A_1216 = arith.index_cast %add3A_924 : i32 to index
        %swap3A_1217 = arith.constant 48 : index
        %swap3A_1218 = tpu.vector_load %arg9[%swap3A_1216, %swap3A_1217] {strides = array<i32>} : memref<32x128xf32, #tpu.memory_space<vmem>>, vector<1x16xf32>,
        %swap3A_1219 = vector.shape_cast %swap3A_1218 : vector<1x16xf32> to vector<16xf32>
        %swap3A_1220 = vector.shape_cast %add3A_1215 : vector<16xf32> to vector<1x16xf32>
        tpu.vector_store %arg9[%swap3A_1216, %swap3A_1217], %swap3A_1220 {strides = array<i32>} : memref<32x128xf32, #tpu.memory_space<vmem>>, vector<1x16xf32>,
        %mul3A_1221 = arith.constant 8 : i32
        %mul3A_1222 = arith.muli %add3A_924, %mul3A_1221 : i32
        %get3A_1223 = arith.index_cast %mul3A_1222 : i32 to index
        %get3A_1224 = arith.constant 64 : index
        %get3A_1225 = tpu.vector_load %arg7[%get3A_1223, %get3A_1224] {strides = array<i32>} : memref<256x128xf32, #tpu.memory_space<vmem>>, vector<1x16xf32>,
        %get3A_1226 = vector.shape_cast %get3A_1225 : vector<1x16xf32> to vector<16xf32>
        %mul3A_1227 = arith.constant 8 : i32
        %mul3A_1228 = arith.muli %add3A_924, %mul3A_1227 : i32
        %add3A_1229 = arith.constant 1 : i32
        %add3A_1230 = arith.addi %mul3A_1228, %add3A_1229 : i32
        %get3A_1231 = arith.index_cast %add3A_1230 : i32 to index
        %get3A_1232 = arith.constant 64 : index
        %get3A_1233 = tpu.vector_load %arg7[%get3A_1231, %get3A_1232] {strides = array<i32>} : memref<256x128xf32, #tpu.memory_space<vmem>>, vector<1x16xf32>,
        %get3A_1234 = vector.shape_cast %get3A_1233 : vector<1x16xf32> to vector<16xf32>
        %add3A_1235 = arith.addf %get3A_1226, %get3A_1234 : vector<16xf32>
        %mul3A_1236 = arith.constant 8 : i32
        %mul3A_1237 = arith.muli %add3A_924, %mul3A_1236 : i32
        %add3A_1238 = arith.constant 2 : i32
        %add3A_1239 = arith.addi %mul3A_1237, %add3A_1238 : i32
        %get3A_1240 = arith.index_cast %add3A_1239 : i32 to index
        %get3A_1241 = arith.constant 64 : index
        %get3A_1242 = tpu.vector_load %arg7[%get3A_1240, %get3A_1241] {strides = array<i32>} : memref<256x128xf32, #tpu.memory_space<vmem>>, vector<1x16xf32>,
        %get3A_1243 = vector.shape_cast %get3A_1242 : vector<1x16xf32> to vector<16xf32>
        %add3A_1244 = arith.addf %add3A_1235, %get3A_1243 : vector<16xf32>
        %mul3A_1245 = arith.constant 8 : i32
        %mul3A_1246 = arith.muli %add3A_924, %mul3A_1245 : i32
        %add3A_1247 = arith.constant 3 : i32
        %add3A_1248 = arith.addi %mul3A_1246, %add3A_1247 : i32
        %get3A_1249 = arith.index_cast %add3A_1248 : i32 to index
        %get3A_1250 = arith.constant 64 : index
        %get3A_1251 = tpu.vector_load %arg7[%get3A_1249, %get3A_1250] {strides = array<i32>} : memref<256x128xf32, #tpu.memory_space<vmem>>, vector<1x16xf32>,
        %get3A_1252 = vector.shape_cast %get3A_1251 : vector<1x16xf32> to vector<16xf32>
        %add3A_1253 = arith.addf %add3A_1244, %get3A_1252 : vector<16xf32>
        %mul3A_1254 = arith.constant 8 : i32
        %mul3A_1255 = arith.muli %add3A_924, %mul3A_1254 : i32
        %add3A_1256 = arith.constant 4 : i32
        %add3A_1257 = arith.addi %mul3A_1255, %add3A_1256 : i32
        %get3A_1258 = arith.index_cast %add3A_1257 : i32 to index
        %get3A_1259 = arith.constant 64 : index
        %get3A_1260 = tpu.vector_load %arg7[%get3A_1258, %get3A_1259] {strides = array<i32>} : memref<256x128xf32, #tpu.memory_space<vmem>>, vector<1x16xf32>,
        %get3A_1261 = vector.shape_cast %get3A_1260 : vector<1x16xf32> to vector<16xf32>
        %add3A_1262 = arith.addf %add3A_1253, %get3A_1261 : vector<16xf32>
        %mul3A_1263 = arith.constant 8 : i32
        %mul3A_1264 = arith.muli %add3A_924, %mul3A_1263 : i32
        %add3A_1265 = arith.constant 5 : i32
        %add3A_1266 = arith.addi %mul3A_1264, %add3A_1265 : i32
        %get3A_1267 = arith.index_cast %add3A_1266 : i32 to index
        %get3A_1268 = arith.constant 64 : index
        %get3A_1269 = tpu.vector_load %arg7[%get3A_1267, %get3A_1268] {strides = array<i32>} : memref<256x128xf32, #tpu.memory_space<vmem>>, vector<1x16xf32>,
        %get3A_1270 = vector.shape_cast %get3A_1269 : vector<1x16xf32> to vector<16xf32>
        %add3A_1271 = arith.addf %add3A_1262, %get3A_1270 : vector<16xf32>
        %mul3A_1272 = arith.constant 8 : i32
        %mul3A_1273 = arith.muli %add3A_924, %mul3A_1272 : i32
        %add3A_1274 = arith.constant 6 : i32
        %add3A_1275 = arith.addi %mul3A_1273, %add3A_1274 : i32
        %get3A_1276 = arith.index_cast %add3A_1275 : i32 to index
        %get3A_1277 = arith.constant 64 : index
        %get3A_1278 = tpu.vector_load %arg7[%get3A_1276, %get3A_1277] {strides = array<i32>} : memref<256x128xf32, #tpu.memory_space<vmem>>, vector<1x16xf32>,
        %get3A_1279 = vector.shape_cast %get3A_1278 : vector<1x16xf32> to vector<16xf32>
        %add3A_1280 = arith.addf %add3A_1271, %get3A_1279 : vector<16xf32>
        %mul3A_1281 = arith.constant 8 : i32
        %mul3A_1282 = arith.muli %add3A_924, %mul3A_1281 : i32
        %add3A_1283 = arith.constant 7 : i32
        %add3A_1284 = arith.addi %mul3A_1282, %add3A_1283 : i32
        %get3A_1285 = arith.index_cast %add3A_1284 : i32 to index
        %get3A_1286 = arith.constant 64 : index
        %get3A_1287 = tpu.vector_load %arg7[%get3A_1285, %get3A_1286] {strides = array<i32>} : memref<256x128xf32, #tpu.memory_space<vmem>>, vector<1x16xf32>,
        %get3A_1288 = vector.shape_cast %get3A_1287 : vector<1x16xf32> to vector<16xf32>
        %add3A_1289 = arith.addf %add3A_1280, %get3A_1288 : vector<16xf32>
        %swap3A_1290 = arith.index_cast %add3A_924 : i32 to index
        %swap3A_1291 = arith.constant 64 : index
        %swap3A_1292 = tpu.vector_load %arg9[%swap3A_1290, %swap3A_1291] {strides = array<i32>} : memref<32x128xf32, #tpu.memory_space<vmem>>, vector<1x16xf32>,
        %swap3A_1293 = vector.shape_cast %swap3A_1292 : vector<1x16xf32> to vector<16xf32>
        %swap3A_1294 = vector.shape_cast %add3A_1289 : vector<16xf32> to vector<1x16xf32>
        tpu.vector_store %arg9[%swap3A_1290, %swap3A_1291], %swap3A_1294 {strides = array<i32>} : memref<32x128xf32, #tpu.memory_space<vmem>>, vector<1x16xf32>,
        %mul3A_1295 = arith.constant 8 : i32
        %mul3A_1296 = arith.muli %add3A_924, %mul3A_1295 : i32
        %get3A_1297 = arith.index_cast %mul3A_1296 : i32 to index
        %get3A_1298 = arith.constant 80 : index
        %get3A_1299 = tpu.vector_load %arg7[%get3A_1297, %get3A_1298] {strides = array<i32>} : memref<256x128xf32, #tpu.memory_space<vmem>>, vector<1x16xf32>,
        %get3A_1300 = vector.shape_cast %get3A_1299 : vector<1x16xf32> to vector<16xf32>
        %mul3A_1301 = arith.constant 8 : i32
        %mul3A_1302 = arith.muli %add3A_924, %mul3A_1301 : i32
        %add3A_1303 = arith.constant 1 : i32
        %add3A_1304 = arith.addi %mul3A_1302, %add3A_1303 : i32
        %get3A_1305 = arith.index_cast %add3A_1304 : i32 to index
        %get3A_1306 = arith.constant 80 : index
        %get3A_1307 = tpu.vector_load %arg7[%get3A_1305, %get3A_1306] {strides = array<i32>} : memref<256x128xf32, #tpu.memory_space<vmem>>, vector<1x16xf32>,
        %get3A_1308 = vector.shape_cast %get3A_1307 : vector<1x16xf32> to vector<16xf32>
        %add3A_1309 = arith.addf %get3A_1300, %get3A_1308 : vector<16xf32>
        %mul3A_1310 = arith.constant 8 : i32
        %mul3A_1311 = arith.muli %add3A_924, %mul3A_1310 : i32
        %add3A_1312 = arith.constant 2 : i32
        %add3A_1313 = arith.addi %mul3A_1311, %add3A_1312 : i32
        %get3A_1314 = arith.index_cast %add3A_1313 : i32 to index
        %get3A_1315 = arith.constant 80 : index
        %get3A_1316 = tpu.vector_load %arg7[%get3A_1314, %get3A_1315] {strides = array<i32>} : memref<256x128xf32, #tpu.memory_space<vmem>>, vector<1x16xf32>,
        %get3A_1317 = vector.shape_cast %get3A_1316 : vector<1x16xf32> to vector<16xf32>
        %add3A_1318 = arith.addf %add3A_1309, %get3A_1317 : vector<16xf32>
        %mul3A_1319 = arith.constant 8 : i32
        %mul3A_1320 = arith.muli %add3A_924, %mul3A_1319 : i32
        %add3A_1321 = arith.constant 3 : i32
        %add3A_1322 = arith.addi %mul3A_1320, %add3A_1321 : i32
        %get3A_1323 = arith.index_cast %add3A_1322 : i32 to index
        %get3A_1324 = arith.constant 80 : index
        %get3A_1325 = tpu.vector_load %arg7[%get3A_1323, %get3A_1324] {strides = array<i32>} : memref<256x128xf32, #tpu.memory_space<vmem>>, vector<1x16xf32>,
        %get3A_1326 = vector.shape_cast %get3A_1325 : vector<1x16xf32> to vector<16xf32>
        %add3A_1327 = arith.addf %add3A_1318, %get3A_1326 : vector<16xf32>
        %mul3A_1328 = arith.constant 8 : i32
        %mul3A_1329 = arith.muli %add3A_924, %mul3A_1328 : i32
        %add3A_1330 = arith.constant 4 : i32
        %add3A_1331 = arith.addi %mul3A_1329, %add3A_1330 : i32
        %get3A_1332 = arith.index_cast %add3A_1331 : i32 to index
        %get3A_1333 = arith.constant 80 : index
        %get3A_1334 = tpu.vector_load %arg7[%get3A_1332, %get3A_1333] {strides = array<i32>} : memref<256x128xf32, #tpu.memory_space<vmem>>, vector<1x16xf32>,
        %get3A_1335 = vector.shape_cast %get3A_1334 : vector<1x16xf32> to vector<16xf32>
        %add3A_1336 = arith.addf %add3A_1327, %get3A_1335 : vector<16xf32>
        %mul3A_1337 = arith.constant 8 : i32
        %mul3A_1338 = arith.muli %add3A_924, %mul3A_1337 : i32
        %add3A_1339 = arith.constant 5 : i32
        %add3A_1340 = arith.addi %mul3A_1338, %add3A_1339 : i32
        %get3A_1341 = arith.index_cast %add3A_1340 : i32 to index
        %get3A_1342 = arith.constant 80 : index
        %get3A_1343 = tpu.vector_load %arg7[%get3A_1341, %get3A_1342] {strides = array<i32>} : memref<256x128xf32, #tpu.memory_space<vmem>>, vector<1x16xf32>,
        %get3A_1344 = vector.shape_cast %get3A_1343 : vector<1x16xf32> to vector<16xf32>
        %add3A_1345 = arith.addf %add3A_1336, %get3A_1344 : vector<16xf32>
        %mul3A_1346 = arith.constant 8 : i32
        %mul3A_1347 = arith.muli %add3A_924, %mul3A_1346 : i32
        %add3A_1348 = arith.constant 6 : i32
        %add3A_1349 = arith.addi %mul3A_1347, %add3A_1348 : i32
        %get3A_1350 = arith.index_cast %add3A_1349 : i32 to index
        %get3A_1351 = arith.constant 80 : index
        %get3A_1352 = tpu.vector_load %arg7[%get3A_1350, %get3A_1351] {strides = array<i32>} : memref<256x128xf32, #tpu.memory_space<vmem>>, vector<1x16xf32>,
        %get3A_1353 = vector.shape_cast %get3A_1352 : vector<1x16xf32> to vector<16xf32>
        %add3A_1354 = arith.addf %add3A_1345, %get3A_1353 : vector<16xf32>
        %mul3A_1355 = arith.constant 8 : i32
        %mul3A_1356 = arith.muli %add3A_924, %mul3A_1355 : i32
        %add3A_1357 = arith.constant 7 : i32
        %add3A_1358 = arith.addi %mul3A_1356, %add3A_1357 : i32
        %get3A_1359 = arith.index_cast %add3A_1358 : i32 to index
        %get3A_1360 = arith.constant 80 : index
        %get3A_1361 = tpu.vector_load %arg7[%get3A_1359, %get3A_1360] {strides = array<i32>} : memref<256x128xf32, #tpu.memory_space<vmem>>, vector<1x16xf32>,
        %get3A_1362 = vector.shape_cast %get3A_1361 : vector<1x16xf32> to vector<16xf32>
        %add3A_1363 = arith.addf %add3A_1354, %get3A_1362 : vector<16xf32>
        %swap3A_1364 = arith.index_cast %add3A_924 : i32 to index
        %swap3A_1365 = arith.constant 80 : index
        %swap3A_1366 = tpu.vector_load %arg9[%swap3A_1364, %swap3A_1365] {strides = array<i32>} : memref<32x128xf32, #tpu.memory_space<vmem>>, vector<1x16xf32>,
        %swap3A_1367 = vector.shape_cast %swap3A_1366 : vector<1x16xf32> to vector<16xf32>
        %swap3A_1368 = vector.shape_cast %add3A_1363 : vector<16xf32> to vector<1x16xf32>
        tpu.vector_store %arg9[%swap3A_1364, %swap3A_1365], %swap3A_1368 {strides = array<i32>} : memref<32x128xf32, #tpu.memory_space<vmem>>, vector<1x16xf32>,
        %mul3A_1369 = arith.constant 8 : i32
        %mul3A_1370 = arith.muli %add3A_924, %mul3A_1369 : i32
        %get3A_1371 = arith.index_cast %mul3A_1370 : i32 to index
        %get3A_1372 = arith.constant 96 : index
        %get3A_1373 = tpu.vector_load %arg7[%get3A_1371, %get3A_1372] {strides = array<i32>} : memref<256x128xf32, #tpu.memory_space<vmem>>, vector<1x16xf32>,
        %get3A_1374 = vector.shape_cast %get3A_1373 : vector<1x16xf32> to vector<16xf32>
        %mul3A_1375 = arith.constant 8 : i32
        %mul3A_1376 = arith.muli %add3A_924, %mul3A_1375 : i32
        %add3A_1377 = arith.constant 1 : i32
        %add3A_1378 = arith.addi %mul3A_1376, %add3A_1377 : i32
        %get3A_1379 = arith.index_cast %add3A_1378 : i32 to index
        %get3A_1380 = arith.constant 96 : index
        %get3A_1381 = tpu.vector_load %arg7[%get3A_1379, %get3A_1380] {strides = array<i32>} : memref<256x128xf32, #tpu.memory_space<vmem>>, vector<1x16xf32>,
        %get3A_1382 = vector.shape_cast %get3A_1381 : vector<1x16xf32> to vector<16xf32>
        %add3A_1383 = arith.addf %get3A_1374, %get3A_1382 : vector<16xf32>
        %mul3A_1384 = arith.constant 8 : i32
        %mul3A_1385 = arith.muli %add3A_924, %mul3A_1384 : i32
        %add3A_1386 = arith.constant 2 : i32
        %add3A_1387 = arith.addi %mul3A_1385, %add3A_1386 : i32
        %get3A_1388 = arith.index_cast %add3A_1387 : i32 to index
        %get3A_1389 = arith.constant 96 : index
        %get3A_1390 = tpu.vector_load %arg7[%get3A_1388, %get3A_1389] {strides = array<i32>} : memref<256x128xf32, #tpu.memory_space<vmem>>, vector<1x16xf32>,
        %get3A_1391 = vector.shape_cast %get3A_1390 : vector<1x16xf32> to vector<16xf32>
        %add3A_1392 = arith.addf %add3A_1383, %get3A_1391 : vector<16xf32>
        %mul3A_1393 = arith.constant 8 : i32
        %mul3A_1394 = arith.muli %add3A_924, %mul3A_1393 : i32
        %add3A_1395 = arith.constant 3 : i32
        %add3A_1396 = arith.addi %mul3A_1394, %add3A_1395 : i32
        %get3A_1397 = arith.index_cast %add3A_1396 : i32 to index
        %get3A_1398 = arith.constant 96 : index
        %get3A_1399 = tpu.vector_load %arg7[%get3A_1397, %get3A_1398] {strides = array<i32>} : memref<256x128xf32, #tpu.memory_space<vmem>>, vector<1x16xf32>,
        %get3A_1400 = vector.shape_cast %get3A_1399 : vector<1x16xf32> to vector<16xf32>
        %add3A_1401 = arith.addf %add3A_1392, %get3A_1400 : vector<16xf32>
        %mul3A_1402 = arith.constant 8 : i32
        %mul3A_1403 = arith.muli %add3A_924, %mul3A_1402 : i32
        %add3A_1404 = arith.constant 4 : i32
        %add3A_1405 = arith.addi %mul3A_1403, %add3A_1404 : i32
        %get3A_1406 = arith.index_cast %add3A_1405 : i32 to index
        %get3A_1407 = arith.constant 96 : index
        %get3A_1408 = tpu.vector_load %arg7[%get3A_1406, %get3A_1407] {strides = array<i32>} : memref<256x128xf32, #tpu.memory_space<vmem>>, vector<1x16xf32>,
        %get3A_1409 = vector.shape_cast %get3A_1408 : vector<1x16xf32> to vector<16xf32>
        %add3A_1410 = arith.addf %add3A_1401, %get3A_1409 : vector<16xf32>
        %mul3A_1411 = arith.constant 8 : i32
        %mul3A_1412 = arith.muli %add3A_924, %mul3A_1411 : i32
        %add3A_1413 = arith.constant 5 : i32
        %add3A_1414 = arith.addi %mul3A_1412, %add3A_1413 : i32
        %get3A_1415 = arith.index_cast %add3A_1414 : i32 to index
        %get3A_1416 = arith.constant 96 : index
        %get3A_1417 = tpu.vector_load %arg7[%get3A_1415, %get3A_1416] {strides = array<i32>} : memref<256x128xf32, #tpu.memory_space<vmem>>, vector<1x16xf32>,
        %get3A_1418 = vector.shape_cast %get3A_1417 : vector<1x16xf32> to vector<16xf32>
        %add3A_1419 = arith.addf %add3A_1410, %get3A_1418 : vector<16xf32>
        %mul3A_1420 = arith.constant 8 : i32
        %mul3A_1421 = arith.muli %add3A_924, %mul3A_1420 : i32
        %add3A_1422 = arith.constant 6 : i32
        %add3A_1423 = arith.addi %mul3A_1421, %add3A_1422 : i32
        %get3A_1424 = arith.index_cast %add3A_1423 : i32 to index
        %get3A_1425 = arith.constant 96 : index
        %get3A_1426 = tpu.vector_load %arg7[%get3A_1424, %get3A_1425] {strides = array<i32>} : memref<256x128xf32, #tpu.memory_space<vmem>>, vector<1x16xf32>,
        %get3A_1427 = vector.shape_cast %get3A_1426 : vector<1x16xf32> to vector<16xf32>
        %add3A_1428 = arith.addf %add3A_1419, %get3A_1427 : vector<16xf32>
        %mul3A_1429 = arith.constant 8 : i32
        %mul3A_1430 = arith.muli %add3A_924, %mul3A_1429 : i32
        %add3A_1431 = arith.constant 7 : i32
        %add3A_1432 = arith.addi %mul3A_1430, %add3A_1431 : i32
        %get3A_1433 = arith.index_cast %add3A_1432 : i32 to index
        %get3A_1434 = arith.constant 96 : index
        %get3A_1435 = tpu.vector_load %arg7[%get3A_1433, %get3A_1434] {strides = array<i32>} : memref<256x128xf32, #tpu.memory_space<vmem>>, vector<1x16xf32>,
        %get3A_1436 = vector.shape_cast %get3A_1435 : vector<1x16xf32> to vector<16xf32>
        %add3A_1437 = arith.addf %add3A_1428, %get3A_1436 : vector<16xf32>
        %swap3A_1438 = arith.index_cast %add3A_924 : i32 to index
        %swap3A_1439 = arith.constant 96 : index
        %swap3A_1440 = tpu.vector_load %arg9[%swap3A_1438, %swap3A_1439] {strides = array<i32>} : memref<32x128xf32, #tpu.memory_space<vmem>>, vector<1x16xf32>,
        %swap3A_1441 = vector.shape_cast %swap3A_1440 : vector<1x16xf32> to vector<16xf32>
        %swap3A_1442 = vector.shape_cast %add3A_1437 : vector<16xf32> to vector<1x16xf32>
        tpu.vector_store %arg9[%swap3A_1438, %swap3A_1439], %swap3A_1442 {strides = array<i32>} : memref<32x128xf32, #tpu.memory_space<vmem>>, vector<1x16xf32>,
        %mul3A_1443 = arith.constant 8 : i32
        %mul3A_1444 = arith.muli %add3A_924, %mul3A_1443 : i32
        %get3A_1445 = arith.index_cast %mul3A_1444 : i32 to index
        %get3A_1446 = arith.constant 112 : index
        %get3A_1447 = tpu.vector_load %arg7[%get3A_1445, %get3A_1446] {strides = array<i32>} : memref<256x128xf32, #tpu.memory_space<vmem>>, vector<1x16xf32>,
        %get3A_1448 = vector.shape_cast %get3A_1447 : vector<1x16xf32> to vector<16xf32>
        %mul3A_1449 = arith.constant 8 : i32
        %mul3A_1450 = arith.muli %add3A_924, %mul3A_1449 : i32
        %add3A_1451 = arith.constant 1 : i32
        %add3A_1452 = arith.addi %mul3A_1450, %add3A_1451 : i32
        %get3A_1453 = arith.index_cast %add3A_1452 : i32 to index
        %get3A_1454 = arith.constant 112 : index
        %get3A_1455 = tpu.vector_load %arg7[%get3A_1453, %get3A_1454] {strides = array<i32>} : memref<256x128xf32, #tpu.memory_space<vmem>>, vector<1x16xf32>,
        %get3A_1456 = vector.shape_cast %get3A_1455 : vector<1x16xf32> to vector<16xf32>
        %add3A_1457 = arith.addf %get3A_1448, %get3A_1456 : vector<16xf32>
        %mul3A_1458 = arith.constant 8 : i32
        %mul3A_1459 = arith.muli %add3A_924, %mul3A_1458 : i32
        %add3A_1460 = arith.constant 2 : i32
        %add3A_1461 = arith.addi %mul3A_1459, %add3A_1460 : i32
        %get3A_1462 = arith.index_cast %add3A_1461 : i32 to index
        %get3A_1463 = arith.constant 112 : index
        %get3A_1464 = tpu.vector_load %arg7[%get3A_1462, %get3A_1463] {strides = array<i32>} : memref<256x128xf32, #tpu.memory_space<vmem>>, vector<1x16xf32>,
        %get3A_1465 = vector.shape_cast %get3A_1464 : vector<1x16xf32> to vector<16xf32>
        %add3A_1466 = arith.addf %add3A_1457, %get3A_1465 : vector<16xf32>
        %mul3A_1467 = arith.constant 8 : i32
        %mul3A_1468 = arith.muli %add3A_924, %mul3A_1467 : i32
        %add3A_1469 = arith.constant 3 : i32
        %add3A_1470 = arith.addi %mul3A_1468, %add3A_1469 : i32
        %get3A_1471 = arith.index_cast %add3A_1470 : i32 to index
        %get3A_1472 = arith.constant 112 : index
        %get3A_1473 = tpu.vector_load %arg7[%get3A_1471, %get3A_1472] {strides = array<i32>} : memref<256x128xf32, #tpu.memory_space<vmem>>, vector<1x16xf32>,
        %get3A_1474 = vector.shape_cast %get3A_1473 : vector<1x16xf32> to vector<16xf32>
        %add3A_1475 = arith.addf %add3A_1466, %get3A_1474 : vector<16xf32>
        %mul3A_1476 = arith.constant 8 : i32
        %mul3A_1477 = arith.muli %add3A_924, %mul3A_1476 : i32
        %add3A_1478 = arith.constant 4 : i32
        %add3A_1479 = arith.addi %mul3A_1477, %add3A_1478 : i32
        %get3A_1480 = arith.index_cast %add3A_1479 : i32 to index
        %get3A_1481 = arith.constant 112 : index
        %get3A_1482 = tpu.vector_load %arg7[%get3A_1480, %get3A_1481] {strides = array<i32>} : memref<256x128xf32, #tpu.memory_space<vmem>>, vector<1x16xf32>,
        %get3A_1483 = vector.shape_cast %get3A_1482 : vector<1x16xf32> to vector<16xf32>
        %add3A_1484 = arith.addf %add3A_1475, %get3A_1483 : vector<16xf32>
        %mul3A_1485 = arith.constant 8 : i32
        %mul3A_1486 = arith.muli %add3A_924, %mul3A_1485 : i32
        %add3A_1487 = arith.constant 5 : i32
        %add3A_1488 = arith.addi %mul3A_1486, %add3A_1487 : i32
        %get3A_1489 = arith.index_cast %add3A_1488 : i32 to index
        %get3A_1490 = arith.constant 112 : index
        %get3A_1491 = tpu.vector_load %arg7[%get3A_1489, %get3A_1490] {strides = array<i32>} : memref<256x128xf32, #tpu.memory_space<vmem>>, vector<1x16xf32>,
        %get3A_1492 = vector.shape_cast %get3A_1491 : vector<1x16xf32> to vector<16xf32>
        %add3A_1493 = arith.addf %add3A_1484, %get3A_1492 : vector<16xf32>
        %mul3A_1494 = arith.constant 8 : i32
        %mul3A_1495 = arith.muli %add3A_924, %mul3A_1494 : i32
        %add3A_1496 = arith.constant 6 : i32
        %add3A_1497 = arith.addi %mul3A_1495, %add3A_1496 : i32
        %get3A_1498 = arith.index_cast %add3A_1497 : i32 to index
        %get3A_1499 = arith.constant 112 : index
        %get3A_1500 = tpu.vector_load %arg7[%get3A_1498, %get3A_1499] {strides = array<i32>} : memref<256x128xf32, #tpu.memory_space<vmem>>, vector<1x16xf32>,
        %get3A_1501 = vector.shape_cast %get3A_1500 : vector<1x16xf32> to vector<16xf32>
        %add3A_1502 = arith.addf %add3A_1493, %get3A_1501 : vector<16xf32>
        %mul3A_1503 = arith.constant 8 : i32
        %mul3A_1504 = arith.muli %add3A_924, %mul3A_1503 : i32
        %add3A_1505 = arith.constant 7 : i32
        %add3A_1506 = arith.addi %mul3A_1504, %add3A_1505 : i32
        %get3A_1507 = arith.index_cast %add3A_1506 : i32 to index
        %get3A_1508 = arith.constant 112 : index
        %get3A_1509 = tpu.vector_load %arg7[%get3A_1507, %get3A_1508] {strides = array<i32>} : memref<256x128xf32, #tpu.memory_space<vmem>>, vector<1x16xf32>,
        %get3A_1510 = vector.shape_cast %get3A_1509 : vector<1x16xf32> to vector<16xf32>
        %add3A_1511 = arith.addf %add3A_1502, %get3A_1510 : vector<16xf32>
        %swap3A_1512 = arith.index_cast %add3A_924 : i32 to index
        %swap3A_1513 = arith.constant 112 : index
        %swap3A_1514 = tpu.vector_load %arg9[%swap3A_1512, %swap3A_1513] {strides = array<i32>} : memref<32x128xf32, #tpu.memory_space<vmem>>, vector<1x16xf32>,
        %swap3A_1515 = vector.shape_cast %swap3A_1514 : vector<1x16xf32> to vector<16xf32>
        %swap3A_1516 = vector.shape_cast %add3A_1511 : vector<16xf32> to vector<1x16xf32>
        tpu.vector_store %arg9[%swap3A_1512, %swap3A_1513], %swap3A_1516 {strides = array<i32>} : memref<32x128xf32, #tpu.memory_space<vmem>>, vector<1x16xf32>,
      }
      %scan3A_292 = arith.constant 16 : i32
      %mul3A_293 = arith.constant 32 : i32
      %mul3A_294 = arith.muli %add3A_251, %mul3A_293 : i32
      %add3A_295 = arith.addi %multiple_of3A, %mul3A_294 : i32
      %dma_start3A_296 = arith.constant 0 : i32
      %dma_start3A_297 = tpu.memref_slice %arg4[%add3A_295, %dma_start3A_296] : memref<51200x128xf32, #tpu.memory_space<hbm>> -> memref<32x128xf32, #tpu.memory_space<hbm>>
      %dma_start3A_298 = arith.constant 0 : i32
      %dma_start3A_299 = tpu.memref_slice %arg4[%add3A_295, %dma_start3A_298] : memref<51200x128xf32, #tpu.memory_space<hbm>> -> memref<32x128xf32, #tpu.memory_space<hbm>>
      tpu.enqueue_dma source(%arg9 : memref<32x128xf32, #tpu.memory_space<vmem>>) target(%dma_start3A_299 : memref<32x128xf32, #tpu.memory_space<hbm>>) target_semaphore(%arg13 : memref<!tpu.dma_semaphore, #tpu.memory_space<semaphore_mem>>)
      %mul3A_300 = arith.constant 2 : i32
      %mul3A_301 = arith.muli %min3A_256, %mul3A_300 : i32
      %add3A_302 = arith.constant 0 : i32
      %add3A_303 = arith.addi %mul3A_301, %add3A_302 : i32
      %dma_start3A_304 = arith.constant 0 : i32
      %dma_start3A_305 = arith.constant 0 : i32
      %dma_start3A_306 = tpu.memref_slice %arg7[%dma_start3A_304, %dma_start3A_305] : memref<256x128xf32, #tpu.memory_space<vmem>> -> memref<128x128xf32, #tpu.memory_space<vmem>>
      %dma_start3A_307 = arith.constant 0 : i32
      %dma_start3A_308 = tpu.memref_slice %arg5[%add3A_303, %dma_start3A_307] : memref<160x128xi32, #tpu.memory_space<vmem>> -> memref<1x128xi32, #tpu.memory_space<vmem>>
      %dma_start3A_309 = tpu.memref_squeeze %dma_start3A_308 : memref<1x128xi32, #tpu.memory_space<vmem>> -> memref<128xi32, #tpu.memory_space<vmem>>
      %dma_start3A_310 = arith.constant 0 : i32
      %dma_start3A_311 = arith.constant 0 : i32
      %dma_start3A_312 = tpu.memref_slice %arg2[%dma_start3A_310, %dma_start3A_311] : memref<50000x128xf32, #tpu.memory_space<hbm>> -> memref<50000x128xf32, #tpu.memory_space<hbm>>
      tpu.enqueue_indirect_dma source(%dma_start3A_312 : memref<50000x128xf32, #tpu.memory_space<hbm>>) target(%dma_start3A_306 : memref<128x128xf32, #tpu.memory_space<vmem>>) offsets(%dma_start3A_309 : memref<128xi32, #tpu.memory_space<vmem>>) semaphore(%arg11 : memref<!tpu.dma_semaphore, #tpu.memory_space<semaphore_mem>>)
      %mul3A_313 = arith.constant 2 : i32
      %mul3A_314 = arith.muli %min3A_256, %mul3A_313 : i32
      %add3A_315 = arith.constant 1 : i32
      %add3A_316 = arith.addi %mul3A_314, %add3A_315 : i32
      %dma_start3A_317 = arith.constant 128 : i32
      %dma_start3A_318 = arith.constant 0 : i32
      %dma_start3A_319 = tpu.memref_slice %arg7[%dma_start3A_317, %dma_start3A_318] : memref<256x128xf32, #tpu.memory_space<vmem>> -> memref<128x128xf32, #tpu.memory_space<vmem>>
      %dma_start3A_320 = arith.constant 0 : i32
      %dma_start3A_321 = tpu.memref_slice %arg5[%add3A_316, %dma_start3A_320] : memref<160x128xi32, #tpu.memory_space<vmem>> -> memref<1x128xi32, #tpu.memory_space<vmem>>
      %dma_start3A_322 = tpu.memref_squeeze %dma_start3A_321 : memref<1x128xi32, #tpu.memory_space<vmem>> -> memref<128xi32, #tpu.memory_space<vmem>>
      %dma_start3A_323 = arith.constant 0 : i32
      %dma_start3A_324 = arith.constant 0 : i32
      %dma_start3A_325 = tpu.memref_slice %arg2[%dma_start3A_323, %dma_start3A_324] : memref<50000x128xf32, #tpu.memory_space<hbm>> -> memref<50000x128xf32, #tpu.memory_space<hbm>>
      tpu.enqueue_indirect_dma source(%dma_start3A_325 : memref<50000x128xf32, #tpu.memory_space<hbm>>) target(%dma_start3A_319 : memref<128x128xf32, #tpu.memory_space<vmem>>) offsets(%dma_start3A_322 : memref<128xi32, #tpu.memory_space<vmem>>) semaphore(%arg11 : memref<!tpu.dma_semaphore, #tpu.memory_space<semaphore_mem>>)
    }
    %while3A_111 = arith.constant 1 : i32
    scf.for %while3A_171 = %while3A_109 to %while3A_105 step %while3A_111  : i32 {
      %mul3A_172 = arith.constant 2 : i32
      %mul3A_173 = arith.muli %while3A_171, %mul3A_172 : i32
      %add3A_174 = arith.constant 0 : i32
      %add3A_175 = arith.addi %mul3A_173, %add3A_174 : i32
      %add3A_176 = arith.constant 2 : i32
      %add3A_177 = arith.addi %add3A_175, %add3A_176 : i32
      %sub3A_178 = arith.constant 1 : i32
      %sub3A_179 = arith.subi %select_n3A_8, %sub3A_178 : i32
      %min3A = arith.minsi %add3A_177, %sub3A_179 : i32
      %dma_wait3A_180 = arith.constant 0 : i32
      %dma_wait3A_181 = arith.constant 0 : i32
      %dma_wait3A_182 = tpu.memref_slice %arg6[%dma_wait3A_180, %dma_wait3A_181] : memref<256x128xf32, #tpu.memory_space<vmem>> -> memref<128x128xf32, #tpu.memory_space<vmem>>
      %dma_wait3A_183 = arith.constant 0 : i32
      %dma_wait3A_184 = arith.constant 0 : i32
      %dma_wait3A_185 = tpu.memref_slice %arg2[%dma_wait3A_183, %dma_wait3A_184] : memref<50000x128xf32, #tpu.memory_space<hbm>> -> memref<128x128xf32, #tpu.memory_space<hbm>>
      %dma_wait3A_186 = arith.constant 0 : i32
      %dma_wait3A_187 = arith.constant 0 : i32
      %dma_wait3A_188 = tpu.memref_slice %arg6[%dma_wait3A_186, %dma_wait3A_187] : memref<256x128xf32, #tpu.memory_space<vmem>> -> memref<128x128xf32, #tpu.memory_space<vmem>>
      %dma_wait3A_189 = arith.constant 0 : i32
      %dma_wait3A_190 = arith.constant 0 : i32
      %dma_wait3A_191 = tpu.memref_slice %arg2[%dma_wait3A_189, %dma_wait3A_190] : memref<50000x128xf32, #tpu.memory_space<hbm>> -> memref<128x128xf32, #tpu.memory_space<hbm>>
      tpu.wait_dma2 semaphore(%arg10 : memref<!tpu.dma_semaphore, #tpu.memory_space<semaphore_mem>>) src(%dma_wait3A_191 : memref<128x128xf32, #tpu.memory_space<hbm>>) dst(%dma_wait3A_188 : memref<128x128xf32, #tpu.memory_space<vmem>>)
      %dma_wait3A_192 = arith.constant 128 : i32
      %dma_wait3A_193 = arith.constant 0 : i32
      %dma_wait3A_194 = tpu.memref_slice %arg6[%dma_wait3A_192, %dma_wait3A_193] : memref<256x128xf32, #tpu.memory_space<vmem>> -> memref<128x128xf32, #tpu.memory_space<vmem>>
      %dma_wait3A_195 = arith.constant 0 : i32
      %dma_wait3A_196 = arith.constant 0 : i32
      %dma_wait3A_197 = tpu.memref_slice %arg2[%dma_wait3A_195, %dma_wait3A_196] : memref<50000x128xf32, #tpu.memory_space<hbm>> -> memref<128x128xf32, #tpu.memory_space<hbm>>
      %dma_wait3A_198 = arith.constant 128 : i32
      %dma_wait3A_199 = arith.constant 0 : i32
      %dma_wait3A_200 = tpu.memref_slice %arg6[%dma_wait3A_198, %dma_wait3A_199] : memref<256x128xf32, #tpu.memory_space<vmem>> -> memref<128x128xf32, #tpu.memory_space<vmem>>
      %dma_wait3A_201 = arith.constant 0 : i32
      %dma_wait3A_202 = arith.constant 0 : i32
      %dma_wait3A_203 = tpu.memref_slice %arg2[%dma_wait3A_201, %dma_wait3A_202] : memref<50000x128xf32, #tpu.memory_space<hbm>> -> memref<128x128xf32, #tpu.memory_space<hbm>>
      tpu.wait_dma2 semaphore(%arg10 : memref<!tpu.dma_semaphore, #tpu.memory_space<semaphore_mem>>) src(%dma_wait3A_203 : memref<128x128xf32, #tpu.memory_space<hbm>>) dst(%dma_wait3A_200 : memref<128x128xf32, #tpu.memory_space<vmem>>)
      %dma_wait3A_204 = arith.constant 0 : i32
      %dma_wait3A_205 = arith.constant 0 : i32
      %dma_wait3A_206 = tpu.memref_slice %arg4[%dma_wait3A_204, %dma_wait3A_205] : memref<51200x128xf32, #tpu.memory_space<hbm>> -> memref<32x128xf32, #tpu.memory_space<hbm>>
      %dma_wait3A_207 = arith.constant 0 : i32
      %dma_wait3A_208 = arith.constant 0 : i32
      %dma_wait3A_209 = tpu.memref_slice %arg4[%dma_wait3A_207, %dma_wait3A_208] : memref<51200x128xf32, #tpu.memory_space<hbm>> -> memref<32x128xf32, #tpu.memory_space<hbm>>
      tpu.wait_dma2 semaphore(%arg12 : memref<!tpu.dma_semaphore, #tpu.memory_space<semaphore_mem>>) src(%arg8 : memref<32x128xf32, #tpu.memory_space<vmem>>) dst(%dma_wait3A_209 : memref<32x128xf32, #tpu.memory_space<hbm>>)
      %scan3A = arith.constant 0 : i32
      %scan3A_210 = arith.constant 0 : i32
      %scan3A_211 = arith.constant 16 : i32
      %scan3A_212 = arith.addi %scan3A_210, %scan3A_211 : i32
      %scan3A_213 = arith.constant 1 : i32
      scf.for %scan3A_326 = %scan3A_210 to %scan3A_212 step %scan3A_213  : i32 {
        %mul3A_327 = arith.constant 2 : i32
        %mul3A_328 = arith.muli %scan3A_326, %mul3A_327 : i32
        %add3A_329 = arith.constant 0 : i32
        %add3A_330 = arith.addi %mul3A_328, %add3A_329 : i32
        %mul3A_331 = arith.constant 8 : i32
        %mul3A_332 = arith.muli %add3A_330, %mul3A_331 : i32
        %get3A = arith.index_cast %mul3A_332 : i32 to index
        %get3A_333 = arith.constant 0 : index
        %get3A_334 = tpu.vector_load %arg6[%get3A, %get3A_333] {strides = array<i32>} : memref<256x128xf32, #tpu.memory_space<vmem>>, vector<1x16xf32>,
        %get3A_335 = vector.shape_cast %get3A_334 : vector<1x16xf32> to vector<16xf32>
        %mul3A_336 = arith.constant 8 : i32
        %mul3A_337 = arith.muli %add3A_330, %mul3A_336 : i32
        %add3A_338 = arith.constant 1 : i32
        %add3A_339 = arith.addi %mul3A_337, %add3A_338 : i32
        %get3A_340 = arith.index_cast %add3A_339 : i32 to index
        %get3A_341 = arith.constant 0 : index
        %get3A_342 = tpu.vector_load %arg6[%get3A_340, %get3A_341] {strides = array<i32>} : memref<256x128xf32, #tpu.memory_space<vmem>>, vector<1x16xf32>,
        %get3A_343 = vector.shape_cast %get3A_342 : vector<1x16xf32> to vector<16xf32>
        %add3A_344 = arith.addf %get3A_335, %get3A_343 : vector<16xf32>
        %mul3A_345 = arith.constant 8 : i32
        %mul3A_346 = arith.muli %add3A_330, %mul3A_345 : i32
        %add3A_347 = arith.constant 2 : i32
        %add3A_348 = arith.addi %mul3A_346, %add3A_347 : i32
        %get3A_349 = arith.index_cast %add3A_348 : i32 to index
        %get3A_350 = arith.constant 0 : index
        %get3A_351 = tpu.vector_load %arg6[%get3A_349, %get3A_350] {strides = array<i32>} : memref<256x128xf32, #tpu.memory_space<vmem>>, vector<1x16xf32>,
        %get3A_352 = vector.shape_cast %get3A_351 : vector<1x16xf32> to vector<16xf32>
        %add3A_353 = arith.addf %add3A_344, %get3A_352 : vector<16xf32>
        %mul3A_354 = arith.constant 8 : i32
        %mul3A_355 = arith.muli %add3A_330, %mul3A_354 : i32
        %add3A_356 = arith.constant 3 : i32
        %add3A_357 = arith.addi %mul3A_355, %add3A_356 : i32
        %get3A_358 = arith.index_cast %add3A_357 : i32 to index
        %get3A_359 = arith.constant 0 : index
        %get3A_360 = tpu.vector_load %arg6[%get3A_358, %get3A_359] {strides = array<i32>} : memref<256x128xf32, #tpu.memory_space<vmem>>, vector<1x16xf32>,
        %get3A_361 = vector.shape_cast %get3A_360 : vector<1x16xf32> to vector<16xf32>
        %add3A_362 = arith.addf %add3A_353, %get3A_361 : vector<16xf32>
        %mul3A_363 = arith.constant 8 : i32
        %mul3A_364 = arith.muli %add3A_330, %mul3A_363 : i32
        %add3A_365 = arith.constant 4 : i32
        %add3A_366 = arith.addi %mul3A_364, %add3A_365 : i32
        %get3A_367 = arith.index_cast %add3A_366 : i32 to index
        %get3A_368 = arith.constant 0 : index
        %get3A_369 = tpu.vector_load %arg6[%get3A_367, %get3A_368] {strides = array<i32>} : memref<256x128xf32, #tpu.memory_space<vmem>>, vector<1x16xf32>,
        %get3A_370 = vector.shape_cast %get3A_369 : vector<1x16xf32> to vector<16xf32>
        %add3A_371 = arith.addf %add3A_362, %get3A_370 : vector<16xf32>
        %mul3A_372 = arith.constant 8 : i32
        %mul3A_373 = arith.muli %add3A_330, %mul3A_372 : i32
        %add3A_374 = arith.constant 5 : i32
        %add3A_375 = arith.addi %mul3A_373, %add3A_374 : i32
        %get3A_376 = arith.index_cast %add3A_375 : i32 to index
        %get3A_377 = arith.constant 0 : index
        %get3A_378 = tpu.vector_load %arg6[%get3A_376, %get3A_377] {strides = array<i32>} : memref<256x128xf32, #tpu.memory_space<vmem>>, vector<1x16xf32>,
        %get3A_379 = vector.shape_cast %get3A_378 : vector<1x16xf32> to vector<16xf32>
        %add3A_380 = arith.addf %add3A_371, %get3A_379 : vector<16xf32>
        %mul3A_381 = arith.constant 8 : i32
        %mul3A_382 = arith.muli %add3A_330, %mul3A_381 : i32
        %add3A_383 = arith.constant 6 : i32
        %add3A_384 = arith.addi %mul3A_382, %add3A_383 : i32
        %get3A_385 = arith.index_cast %add3A_384 : i32 to index
        %get3A_386 = arith.constant 0 : index
        %get3A_387 = tpu.vector_load %arg6[%get3A_385, %get3A_386] {strides = array<i32>} : memref<256x128xf32, #tpu.memory_space<vmem>>, vector<1x16xf32>,
        %get3A_388 = vector.shape_cast %get3A_387 : vector<1x16xf32> to vector<16xf32>
        %add3A_389 = arith.addf %add3A_380, %get3A_388 : vector<16xf32>
        %mul3A_390 = arith.constant 8 : i32
        %mul3A_391 = arith.muli %add3A_330, %mul3A_390 : i32
        %add3A_392 = arith.constant 7 : i32
        %add3A_393 = arith.addi %mul3A_391, %add3A_392 : i32
        %get3A_394 = arith.index_cast %add3A_393 : i32 to index
        %get3A_395 = arith.constant 0 : index
        %get3A_396 = tpu.vector_load %arg6[%get3A_394, %get3A_395] {strides = array<i32>} : memref<256x128xf32, #tpu.memory_space<vmem>>, vector<1x16xf32>,
        %get3A_397 = vector.shape_cast %get3A_396 : vector<1x16xf32> to vector<16xf32>
        %add3A_398 = arith.addf %add3A_389, %get3A_397 : vector<16xf32>
        %swap3A = arith.index_cast %add3A_330 : i32 to index
        %swap3A_399 = arith.constant 0 : index
        %swap3A_400 = tpu.vector_load %arg8[%swap3A, %swap3A_399] {strides = array<i32>} : memref<32x128xf32, #tpu.memory_space<vmem>>, vector<1x16xf32>,
        %swap3A_401 = vector.shape_cast %swap3A_400 : vector<1x16xf32> to vector<16xf32>
        %swap3A_402 = vector.shape_cast %add3A_398 : vector<16xf32> to vector<1x16xf32>
        tpu.vector_store %arg8[%swap3A, %swap3A_399], %swap3A_402 {strides = array<i32>} : memref<32x128xf32, #tpu.memory_space<vmem>>, vector<1x16xf32>,
        %mul3A_403 = arith.constant 8 : i32
        %mul3A_404 = arith.muli %add3A_330, %mul3A_403 : i32
        %get3A_405 = arith.index_cast %mul3A_404 : i32 to index
        %get3A_406 = arith.constant 16 : index
        %get3A_407 = tpu.vector_load %arg6[%get3A_405, %get3A_406] {strides = array<i32>} : memref<256x128xf32, #tpu.memory_space<vmem>>, vector<1x16xf32>,
        %get3A_408 = vector.shape_cast %get3A_407 : vector<1x16xf32> to vector<16xf32>
        %mul3A_409 = arith.constant 8 : i32
        %mul3A_410 = arith.muli %add3A_330, %mul3A_409 : i32
        %add3A_411 = arith.constant 1 : i32
        %add3A_412 = arith.addi %mul3A_410, %add3A_411 : i32
        %get3A_413 = arith.index_cast %add3A_412 : i32 to index
        %get3A_414 = arith.constant 16 : index
        %get3A_415 = tpu.vector_load %arg6[%get3A_413, %get3A_414] {strides = array<i32>} : memref<256x128xf32, #tpu.memory_space<vmem>>, vector<1x16xf32>,
        %get3A_416 = vector.shape_cast %get3A_415 : vector<1x16xf32> to vector<16xf32>
        %add3A_417 = arith.addf %get3A_408, %get3A_416 : vector<16xf32>
        %mul3A_418 = arith.constant 8 : i32
        %mul3A_419 = arith.muli %add3A_330, %mul3A_418 : i32
        %add3A_420 = arith.constant 2 : i32
        %add3A_421 = arith.addi %mul3A_419, %add3A_420 : i32
        %get3A_422 = arith.index_cast %add3A_421 : i32 to index
        %get3A_423 = arith.constant 16 : index
        %get3A_424 = tpu.vector_load %arg6[%get3A_422, %get3A_423] {strides = array<i32>} : memref<256x128xf32, #tpu.memory_space<vmem>>, vector<1x16xf32>,
        %get3A_425 = vector.shape_cast %get3A_424 : vector<1x16xf32> to vector<16xf32>
        %add3A_426 = arith.addf %add3A_417, %get3A_425 : vector<16xf32>
        %mul3A_427 = arith.constant 8 : i32
        %mul3A_428 = arith.muli %add3A_330, %mul3A_427 : i32
        %add3A_429 = arith.constant 3 : i32
        %add3A_430 = arith.addi %mul3A_428, %add3A_429 : i32
        %get3A_431 = arith.index_cast %add3A_430 : i32 to index
        %get3A_432 = arith.constant 16 : index
        %get3A_433 = tpu.vector_load %arg6[%get3A_431, %get3A_432] {strides = array<i32>} : memref<256x128xf32, #tpu.memory_space<vmem>>, vector<1x16xf32>,
        %get3A_434 = vector.shape_cast %get3A_433 : vector<1x16xf32> to vector<16xf32>
        %add3A_435 = arith.addf %add3A_426, %get3A_434 : vector<16xf32>
        %mul3A_436 = arith.constant 8 : i32
        %mul3A_437 = arith.muli %add3A_330, %mul3A_436 : i32
        %add3A_438 = arith.constant 4 : i32
        %add3A_439 = arith.addi %mul3A_437, %add3A_438 : i32
        %get3A_440 = arith.index_cast %add3A_439 : i32 to index
        %get3A_441 = arith.constant 16 : index
        %get3A_442 = tpu.vector_load %arg6[%get3A_440, %get3A_441] {strides = array<i32>} : memref<256x128xf32, #tpu.memory_space<vmem>>, vector<1x16xf32>,
        %get3A_443 = vector.shape_cast %get3A_442 : vector<1x16xf32> to vector<16xf32>
        %add3A_444 = arith.addf %add3A_435, %get3A_443 : vector<16xf32>
        %mul3A_445 = arith.constant 8 : i32
        %mul3A_446 = arith.muli %add3A_330, %mul3A_445 : i32
        %add3A_447 = arith.constant 5 : i32
        %add3A_448 = arith.addi %mul3A_446, %add3A_447 : i32
        %get3A_449 = arith.index_cast %add3A_448 : i32 to index
        %get3A_450 = arith.constant 16 : index
        %get3A_451 = tpu.vector_load %arg6[%get3A_449, %get3A_450] {strides = array<i32>} : memref<256x128xf32, #tpu.memory_space<vmem>>, vector<1x16xf32>,
        %get3A_452 = vector.shape_cast %get3A_451 : vector<1x16xf32> to vector<16xf32>
        %add3A_453 = arith.addf %add3A_444, %get3A_452 : vector<16xf32>
        %mul3A_454 = arith.constant 8 : i32
        %mul3A_455 = arith.muli %add3A_330, %mul3A_454 : i32
        %add3A_456 = arith.constant 6 : i32
        %add3A_457 = arith.addi %mul3A_455, %add3A_456 : i32
        %get3A_458 = arith.index_cast %add3A_457 : i32 to index
        %get3A_459 = arith.constant 16 : index
        %get3A_460 = tpu.vector_load %arg6[%get3A_458, %get3A_459] {strides = array<i32>} : memref<256x128xf32, #tpu.memory_space<vmem>>, vector<1x16xf32>,
        %get3A_461 = vector.shape_cast %get3A_460 : vector<1x16xf32> to vector<16xf32>
        %add3A_462 = arith.addf %add3A_453, %get3A_461 : vector<16xf32>
        %mul3A_463 = arith.constant 8 : i32
        %mul3A_464 = arith.muli %add3A_330, %mul3A_463 : i32
        %add3A_465 = arith.constant 7 : i32
        %add3A_466 = arith.addi %mul3A_464, %add3A_465 : i32
        %get3A_467 = arith.index_cast %add3A_466 : i32 to index
        %get3A_468 = arith.constant 16 : index
        %get3A_469 = tpu.vector_load %arg6[%get3A_467, %get3A_468] {strides = array<i32>} : memref<256x128xf32, #tpu.memory_space<vmem>>, vector<1x16xf32>,
        %get3A_470 = vector.shape_cast %get3A_469 : vector<1x16xf32> to vector<16xf32>
        %add3A_471 = arith.addf %add3A_462, %get3A_470 : vector<16xf32>
        %swap3A_472 = arith.index_cast %add3A_330 : i32 to index
        %swap3A_473 = arith.constant 16 : index
        %swap3A_474 = tpu.vector_load %arg8[%swap3A_472, %swap3A_473] {strides = array<i32>} : memref<32x128xf32, #tpu.memory_space<vmem>>, vector<1x16xf32>,
        %swap3A_475 = vector.shape_cast %swap3A_474 : vector<1x16xf32> to vector<16xf32>
        %swap3A_476 = vector.shape_cast %add3A_471 : vector<16xf32> to vector<1x16xf32>
        tpu.vector_store %arg8[%swap3A_472, %swap3A_473], %swap3A_476 {strides = array<i32>} : memref<32x128xf32, #tpu.memory_space<vmem>>, vector<1x16xf32>,
        %mul3A_477 = arith.constant 8 : i32
        %mul3A_478 = arith.muli %add3A_330, %mul3A_477 : i32
        %get3A_479 = arith.index_cast %mul3A_478 : i32 to index
        %get3A_480 = arith.constant 32 : index
        %get3A_481 = tpu.vector_load %arg6[%get3A_479, %get3A_480] {strides = array<i32>} : memref<256x128xf32, #tpu.memory_space<vmem>>, vector<1x16xf32>,
        %get3A_482 = vector.shape_cast %get3A_481 : vector<1x16xf32> to vector<16xf32>
        %mul3A_483 = arith.constant 8 : i32
        %mul3A_484 = arith.muli %add3A_330, %mul3A_483 : i32
        %add3A_485 = arith.constant 1 : i32
        %add3A_486 = arith.addi %mul3A_484, %add3A_485 : i32
        %get3A_487 = arith.index_cast %add3A_486 : i32 to index
        %get3A_488 = arith.constant 32 : index
        %get3A_489 = tpu.vector_load %arg6[%get3A_487, %get3A_488] {strides = array<i32>} : memref<256x128xf32, #tpu.memory_space<vmem>>, vector<1x16xf32>,
        %get3A_490 = vector.shape_cast %get3A_489 : vector<1x16xf32> to vector<16xf32>
        %add3A_491 = arith.addf %get3A_482, %get3A_490 : vector<16xf32>
        %mul3A_492 = arith.constant 8 : i32
        %mul3A_493 = arith.muli %add3A_330, %mul3A_492 : i32
        %add3A_494 = arith.constant 2 : i32
        %add3A_495 = arith.addi %mul3A_493, %add3A_494 : i32
        %get3A_496 = arith.index_cast %add3A_495 : i32 to index
        %get3A_497 = arith.constant 32 : index
        %get3A_498 = tpu.vector_load %arg6[%get3A_496, %get3A_497] {strides = array<i32>} : memref<256x128xf32, #tpu.memory_space<vmem>>, vector<1x16xf32>,
        %get3A_499 = vector.shape_cast %get3A_498 : vector<1x16xf32> to vector<16xf32>
        %add3A_500 = arith.addf %add3A_491, %get3A_499 : vector<16xf32>
        %mul3A_501 = arith.constant 8 : i32
        %mul3A_502 = arith.muli %add3A_330, %mul3A_501 : i32
        %add3A_503 = arith.constant 3 : i32
        %add3A_504 = arith.addi %mul3A_502, %add3A_503 : i32
        %get3A_505 = arith.index_cast %add3A_504 : i32 to index
        %get3A_506 = arith.constant 32 : index
        %get3A_507 = tpu.vector_load %arg6[%get3A_505, %get3A_506] {strides = array<i32>} : memref<256x128xf32, #tpu.memory_space<vmem>>, vector<1x16xf32>,
        %get3A_508 = vector.shape_cast %get3A_507 : vector<1x16xf32> to vector<16xf32>
        %add3A_509 = arith.addf %add3A_500, %get3A_508 : vector<16xf32>
        %mul3A_510 = arith.constant 8 : i32
        %mul3A_511 = arith.muli %add3A_330, %mul3A_510 : i32
        %add3A_512 = arith.constant 4 : i32
        %add3A_513 = arith.addi %mul3A_511, %add3A_512 : i32
        %get3A_514 = arith.index_cast %add3A_513 : i32 to index
        %get3A_515 = arith.constant 32 : index
        %get3A_516 = tpu.vector_load %arg6[%get3A_514, %get3A_515] {strides = array<i32>} : memref<256x128xf32, #tpu.memory_space<vmem>>, vector<1x16xf32>,
        %get3A_517 = vector.shape_cast %get3A_516 : vector<1x16xf32> to vector<16xf32>
        %add3A_518 = arith.addf %add3A_509, %get3A_517 : vector<16xf32>
        %mul3A_519 = arith.constant 8 : i32
        %mul3A_520 = arith.muli %add3A_330, %mul3A_519 : i32
        %add3A_521 = arith.constant 5 : i32
        %add3A_522 = arith.addi %mul3A_520, %add3A_521 : i32
        %get3A_523 = arith.index_cast %add3A_522 : i32 to index
        %get3A_524 = arith.constant 32 : index
        %get3A_525 = tpu.vector_load %arg6[%get3A_523, %get3A_524] {strides = array<i32>} : memref<256x128xf32, #tpu.memory_space<vmem>>, vector<1x16xf32>,
        %get3A_526 = vector.shape_cast %get3A_525 : vector<1x16xf32> to vector<16xf32>
        %add3A_527 = arith.addf %add3A_518, %get3A_526 : vector<16xf32>
        %mul3A_528 = arith.constant 8 : i32
        %mul3A_529 = arith.muli %add3A_330, %mul3A_528 : i32
        %add3A_530 = arith.constant 6 : i32
        %add3A_531 = arith.addi %mul3A_529, %add3A_530 : i32
        %get3A_532 = arith.index_cast %add3A_531 : i32 to index
        %get3A_533 = arith.constant 32 : index
        %get3A_534 = tpu.vector_load %arg6[%get3A_532, %get3A_533] {strides = array<i32>} : memref<256x128xf32, #tpu.memory_space<vmem>>, vector<1x16xf32>,
        %get3A_535 = vector.shape_cast %get3A_534 : vector<1x16xf32> to vector<16xf32>
        %add3A_536 = arith.addf %add3A_527, %get3A_535 : vector<16xf32>
        %mul3A_537 = arith.constant 8 : i32
        %mul3A_538 = arith.muli %add3A_330, %mul3A_537 : i32
        %add3A_539 = arith.constant 7 : i32
        %add3A_540 = arith.addi %mul3A_538, %add3A_539 : i32
        %get3A_541 = arith.index_cast %add3A_540 : i32 to index
        %get3A_542 = arith.constant 32 : index
        %get3A_543 = tpu.vector_load %arg6[%get3A_541, %get3A_542] {strides = array<i32>} : memref<256x128xf32, #tpu.memory_space<vmem>>, vector<1x16xf32>,
        %get3A_544 = vector.shape_cast %get3A_543 : vector<1x16xf32> to vector<16xf32>
        %add3A_545 = arith.addf %add3A_536, %get3A_544 : vector<16xf32>
        %swap3A_546 = arith.index_cast %add3A_330 : i32 to index
        %swap3A_547 = arith.constant 32 : index
        %swap3A_548 = tpu.vector_load %arg8[%swap3A_546, %swap3A_547] {strides = array<i32>} : memref<32x128xf32, #tpu.memory_space<vmem>>, vector<1x16xf32>,
        %swap3A_549 = vector.shape_cast %swap3A_548 : vector<1x16xf32> to vector<16xf32>
        %swap3A_550 = vector.shape_cast %add3A_545 : vector<16xf32> to vector<1x16xf32>
        tpu.vector_store %arg8[%swap3A_546, %swap3A_547], %swap3A_550 {strides = array<i32>} : memref<32x128xf32, #tpu.memory_space<vmem>>, vector<1x16xf32>,
        %mul3A_551 = arith.constant 8 : i32
        %mul3A_552 = arith.muli %add3A_330, %mul3A_551 : i32
        %get3A_553 = arith.index_cast %mul3A_552 : i32 to index
        %get3A_554 = arith.constant 48 : index
        %get3A_555 = tpu.vector_load %arg6[%get3A_553, %get3A_554] {strides = array<i32>} : memref<256x128xf32, #tpu.memory_space<vmem>>, vector<1x16xf32>,
        %get3A_556 = vector.shape_cast %get3A_555 : vector<1x16xf32> to vector<16xf32>
        %mul3A_557 = arith.constant 8 : i32
        %mul3A_558 = arith.muli %add3A_330, %mul3A_557 : i32
        %add3A_559 = arith.constant 1 : i32
        %add3A_560 = arith.addi %mul3A_558, %add3A_559 : i32
        %get3A_561 = arith.index_cast %add3A_560 : i32 to index
        %get3A_562 = arith.constant 48 : index
        %get3A_563 = tpu.vector_load %arg6[%get3A_561, %get3A_562] {strides = array<i32>} : memref<256x128xf32, #tpu.memory_space<vmem>>, vector<1x16xf32>,
        %get3A_564 = vector.shape_cast %get3A_563 : vector<1x16xf32> to vector<16xf32>
        %add3A_565 = arith.addf %get3A_556, %get3A_564 : vector<16xf32>
        %mul3A_566 = arith.constant 8 : i32
        %mul3A_567 = arith.muli %add3A_330, %mul3A_566 : i32
        %add3A_568 = arith.constant 2 : i32
        %add3A_569 = arith.addi %mul3A_567, %add3A_568 : i32
        %get3A_570 = arith.index_cast %add3A_569 : i32 to index
        %get3A_571 = arith.constant 48 : index
        %get3A_572 = tpu.vector_load %arg6[%get3A_570, %get3A_571] {strides = array<i32>} : memref<256x128xf32, #tpu.memory_space<vmem>>, vector<1x16xf32>,
        %get3A_573 = vector.shape_cast %get3A_572 : vector<1x16xf32> to vector<16xf32>
        %add3A_574 = arith.addf %add3A_565, %get3A_573 : vector<16xf32>
        %mul3A_575 = arith.constant 8 : i32
        %mul3A_576 = arith.muli %add3A_330, %mul3A_575 : i32
        %add3A_577 = arith.constant 3 : i32
        %add3A_578 = arith.addi %mul3A_576, %add3A_577 : i32
        %get3A_579 = arith.index_cast %add3A_578 : i32 to index
        %get3A_580 = arith.constant 48 : index
        %get3A_581 = tpu.vector_load %arg6[%get3A_579, %get3A_580] {strides = array<i32>} : memref<256x128xf32, #tpu.memory_space<vmem>>, vector<1x16xf32>,
        %get3A_582 = vector.shape_cast %get3A_581 : vector<1x16xf32> to vector<16xf32>
        %add3A_583 = arith.addf %add3A_574, %get3A_582 : vector<16xf32>
        %mul3A_584 = arith.constant 8 : i32
        %mul3A_585 = arith.muli %add3A_330, %mul3A_584 : i32
        %add3A_586 = arith.constant 4 : i32
        %add3A_587 = arith.addi %mul3A_585, %add3A_586 : i32
        %get3A_588 = arith.index_cast %add3A_587 : i32 to index
        %get3A_589 = arith.constant 48 : index
        %get3A_590 = tpu.vector_load %arg6[%get3A_588, %get3A_589] {strides = array<i32>} : memref<256x128xf32, #tpu.memory_space<vmem>>, vector<1x16xf32>,
        %get3A_591 = vector.shape_cast %get3A_590 : vector<1x16xf32> to vector<16xf32>
        %add3A_592 = arith.addf %add3A_583, %get3A_591 : vector<16xf32>
        %mul3A_593 = arith.constant 8 : i32
        %mul3A_594 = arith.muli %add3A_330, %mul3A_593 : i32
        %add3A_595 = arith.constant 5 : i32
        %add3A_596 = arith.addi %mul3A_594, %add3A_595 : i32
        %get3A_597 = arith.index_cast %add3A_596 : i32 to index
        %get3A_598 = arith.constant 48 : index
        %get3A_599 = tpu.vector_load %arg6[%get3A_597, %get3A_598] {strides = array<i32>} : memref<256x128xf32, #tpu.memory_space<vmem>>, vector<1x16xf32>,
        %get3A_600 = vector.shape_cast %get3A_599 : vector<1x16xf32> to vector<16xf32>
        %add3A_601 = arith.addf %add3A_592, %get3A_600 : vector<16xf32>
        %mul3A_602 = arith.constant 8 : i32
        %mul3A_603 = arith.muli %add3A_330, %mul3A_602 : i32
        %add3A_604 = arith.constant 6 : i32
        %add3A_605 = arith.addi %mul3A_603, %add3A_604 : i32
        %get3A_606 = arith.index_cast %add3A_605 : i32 to index
        %get3A_607 = arith.constant 48 : index
        %get3A_608 = tpu.vector_load %arg6[%get3A_606, %get3A_607] {strides = array<i32>} : memref<256x128xf32, #tpu.memory_space<vmem>>, vector<1x16xf32>,
        %get3A_609 = vector.shape_cast %get3A_608 : vector<1x16xf32> to vector<16xf32>
        %add3A_610 = arith.addf %add3A_601, %get3A_609 : vector<16xf32>
        %mul3A_611 = arith.constant 8 : i32
        %mul3A_612 = arith.muli %add3A_330, %mul3A_611 : i32
        %add3A_613 = arith.constant 7 : i32
        %add3A_614 = arith.addi %mul3A_612, %add3A_613 : i32
        %get3A_615 = arith.index_cast %add3A_614 : i32 to index
        %get3A_616 = arith.constant 48 : index
        %get3A_617 = tpu.vector_load %arg6[%get3A_615, %get3A_616] {strides = array<i32>} : memref<256x128xf32, #tpu.memory_space<vmem>>, vector<1x16xf32>,
        %get3A_618 = vector.shape_cast %get3A_617 : vector<1x16xf32> to vector<16xf32>
        %add3A_619 = arith.addf %add3A_610, %get3A_618 : vector<16xf32>
        %swap3A_620 = arith.index_cast %add3A_330 : i32 to index
        %swap3A_621 = arith.constant 48 : index
        %swap3A_622 = tpu.vector_load %arg8[%swap3A_620, %swap3A_621] {strides = array<i32>} : memref<32x128xf32, #tpu.memory_space<vmem>>, vector<1x16xf32>,
        %swap3A_623 = vector.shape_cast %swap3A_622 : vector<1x16xf32> to vector<16xf32>
        %swap3A_624 = vector.shape_cast %add3A_619 : vector<16xf32> to vector<1x16xf32>
        tpu.vector_store %arg8[%swap3A_620, %swap3A_621], %swap3A_624 {strides = array<i32>} : memref<32x128xf32, #tpu.memory_space<vmem>>, vector<1x16xf32>,
        %mul3A_625 = arith.constant 8 : i32
        %mul3A_626 = arith.muli %add3A_330, %mul3A_625 : i32
        %get3A_627 = arith.index_cast %mul3A_626 : i32 to index
        %get3A_628 = arith.constant 64 : index
        %get3A_629 = tpu.vector_load %arg6[%get3A_627, %get3A_628] {strides = array<i32>} : memref<256x128xf32, #tpu.memory_space<vmem>>, vector<1x16xf32>,
        %get3A_630 = vector.shape_cast %get3A_629 : vector<1x16xf32> to vector<16xf32>
        %mul3A_631 = arith.constant 8 : i32
        %mul3A_632 = arith.muli %add3A_330, %mul3A_631 : i32
        %add3A_633 = arith.constant 1 : i32
        %add3A_634 = arith.addi %mul3A_632, %add3A_633 : i32
        %get3A_635 = arith.index_cast %add3A_634 : i32 to index
        %get3A_636 = arith.constant 64 : index
        %get3A_637 = tpu.vector_load %arg6[%get3A_635, %get3A_636] {strides = array<i32>} : memref<256x128xf32, #tpu.memory_space<vmem>>, vector<1x16xf32>,
        %get3A_638 = vector.shape_cast %get3A_637 : vector<1x16xf32> to vector<16xf32>
        %add3A_639 = arith.addf %get3A_630, %get3A_638 : vector<16xf32>
        %mul3A_640 = arith.constant 8 : i32
        %mul3A_641 = arith.muli %add3A_330, %mul3A_640 : i32
        %add3A_642 = arith.constant 2 : i32
        %add3A_643 = arith.addi %mul3A_641, %add3A_642 : i32
        %get3A_644 = arith.index_cast %add3A_643 : i32 to index
        %get3A_645 = arith.constant 64 : index
        %get3A_646 = tpu.vector_load %arg6[%get3A_644, %get3A_645] {strides = array<i32>} : memref<256x128xf32, #tpu.memory_space<vmem>>, vector<1x16xf32>,
        %get3A_647 = vector.shape_cast %get3A_646 : vector<1x16xf32> to vector<16xf32>
        %add3A_648 = arith.addf %add3A_639, %get3A_647 : vector<16xf32>
        %mul3A_649 = arith.constant 8 : i32
        %mul3A_650 = arith.muli %add3A_330, %mul3A_649 : i32
        %add3A_651 = arith.constant 3 : i32
        %add3A_652 = arith.addi %mul3A_650, %add3A_651 : i32
        %get3A_653 = arith.index_cast %add3A_652 : i32 to index
        %get3A_654 = arith.constant 64 : index
        %get3A_655 = tpu.vector_load %arg6[%get3A_653, %get3A_654] {strides = array<i32>} : memref<256x128xf32, #tpu.memory_space<vmem>>, vector<1x16xf32>,
        %get3A_656 = vector.shape_cast %get3A_655 : vector<1x16xf32> to vector<16xf32>
        %add3A_657 = arith.addf %add3A_648, %get3A_656 : vector<16xf32>
        %mul3A_658 = arith.constant 8 : i32
        %mul3A_659 = arith.muli %add3A_330, %mul3A_658 : i32
        %add3A_660 = arith.constant 4 : i32
        %add3A_661 = arith.addi %mul3A_659, %add3A_660 : i32
        %get3A_662 = arith.index_cast %add3A_661 : i32 to index
        %get3A_663 = arith.constant 64 : index
        %get3A_664 = tpu.vector_load %arg6[%get3A_662, %get3A_663] {strides = array<i32>} : memref<256x128xf32, #tpu.memory_space<vmem>>, vector<1x16xf32>,
        %get3A_665 = vector.shape_cast %get3A_664 : vector<1x16xf32> to vector<16xf32>
        %add3A_666 = arith.addf %add3A_657, %get3A_665 : vector<16xf32>
        %mul3A_667 = arith.constant 8 : i32
        %mul3A_668 = arith.muli %add3A_330, %mul3A_667 : i32
        %add3A_669 = arith.constant 5 : i32
        %add3A_670 = arith.addi %mul3A_668, %add3A_669 : i32
        %get3A_671 = arith.index_cast %add3A_670 : i32 to index
        %get3A_672 = arith.constant 64 : index
        %get3A_673 = tpu.vector_load %arg6[%get3A_671, %get3A_672] {strides = array<i32>} : memref<256x128xf32, #tpu.memory_space<vmem>>, vector<1x16xf32>,
        %get3A_674 = vector.shape_cast %get3A_673 : vector<1x16xf32> to vector<16xf32>
        %add3A_675 = arith.addf %add3A_666, %get3A_674 : vector<16xf32>
        %mul3A_676 = arith.constant 8 : i32
        %mul3A_677 = arith.muli %add3A_330, %mul3A_676 : i32
        %add3A_678 = arith.constant 6 : i32
        %add3A_679 = arith.addi %mul3A_677, %add3A_678 : i32
        %get3A_680 = arith.index_cast %add3A_679 : i32 to index
        %get3A_681 = arith.constant 64 : index
        %get3A_682 = tpu.vector_load %arg6[%get3A_680, %get3A_681] {strides = array<i32>} : memref<256x128xf32, #tpu.memory_space<vmem>>, vector<1x16xf32>,
        %get3A_683 = vector.shape_cast %get3A_682 : vector<1x16xf32> to vector<16xf32>
        %add3A_684 = arith.addf %add3A_675, %get3A_683 : vector<16xf32>
        %mul3A_685 = arith.constant 8 : i32
        %mul3A_686 = arith.muli %add3A_330, %mul3A_685 : i32
        %add3A_687 = arith.constant 7 : i32
        %add3A_688 = arith.addi %mul3A_686, %add3A_687 : i32
        %get3A_689 = arith.index_cast %add3A_688 : i32 to index
        %get3A_690 = arith.constant 64 : index
        %get3A_691 = tpu.vector_load %arg6[%get3A_689, %get3A_690] {strides = array<i32>} : memref<256x128xf32, #tpu.memory_space<vmem>>, vector<1x16xf32>,
        %get3A_692 = vector.shape_cast %get3A_691 : vector<1x16xf32> to vector<16xf32>
        %add3A_693 = arith.addf %add3A_684, %get3A_692 : vector<16xf32>
        %swap3A_694 = arith.index_cast %add3A_330 : i32 to index
        %swap3A_695 = arith.constant 64 : index
        %swap3A_696 = tpu.vector_load %arg8[%swap3A_694, %swap3A_695] {strides = array<i32>} : memref<32x128xf32, #tpu.memory_space<vmem>>, vector<1x16xf32>,
        %swap3A_697 = vector.shape_cast %swap3A_696 : vector<1x16xf32> to vector<16xf32>
        %swap3A_698 = vector.shape_cast %add3A_693 : vector<16xf32> to vector<1x16xf32>
        tpu.vector_store %arg8[%swap3A_694, %swap3A_695], %swap3A_698 {strides = array<i32>} : memref<32x128xf32, #tpu.memory_space<vmem>>, vector<1x16xf32>,
        %mul3A_699 = arith.constant 8 : i32
        %mul3A_700 = arith.muli %add3A_330, %mul3A_699 : i32
        %get3A_701 = arith.index_cast %mul3A_700 : i32 to index
        %get3A_702 = arith.constant 80 : index
        %get3A_703 = tpu.vector_load %arg6[%get3A_701, %get3A_702] {strides = array<i32>} : memref<256x128xf32, #tpu.memory_space<vmem>>, vector<1x16xf32>,
        %get3A_704 = vector.shape_cast %get3A_703 : vector<1x16xf32> to vector<16xf32>
        %mul3A_705 = arith.constant 8 : i32
        %mul3A_706 = arith.muli %add3A_330, %mul3A_705 : i32
        %add3A_707 = arith.constant 1 : i32
        %add3A_708 = arith.addi %mul3A_706, %add3A_707 : i32
        %get3A_709 = arith.index_cast %add3A_708 : i32 to index
        %get3A_710 = arith.constant 80 : index
        %get3A_711 = tpu.vector_load %arg6[%get3A_709, %get3A_710] {strides = array<i32>} : memref<256x128xf32, #tpu.memory_space<vmem>>, vector<1x16xf32>,
        %get3A_712 = vector.shape_cast %get3A_711 : vector<1x16xf32> to vector<16xf32>
        %add3A_713 = arith.addf %get3A_704, %get3A_712 : vector<16xf32>
        %mul3A_714 = arith.constant 8 : i32
        %mul3A_715 = arith.muli %add3A_330, %mul3A_714 : i32
        %add3A_716 = arith.constant 2 : i32
        %add3A_717 = arith.addi %mul3A_715, %add3A_716 : i32
        %get3A_718 = arith.index_cast %add3A_717 : i32 to index
        %get3A_719 = arith.constant 80 : index
        %get3A_720 = tpu.vector_load %arg6[%get3A_718, %get3A_719] {strides = array<i32>} : memref<256x128xf32, #tpu.memory_space<vmem>>, vector<1x16xf32>,
        %get3A_721 = vector.shape_cast %get3A_720 : vector<1x16xf32> to vector<16xf32>
        %add3A_722 = arith.addf %add3A_713, %get3A_721 : vector<16xf32>
        %mul3A_723 = arith.constant 8 : i32
        %mul3A_724 = arith.muli %add3A_330, %mul3A_723 : i32
        %add3A_725 = arith.constant 3 : i32
        %add3A_726 = arith.addi %mul3A_724, %add3A_725 : i32
        %get3A_727 = arith.index_cast %add3A_726 : i32 to index
        %get3A_728 = arith.constant 80 : index
        %get3A_729 = tpu.vector_load %arg6[%get3A_727, %get3A_728] {strides = array<i32>} : memref<256x128xf32, #tpu.memory_space<vmem>>, vector<1x16xf32>,
        %get3A_730 = vector.shape_cast %get3A_729 : vector<1x16xf32> to vector<16xf32>
        %add3A_731 = arith.addf %add3A_722, %get3A_730 : vector<16xf32>
        %mul3A_732 = arith.constant 8 : i32
        %mul3A_733 = arith.muli %add3A_330, %mul3A_732 : i32
        %add3A_734 = arith.constant 4 : i32
        %add3A_735 = arith.addi %mul3A_733, %add3A_734 : i32
        %get3A_736 = arith.index_cast %add3A_735 : i32 to index
        %get3A_737 = arith.constant 80 : index
        %get3A_738 = tpu.vector_load %arg6[%get3A_736, %get3A_737] {strides = array<i32>} : memref<256x128xf32, #tpu.memory_space<vmem>>, vector<1x16xf32>,
        %get3A_739 = vector.shape_cast %get3A_738 : vector<1x16xf32> to vector<16xf32>
        %add3A_740 = arith.addf %add3A_731, %get3A_739 : vector<16xf32>
        %mul3A_741 = arith.constant 8 : i32
        %mul3A_742 = arith.muli %add3A_330, %mul3A_741 : i32
        %add3A_743 = arith.constant 5 : i32
        %add3A_744 = arith.addi %mul3A_742, %add3A_743 : i32
        %get3A_745 = arith.index_cast %add3A_744 : i32 to index
        %get3A_746 = arith.constant 80 : index
        %get3A_747 = tpu.vector_load %arg6[%get3A_745, %get3A_746] {strides = array<i32>} : memref<256x128xf32, #tpu.memory_space<vmem>>, vector<1x16xf32>,
        %get3A_748 = vector.shape_cast %get3A_747 : vector<1x16xf32> to vector<16xf32>
        %add3A_749 = arith.addf %add3A_740, %get3A_748 : vector<16xf32>
        %mul3A_750 = arith.constant 8 : i32
        %mul3A_751 = arith.muli %add3A_330, %mul3A_750 : i32
        %add3A_752 = arith.constant 6 : i32
        %add3A_753 = arith.addi %mul3A_751, %add3A_752 : i32
        %get3A_754 = arith.index_cast %add3A_753 : i32 to index
        %get3A_755 = arith.constant 80 : index
        %get3A_756 = tpu.vector_load %arg6[%get3A_754, %get3A_755] {strides = array<i32>} : memref<256x128xf32, #tpu.memory_space<vmem>>, vector<1x16xf32>,
        %get3A_757 = vector.shape_cast %get3A_756 : vector<1x16xf32> to vector<16xf32>
        %add3A_758 = arith.addf %add3A_749, %get3A_757 : vector<16xf32>
        %mul3A_759 = arith.constant 8 : i32
        %mul3A_760 = arith.muli %add3A_330, %mul3A_759 : i32
        %add3A_761 = arith.constant 7 : i32
        %add3A_762 = arith.addi %mul3A_760, %add3A_761 : i32
        %get3A_763 = arith.index_cast %add3A_762 : i32 to index
        %get3A_764 = arith.constant 80 : index
        %get3A_765 = tpu.vector_load %arg6[%get3A_763, %get3A_764] {strides = array<i32>} : memref<256x128xf32, #tpu.memory_space<vmem>>, vector<1x16xf32>,
        %get3A_766 = vector.shape_cast %get3A_765 : vector<1x16xf32> to vector<16xf32>
        %add3A_767 = arith.addf %add3A_758, %get3A_766 : vector<16xf32>
        %swap3A_768 = arith.index_cast %add3A_330 : i32 to index
        %swap3A_769 = arith.constant 80 : index
        %swap3A_770 = tpu.vector_load %arg8[%swap3A_768, %swap3A_769] {strides = array<i32>} : memref<32x128xf32, #tpu.memory_space<vmem>>, vector<1x16xf32>,
        %swap3A_771 = vector.shape_cast %swap3A_770 : vector<1x16xf32> to vector<16xf32>
        %swap3A_772 = vector.shape_cast %add3A_767 : vector<16xf32> to vector<1x16xf32>
        tpu.vector_store %arg8[%swap3A_768, %swap3A_769], %swap3A_772 {strides = array<i32>} : memref<32x128xf32, #tpu.memory_space<vmem>>, vector<1x16xf32>,
        %mul3A_773 = arith.constant 8 : i32
        %mul3A_774 = arith.muli %add3A_330, %mul3A_773 : i32
        %get3A_775 = arith.index_cast %mul3A_774 : i32 to index
        %get3A_776 = arith.constant 96 : index
        %get3A_777 = tpu.vector_load %arg6[%get3A_775, %get3A_776] {strides = array<i32>} : memref<256x128xf32, #tpu.memory_space<vmem>>, vector<1x16xf32>,
        %get3A_778 = vector.shape_cast %get3A_777 : vector<1x16xf32> to vector<16xf32>
        %mul3A_779 = arith.constant 8 : i32
        %mul3A_780 = arith.muli %add3A_330, %mul3A_779 : i32
        %add3A_781 = arith.constant 1 : i32
        %add3A_782 = arith.addi %mul3A_780, %add3A_781 : i32
        %get3A_783 = arith.index_cast %add3A_782 : i32 to index
        %get3A_784 = arith.constant 96 : index
        %get3A_785 = tpu.vector_load %arg6[%get3A_783, %get3A_784] {strides = array<i32>} : memref<256x128xf32, #tpu.memory_space<vmem>>, vector<1x16xf32>,
        %get3A_786 = vector.shape_cast %get3A_785 : vector<1x16xf32> to vector<16xf32>
        %add3A_787 = arith.addf %get3A_778, %get3A_786 : vector<16xf32>
        %mul3A_788 = arith.constant 8 : i32
        %mul3A_789 = arith.muli %add3A_330, %mul3A_788 : i32
        %add3A_790 = arith.constant 2 : i32
        %add3A_791 = arith.addi %mul3A_789, %add3A_790 : i32
        %get3A_792 = arith.index_cast %add3A_791 : i32 to index
        %get3A_793 = arith.constant 96 : index
        %get3A_794 = tpu.vector_load %arg6[%get3A_792, %get3A_793] {strides = array<i32>} : memref<256x128xf32, #tpu.memory_space<vmem>>, vector<1x16xf32>,
        %get3A_795 = vector.shape_cast %get3A_794 : vector<1x16xf32> to vector<16xf32>
        %add3A_796 = arith.addf %add3A_787, %get3A_795 : vector<16xf32>
        %mul3A_797 = arith.constant 8 : i32
        %mul3A_798 = arith.muli %add3A_330, %mul3A_797 : i32
        %add3A_799 = arith.constant 3 : i32
        %add3A_800 = arith.addi %mul3A_798, %add3A_799 : i32
        %get3A_801 = arith.index_cast %add3A_800 : i32 to index
        %get3A_802 = arith.constant 96 : index
        %get3A_803 = tpu.vector_load %arg6[%get3A_801, %get3A_802] {strides = array<i32>} : memref<256x128xf32, #tpu.memory_space<vmem>>, vector<1x16xf32>,
        %get3A_804 = vector.shape_cast %get3A_803 : vector<1x16xf32> to vector<16xf32>
        %add3A_805 = arith.addf %add3A_796, %get3A_804 : vector<16xf32>
        %mul3A_806 = arith.constant 8 : i32
        %mul3A_807 = arith.muli %add3A_330, %mul3A_806 : i32
        %add3A_808 = arith.constant 4 : i32
        %add3A_809 = arith.addi %mul3A_807, %add3A_808 : i32
        %get3A_810 = arith.index_cast %add3A_809 : i32 to index
        %get3A_811 = arith.constant 96 : index
        %get3A_812 = tpu.vector_load %arg6[%get3A_810, %get3A_811] {strides = array<i32>} : memref<256x128xf32, #tpu.memory_space<vmem>>, vector<1x16xf32>,
        %get3A_813 = vector.shape_cast %get3A_812 : vector<1x16xf32> to vector<16xf32>
        %add3A_814 = arith.addf %add3A_805, %get3A_813 : vector<16xf32>
        %mul3A_815 = arith.constant 8 : i32
        %mul3A_816 = arith.muli %add3A_330, %mul3A_815 : i32
        %add3A_817 = arith.constant 5 : i32
        %add3A_818 = arith.addi %mul3A_816, %add3A_817 : i32
        %get3A_819 = arith.index_cast %add3A_818 : i32 to index
        %get3A_820 = arith.constant 96 : index
        %get3A_821 = tpu.vector_load %arg6[%get3A_819, %get3A_820] {strides = array<i32>} : memref<256x128xf32, #tpu.memory_space<vmem>>, vector<1x16xf32>,
        %get3A_822 = vector.shape_cast %get3A_821 : vector<1x16xf32> to vector<16xf32>
        %add3A_823 = arith.addf %add3A_814, %get3A_822 : vector<16xf32>
        %mul3A_824 = arith.constant 8 : i32
        %mul3A_825 = arith.muli %add3A_330, %mul3A_824 : i32
        %add3A_826 = arith.constant 6 : i32
        %add3A_827 = arith.addi %mul3A_825, %add3A_826 : i32
        %get3A_828 = arith.index_cast %add3A_827 : i32 to index
        %get3A_829 = arith.constant 96 : index
        %get3A_830 = tpu.vector_load %arg6[%get3A_828, %get3A_829] {strides = array<i32>} : memref<256x128xf32, #tpu.memory_space<vmem>>, vector<1x16xf32>,
        %get3A_831 = vector.shape_cast %get3A_830 : vector<1x16xf32> to vector<16xf32>
        %add3A_832 = arith.addf %add3A_823, %get3A_831 : vector<16xf32>
        %mul3A_833 = arith.constant 8 : i32
        %mul3A_834 = arith.muli %add3A_330, %mul3A_833 : i32
        %add3A_835 = arith.constant 7 : i32
        %add3A_836 = arith.addi %mul3A_834, %add3A_835 : i32
        %get3A_837 = arith.index_cast %add3A_836 : i32 to index
        %get3A_838 = arith.constant 96 : index
        %get3A_839 = tpu.vector_load %arg6[%get3A_837, %get3A_838] {strides = array<i32>} : memref<256x128xf32, #tpu.memory_space<vmem>>, vector<1x16xf32>,
        %get3A_840 = vector.shape_cast %get3A_839 : vector<1x16xf32> to vector<16xf32>
        %add3A_841 = arith.addf %add3A_832, %get3A_840 : vector<16xf32>
        %swap3A_842 = arith.index_cast %add3A_330 : i32 to index
        %swap3A_843 = arith.constant 96 : index
        %swap3A_844 = tpu.vector_load %arg8[%swap3A_842, %swap3A_843] {strides = array<i32>} : memref<32x128xf32, #tpu.memory_space<vmem>>, vector<1x16xf32>,
        %swap3A_845 = vector.shape_cast %swap3A_844 : vector<1x16xf32> to vector<16xf32>
        %swap3A_846 = vector.shape_cast %add3A_841 : vector<16xf32> to vector<1x16xf32>
        tpu.vector_store %arg8[%swap3A_842, %swap3A_843], %swap3A_846 {strides = array<i32>} : memref<32x128xf32, #tpu.memory_space<vmem>>, vector<1x16xf32>,
        %mul3A_847 = arith.constant 8 : i32
        %mul3A_848 = arith.muli %add3A_330, %mul3A_847 : i32
        %get3A_849 = arith.index_cast %mul3A_848 : i32 to index
        %get3A_850 = arith.constant 112 : index
        %get3A_851 = tpu.vector_load %arg6[%get3A_849, %get3A_850] {strides = array<i32>} : memref<256x128xf32, #tpu.memory_space<vmem>>, vector<1x16xf32>,
        %get3A_852 = vector.shape_cast %get3A_851 : vector<1x16xf32> to vector<16xf32>
        %mul3A_853 = arith.constant 8 : i32
        %mul3A_854 = arith.muli %add3A_330, %mul3A_853 : i32
        %add3A_855 = arith.constant 1 : i32
        %add3A_856 = arith.addi %mul3A_854, %add3A_855 : i32
        %get3A_857 = arith.index_cast %add3A_856 : i32 to index
        %get3A_858 = arith.constant 112 : index
        %get3A_859 = tpu.vector_load %arg6[%get3A_857, %get3A_858] {strides = array<i32>} : memref<256x128xf32, #tpu.memory_space<vmem>>, vector<1x16xf32>,
        %get3A_860 = vector.shape_cast %get3A_859 : vector<1x16xf32> to vector<16xf32>
        %add3A_861 = arith.addf %get3A_852, %get3A_860 : vector<16xf32>
        %mul3A_862 = arith.constant 8 : i32
        %mul3A_863 = arith.muli %add3A_330, %mul3A_862 : i32
        %add3A_864 = arith.constant 2 : i32
        %add3A_865 = arith.addi %mul3A_863, %add3A_864 : i32
        %get3A_866 = arith.index_cast %add3A_865 : i32 to index
        %get3A_867 = arith.constant 112 : index
        %get3A_868 = tpu.vector_load %arg6[%get3A_866, %get3A_867] {strides = array<i32>} : memref<256x128xf32, #tpu.memory_space<vmem>>, vector<1x16xf32>,
        %get3A_869 = vector.shape_cast %get3A_868 : vector<1x16xf32> to vector<16xf32>
        %add3A_870 = arith.addf %add3A_861, %get3A_869 : vector<16xf32>
        %mul3A_871 = arith.constant 8 : i32
        %mul3A_872 = arith.muli %add3A_330, %mul3A_871 : i32
        %add3A_873 = arith.constant 3 : i32
        %add3A_874 = arith.addi %mul3A_872, %add3A_873 : i32
        %get3A_875 = arith.index_cast %add3A_874 : i32 to index
        %get3A_876 = arith.constant 112 : index
        %get3A_877 = tpu.vector_load %arg6[%get3A_875, %get3A_876] {strides = array<i32>} : memref<256x128xf32, #tpu.memory_space<vmem>>, vector<1x16xf32>,
        %get3A_878 = vector.shape_cast %get3A_877 : vector<1x16xf32> to vector<16xf32>
        %add3A_879 = arith.addf %add3A_870, %get3A_878 : vector<16xf32>
        %mul3A_880 = arith.constant 8 : i32
        %mul3A_881 = arith.muli %add3A_330, %mul3A_880 : i32
        %add3A_882 = arith.constant 4 : i32
        %add3A_883 = arith.addi %mul3A_881, %add3A_882 : i32
        %get3A_884 = arith.index_cast %add3A_883 : i32 to index
        %get3A_885 = arith.constant 112 : index
        %get3A_886 = tpu.vector_load %arg6[%get3A_884, %get3A_885] {strides = array<i32>} : memref<256x128xf32, #tpu.memory_space<vmem>>, vector<1x16xf32>,
        %get3A_887 = vector.shape_cast %get3A_886 : vector<1x16xf32> to vector<16xf32>
        %add3A_888 = arith.addf %add3A_879, %get3A_887 : vector<16xf32>
        %mul3A_889 = arith.constant 8 : i32
        %mul3A_890 = arith.muli %add3A_330, %mul3A_889 : i32
        %add3A_891 = arith.constant 5 : i32
        %add3A_892 = arith.addi %mul3A_890, %add3A_891 : i32
        %get3A_893 = arith.index_cast %add3A_892 : i32 to index
        %get3A_894 = arith.constant 112 : index
        %get3A_895 = tpu.vector_load %arg6[%get3A_893, %get3A_894] {strides = array<i32>} : memref<256x128xf32, #tpu.memory_space<vmem>>, vector<1x16xf32>,
        %get3A_896 = vector.shape_cast %get3A_895 : vector<1x16xf32> to vector<16xf32>
        %add3A_897 = arith.addf %add3A_888, %get3A_896 : vector<16xf32>
        %mul3A_898 = arith.constant 8 : i32
        %mul3A_899 = arith.muli %add3A_330, %mul3A_898 : i32
        %add3A_900 = arith.constant 6 : i32
        %add3A_901 = arith.addi %mul3A_899, %add3A_900 : i32
        %get3A_902 = arith.index_cast %add3A_901 : i32 to index
        %get3A_903 = arith.constant 112 : index
        %get3A_904 = tpu.vector_load %arg6[%get3A_902, %get3A_903] {strides = array<i32>} : memref<256x128xf32, #tpu.memory_space<vmem>>, vector<1x16xf32>,
        %get3A_905 = vector.shape_cast %get3A_904 : vector<1x16xf32> to vector<16xf32>
        %add3A_906 = arith.addf %add3A_897, %get3A_905 : vector<16xf32>
        %mul3A_907 = arith.constant 8 : i32
        %mul3A_908 = arith.muli %add3A_330, %mul3A_907 : i32
        %add3A_909 = arith.constant 7 : i32
        %add3A_910 = arith.addi %mul3A_908, %add3A_909 : i32
        %get3A_911 = arith.index_cast %add3A_910 : i32 to index
        %get3A_912 = arith.constant 112 : index
        %get3A_913 = tpu.vector_load %arg6[%get3A_911, %get3A_912] {strides = array<i32>} : memref<256x128xf32, #tpu.memory_space<vmem>>, vector<1x16xf32>,
        %get3A_914 = vector.shape_cast %get3A_913 : vector<1x16xf32> to vector<16xf32>
        %add3A_915 = arith.addf %add3A_906, %get3A_914 : vector<16xf32>
        %swap3A_916 = arith.index_cast %add3A_330 : i32 to index
        %swap3A_917 = arith.constant 112 : index
        %swap3A_918 = tpu.vector_load %arg8[%swap3A_916, %swap3A_917] {strides = array<i32>} : memref<32x128xf32, #tpu.memory_space<vmem>>, vector<1x16xf32>,
        %swap3A_919 = vector.shape_cast %swap3A_918 : vector<1x16xf32> to vector<16xf32>
        %swap3A_920 = vector.shape_cast %add3A_915 : vector<16xf32> to vector<1x16xf32>
        tpu.vector_store %arg8[%swap3A_916, %swap3A_917], %swap3A_920 {strides = array<i32>} : memref<32x128xf32, #tpu.memory_space<vmem>>, vector<1x16xf32>,
        %mul3A_921 = arith.constant 2 : i32
        %mul3A_922 = arith.muli %scan3A_326, %mul3A_921 : i32
        %add3A_923 = arith.constant 1 : i32
        %add3A_924 = arith.addi %mul3A_922, %add3A_923 : i32
        %mul3A_925 = arith.constant 8 : i32
        %mul3A_926 = arith.muli %add3A_924, %mul3A_925 : i32
        %get3A_927 = arith.index_cast %mul3A_926 : i32 to index
        %get3A_928 = arith.constant 0 : index
        %get3A_929 = tpu.vector_load %arg6[%get3A_927, %get3A_928] {strides = array<i32>} : memref<256x128xf32, #tpu.memory_space<vmem>>, vector<1x16xf32>,
        %get3A_930 = vector.shape_cast %get3A_929 : vector<1x16xf32> to vector<16xf32>
        %mul3A_931 = arith.constant 8 : i32
        %mul3A_932 = arith.muli %add3A_924, %mul3A_931 : i32
        %add3A_933 = arith.constant 1 : i32
        %add3A_934 = arith.addi %mul3A_932, %add3A_933 : i32
        %get3A_935 = arith.index_cast %add3A_934 : i32 to index
        %get3A_936 = arith.constant 0 : index
        %get3A_937 = tpu.vector_load %arg6[%get3A_935, %get3A_936] {strides = array<i32>} : memref<256x128xf32, #tpu.memory_space<vmem>>, vector<1x16xf32>,
        %get3A_938 = vector.shape_cast %get3A_937 : vector<1x16xf32> to vector<16xf32>
        %add3A_939 = arith.addf %get3A_930, %get3A_938 : vector<16xf32>
        %mul3A_940 = arith.constant 8 : i32
        %mul3A_941 = arith.muli %add3A_924, %mul3A_940 : i32
        %add3A_942 = arith.constant 2 : i32
        %add3A_943 = arith.addi %mul3A_941, %add3A_942 : i32
        %get3A_944 = arith.index_cast %add3A_943 : i32 to index
        %get3A_945 = arith.constant 0 : index
        %get3A_946 = tpu.vector_load %arg6[%get3A_944, %get3A_945] {strides = array<i32>} : memref<256x128xf32, #tpu.memory_space<vmem>>, vector<1x16xf32>,
        %get3A_947 = vector.shape_cast %get3A_946 : vector<1x16xf32> to vector<16xf32>
        %add3A_948 = arith.addf %add3A_939, %get3A_947 : vector<16xf32>
        %mul3A_949 = arith.constant 8 : i32
        %mul3A_950 = arith.muli %add3A_924, %mul3A_949 : i32
        %add3A_951 = arith.constant 3 : i32
        %add3A_952 = arith.addi %mul3A_950, %add3A_951 : i32
        %get3A_953 = arith.index_cast %add3A_952 : i32 to index
        %get3A_954 = arith.constant 0 : index
        %get3A_955 = tpu.vector_load %arg6[%get3A_953, %get3A_954] {strides = array<i32>} : memref<256x128xf32, #tpu.memory_space<vmem>>, vector<1x16xf32>,
        %get3A_956 = vector.shape_cast %get3A_955 : vector<1x16xf32> to vector<16xf32>
        %add3A_957 = arith.addf %add3A_948, %get3A_956 : vector<16xf32>
        %mul3A_958 = arith.constant 8 : i32
        %mul3A_959 = arith.muli %add3A_924, %mul3A_958 : i32
        %add3A_960 = arith.constant 4 : i32
        %add3A_961 = arith.addi %mul3A_959, %add3A_960 : i32
        %get3A_962 = arith.index_cast %add3A_961 : i32 to index
        %get3A_963 = arith.constant 0 : index
        %get3A_964 = tpu.vector_load %arg6[%get3A_962, %get3A_963] {strides = array<i32>} : memref<256x128xf32, #tpu.memory_space<vmem>>, vector<1x16xf32>,
        %get3A_965 = vector.shape_cast %get3A_964 : vector<1x16xf32> to vector<16xf32>
        %add3A_966 = arith.addf %add3A_957, %get3A_965 : vector<16xf32>
        %mul3A_967 = arith.constant 8 : i32
        %mul3A_968 = arith.muli %add3A_924, %mul3A_967 : i32
        %add3A_969 = arith.constant 5 : i32
        %add3A_970 = arith.addi %mul3A_968, %add3A_969 : i32
        %get3A_971 = arith.index_cast %add3A_970 : i32 to index
        %get3A_972 = arith.constant 0 : index
        %get3A_973 = tpu.vector_load %arg6[%get3A_971, %get3A_972] {strides = array<i32>} : memref<256x128xf32, #tpu.memory_space<vmem>>, vector<1x16xf32>,
        %get3A_974 = vector.shape_cast %get3A_973 : vector<1x16xf32> to vector<16xf32>
        %add3A_975 = arith.addf %add3A_966, %get3A_974 : vector<16xf32>
        %mul3A_976 = arith.constant 8 : i32
        %mul3A_977 = arith.muli %add3A_924, %mul3A_976 : i32
        %add3A_978 = arith.constant 6 : i32
        %add3A_979 = arith.addi %mul3A_977, %add3A_978 : i32
        %get3A_980 = arith.index_cast %add3A_979 : i32 to index
        %get3A_981 = arith.constant 0 : index
        %get3A_982 = tpu.vector_load %arg6[%get3A_980, %get3A_981] {strides = array<i32>} : memref<256x128xf32, #tpu.memory_space<vmem>>, vector<1x16xf32>,
        %get3A_983 = vector.shape_cast %get3A_982 : vector<1x16xf32> to vector<16xf32>
        %add3A_984 = arith.addf %add3A_975, %get3A_983 : vector<16xf32>
        %mul3A_985 = arith.constant 8 : i32
        %mul3A_986 = arith.muli %add3A_924, %mul3A_985 : i32
        %add3A_987 = arith.constant 7 : i32
        %add3A_988 = arith.addi %mul3A_986, %add3A_987 : i32
        %get3A_989 = arith.index_cast %add3A_988 : i32 to index
        %get3A_990 = arith.constant 0 : index
        %get3A_991 = tpu.vector_load %arg6[%get3A_989, %get3A_990] {strides = array<i32>} : memref<256x128xf32, #tpu.memory_space<vmem>>, vector<1x16xf32>,
        %get3A_992 = vector.shape_cast %get3A_991 : vector<1x16xf32> to vector<16xf32>
        %add3A_993 = arith.addf %add3A_984, %get3A_992 : vector<16xf32>
        %swap3A_994 = arith.index_cast %add3A_924 : i32 to index
        %swap3A_995 = arith.constant 0 : index
        %swap3A_996 = tpu.vector_load %arg8[%swap3A_994, %swap3A_995] {strides = array<i32>} : memref<32x128xf32, #tpu.memory_space<vmem>>, vector<1x16xf32>,
        %swap3A_997 = vector.shape_cast %swap3A_996 : vector<1x16xf32> to vector<16xf32>
        %swap3A_998 = vector.shape_cast %add3A_993 : vector<16xf32> to vector<1x16xf32>
        tpu.vector_store %arg8[%swap3A_994, %swap3A_995], %swap3A_998 {strides = array<i32>} : memref<32x128xf32, #tpu.memory_space<vmem>>, vector<1x16xf32>,
        %mul3A_999 = arith.constant 8 : i32
        %mul3A_1000 = arith.muli %add3A_924, %mul3A_999 : i32
        %get3A_1001 = arith.index_cast %mul3A_1000 : i32 to index
        %get3A_1002 = arith.constant 16 : index
        %get3A_1003 = tpu.vector_load %arg6[%get3A_1001, %get3A_1002] {strides = array<i32>} : memref<256x128xf32, #tpu.memory_space<vmem>>, vector<1x16xf32>,
        %get3A_1004 = vector.shape_cast %get3A_1003 : vector<1x16xf32> to vector<16xf32>
        %mul3A_1005 = arith.constant 8 : i32
        %mul3A_1006 = arith.muli %add3A_924, %mul3A_1005 : i32
        %add3A_1007 = arith.constant 1 : i32
        %add3A_1008 = arith.addi %mul3A_1006, %add3A_1007 : i32
        %get3A_1009 = arith.index_cast %add3A_1008 : i32 to index
        %get3A_1010 = arith.constant 16 : index
        %get3A_1011 = tpu.vector_load %arg6[%get3A_1009, %get3A_1010] {strides = array<i32>} : memref<256x128xf32, #tpu.memory_space<vmem>>, vector<1x16xf32>,
        %get3A_1012 = vector.shape_cast %get3A_1011 : vector<1x16xf32> to vector<16xf32>
        %add3A_1013 = arith.addf %get3A_1004, %get3A_1012 : vector<16xf32>
        %mul3A_1014 = arith.constant 8 : i32
        %mul3A_1015 = arith.muli %add3A_924, %mul3A_1014 : i32
        %add3A_1016 = arith.constant 2 : i32
        %add3A_1017 = arith.addi %mul3A_1015, %add3A_1016 : i32
        %get3A_1018 = arith.index_cast %add3A_1017 : i32 to index
        %get3A_1019 = arith.constant 16 : index
        %get3A_1020 = tpu.vector_load %arg6[%get3A_1018, %get3A_1019] {strides = array<i32>} : memref<256x128xf32, #tpu.memory_space<vmem>>, vector<1x16xf32>,
        %get3A_1021 = vector.shape_cast %get3A_1020 : vector<1x16xf32> to vector<16xf32>
        %add3A_1022 = arith.addf %add3A_1013, %get3A_1021 : vector<16xf32>
        %mul3A_1023 = arith.constant 8 : i32
        %mul3A_1024 = arith.muli %add3A_924, %mul3A_1023 : i32
        %add3A_1025 = arith.constant 3 : i32
        %add3A_1026 = arith.addi %mul3A_1024, %add3A_1025 : i32
        %get3A_1027 = arith.index_cast %add3A_1026 : i32 to index
        %get3A_1028 = arith.constant 16 : index
        %get3A_1029 = tpu.vector_load %arg6[%get3A_1027, %get3A_1028] {strides = array<i32>} : memref<256x128xf32, #tpu.memory_space<vmem>>, vector<1x16xf32>,
        %get3A_1030 = vector.shape_cast %get3A_1029 : vector<1x16xf32> to vector<16xf32>
        %add3A_1031 = arith.addf %add3A_1022, %get3A_1030 : vector<16xf32>
        %mul3A_1032 = arith.constant 8 : i32
        %mul3A_1033 = arith.muli %add3A_924, %mul3A_1032 : i32
        %add3A_1034 = arith.constant 4 : i32
        %add3A_1035 = arith.addi %mul3A_1033, %add3A_1034 : i32
        %get3A_1036 = arith.index_cast %add3A_1035 : i32 to index
        %get3A_1037 = arith.constant 16 : index
        %get3A_1038 = tpu.vector_load %arg6[%get3A_1036, %get3A_1037] {strides = array<i32>} : memref<256x128xf32, #tpu.memory_space<vmem>>, vector<1x16xf32>,
        %get3A_1039 = vector.shape_cast %get3A_1038 : vector<1x16xf32> to vector<16xf32>
        %add3A_1040 = arith.addf %add3A_1031, %get3A_1039 : vector<16xf32>
        %mul3A_1041 = arith.constant 8 : i32
        %mul3A_1042 = arith.muli %add3A_924, %mul3A_1041 : i32
        %add3A_1043 = arith.constant 5 : i32
        %add3A_1044 = arith.addi %mul3A_1042, %add3A_1043 : i32
        %get3A_1045 = arith.index_cast %add3A_1044 : i32 to index
        %get3A_1046 = arith.constant 16 : index
        %get3A_1047 = tpu.vector_load %arg6[%get3A_1045, %get3A_1046] {strides = array<i32>} : memref<256x128xf32, #tpu.memory_space<vmem>>, vector<1x16xf32>,
        %get3A_1048 = vector.shape_cast %get3A_1047 : vector<1x16xf32> to vector<16xf32>
        %add3A_1049 = arith.addf %add3A_1040, %get3A_1048 : vector<16xf32>
        %mul3A_1050 = arith.constant 8 : i32
        %mul3A_1051 = arith.muli %add3A_924, %mul3A_1050 : i32
        %add3A_1052 = arith.constant 6 : i32
        %add3A_1053 = arith.addi %mul3A_1051, %add3A_1052 : i32
        %get3A_1054 = arith.index_cast %add3A_1053 : i32 to index
        %get3A_1055 = arith.constant 16 : index
        %get3A_1056 = tpu.vector_load %arg6[%get3A_1054, %get3A_1055] {strides = array<i32>} : memref<256x128xf32, #tpu.memory_space<vmem>>, vector<1x16xf32>,
        %get3A_1057 = vector.shape_cast %get3A_1056 : vector<1x16xf32> to vector<16xf32>
        %add3A_1058 = arith.addf %add3A_1049, %get3A_1057 : vector<16xf32>
        %mul3A_1059 = arith.constant 8 : i32
        %mul3A_1060 = arith.muli %add3A_924, %mul3A_1059 : i32
        %add3A_1061 = arith.constant 7 : i32
        %add3A_1062 = arith.addi %mul3A_1060, %add3A_1061 : i32
        %get3A_1063 = arith.index_cast %add3A_1062 : i32 to index
        %get3A_1064 = arith.constant 16 : index
        %get3A_1065 = tpu.vector_load %arg6[%get3A_1063, %get3A_1064] {strides = array<i32>} : memref<256x128xf32, #tpu.memory_space<vmem>>, vector<1x16xf32>,
        %get3A_1066 = vector.shape_cast %get3A_1065 : vector<1x16xf32> to vector<16xf32>
        %add3A_1067 = arith.addf %add3A_1058, %get3A_1066 : vector<16xf32>
        %swap3A_1068 = arith.index_cast %add3A_924 : i32 to index
        %swap3A_1069 = arith.constant 16 : index
        %swap3A_1070 = tpu.vector_load %arg8[%swap3A_1068, %swap3A_1069] {strides = array<i32>} : memref<32x128xf32, #tpu.memory_space<vmem>>, vector<1x16xf32>,
        %swap3A_1071 = vector.shape_cast %swap3A_1070 : vector<1x16xf32> to vector<16xf32>
        %swap3A_1072 = vector.shape_cast %add3A_1067 : vector<16xf32> to vector<1x16xf32>
        tpu.vector_store %arg8[%swap3A_1068, %swap3A_1069], %swap3A_1072 {strides = array<i32>} : memref<32x128xf32, #tpu.memory_space<vmem>>, vector<1x16xf32>,
        %mul3A_1073 = arith.constant 8 : i32
        %mul3A_1074 = arith.muli %add3A_924, %mul3A_1073 : i32
        %get3A_1075 = arith.index_cast %mul3A_1074 : i32 to index
        %get3A_1076 = arith.constant 32 : index
        %get3A_1077 = tpu.vector_load %arg6[%get3A_1075, %get3A_1076] {strides = array<i32>} : memref<256x128xf32, #tpu.memory_space<vmem>>, vector<1x16xf32>,
        %get3A_1078 = vector.shape_cast %get3A_1077 : vector<1x16xf32> to vector<16xf32>
        %mul3A_1079 = arith.constant 8 : i32
        %mul3A_1080 = arith.muli %add3A_924, %mul3A_1079 : i32
        %add3A_1081 = arith.constant 1 : i32
        %add3A_1082 = arith.addi %mul3A_1080, %add3A_1081 : i32
        %get3A_1083 = arith.index_cast %add3A_1082 : i32 to index
        %get3A_1084 = arith.constant 32 : index
        %get3A_1085 = tpu.vector_load %arg6[%get3A_1083, %get3A_1084] {strides = array<i32>} : memref<256x128xf32, #tpu.memory_space<vmem>>, vector<1x16xf32>,
        %get3A_1086 = vector.shape_cast %get3A_1085 : vector<1x16xf32> to vector<16xf32>
        %add3A_1087 = arith.addf %get3A_1078, %get3A_1086 : vector<16xf32>
        %mul3A_1088 = arith.constant 8 : i32
        %mul3A_1089 = arith.muli %add3A_924, %mul3A_1088 : i32
        %add3A_1090 = arith.constant 2 : i32
        %add3A_1091 = arith.addi %mul3A_1089, %add3A_1090 : i32
        %get3A_1092 = arith.index_cast %add3A_1091 : i32 to index
        %get3A_1093 = arith.constant 32 : index
        %get3A_1094 = tpu.vector_load %arg6[%get3A_1092, %get3A_1093] {strides = array<i32>} : memref<256x128xf32, #tpu.memory_space<vmem>>, vector<1x16xf32>,
        %get3A_1095 = vector.shape_cast %get3A_1094 : vector<1x16xf32> to vector<16xf32>
        %add3A_1096 = arith.addf %add3A_1087, %get3A_1095 : vector<16xf32>
        %mul3A_1097 = arith.constant 8 : i32
        %mul3A_1098 = arith.muli %add3A_924, %mul3A_1097 : i32
        %add3A_1099 = arith.constant 3 : i32
        %add3A_1100 = arith.addi %mul3A_1098, %add3A_1099 : i32
        %get3A_1101 = arith.index_cast %add3A_1100 : i32 to index
        %get3A_1102 = arith.constant 32 : index
        %get3A_1103 = tpu.vector_load %arg6[%get3A_1101, %get3A_1102] {strides = array<i32>} : memref<256x128xf32, #tpu.memory_space<vmem>>, vector<1x16xf32>,
        %get3A_1104 = vector.shape_cast %get3A_1103 : vector<1x16xf32> to vector<16xf32>
        %add3A_1105 = arith.addf %add3A_1096, %get3A_1104 : vector<16xf32>
        %mul3A_1106 = arith.constant 8 : i32
        %mul3A_1107 = arith.muli %add3A_924, %mul3A_1106 : i32
        %add3A_1108 = arith.constant 4 : i32
        %add3A_1109 = arith.addi %mul3A_1107, %add3A_1108 : i32
        %get3A_1110 = arith.index_cast %add3A_1109 : i32 to index
        %get3A_1111 = arith.constant 32 : index
        %get3A_1112 = tpu.vector_load %arg6[%get3A_1110, %get3A_1111] {strides = array<i32>} : memref<256x128xf32, #tpu.memory_space<vmem>>, vector<1x16xf32>,
        %get3A_1113 = vector.shape_cast %get3A_1112 : vector<1x16xf32> to vector<16xf32>
        %add3A_1114 = arith.addf %add3A_1105, %get3A_1113 : vector<16xf32>
        %mul3A_1115 = arith.constant 8 : i32
        %mul3A_1116 = arith.muli %add3A_924, %mul3A_1115 : i32
        %add3A_1117 = arith.constant 5 : i32
        %add3A_1118 = arith.addi %mul3A_1116, %add3A_1117 : i32
        %get3A_1119 = arith.index_cast %add3A_1118 : i32 to index
        %get3A_1120 = arith.constant 32 : index
        %get3A_1121 = tpu.vector_load %arg6[%get3A_1119, %get3A_1120] {strides = array<i32>} : memref<256x128xf32, #tpu.memory_space<vmem>>, vector<1x16xf32>,
        %get3A_1122 = vector.shape_cast %get3A_1121 : vector<1x16xf32> to vector<16xf32>
        %add3A_1123 = arith.addf %add3A_1114, %get3A_1122 : vector<16xf32>
        %mul3A_1124 = arith.constant 8 : i32
        %mul3A_1125 = arith.muli %add3A_924, %mul3A_1124 : i32
        %add3A_1126 = arith.constant 6 : i32
        %add3A_1127 = arith.addi %mul3A_1125, %add3A_1126 : i32
        %get3A_1128 = arith.index_cast %add3A_1127 : i32 to index
        %get3A_1129 = arith.constant 32 : index
        %get3A_1130 = tpu.vector_load %arg6[%get3A_1128, %get3A_1129] {strides = array<i32>} : memref<256x128xf32, #tpu.memory_space<vmem>>, vector<1x16xf32>,
        %get3A_1131 = vector.shape_cast %get3A_1130 : vector<1x16xf32> to vector<16xf32>
        %add3A_1132 = arith.addf %add3A_1123, %get3A_1131 : vector<16xf32>
        %mul3A_1133 = arith.constant 8 : i32
        %mul3A_1134 = arith.muli %add3A_924, %mul3A_1133 : i32
        %add3A_1135 = arith.constant 7 : i32
        %add3A_1136 = arith.addi %mul3A_1134, %add3A_1135 : i32
        %get3A_1137 = arith.index_cast %add3A_1136 : i32 to index
        %get3A_1138 = arith.constant 32 : index
        %get3A_1139 = tpu.vector_load %arg6[%get3A_1137, %get3A_1138] {strides = array<i32>} : memref<256x128xf32, #tpu.memory_space<vmem>>, vector<1x16xf32>,
        %get3A_1140 = vector.shape_cast %get3A_1139 : vector<1x16xf32> to vector<16xf32>
        %add3A_1141 = arith.addf %add3A_1132, %get3A_1140 : vector<16xf32>
        %swap3A_1142 = arith.index_cast %add3A_924 : i32 to index
        %swap3A_1143 = arith.constant 32 : index
        %swap3A_1144 = tpu.vector_load %arg8[%swap3A_1142, %swap3A_1143] {strides = array<i32>} : memref<32x128xf32, #tpu.memory_space<vmem>>, vector<1x16xf32>,
        %swap3A_1145 = vector.shape_cast %swap3A_1144 : vector<1x16xf32> to vector<16xf32>
        %swap3A_1146 = vector.shape_cast %add3A_1141 : vector<16xf32> to vector<1x16xf32>
        tpu.vector_store %arg8[%swap3A_1142, %swap3A_1143], %swap3A_1146 {strides = array<i32>} : memref<32x128xf32, #tpu.memory_space<vmem>>, vector<1x16xf32>,
        %mul3A_1147 = arith.constant 8 : i32
        %mul3A_1148 = arith.muli %add3A_924, %mul3A_1147 : i32
        %get3A_1149 = arith.index_cast %mul3A_1148 : i32 to index
        %get3A_1150 = arith.constant 48 : index
        %get3A_1151 = tpu.vector_load %arg6[%get3A_1149, %get3A_1150] {strides = array<i32>} : memref<256x128xf32, #tpu.memory_space<vmem>>, vector<1x16xf32>,
        %get3A_1152 = vector.shape_cast %get3A_1151 : vector<1x16xf32> to vector<16xf32>
        %mul3A_1153 = arith.constant 8 : i32
        %mul3A_1154 = arith.muli %add3A_924, %mul3A_1153 : i32
        %add3A_1155 = arith.constant 1 : i32
        %add3A_1156 = arith.addi %mul3A_1154, %add3A_1155 : i32
        %get3A_1157 = arith.index_cast %add3A_1156 : i32 to index
        %get3A_1158 = arith.constant 48 : index
        %get3A_1159 = tpu.vector_load %arg6[%get3A_1157, %get3A_1158] {strides = array<i32>} : memref<256x128xf32, #tpu.memory_space<vmem>>, vector<1x16xf32>,
        %get3A_1160 = vector.shape_cast %get3A_1159 : vector<1x16xf32> to vector<16xf32>
        %add3A_1161 = arith.addf %get3A_1152, %get3A_1160 : vector<16xf32>
        %mul3A_1162 = arith.constant 8 : i32
        %mul3A_1163 = arith.muli %add3A_924, %mul3A_1162 : i32
        %add3A_1164 = arith.constant 2 : i32
        %add3A_1165 = arith.addi %mul3A_1163, %add3A_1164 : i32
        %get3A_1166 = arith.index_cast %add3A_1165 : i32 to index
        %get3A_1167 = arith.constant 48 : index
        %get3A_1168 = tpu.vector_load %arg6[%get3A_1166, %get3A_1167] {strides = array<i32>} : memref<256x128xf32, #tpu.memory_space<vmem>>, vector<1x16xf32>,
        %get3A_1169 = vector.shape_cast %get3A_1168 : vector<1x16xf32> to vector<16xf32>
        %add3A_1170 = arith.addf %add3A_1161, %get3A_1169 : vector<16xf32>
        %mul3A_1171 = arith.constant 8 : i32
        %mul3A_1172 = arith.muli %add3A_924, %mul3A_1171 : i32
        %add3A_1173 = arith.constant 3 : i32
        %add3A_1174 = arith.addi %mul3A_1172, %add3A_1173 : i32
        %get3A_1175 = arith.index_cast %add3A_1174 : i32 to index
        %get3A_1176 = arith.constant 48 : index
        %get3A_1177 = tpu.vector_load %arg6[%get3A_1175, %get3A_1176] {strides = array<i32>} : memref<256x128xf32, #tpu.memory_space<vmem>>, vector<1x16xf32>,
        %get3A_1178 = vector.shape_cast %get3A_1177 : vector<1x16xf32> to vector<16xf32>
        %add3A_1179 = arith.addf %add3A_1170, %get3A_1178 : vector<16xf32>
        %mul3A_1180 = arith.constant 8 : i32
        %mul3A_1181 = arith.muli %add3A_924, %mul3A_1180 : i32
        %add3A_1182 = arith.constant 4 : i32
        %add3A_1183 = arith.addi %mul3A_1181, %add3A_1182 : i32
        %get3A_1184 = arith.index_cast %add3A_1183 : i32 to index
        %get3A_1185 = arith.constant 48 : index
        %get3A_1186 = tpu.vector_load %arg6[%get3A_1184, %get3A_1185] {strides = array<i32>} : memref<256x128xf32, #tpu.memory_space<vmem>>, vector<1x16xf32>,
        %get3A_1187 = vector.shape_cast %get3A_1186 : vector<1x16xf32> to vector<16xf32>
        %add3A_1188 = arith.addf %add3A_1179, %get3A_1187 : vector<16xf32>
        %mul3A_1189 = arith.constant 8 : i32
        %mul3A_1190 = arith.muli %add3A_924, %mul3A_1189 : i32
        %add3A_1191 = arith.constant 5 : i32
        %add3A_1192 = arith.addi %mul3A_1190, %add3A_1191 : i32
        %get3A_1193 = arith.index_cast %add3A_1192 : i32 to index
        %get3A_1194 = arith.constant 48 : index
        %get3A_1195 = tpu.vector_load %arg6[%get3A_1193, %get3A_1194] {strides = array<i32>} : memref<256x128xf32, #tpu.memory_space<vmem>>, vector<1x16xf32>,
        %get3A_1196 = vector.shape_cast %get3A_1195 : vector<1x16xf32> to vector<16xf32>
        %add3A_1197 = arith.addf %add3A_1188, %get3A_1196 : vector<16xf32>
        %mul3A_1198 = arith.constant 8 : i32
        %mul3A_1199 = arith.muli %add3A_924, %mul3A_1198 : i32
        %add3A_1200 = arith.constant 6 : i32
        %add3A_1201 = arith.addi %mul3A_1199, %add3A_1200 : i32
        %get3A_1202 = arith.index_cast %add3A_1201 : i32 to index
        %get3A_1203 = arith.constant 48 : index
        %get3A_1204 = tpu.vector_load %arg6[%get3A_1202, %get3A_1203] {strides = array<i32>} : memref<256x128xf32, #tpu.memory_space<vmem>>, vector<1x16xf32>,
        %get3A_1205 = vector.shape_cast %get3A_1204 : vector<1x16xf32> to vector<16xf32>
        %add3A_1206 = arith.addf %add3A_1197, %get3A_1205 : vector<16xf32>
        %mul3A_1207 = arith.constant 8 : i32
        %mul3A_1208 = arith.muli %add3A_924, %mul3A_1207 : i32
        %add3A_1209 = arith.constant 7 : i32
        %add3A_1210 = arith.addi %mul3A_1208, %add3A_1209 : i32
        %get3A_1211 = arith.index_cast %add3A_1210 : i32 to index
        %get3A_1212 = arith.constant 48 : index
        %get3A_1213 = tpu.vector_load %arg6[%get3A_1211, %get3A_1212] {strides = array<i32>} : memref<256x128xf32, #tpu.memory_space<vmem>>, vector<1x16xf32>,
        %get3A_1214 = vector.shape_cast %get3A_1213 : vector<1x16xf32> to vector<16xf32>
        %add3A_1215 = arith.addf %add3A_1206, %get3A_1214 : vector<16xf32>
        %swap3A_1216 = arith.index_cast %add3A_924 : i32 to index
        %swap3A_1217 = arith.constant 48 : index
        %swap3A_1218 = tpu.vector_load %arg8[%swap3A_1216, %swap3A_1217] {strides = array<i32>} : memref<32x128xf32, #tpu.memory_space<vmem>>, vector<1x16xf32>,
        %swap3A_1219 = vector.shape_cast %swap3A_1218 : vector<1x16xf32> to vector<16xf32>
        %swap3A_1220 = vector.shape_cast %add3A_1215 : vector<16xf32> to vector<1x16xf32>
        tpu.vector_store %arg8[%swap3A_1216, %swap3A_1217], %swap3A_1220 {strides = array<i32>} : memref<32x128xf32, #tpu.memory_space<vmem>>, vector<1x16xf32>,
        %mul3A_1221 = arith.constant 8 : i32
        %mul3A_1222 = arith.muli %add3A_924, %mul3A_1221 : i32
        %get3A_1223 = arith.index_cast %mul3A_1222 : i32 to index
        %get3A_1224 = arith.constant 64 : index
        %get3A_1225 = tpu.vector_load %arg6[%get3A_1223, %get3A_1224] {strides = array<i32>} : memref<256x128xf32, #tpu.memory_space<vmem>>, vector<1x16xf32>,
        %get3A_1226 = vector.shape_cast %get3A_1225 : vector<1x16xf32> to vector<16xf32>
        %mul3A_1227 = arith.constant 8 : i32
        %mul3A_1228 = arith.muli %add3A_924, %mul3A_1227 : i32
        %add3A_1229 = arith.constant 1 : i32
        %add3A_1230 = arith.addi %mul3A_1228, %add3A_1229 : i32
        %get3A_1231 = arith.index_cast %add3A_1230 : i32 to index
        %get3A_1232 = arith.constant 64 : index
        %get3A_1233 = tpu.vector_load %arg6[%get3A_1231, %get3A_1232] {strides = array<i32>} : memref<256x128xf32, #tpu.memory_space<vmem>>, vector<1x16xf32>,
        %get3A_1234 = vector.shape_cast %get3A_1233 : vector<1x16xf32> to vector<16xf32>
        %add3A_1235 = arith.addf %get3A_1226, %get3A_1234 : vector<16xf32>
        %mul3A_1236 = arith.constant 8 : i32
        %mul3A_1237 = arith.muli %add3A_924, %mul3A_1236 : i32
        %add3A_1238 = arith.constant 2 : i32
        %add3A_1239 = arith.addi %mul3A_1237, %add3A_1238 : i32
        %get3A_1240 = arith.index_cast %add3A_1239 : i32 to index
        %get3A_1241 = arith.constant 64 : index
        %get3A_1242 = tpu.vector_load %arg6[%get3A_1240, %get3A_1241] {strides = array<i32>} : memref<256x128xf32, #tpu.memory_space<vmem>>, vector<1x16xf32>,
        %get3A_1243 = vector.shape_cast %get3A_1242 : vector<1x16xf32> to vector<16xf32>
        %add3A_1244 = arith.addf %add3A_1235, %get3A_1243 : vector<16xf32>
        %mul3A_1245 = arith.constant 8 : i32
        %mul3A_1246 = arith.muli %add3A_924, %mul3A_1245 : i32
        %add3A_1247 = arith.constant 3 : i32
        %add3A_1248 = arith.addi %mul3A_1246, %add3A_1247 : i32
        %get3A_1249 = arith.index_cast %add3A_1248 : i32 to index
        %get3A_1250 = arith.constant 64 : index
        %get3A_1251 = tpu.vector_load %arg6[%get3A_1249, %get3A_1250] {strides = array<i32>} : memref<256x128xf32, #tpu.memory_space<vmem>>, vector<1x16xf32>,
        %get3A_1252 = vector.shape_cast %get3A_1251 : vector<1x16xf32> to vector<16xf32>
        %add3A_1253 = arith.addf %add3A_1244, %get3A_1252 : vector<16xf32>
        %mul3A_1254 = arith.constant 8 : i32
        %mul3A_1255 = arith.muli %add3A_924, %mul3A_1254 : i32
        %add3A_1256 = arith.constant 4 : i32
        %add3A_1257 = arith.addi %mul3A_1255, %add3A_1256 : i32
        %get3A_1258 = arith.index_cast %add3A_1257 : i32 to index
        %get3A_1259 = arith.constant 64 : index
        %get3A_1260 = tpu.vector_load %arg6[%get3A_1258, %get3A_1259] {strides = array<i32>} : memref<256x128xf32, #tpu.memory_space<vmem>>, vector<1x16xf32>,
        %get3A_1261 = vector.shape_cast %get3A_1260 : vector<1x16xf32> to vector<16xf32>
        %add3A_1262 = arith.addf %add3A_1253, %get3A_1261 : vector<16xf32>
        %mul3A_1263 = arith.constant 8 : i32
        %mul3A_1264 = arith.muli %add3A_924, %mul3A_1263 : i32
        %add3A_1265 = arith.constant 5 : i32
        %add3A_1266 = arith.addi %mul3A_1264, %add3A_1265 : i32
        %get3A_1267 = arith.index_cast %add3A_1266 : i32 to index
        %get3A_1268 = arith.constant 64 : index
        %get3A_1269 = tpu.vector_load %arg6[%get3A_1267, %get3A_1268] {strides = array<i32>} : memref<256x128xf32, #tpu.memory_space<vmem>>, vector<1x16xf32>,
        %get3A_1270 = vector.shape_cast %get3A_1269 : vector<1x16xf32> to vector<16xf32>
        %add3A_1271 = arith.addf %add3A_1262, %get3A_1270 : vector<16xf32>
        %mul3A_1272 = arith.constant 8 : i32
        %mul3A_1273 = arith.muli %add3A_924, %mul3A_1272 : i32
        %add3A_1274 = arith.constant 6 : i32
        %add3A_1275 = arith.addi %mul3A_1273, %add3A_1274 : i32
        %get3A_1276 = arith.index_cast %add3A_1275 : i32 to index
        %get3A_1277 = arith.constant 64 : index
        %get3A_1278 = tpu.vector_load %arg6[%get3A_1276, %get3A_1277] {strides = array<i32>} : memref<256x128xf32, #tpu.memory_space<vmem>>, vector<1x16xf32>,
        %get3A_1279 = vector.shape_cast %get3A_1278 : vector<1x16xf32> to vector<16xf32>
        %add3A_1280 = arith.addf %add3A_1271, %get3A_1279 : vector<16xf32>
        %mul3A_1281 = arith.constant 8 : i32
        %mul3A_1282 = arith.muli %add3A_924, %mul3A_1281 : i32
        %add3A_1283 = arith.constant 7 : i32
        %add3A_1284 = arith.addi %mul3A_1282, %add3A_1283 : i32
        %get3A_1285 = arith.index_cast %add3A_1284 : i32 to index
        %get3A_1286 = arith.constant 64 : index
        %get3A_1287 = tpu.vector_load %arg6[%get3A_1285, %get3A_1286] {strides = array<i32>} : memref<256x128xf32, #tpu.memory_space<vmem>>, vector<1x16xf32>,
        %get3A_1288 = vector.shape_cast %get3A_1287 : vector<1x16xf32> to vector<16xf32>
        %add3A_1289 = arith.addf %add3A_1280, %get3A_1288 : vector<16xf32>
        %swap3A_1290 = arith.index_cast %add3A_924 : i32 to index
        %swap3A_1291 = arith.constant 64 : index
        %swap3A_1292 = tpu.vector_load %arg8[%swap3A_1290, %swap3A_1291] {strides = array<i32>} : memref<32x128xf32, #tpu.memory_space<vmem>>, vector<1x16xf32>,
        %swap3A_1293 = vector.shape_cast %swap3A_1292 : vector<1x16xf32> to vector<16xf32>
        %swap3A_1294 = vector.shape_cast %add3A_1289 : vector<16xf32> to vector<1x16xf32>
        tpu.vector_store %arg8[%swap3A_1290, %swap3A_1291], %swap3A_1294 {strides = array<i32>} : memref<32x128xf32, #tpu.memory_space<vmem>>, vector<1x16xf32>,
        %mul3A_1295 = arith.constant 8 : i32
        %mul3A_1296 = arith.muli %add3A_924, %mul3A_1295 : i32
        %get3A_1297 = arith.index_cast %mul3A_1296 : i32 to index
        %get3A_1298 = arith.constant 80 : index
        %get3A_1299 = tpu.vector_load %arg6[%get3A_1297, %get3A_1298] {strides = array<i32>} : memref<256x128xf32, #tpu.memory_space<vmem>>, vector<1x16xf32>,
        %get3A_1300 = vector.shape_cast %get3A_1299 : vector<1x16xf32> to vector<16xf32>
        %mul3A_1301 = arith.constant 8 : i32
        %mul3A_1302 = arith.muli %add3A_924, %mul3A_1301 : i32
        %add3A_1303 = arith.constant 1 : i32
        %add3A_1304 = arith.addi %mul3A_1302, %add3A_1303 : i32
        %get3A_1305 = arith.index_cast %add3A_1304 : i32 to index
        %get3A_1306 = arith.constant 80 : index
        %get3A_1307 = tpu.vector_load %arg6[%get3A_1305, %get3A_1306] {strides = array<i32>} : memref<256x128xf32, #tpu.memory_space<vmem>>, vector<1x16xf32>,
        %get3A_1308 = vector.shape_cast %get3A_1307 : vector<1x16xf32> to vector<16xf32>
        %add3A_1309 = arith.addf %get3A_1300, %get3A_1308 : vector<16xf32>
        %mul3A_1310 = arith.constant 8 : i32
        %mul3A_1311 = arith.muli %add3A_924, %mul3A_1310 : i32
        %add3A_1312 = arith.constant 2 : i32
        %add3A_1313 = arith.addi %mul3A_1311, %add3A_1312 : i32
        %get3A_1314 = arith.index_cast %add3A_1313 : i32 to index
        %get3A_1315 = arith.constant 80 : index
        %get3A_1316 = tpu.vector_load %arg6[%get3A_1314, %get3A_1315] {strides = array<i32>} : memref<256x128xf32, #tpu.memory_space<vmem>>, vector<1x16xf32>,
        %get3A_1317 = vector.shape_cast %get3A_1316 : vector<1x16xf32> to vector<16xf32>
        %add3A_1318 = arith.addf %add3A_1309, %get3A_1317 : vector<16xf32>
        %mul3A_1319 = arith.constant 8 : i32
        %mul3A_1320 = arith.muli %add3A_924, %mul3A_1319 : i32
        %add3A_1321 = arith.constant 3 : i32
        %add3A_1322 = arith.addi %mul3A_1320, %add3A_1321 : i32
        %get3A_1323 = arith.index_cast %add3A_1322 : i32 to index
        %get3A_1324 = arith.constant 80 : index
        %get3A_1325 = tpu.vector_load %arg6[%get3A_1323, %get3A_1324] {strides = array<i32>} : memref<256x128xf32, #tpu.memory_space<vmem>>, vector<1x16xf32>,
        %get3A_1326 = vector.shape_cast %get3A_1325 : vector<1x16xf32> to vector<16xf32>
        %add3A_1327 = arith.addf %add3A_1318, %get3A_1326 : vector<16xf32>
        %mul3A_1328 = arith.constant 8 : i32
        %mul3A_1329 = arith.muli %add3A_924, %mul3A_1328 : i32
        %add3A_1330 = arith.constant 4 : i32
        %add3A_1331 = arith.addi %mul3A_1329, %add3A_1330 : i32
        %get3A_1332 = arith.index_cast %add3A_1331 : i32 to index
        %get3A_1333 = arith.constant 80 : index
        %get3A_1334 = tpu.vector_load %arg6[%get3A_1332, %get3A_1333] {strides = array<i32>} : memref<256x128xf32, #tpu.memory_space<vmem>>, vector<1x16xf32>,
        %get3A_1335 = vector.shape_cast %get3A_1334 : vector<1x16xf32> to vector<16xf32>
        %add3A_1336 = arith.addf %add3A_1327, %get3A_1335 : vector<16xf32>
        %mul3A_1337 = arith.constant 8 : i32
        %mul3A_1338 = arith.muli %add3A_924, %mul3A_1337 : i32
        %add3A_1339 = arith.constant 5 : i32
        %add3A_1340 = arith.addi %mul3A_1338, %add3A_1339 : i32
        %get3A_1341 = arith.index_cast %add3A_1340 : i32 to index
        %get3A_1342 = arith.constant 80 : index
        %get3A_1343 = tpu.vector_load %arg6[%get3A_1341, %get3A_1342] {strides = array<i32>} : memref<256x128xf32, #tpu.memory_space<vmem>>, vector<1x16xf32>,
        %get3A_1344 = vector.shape_cast %get3A_1343 : vector<1x16xf32> to vector<16xf32>
        %add3A_1345 = arith.addf %add3A_1336, %get3A_1344 : vector<16xf32>
        %mul3A_1346 = arith.constant 8 : i32
        %mul3A_1347 = arith.muli %add3A_924, %mul3A_1346 : i32
        %add3A_1348 = arith.constant 6 : i32
        %add3A_1349 = arith.addi %mul3A_1347, %add3A_1348 : i32
        %get3A_1350 = arith.index_cast %add3A_1349 : i32 to index
        %get3A_1351 = arith.constant 80 : index
        %get3A_1352 = tpu.vector_load %arg6[%get3A_1350, %get3A_1351] {strides = array<i32>} : memref<256x128xf32, #tpu.memory_space<vmem>>, vector<1x16xf32>,
        %get3A_1353 = vector.shape_cast %get3A_1352 : vector<1x16xf32> to vector<16xf32>
        %add3A_1354 = arith.addf %add3A_1345, %get3A_1353 : vector<16xf32>
        %mul3A_1355 = arith.constant 8 : i32
        %mul3A_1356 = arith.muli %add3A_924, %mul3A_1355 : i32
        %add3A_1357 = arith.constant 7 : i32
        %add3A_1358 = arith.addi %mul3A_1356, %add3A_1357 : i32
        %get3A_1359 = arith.index_cast %add3A_1358 : i32 to index
        %get3A_1360 = arith.constant 80 : index
        %get3A_1361 = tpu.vector_load %arg6[%get3A_1359, %get3A_1360] {strides = array<i32>} : memref<256x128xf32, #tpu.memory_space<vmem>>, vector<1x16xf32>,
        %get3A_1362 = vector.shape_cast %get3A_1361 : vector<1x16xf32> to vector<16xf32>
        %add3A_1363 = arith.addf %add3A_1354, %get3A_1362 : vector<16xf32>
        %swap3A_1364 = arith.index_cast %add3A_924 : i32 to index
        %swap3A_1365 = arith.constant 80 : index
        %swap3A_1366 = tpu.vector_load %arg8[%swap3A_1364, %swap3A_1365] {strides = array<i32>} : memref<32x128xf32, #tpu.memory_space<vmem>>, vector<1x16xf32>,
        %swap3A_1367 = vector.shape_cast %swap3A_1366 : vector<1x16xf32> to vector<16xf32>
        %swap3A_1368 = vector.shape_cast %add3A_1363 : vector<16xf32> to vector<1x16xf32>
        tpu.vector_store %arg8[%swap3A_1364, %swap3A_1365], %swap3A_1368 {strides = array<i32>} : memref<32x128xf32, #tpu.memory_space<vmem>>, vector<1x16xf32>,
        %mul3A_1369 = arith.constant 8 : i32
        %mul3A_1370 = arith.muli %add3A_924, %mul3A_1369 : i32
        %get3A_1371 = arith.index_cast %mul3A_1370 : i32 to index
        %get3A_1372 = arith.constant 96 : index
        %get3A_1373 = tpu.vector_load %arg6[%get3A_1371, %get3A_1372] {strides = array<i32>} : memref<256x128xf32, #tpu.memory_space<vmem>>, vector<1x16xf32>,
        %get3A_1374 = vector.shape_cast %get3A_1373 : vector<1x16xf32> to vector<16xf32>
        %mul3A_1375 = arith.constant 8 : i32
        %mul3A_1376 = arith.muli %add3A_924, %mul3A_1375 : i32
        %add3A_1377 = arith.constant 1 : i32
        %add3A_1378 = arith.addi %mul3A_1376, %add3A_1377 : i32
        %get3A_1379 = arith.index_cast %add3A_1378 : i32 to index
        %get3A_1380 = arith.constant 96 : index
        %get3A_1381 = tpu.vector_load %arg6[%get3A_1379, %get3A_1380] {strides = array<i32>} : memref<256x128xf32, #tpu.memory_space<vmem>>, vector<1x16xf32>,
        %get3A_1382 = vector.shape_cast %get3A_1381 : vector<1x16xf32> to vector<16xf32>
        %add3A_1383 = arith.addf %get3A_1374, %get3A_1382 : vector<16xf32>
        %mul3A_1384 = arith.constant 8 : i32
        %mul3A_1385 = arith.muli %add3A_924, %mul3A_1384 : i32
        %add3A_1386 = arith.constant 2 : i32
        %add3A_1387 = arith.addi %mul3A_1385, %add3A_1386 : i32
        %get3A_1388 = arith.index_cast %add3A_1387 : i32 to index
        %get3A_1389 = arith.constant 96 : index
        %get3A_1390 = tpu.vector_load %arg6[%get3A_1388, %get3A_1389] {strides = array<i32>} : memref<256x128xf32, #tpu.memory_space<vmem>>, vector<1x16xf32>,
        %get3A_1391 = vector.shape_cast %get3A_1390 : vector<1x16xf32> to vector<16xf32>
        %add3A_1392 = arith.addf %add3A_1383, %get3A_1391 : vector<16xf32>
        %mul3A_1393 = arith.constant 8 : i32
        %mul3A_1394 = arith.muli %add3A_924, %mul3A_1393 : i32
        %add3A_1395 = arith.constant 3 : i32
        %add3A_1396 = arith.addi %mul3A_1394, %add3A_1395 : i32
        %get3A_1397 = arith.index_cast %add3A_1396 : i32 to index
        %get3A_1398 = arith.constant 96 : index
        %get3A_1399 = tpu.vector_load %arg6[%get3A_1397, %get3A_1398] {strides = array<i32>} : memref<256x128xf32, #tpu.memory_space<vmem>>, vector<1x16xf32>,
        %get3A_1400 = vector.shape_cast %get3A_1399 : vector<1x16xf32> to vector<16xf32>
        %add3A_1401 = arith.addf %add3A_1392, %get3A_1400 : vector<16xf32>
        %mul3A_1402 = arith.constant 8 : i32
        %mul3A_1403 = arith.muli %add3A_924, %mul3A_1402 : i32
        %add3A_1404 = arith.constant 4 : i32
        %add3A_1405 = arith.addi %mul3A_1403, %add3A_1404 : i32
        %get3A_1406 = arith.index_cast %add3A_1405 : i32 to index
        %get3A_1407 = arith.constant 96 : index
        %get3A_1408 = tpu.vector_load %arg6[%get3A_1406, %get3A_1407] {strides = array<i32>} : memref<256x128xf32, #tpu.memory_space<vmem>>, vector<1x16xf32>,
        %get3A_1409 = vector.shape_cast %get3A_1408 : vector<1x16xf32> to vector<16xf32>
        %add3A_1410 = arith.addf %add3A_1401, %get3A_1409 : vector<16xf32>
        %mul3A_1411 = arith.constant 8 : i32
        %mul3A_1412 = arith.muli %add3A_924, %mul3A_1411 : i32
        %add3A_1413 = arith.constant 5 : i32
        %add3A_1414 = arith.addi %mul3A_1412, %add3A_1413 : i32
        %get3A_1415 = arith.index_cast %add3A_1414 : i32 to index
        %get3A_1416 = arith.constant 96 : index
        %get3A_1417 = tpu.vector_load %arg6[%get3A_1415, %get3A_1416] {strides = array<i32>} : memref<256x128xf32, #tpu.memory_space<vmem>>, vector<1x16xf32>,
        %get3A_1418 = vector.shape_cast %get3A_1417 : vector<1x16xf32> to vector<16xf32>
        %add3A_1419 = arith.addf %add3A_1410, %get3A_1418 : vector<16xf32>
        %mul3A_1420 = arith.constant 8 : i32
        %mul3A_1421 = arith.muli %add3A_924, %mul3A_1420 : i32
        %add3A_1422 = arith.constant 6 : i32
        %add3A_1423 = arith.addi %mul3A_1421, %add3A_1422 : i32
        %get3A_1424 = arith.index_cast %add3A_1423 : i32 to index
        %get3A_1425 = arith.constant 96 : index
        %get3A_1426 = tpu.vector_load %arg6[%get3A_1424, %get3A_1425] {strides = array<i32>} : memref<256x128xf32, #tpu.memory_space<vmem>>, vector<1x16xf32>,
        %get3A_1427 = vector.shape_cast %get3A_1426 : vector<1x16xf32> to vector<16xf32>
        %add3A_1428 = arith.addf %add3A_1419, %get3A_1427 : vector<16xf32>
        %mul3A_1429 = arith.constant 8 : i32
        %mul3A_1430 = arith.muli %add3A_924, %mul3A_1429 : i32
        %add3A_1431 = arith.constant 7 : i32
        %add3A_1432 = arith.addi %mul3A_1430, %add3A_1431 : i32
        %get3A_1433 = arith.index_cast %add3A_1432 : i32 to index
        %get3A_1434 = arith.constant 96 : index
        %get3A_1435 = tpu.vector_load %arg6[%get3A_1433, %get3A_1434] {strides = array<i32>} : memref<256x128xf32, #tpu.memory_space<vmem>>, vector<1x16xf32>,
        %get3A_1436 = vector.shape_cast %get3A_1435 : vector<1x16xf32> to vector<16xf32>
        %add3A_1437 = arith.addf %add3A_1428, %get3A_1436 : vector<16xf32>
        %swap3A_1438 = arith.index_cast %add3A_924 : i32 to index
        %swap3A_1439 = arith.constant 96 : index
        %swap3A_1440 = tpu.vector_load %arg8[%swap3A_1438, %swap3A_1439] {strides = array<i32>} : memref<32x128xf32, #tpu.memory_space<vmem>>, vector<1x16xf32>,
        %swap3A_1441 = vector.shape_cast %swap3A_1440 : vector<1x16xf32> to vector<16xf32>
        %swap3A_1442 = vector.shape_cast %add3A_1437 : vector<16xf32> to vector<1x16xf32>
        tpu.vector_store %arg8[%swap3A_1438, %swap3A_1439], %swap3A_1442 {strides = array<i32>} : memref<32x128xf32, #tpu.memory_space<vmem>>, vector<1x16xf32>,
        %mul3A_1443 = arith.constant 8 : i32
        %mul3A_1444 = arith.muli %add3A_924, %mul3A_1443 : i32
        %get3A_1445 = arith.index_cast %mul3A_1444 : i32 to index
        %get3A_1446 = arith.constant 112 : index
        %get3A_1447 = tpu.vector_load %arg6[%get3A_1445, %get3A_1446] {strides = array<i32>} : memref<256x128xf32, #tpu.memory_space<vmem>>, vector<1x16xf32>,
        %get3A_1448 = vector.shape_cast %get3A_1447 : vector<1x16xf32> to vector<16xf32>
        %mul3A_1449 = arith.constant 8 : i32
        %mul3A_1450 = arith.muli %add3A_924, %mul3A_1449 : i32
        %add3A_1451 = arith.constant 1 : i32
        %add3A_1452 = arith.addi %mul3A_1450, %add3A_1451 : i32
        %get3A_1453 = arith.index_cast %add3A_1452 : i32 to index
        %get3A_1454 = arith.constant 112 : index
        %get3A_1455 = tpu.vector_load %arg6[%get3A_1453, %get3A_1454] {strides = array<i32>} : memref<256x128xf32, #tpu.memory_space<vmem>>, vector<1x16xf32>,
        %get3A_1456 = vector.shape_cast %get3A_1455 : vector<1x16xf32> to vector<16xf32>
        %add3A_1457 = arith.addf %get3A_1448, %get3A_1456 : vector<16xf32>
        %mul3A_1458 = arith.constant 8 : i32
        %mul3A_1459 = arith.muli %add3A_924, %mul3A_1458 : i32
        %add3A_1460 = arith.constant 2 : i32
        %add3A_1461 = arith.addi %mul3A_1459, %add3A_1460 : i32
        %get3A_1462 = arith.index_cast %add3A_1461 : i32 to index
        %get3A_1463 = arith.constant 112 : index
        %get3A_1464 = tpu.vector_load %arg6[%get3A_1462, %get3A_1463] {strides = array<i32>} : memref<256x128xf32, #tpu.memory_space<vmem>>, vector<1x16xf32>,
        %get3A_1465 = vector.shape_cast %get3A_1464 : vector<1x16xf32> to vector<16xf32>
        %add3A_1466 = arith.addf %add3A_1457, %get3A_1465 : vector<16xf32>
        %mul3A_1467 = arith.constant 8 : i32
        %mul3A_1468 = arith.muli %add3A_924, %mul3A_1467 : i32
        %add3A_1469 = arith.constant 3 : i32
        %add3A_1470 = arith.addi %mul3A_1468, %add3A_1469 : i32
        %get3A_1471 = arith.index_cast %add3A_1470 : i32 to index
        %get3A_1472 = arith.constant 112 : index
        %get3A_1473 = tpu.vector_load %arg6[%get3A_1471, %get3A_1472] {strides = array<i32>} : memref<256x128xf32, #tpu.memory_space<vmem>>, vector<1x16xf32>,
        %get3A_1474 = vector.shape_cast %get3A_1473 : vector<1x16xf32> to vector<16xf32>
        %add3A_1475 = arith.addf %add3A_1466, %get3A_1474 : vector<16xf32>
        %mul3A_1476 = arith.constant 8 : i32
        %mul3A_1477 = arith.muli %add3A_924, %mul3A_1476 : i32
        %add3A_1478 = arith.constant 4 : i32
        %add3A_1479 = arith.addi %mul3A_1477, %add3A_1478 : i32
        %get3A_1480 = arith.index_cast %add3A_1479 : i32 to index
        %get3A_1481 = arith.constant 112 : index
        %get3A_1482 = tpu.vector_load %arg6[%get3A_1480, %get3A_1481] {strides = array<i32>} : memref<256x128xf32, #tpu.memory_space<vmem>>, vector<1x16xf32>,
        %get3A_1483 = vector.shape_cast %get3A_1482 : vector<1x16xf32> to vector<16xf32>
        %add3A_1484 = arith.addf %add3A_1475, %get3A_1483 : vector<16xf32>
        %mul3A_1485 = arith.constant 8 : i32
        %mul3A_1486 = arith.muli %add3A_924, %mul3A_1485 : i32
        %add3A_1487 = arith.constant 5 : i32
        %add3A_1488 = arith.addi %mul3A_1486, %add3A_1487 : i32
        %get3A_1489 = arith.index_cast %add3A_1488 : i32 to index
        %get3A_1490 = arith.constant 112 : index
        %get3A_1491 = tpu.vector_load %arg6[%get3A_1489, %get3A_1490] {strides = array<i32>} : memref<256x128xf32, #tpu.memory_space<vmem>>, vector<1x16xf32>,
        %get3A_1492 = vector.shape_cast %get3A_1491 : vector<1x16xf32> to vector<16xf32>
        %add3A_1493 = arith.addf %add3A_1484, %get3A_1492 : vector<16xf32>
        %mul3A_1494 = arith.constant 8 : i32
        %mul3A_1495 = arith.muli %add3A_924, %mul3A_1494 : i32
        %add3A_1496 = arith.constant 6 : i32
        %add3A_1497 = arith.addi %mul3A_1495, %add3A_1496 : i32
        %get3A_1498 = arith.index_cast %add3A_1497 : i32 to index
        %get3A_1499 = arith.constant 112 : index
        %get3A_1500 = tpu.vector_load %arg6[%get3A_1498, %get3A_1499] {strides = array<i32>} : memref<256x128xf32, #tpu.memory_space<vmem>>, vector<1x16xf32>,
        %get3A_1501 = vector.shape_cast %get3A_1500 : vector<1x16xf32> to vector<16xf32>
        %add3A_1502 = arith.addf %add3A_1493, %get3A_1501 : vector<16xf32>
        %mul3A_1503 = arith.constant 8 : i32
        %mul3A_1504 = arith.muli %add3A_924, %mul3A_1503 : i32
        %add3A_1505 = arith.constant 7 : i32
        %add3A_1506 = arith.addi %mul3A_1504, %add3A_1505 : i32
        %get3A_1507 = arith.index_cast %add3A_1506 : i32 to index
        %get3A_1508 = arith.constant 112 : index
        %get3A_1509 = tpu.vector_load %arg6[%get3A_1507, %get3A_1508] {strides = array<i32>} : memref<256x128xf32, #tpu.memory_space<vmem>>, vector<1x16xf32>,
        %get3A_1510 = vector.shape_cast %get3A_1509 : vector<1x16xf32> to vector<16xf32>
        %add3A_1511 = arith.addf %add3A_1502, %get3A_1510 : vector<16xf32>
        %swap3A_1512 = arith.index_cast %add3A_924 : i32 to index
        %swap3A_1513 = arith.constant 112 : index
        %swap3A_1514 = tpu.vector_load %arg8[%swap3A_1512, %swap3A_1513] {strides = array<i32>} : memref<32x128xf32, #tpu.memory_space<vmem>>, vector<1x16xf32>,
        %swap3A_1515 = vector.shape_cast %swap3A_1514 : vector<1x16xf32> to vector<16xf32>
        %swap3A_1516 = vector.shape_cast %add3A_1511 : vector<16xf32> to vector<1x16xf32>
        tpu.vector_store %arg8[%swap3A_1512, %swap3A_1513], %swap3A_1516 {strides = array<i32>} : memref<32x128xf32, #tpu.memory_space<vmem>>, vector<1x16xf32>,
      }
      %scan3A_214 = arith.constant 16 : i32
      %mul3A_215 = arith.constant 32 : i32
      %mul3A_216 = arith.muli %add3A_175, %mul3A_215 : i32
      %add3A_217 = arith.addi %multiple_of3A, %mul3A_216 : i32
      %dma_start3A_218 = arith.constant 0 : i32
      %dma_start3A_219 = tpu.memref_slice %arg4[%add3A_217, %dma_start3A_218] : memref<51200x128xf32, #tpu.memory_space<hbm>> -> memref<32x128xf32, #tpu.memory_space<hbm>>
      %dma_start3A_220 = arith.constant 0 : i32
      %dma_start3A_221 = tpu.memref_slice %arg4[%add3A_217, %dma_start3A_220] : memref<51200x128xf32, #tpu.memory_space<hbm>> -> memref<32x128xf32, #tpu.memory_space<hbm>>
      tpu.enqueue_dma source(%arg8 : memref<32x128xf32, #tpu.memory_space<vmem>>) target(%dma_start3A_221 : memref<32x128xf32, #tpu.memory_space<hbm>>) target_semaphore(%arg12 : memref<!tpu.dma_semaphore, #tpu.memory_space<semaphore_mem>>)
      %mul3A_222 = arith.constant 2 : i32
      %mul3A_223 = arith.muli %min3A, %mul3A_222 : i32
      %add3A_224 = arith.constant 0 : i32
      %add3A_225 = arith.addi %mul3A_223, %add3A_224 : i32
      %dma_start3A_226 = arith.constant 0 : i32
      %dma_start3A_227 = arith.constant 0 : i32
      %dma_start3A_228 = tpu.memref_slice %arg6[%dma_start3A_226, %dma_start3A_227] : memref<256x128xf32, #tpu.memory_space<vmem>> -> memref<128x128xf32, #tpu.memory_space<vmem>>
      %dma_start3A_229 = arith.constant 0 : i32
      %dma_start3A_230 = tpu.memref_slice %arg5[%add3A_225, %dma_start3A_229] : memref<160x128xi32, #tpu.memory_space<vmem>> -> memref<1x128xi32, #tpu.memory_space<vmem>>
      %dma_start3A_231 = tpu.memref_squeeze %dma_start3A_230 : memref<1x128xi32, #tpu.memory_space<vmem>> -> memref<128xi32, #tpu.memory_space<vmem>>
      %dma_start3A_232 = arith.constant 0 : i32
      %dma_start3A_233 = arith.constant 0 : i32
      %dma_start3A_234 = tpu.memref_slice %arg2[%dma_start3A_232, %dma_start3A_233] : memref<50000x128xf32, #tpu.memory_space<hbm>> -> memref<50000x128xf32, #tpu.memory_space<hbm>>
      tpu.enqueue_indirect_dma source(%dma_start3A_234 : memref<50000x128xf32, #tpu.memory_space<hbm>>) target(%dma_start3A_228 : memref<128x128xf32, #tpu.memory_space<vmem>>) offsets(%dma_start3A_231 : memref<128xi32, #tpu.memory_space<vmem>>) semaphore(%arg10 : memref<!tpu.dma_semaphore, #tpu.memory_space<semaphore_mem>>)
      %mul3A_235 = arith.constant 2 : i32
      %mul3A_236 = arith.muli %min3A, %mul3A_235 : i32
      %add3A_237 = arith.constant 1 : i32
      %add3A_238 = arith.addi %mul3A_236, %add3A_237 : i32
      %dma_start3A_239 = arith.constant 128 : i32
      %dma_start3A_240 = arith.constant 0 : i32
      %dma_start3A_241 = tpu.memref_slice %arg6[%dma_start3A_239, %dma_start3A_240] : memref<256x128xf32, #tpu.memory_space<vmem>> -> memref<128x128xf32, #tpu.memory_space<vmem>>
      %dma_start3A_242 = arith.constant 0 : i32
      %dma_start3A_243 = tpu.memref_slice %arg5[%add3A_238, %dma_start3A_242] : memref<160x128xi32, #tpu.memory_space<vmem>> -> memref<1x128xi32, #tpu.memory_space<vmem>>
      %dma_start3A_244 = tpu.memref_squeeze %dma_start3A_243 : memref<1x128xi32, #tpu.memory_space<vmem>> -> memref<128xi32, #tpu.memory_space<vmem>>
      %dma_start3A_245 = arith.constant 0 : i32
      %dma_start3A_246 = arith.constant 0 : i32
      %dma_start3A_247 = tpu.memref_slice %arg2[%dma_start3A_245, %dma_start3A_246] : memref<50000x128xf32, #tpu.memory_space<hbm>> -> memref<50000x128xf32, #tpu.memory_space<hbm>>
      tpu.enqueue_indirect_dma source(%dma_start3A_247 : memref<50000x128xf32, #tpu.memory_space<hbm>>) target(%dma_start3A_241 : memref<128x128xf32, #tpu.memory_space<vmem>>) offsets(%dma_start3A_244 : memref<128xi32, #tpu.memory_space<vmem>>) semaphore(%arg10 : memref<!tpu.dma_semaphore, #tpu.memory_space<semaphore_mem>>)
      %mul3A_248 = arith.constant 2 : i32
      %mul3A_249 = arith.muli %while3A_171, %mul3A_248 : i32
      %add3A_250 = arith.constant 1 : i32
      %add3A_251 = arith.addi %mul3A_249, %add3A_250 : i32
      %add3A_252 = arith.constant 2 : i32
      %add3A_253 = arith.addi %add3A_251, %add3A_252 : i32
      %sub3A_254 = arith.constant 1 : i32
      %sub3A_255 = arith.subi %select_n3A_8, %sub3A_254 : i32
      %min3A_256 = arith.minsi %add3A_253, %sub3A_255 : i32
      %dma_wait3A_257 = arith.constant 0 : i32
      %dma_wait3A_258 = arith.constant 0 : i32
      %dma_wait3A_259 = tpu.memref_slice %arg7[%dma_wait3A_257, %dma_wait3A_258] : memref<256x128xf32, #tpu.memory_space<vmem>> -> memref<128x128xf32, #tpu.memory_space<vmem>>
      %dma_wait3A_260 = arith.constant 0 : i32
      %dma_wait3A_261 = arith.constant 0 : i32
      %dma_wait3A_262 = tpu.memref_slice %arg2[%dma_wait3A_260, %dma_wait3A_261] : memref<50000x128xf32, #tpu.memory_space<hbm>> -> memref<128x128xf32, #tpu.memory_space<hbm>>
      %dma_wait3A_263 = arith.constant 0 : i32
      %dma_wait3A_264 = arith.constant 0 : i32
      %dma_wait3A_265 = tpu.memref_slice %arg7[%dma_wait3A_263, %dma_wait3A_264] : memref<256x128xf32, #tpu.memory_space<vmem>> -> memref<128x128xf32, #tpu.memory_space<vmem>>
      %dma_wait3A_266 = arith.constant 0 : i32
      %dma_wait3A_267 = arith.constant 0 : i32
      %dma_wait3A_268 = tpu.memref_slice %arg2[%dma_wait3A_266, %dma_wait3A_267] : memref<50000x128xf32, #tpu.memory_space<hbm>> -> memref<128x128xf32, #tpu.memory_space<hbm>>
      tpu.wait_dma2 semaphore(%arg11 : memref<!tpu.dma_semaphore, #tpu.memory_space<semaphore_mem>>) src(%dma_wait3A_268 : memref<128x128xf32, #tpu.memory_space<hbm>>) dst(%dma_wait3A_265 : memref<128x128xf32, #tpu.memory_space<vmem>>)
      %dma_wait3A_269 = arith.constant 128 : i32
      %dma_wait3A_270 = arith.constant 0 : i32
      %dma_wait3A_271 = tpu.memref_slice %arg7[%dma_wait3A_269, %dma_wait3A_270] : memref<256x128xf32, #tpu.memory_space<vmem>> -> memref<128x128xf32, #tpu.memory_space<vmem>>
      %dma_wait3A_272 = arith.constant 0 : i32
      %dma_wait3A_273 = arith.constant 0 : i32
      %dma_wait3A_274 = tpu.memref_slice %arg2[%dma_wait3A_272, %dma_wait3A_273] : memref<50000x128xf32, #tpu.memory_space<hbm>> -> memref<128x128xf32, #tpu.memory_space<hbm>>
      %dma_wait3A_275 = arith.constant 128 : i32
      %dma_wait3A_276 = arith.constant 0 : i32
      %dma_wait3A_277 = tpu.memref_slice %arg7[%dma_wait3A_275, %dma_wait3A_276] : memref<256x128xf32, #tpu.memory_space<vmem>> -> memref<128x128xf32, #tpu.memory_space<vmem>>
      %dma_wait3A_278 = arith.constant 0 : i32
      %dma_wait3A_279 = arith.constant 0 : i32
      %dma_wait3A_280 = tpu.memref_slice %arg2[%dma_wait3A_278, %dma_wait3A_279] : memref<50000x128xf32, #tpu.memory_space<hbm>> -> memref<128x128xf32, #tpu.memory_space<hbm>>
      tpu.wait_dma2 semaphore(%arg11 : memref<!tpu.dma_semaphore, #tpu.memory_space<semaphore_mem>>) src(%dma_wait3A_280 : memref<128x128xf32, #tpu.memory_space<hbm>>) dst(%dma_wait3A_277 : memref<128x128xf32, #tpu.memory_space<vmem>>)
      %dma_wait3A_281 = arith.constant 0 : i32
      %dma_wait3A_282 = arith.constant 0 : i32
      %dma_wait3A_283 = tpu.memref_slice %arg4[%dma_wait3A_281, %dma_wait3A_282] : memref<51200x128xf32, #tpu.memory_space<hbm>> -> memref<32x128xf32, #tpu.memory_space<hbm>>
      %dma_wait3A_284 = arith.constant 0 : i32
      %dma_wait3A_285 = arith.constant 0 : i32
      %dma_wait3A_286 = tpu.memref_slice %arg4[%dma_wait3A_284, %dma_wait3A_285] : memref<51200x128xf32, #tpu.memory_space<hbm>> -> memref<32x128xf32, #tpu.memory_space<hbm>>
      tpu.wait_dma2 semaphore(%arg13 : memref<!tpu.dma_semaphore, #tpu.memory_space<semaphore_mem>>) src(%arg9 : memref<32x128xf32, #tpu.memory_space<vmem>>) dst(%dma_wait3A_286 : memref<32x128xf32, #tpu.memory_space<hbm>>)
      %scan3A_287 = arith.constant 0 : i32
      %scan3A_288 = arith.constant 0 : i32
      %scan3A_289 = arith.constant 16 : i32
      %scan3A_290 = arith.addi %scan3A_288, %scan3A_289 : i32
      %scan3A_291 = arith.constant 1 : i32
      scf.for %scan3A_326 = %scan3A_288 to %scan3A_290 step %scan3A_291  : i32 {
        %mul3A_327 = arith.constant 2 : i32
        %mul3A_328 = arith.muli %scan3A_326, %mul3A_327 : i32
        %add3A_329 = arith.constant 0 : i32
        %add3A_330 = arith.addi %mul3A_328, %add3A_329 : i32
        %mul3A_331 = arith.constant 8 : i32
        %mul3A_332 = arith.muli %add3A_330, %mul3A_331 : i32
        %get3A = arith.index_cast %mul3A_332 : i32 to index
        %get3A_333 = arith.constant 0 : index
        %get3A_334 = tpu.vector_load %arg7[%get3A, %get3A_333] {strides = array<i32>} : memref<256x128xf32, #tpu.memory_space<vmem>>, vector<1x16xf32>,
        %get3A_335 = vector.shape_cast %get3A_334 : vector<1x16xf32> to vector<16xf32>
        %mul3A_336 = arith.constant 8 : i32
        %mul3A_337 = arith.muli %add3A_330, %mul3A_336 : i32
        %add3A_338 = arith.constant 1 : i32
        %add3A_339 = arith.addi %mul3A_337, %add3A_338 : i32
        %get3A_340 = arith.index_cast %add3A_339 : i32 to index
        %get3A_341 = arith.constant 0 : index
        %get3A_342 = tpu.vector_load %arg7[%get3A_340, %get3A_341] {strides = array<i32>} : memref<256x128xf32, #tpu.memory_space<vmem>>, vector<1x16xf32>,
        %get3A_343 = vector.shape_cast %get3A_342 : vector<1x16xf32> to vector<16xf32>
        %add3A_344 = arith.addf %get3A_335, %get3A_343 : vector<16xf32>
        %mul3A_345 = arith.constant 8 : i32
        %mul3A_346 = arith.muli %add3A_330, %mul3A_345 : i32
        %add3A_347 = arith.constant 2 : i32
        %add3A_348 = arith.addi %mul3A_346, %add3A_347 : i32
        %get3A_349 = arith.index_cast %add3A_348 : i32 to index
        %get3A_350 = arith.constant 0 : index
        %get3A_351 = tpu.vector_load %arg7[%get3A_349, %get3A_350] {strides = array<i32>} : memref<256x128xf32, #tpu.memory_space<vmem>>, vector<1x16xf32>,
        %get3A_352 = vector.shape_cast %get3A_351 : vector<1x16xf32> to vector<16xf32>
        %add3A_353 = arith.addf %add3A_344, %get3A_352 : vector<16xf32>
        %mul3A_354 = arith.constant 8 : i32
        %mul3A_355 = arith.muli %add3A_330, %mul3A_354 : i32
        %add3A_356 = arith.constant 3 : i32
        %add3A_357 = arith.addi %mul3A_355, %add3A_356 : i32
        %get3A_358 = arith.index_cast %add3A_357 : i32 to index
        %get3A_359 = arith.constant 0 : index
        %get3A_360 = tpu.vector_load %arg7[%get3A_358, %get3A_359] {strides = array<i32>} : memref<256x128xf32, #tpu.memory_space<vmem>>, vector<1x16xf32>,
        %get3A_361 = vector.shape_cast %get3A_360 : vector<1x16xf32> to vector<16xf32>
        %add3A_362 = arith.addf %add3A_353, %get3A_361 : vector<16xf32>
        %mul3A_363 = arith.constant 8 : i32
        %mul3A_364 = arith.muli %add3A_330, %mul3A_363 : i32
        %add3A_365 = arith.constant 4 : i32
        %add3A_366 = arith.addi %mul3A_364, %add3A_365 : i32
        %get3A_367 = arith.index_cast %add3A_366 : i32 to index
        %get3A_368 = arith.constant 0 : index
        %get3A_369 = tpu.vector_load %arg7[%get3A_367, %get3A_368] {strides = array<i32>} : memref<256x128xf32, #tpu.memory_space<vmem>>, vector<1x16xf32>,
        %get3A_370 = vector.shape_cast %get3A_369 : vector<1x16xf32> to vector<16xf32>
        %add3A_371 = arith.addf %add3A_362, %get3A_370 : vector<16xf32>
        %mul3A_372 = arith.constant 8 : i32
        %mul3A_373 = arith.muli %add3A_330, %mul3A_372 : i32
        %add3A_374 = arith.constant 5 : i32
        %add3A_375 = arith.addi %mul3A_373, %add3A_374 : i32
        %get3A_376 = arith.index_cast %add3A_375 : i32 to index
        %get3A_377 = arith.constant 0 : index
        %get3A_378 = tpu.vector_load %arg7[%get3A_376, %get3A_377] {strides = array<i32>} : memref<256x128xf32, #tpu.memory_space<vmem>>, vector<1x16xf32>,
        %get3A_379 = vector.shape_cast %get3A_378 : vector<1x16xf32> to vector<16xf32>
        %add3A_380 = arith.addf %add3A_371, %get3A_379 : vector<16xf32>
        %mul3A_381 = arith.constant 8 : i32
        %mul3A_382 = arith.muli %add3A_330, %mul3A_381 : i32
        %add3A_383 = arith.constant 6 : i32
        %add3A_384 = arith.addi %mul3A_382, %add3A_383 : i32
        %get3A_385 = arith.index_cast %add3A_384 : i32 to index
        %get3A_386 = arith.constant 0 : index
        %get3A_387 = tpu.vector_load %arg7[%get3A_385, %get3A_386] {strides = array<i32>} : memref<256x128xf32, #tpu.memory_space<vmem>>, vector<1x16xf32>,
        %get3A_388 = vector.shape_cast %get3A_387 : vector<1x16xf32> to vector<16xf32>
        %add3A_389 = arith.addf %add3A_380, %get3A_388 : vector<16xf32>
        %mul3A_390 = arith.constant 8 : i32
        %mul3A_391 = arith.muli %add3A_330, %mul3A_390 : i32
        %add3A_392 = arith.constant 7 : i32
        %add3A_393 = arith.addi %mul3A_391, %add3A_392 : i32
        %get3A_394 = arith.index_cast %add3A_393 : i32 to index
        %get3A_395 = arith.constant 0 : index
        %get3A_396 = tpu.vector_load %arg7[%get3A_394, %get3A_395] {strides = array<i32>} : memref<256x128xf32, #tpu.memory_space<vmem>>, vector<1x16xf32>,
        %get3A_397 = vector.shape_cast %get3A_396 : vector<1x16xf32> to vector<16xf32>
        %add3A_398 = arith.addf %add3A_389, %get3A_397 : vector<16xf32>
        %swap3A = arith.index_cast %add3A_330 : i32 to index
        %swap3A_399 = arith.constant 0 : index
        %swap3A_400 = tpu.vector_load %arg9[%swap3A, %swap3A_399] {strides = array<i32>} : memref<32x128xf32, #tpu.memory_space<vmem>>, vector<1x16xf32>,
        %swap3A_401 = vector.shape_cast %swap3A_400 : vector<1x16xf32> to vector<16xf32>
        %swap3A_402 = vector.shape_cast %add3A_398 : vector<16xf32> to vector<1x16xf32>
        tpu.vector_store %arg9[%swap3A, %swap3A_399], %swap3A_402 {strides = array<i32>} : memref<32x128xf32, #tpu.memory_space<vmem>>, vector<1x16xf32>,
        %mul3A_403 = arith.constant 8 : i32
        %mul3A_404 = arith.muli %add3A_330, %mul3A_403 : i32
        %get3A_405 = arith.index_cast %mul3A_404 : i32 to index
        %get3A_406 = arith.constant 16 : index
        %get3A_407 = tpu.vector_load %arg7[%get3A_405, %get3A_406] {strides = array<i32>} : memref<256x128xf32, #tpu.memory_space<vmem>>, vector<1x16xf32>,
        %get3A_408 = vector.shape_cast %get3A_407 : vector<1x16xf32> to vector<16xf32>
        %mul3A_409 = arith.constant 8 : i32
        %mul3A_410 = arith.muli %add3A_330, %mul3A_409 : i32
        %add3A_411 = arith.constant 1 : i32
        %add3A_412 = arith.addi %mul3A_410, %add3A_411 : i32
        %get3A_413 = arith.index_cast %add3A_412 : i32 to index
        %get3A_414 = arith.constant 16 : index
        %get3A_415 = tpu.vector_load %arg7[%get3A_413, %get3A_414] {strides = array<i32>} : memref<256x128xf32, #tpu.memory_space<vmem>>, vector<1x16xf32>,
        %get3A_416 = vector.shape_cast %get3A_415 : vector<1x16xf32> to vector<16xf32>
        %add3A_417 = arith.addf %get3A_408, %get3A_416 : vector<16xf32>
        %mul3A_418 = arith.constant 8 : i32
        %mul3A_419 = arith.muli %add3A_330, %mul3A_418 : i32
        %add3A_420 = arith.constant 2 : i32
        %add3A_421 = arith.addi %mul3A_419, %add3A_420 : i32
        %get3A_422 = arith.index_cast %add3A_421 : i32 to index
        %get3A_423 = arith.constant 16 : index
        %get3A_424 = tpu.vector_load %arg7[%get3A_422, %get3A_423] {strides = array<i32>} : memref<256x128xf32, #tpu.memory_space<vmem>>, vector<1x16xf32>,
        %get3A_425 = vector.shape_cast %get3A_424 : vector<1x16xf32> to vector<16xf32>
        %add3A_426 = arith.addf %add3A_417, %get3A_425 : vector<16xf32>
        %mul3A_427 = arith.constant 8 : i32
        %mul3A_428 = arith.muli %add3A_330, %mul3A_427 : i32
        %add3A_429 = arith.constant 3 : i32
        %add3A_430 = arith.addi %mul3A_428, %add3A_429 : i32
        %get3A_431 = arith.index_cast %add3A_430 : i32 to index
        %get3A_432 = arith.constant 16 : index
        %get3A_433 = tpu.vector_load %arg7[%get3A_431, %get3A_432] {strides = array<i32>} : memref<256x128xf32, #tpu.memory_space<vmem>>, vector<1x16xf32>,
        %get3A_434 = vector.shape_cast %get3A_433 : vector<1x16xf32> to vector<16xf32>
        %add3A_435 = arith.addf %add3A_426, %get3A_434 : vector<16xf32>
        %mul3A_436 = arith.constant 8 : i32
        %mul3A_437 = arith.muli %add3A_330, %mul3A_436 : i32
        %add3A_438 = arith.constant 4 : i32
        %add3A_439 = arith.addi %mul3A_437, %add3A_438 : i32
        %get3A_440 = arith.index_cast %add3A_439 : i32 to index
        %get3A_441 = arith.constant 16 : index
        %get3A_442 = tpu.vector_load %arg7[%get3A_440, %get3A_441] {strides = array<i32>} : memref<256x128xf32, #tpu.memory_space<vmem>>, vector<1x16xf32>,
        %get3A_443 = vector.shape_cast %get3A_442 : vector<1x16xf32> to vector<16xf32>
        %add3A_444 = arith.addf %add3A_435, %get3A_443 : vector<16xf32>
        %mul3A_445 = arith.constant 8 : i32
        %mul3A_446 = arith.muli %add3A_330, %mul3A_445 : i32
        %add3A_447 = arith.constant 5 : i32
        %add3A_448 = arith.addi %mul3A_446, %add3A_447 : i32
        %get3A_449 = arith.index_cast %add3A_448 : i32 to index
        %get3A_450 = arith.constant 16 : index
        %get3A_451 = tpu.vector_load %arg7[%get3A_449, %get3A_450] {strides = array<i32>} : memref<256x128xf32, #tpu.memory_space<vmem>>, vector<1x16xf32>,
        %get3A_452 = vector.shape_cast %get3A_451 : vector<1x16xf32> to vector<16xf32>
        %add3A_453 = arith.addf %add3A_444, %get3A_452 : vector<16xf32>
        %mul3A_454 = arith.constant 8 : i32
        %mul3A_455 = arith.muli %add3A_330, %mul3A_454 : i32
        %add3A_456 = arith.constant 6 : i32
        %add3A_457 = arith.addi %mul3A_455, %add3A_456 : i32
        %get3A_458 = arith.index_cast %add3A_457 : i32 to index
        %get3A_459 = arith.constant 16 : index
        %get3A_460 = tpu.vector_load %arg7[%get3A_458, %get3A_459] {strides = array<i32>} : memref<256x128xf32, #tpu.memory_space<vmem>>, vector<1x16xf32>,
        %get3A_461 = vector.shape_cast %get3A_460 : vector<1x16xf32> to vector<16xf32>
        %add3A_462 = arith.addf %add3A_453, %get3A_461 : vector<16xf32>
        %mul3A_463 = arith.constant 8 : i32
        %mul3A_464 = arith.muli %add3A_330, %mul3A_463 : i32
        %add3A_465 = arith.constant 7 : i32
        %add3A_466 = arith.addi %mul3A_464, %add3A_465 : i32
        %get3A_467 = arith.index_cast %add3A_466 : i32 to index
        %get3A_468 = arith.constant 16 : index
        %get3A_469 = tpu.vector_load %arg7[%get3A_467, %get3A_468] {strides = array<i32>} : memref<256x128xf32, #tpu.memory_space<vmem>>, vector<1x16xf32>,
        %get3A_470 = vector.shape_cast %get3A_469 : vector<1x16xf32> to vector<16xf32>
        %add3A_471 = arith.addf %add3A_462, %get3A_470 : vector<16xf32>
        %swap3A_472 = arith.index_cast %add3A_330 : i32 to index
        %swap3A_473 = arith.constant 16 : index
        %swap3A_474 = tpu.vector_load %arg9[%swap3A_472, %swap3A_473] {strides = array<i32>} : memref<32x128xf32, #tpu.memory_space<vmem>>, vector<1x16xf32>,
        %swap3A_475 = vector.shape_cast %swap3A_474 : vector<1x16xf32> to vector<16xf32>
        %swap3A_476 = vector.shape_cast %add3A_471 : vector<16xf32> to vector<1x16xf32>
        tpu.vector_store %arg9[%swap3A_472, %swap3A_473], %swap3A_476 {strides = array<i32>} : memref<32x128xf32, #tpu.memory_space<vmem>>, vector<1x16xf32>,
        %mul3A_477 = arith.constant 8 : i32
        %mul3A_478 = arith.muli %add3A_330, %mul3A_477 : i32
        %get3A_479 = arith.index_cast %mul3A_478 : i32 to index
        %get3A_480 = arith.constant 32 : index
        %get3A_481 = tpu.vector_load %arg7[%get3A_479, %get3A_480] {strides = array<i32>} : memref<256x128xf32, #tpu.memory_space<vmem>>, vector<1x16xf32>,
        %get3A_482 = vector.shape_cast %get3A_481 : vector<1x16xf32> to vector<16xf32>
        %mul3A_483 = arith.constant 8 : i32
        %mul3A_484 = arith.muli %add3A_330, %mul3A_483 : i32
        %add3A_485 = arith.constant 1 : i32
        %add3A_486 = arith.addi %mul3A_484, %add3A_485 : i32
        %get3A_487 = arith.index_cast %add3A_486 : i32 to index
        %get3A_488 = arith.constant 32 : index
        %get3A_489 = tpu.vector_load %arg7[%get3A_487, %get3A_488] {strides = array<i32>} : memref<256x128xf32, #tpu.memory_space<vmem>>, vector<1x16xf32>,
        %get3A_490 = vector.shape_cast %get3A_489 : vector<1x16xf32> to vector<16xf32>
        %add3A_491 = arith.addf %get3A_482, %get3A_490 : vector<16xf32>
        %mul3A_492 = arith.constant 8 : i32
        %mul3A_493 = arith.muli %add3A_330, %mul3A_492 : i32
        %add3A_494 = arith.constant 2 : i32
        %add3A_495 = arith.addi %mul3A_493, %add3A_494 : i32
        %get3A_496 = arith.index_cast %add3A_495 : i32 to index
        %get3A_497 = arith.constant 32 : index
        %get3A_498 = tpu.vector_load %arg7[%get3A_496, %get3A_497] {strides = array<i32>} : memref<256x128xf32, #tpu.memory_space<vmem>>, vector<1x16xf32>,
        %get3A_499 = vector.shape_cast %get3A_498 : vector<1x16xf32> to vector<16xf32>
        %add3A_500 = arith.addf %add3A_491, %get3A_499 : vector<16xf32>
        %mul3A_501 = arith.constant 8 : i32
        %mul3A_502 = arith.muli %add3A_330, %mul3A_501 : i32
        %add3A_503 = arith.constant 3 : i32
        %add3A_504 = arith.addi %mul3A_502, %add3A_503 : i32
        %get3A_505 = arith.index_cast %add3A_504 : i32 to index
        %get3A_506 = arith.constant 32 : index
        %get3A_507 = tpu.vector_load %arg7[%get3A_505, %get3A_506] {strides = array<i32>} : memref<256x128xf32, #tpu.memory_space<vmem>>, vector<1x16xf32>,
        %get3A_508 = vector.shape_cast %get3A_507 : vector<1x16xf32> to vector<16xf32>
        %add3A_509 = arith.addf %add3A_500, %get3A_508 : vector<16xf32>
        %mul3A_510 = arith.constant 8 : i32
        %mul3A_511 = arith.muli %add3A_330, %mul3A_510 : i32
        %add3A_512 = arith.constant 4 : i32
        %add3A_513 = arith.addi %mul3A_511, %add3A_512 : i32
        %get3A_514 = arith.index_cast %add3A_513 : i32 to index
        %get3A_515 = arith.constant 32 : index
        %get3A_516 = tpu.vector_load %arg7[%get3A_514, %get3A_515] {strides = array<i32>} : memref<256x128xf32, #tpu.memory_space<vmem>>, vector<1x16xf32>,
        %get3A_517 = vector.shape_cast %get3A_516 : vector<1x16xf32> to vector<16xf32>
        %add3A_518 = arith.addf %add3A_509, %get3A_517 : vector<16xf32>
        %mul3A_519 = arith.constant 8 : i32
        %mul3A_520 = arith.muli %add3A_330, %mul3A_519 : i32
        %add3A_521 = arith.constant 5 : i32
        %add3A_522 = arith.addi %mul3A_520, %add3A_521 : i32
        %get3A_523 = arith.index_cast %add3A_522 : i32 to index
        %get3A_524 = arith.constant 32 : index
        %get3A_525 = tpu.vector_load %arg7[%get3A_523, %get3A_524] {strides = array<i32>} : memref<256x128xf32, #tpu.memory_space<vmem>>, vector<1x16xf32>,
        %get3A_526 = vector.shape_cast %get3A_525 : vector<1x16xf32> to vector<16xf32>
        %add3A_527 = arith.addf %add3A_518, %get3A_526 : vector<16xf32>
        %mul3A_528 = arith.constant 8 : i32
        %mul3A_529 = arith.muli %add3A_330, %mul3A_528 : i32
        %add3A_530 = arith.constant 6 : i32
        %add3A_531 = arith.addi %mul3A_529, %add3A_530 : i32
        %get3A_532 = arith.index_cast %add3A_531 : i32 to index
        %get3A_533 = arith.constant 32 : index
        %get3A_534 = tpu.vector_load %arg7[%get3A_532, %get3A_533] {strides = array<i32>} : memref<256x128xf32, #tpu.memory_space<vmem>>, vector<1x16xf32>,
        %get3A_535 = vector.shape_cast %get3A_534 : vector<1x16xf32> to vector<16xf32>
        %add3A_536 = arith.addf %add3A_527, %get3A_535 : vector<16xf32>
        %mul3A_537 = arith.constant 8 : i32
        %mul3A_538 = arith.muli %add3A_330, %mul3A_537 : i32
        %add3A_539 = arith.constant 7 : i32
        %add3A_540 = arith.addi %mul3A_538, %add3A_539 : i32
        %get3A_541 = arith.index_cast %add3A_540 : i32 to index
        %get3A_542 = arith.constant 32 : index
        %get3A_543 = tpu.vector_load %arg7[%get3A_541, %get3A_542] {strides = array<i32>} : memref<256x128xf32, #tpu.memory_space<vmem>>, vector<1x16xf32>,
        %get3A_544 = vector.shape_cast %get3A_543 : vector<1x16xf32> to vector<16xf32>
        %add3A_545 = arith.addf %add3A_536, %get3A_544 : vector<16xf32>
        %swap3A_546 = arith.index_cast %add3A_330 : i32 to index
        %swap3A_547 = arith.constant 32 : index
        %swap3A_548 = tpu.vector_load %arg9[%swap3A_546, %swap3A_547] {strides = array<i32>} : memref<32x128xf32, #tpu.memory_space<vmem>>, vector<1x16xf32>,
        %swap3A_549 = vector.shape_cast %swap3A_548 : vector<1x16xf32> to vector<16xf32>
        %swap3A_550 = vector.shape_cast %add3A_545 : vector<16xf32> to vector<1x16xf32>
        tpu.vector_store %arg9[%swap3A_546, %swap3A_547], %swap3A_550 {strides = array<i32>} : memref<32x128xf32, #tpu.memory_space<vmem>>, vector<1x16xf32>,
        %mul3A_551 = arith.constant 8 : i32
        %mul3A_552 = arith.muli %add3A_330, %mul3A_551 : i32
        %get3A_553 = arith.index_cast %mul3A_552 : i32 to index
        %get3A_554 = arith.constant 48 : index
        %get3A_555 = tpu.vector_load %arg7[%get3A_553, %get3A_554] {strides = array<i32>} : memref<256x128xf32, #tpu.memory_space<vmem>>, vector<1x16xf32>,
        %get3A_556 = vector.shape_cast %get3A_555 : vector<1x16xf32> to vector<16xf32>
        %mul3A_557 = arith.constant 8 : i32
        %mul3A_558 = arith.muli %add3A_330, %mul3A_557 : i32
        %add3A_559 = arith.constant 1 : i32
        %add3A_560 = arith.addi %mul3A_558, %add3A_559 : i32
        %get3A_561 = arith.index_cast %add3A_560 : i32 to index
        %get3A_562 = arith.constant 48 : index
        %get3A_563 = tpu.vector_load %arg7[%get3A_561, %get3A_562] {strides = array<i32>} : memref<256x128xf32, #tpu.memory_space<vmem>>, vector<1x16xf32>,
        %get3A_564 = vector.shape_cast %get3A_563 : vector<1x16xf32> to vector<16xf32>
        %add3A_565 = arith.addf %get3A_556, %get3A_564 : vector<16xf32>
        %mul3A_566 = arith.constant 8 : i32
        %mul3A_567 = arith.muli %add3A_330, %mul3A_566 : i32
        %add3A_568 = arith.constant 2 : i32
        %add3A_569 = arith.addi %mul3A_567, %add3A_568 : i32
        %get3A_570 = arith.index_cast %add3A_569 : i32 to index
        %get3A_571 = arith.constant 48 : index
        %get3A_572 = tpu.vector_load %arg7[%get3A_570, %get3A_571] {strides = array<i32>} : memref<256x128xf32, #tpu.memory_space<vmem>>, vector<1x16xf32>,
        %get3A_573 = vector.shape_cast %get3A_572 : vector<1x16xf32> to vector<16xf32>
        %add3A_574 = arith.addf %add3A_565, %get3A_573 : vector<16xf32>
        %mul3A_575 = arith.constant 8 : i32
        %mul3A_576 = arith.muli %add3A_330, %mul3A_575 : i32
        %add3A_577 = arith.constant 3 : i32
        %add3A_578 = arith.addi %mul3A_576, %add3A_577 : i32
        %get3A_579 = arith.index_cast %add3A_578 : i32 to index
        %get3A_580 = arith.constant 48 : index
        %get3A_581 = tpu.vector_load %arg7[%get3A_579, %get3A_580] {strides = array<i32>} : memref<256x128xf32, #tpu.memory_space<vmem>>, vector<1x16xf32>,
        %get3A_582 = vector.shape_cast %get3A_581 : vector<1x16xf32> to vector<16xf32>
        %add3A_583 = arith.addf %add3A_574, %get3A_582 : vector<16xf32>
        %mul3A_584 = arith.constant 8 : i32
        %mul3A_585 = arith.muli %add3A_330, %mul3A_584 : i32
        %add3A_586 = arith.constant 4 : i32
        %add3A_587 = arith.addi %mul3A_585, %add3A_586 : i32
        %get3A_588 = arith.index_cast %add3A_587 : i32 to index
        %get3A_589 = arith.constant 48 : index
        %get3A_590 = tpu.vector_load %arg7[%get3A_588, %get3A_589] {strides = array<i32>} : memref<256x128xf32, #tpu.memory_space<vmem>>, vector<1x16xf32>,
        %get3A_591 = vector.shape_cast %get3A_590 : vector<1x16xf32> to vector<16xf32>
        %add3A_592 = arith.addf %add3A_583, %get3A_591 : vector<16xf32>
        %mul3A_593 = arith.constant 8 : i32
        %mul3A_594 = arith.muli %add3A_330, %mul3A_593 : i32
        %add3A_595 = arith.constant 5 : i32
        %add3A_596 = arith.addi %mul3A_594, %add3A_595 : i32
        %get3A_597 = arith.index_cast %add3A_596 : i32 to index
        %get3A_598 = arith.constant 48 : index
        %get3A_599 = tpu.vector_load %arg7[%get3A_597, %get3A_598] {strides = array<i32>} : memref<256x128xf32, #tpu.memory_space<vmem>>, vector<1x16xf32>,
        %get3A_600 = vector.shape_cast %get3A_599 : vector<1x16xf32> to vector<16xf32>
        %add3A_601 = arith.addf %add3A_592, %get3A_600 : vector<16xf32>
        %mul3A_602 = arith.constant 8 : i32
        %mul3A_603 = arith.muli %add3A_330, %mul3A_602 : i32
        %add3A_604 = arith.constant 6 : i32
        %add3A_605 = arith.addi %mul3A_603, %add3A_604 : i32
        %get3A_606 = arith.index_cast %add3A_605 : i32 to index
        %get3A_607 = arith.constant 48 : index
        %get3A_608 = tpu.vector_load %arg7[%get3A_606, %get3A_607] {strides = array<i32>} : memref<256x128xf32, #tpu.memory_space<vmem>>, vector<1x16xf32>,
        %get3A_609 = vector.shape_cast %get3A_608 : vector<1x16xf32> to vector<16xf32>
        %add3A_610 = arith.addf %add3A_601, %get3A_609 : vector<16xf32>
        %mul3A_611 = arith.constant 8 : i32
        %mul3A_612 = arith.muli %add3A_330, %mul3A_611 : i32
        %add3A_613 = arith.constant 7 : i32
        %add3A_614 = arith.addi %mul3A_612, %add3A_613 : i32
        %get3A_615 = arith.index_cast %add3A_614 : i32 to index
        %get3A_616 = arith.constant 48 : index
        %get3A_617 = tpu.vector_load %arg7[%get3A_615, %get3A_616] {strides = array<i32>} : memref<256x128xf32, #tpu.memory_space<vmem>>, vector<1x16xf32>,
        %get3A_618 = vector.shape_cast %get3A_617 : vector<1x16xf32> to vector<16xf32>
        %add3A_619 = arith.addf %add3A_610, %get3A_618 : vector<16xf32>
        %swap3A_620 = arith.index_cast %add3A_330 : i32 to index
        %swap3A_621 = arith.constant 48 : index
        %swap3A_622 = tpu.vector_load %arg9[%swap3A_620, %swap3A_621] {strides = array<i32>} : memref<32x128xf32, #tpu.memory_space<vmem>>, vector<1x16xf32>,
        %swap3A_623 = vector.shape_cast %swap3A_622 : vector<1x16xf32> to vector<16xf32>
        %swap3A_624 = vector.shape_cast %add3A_619 : vector<16xf32> to vector<1x16xf32>
        tpu.vector_store %arg9[%swap3A_620, %swap3A_621], %swap3A_624 {strides = array<i32>} : memref<32x128xf32, #tpu.memory_space<vmem>>, vector<1x16xf32>,
        %mul3A_625 = arith.constant 8 : i32
        %mul3A_626 = arith.muli %add3A_330, %mul3A_625 : i32
        %get3A_627 = arith.index_cast %mul3A_626 : i32 to index
        %get3A_628 = arith.constant 64 : index
        %get3A_629 = tpu.vector_load %arg7[%get3A_627, %get3A_628] {strides = array<i32>} : memref<256x128xf32, #tpu.memory_space<vmem>>, vector<1x16xf32>,
        %get3A_630 = vector.shape_cast %get3A_629 : vector<1x16xf32> to vector<16xf32>
        %mul3A_631 = arith.constant 8 : i32
        %mul3A_632 = arith.muli %add3A_330, %mul3A_631 : i32
        %add3A_633 = arith.constant 1 : i32
        %add3A_634 = arith.addi %mul3A_632, %add3A_633 : i32
        %get3A_635 = arith.index_cast %add3A_634 : i32 to index
        %get3A_636 = arith.constant 64 : index
        %get3A_637 = tpu.vector_load %arg7[%get3A_635, %get3A_636] {strides = array<i32>} : memref<256x128xf32, #tpu.memory_space<vmem>>, vector<1x16xf32>,
        %get3A_638 = vector.shape_cast %get3A_637 : vector<1x16xf32> to vector<16xf32>
        %add3A_639 = arith.addf %get3A_630, %get3A_638 : vector<16xf32>
        %mul3A_640 = arith.constant 8 : i32
        %mul3A_641 = arith.muli %add3A_330, %mul3A_640 : i32
        %add3A_642 = arith.constant 2 : i32
        %add3A_643 = arith.addi %mul3A_641, %add3A_642 : i32
        %get3A_644 = arith.index_cast %add3A_643 : i32 to index
        %get3A_645 = arith.constant 64 : index
        %get3A_646 = tpu.vector_load %arg7[%get3A_644, %get3A_645] {strides = array<i32>} : memref<256x128xf32, #tpu.memory_space<vmem>>, vector<1x16xf32>,
        %get3A_647 = vector.shape_cast %get3A_646 : vector<1x16xf32> to vector<16xf32>
        %add3A_648 = arith.addf %add3A_639, %get3A_647 : vector<16xf32>
        %mul3A_649 = arith.constant 8 : i32
        %mul3A_650 = arith.muli %add3A_330, %mul3A_649 : i32
        %add3A_651 = arith.constant 3 : i32
        %add3A_652 = arith.addi %mul3A_650, %add3A_651 : i32
        %get3A_653 = arith.index_cast %add3A_652 : i32 to index
        %get3A_654 = arith.constant 64 : index
        %get3A_655 = tpu.vector_load %arg7[%get3A_653, %get3A_654] {strides = array<i32>} : memref<256x128xf32, #tpu.memory_space<vmem>>, vector<1x16xf32>,
        %get3A_656 = vector.shape_cast %get3A_655 : vector<1x16xf32> to vector<16xf32>
        %add3A_657 = arith.addf %add3A_648, %get3A_656 : vector<16xf32>
        %mul3A_658 = arith.constant 8 : i32
        %mul3A_659 = arith.muli %add3A_330, %mul3A_658 : i32
        %add3A_660 = arith.constant 4 : i32
        %add3A_661 = arith.addi %mul3A_659, %add3A_660 : i32
        %get3A_662 = arith.index_cast %add3A_661 : i32 to index
        %get3A_663 = arith.constant 64 : index
        %get3A_664 = tpu.vector_load %arg7[%get3A_662, %get3A_663] {strides = array<i32>} : memref<256x128xf32, #tpu.memory_space<vmem>>, vector<1x16xf32>,
        %get3A_665 = vector.shape_cast %get3A_664 : vector<1x16xf32> to vector<16xf32>
        %add3A_666 = arith.addf %add3A_657, %get3A_665 : vector<16xf32>
        %mul3A_667 = arith.constant 8 : i32
        %mul3A_668 = arith.muli %add3A_330, %mul3A_667 : i32
        %add3A_669 = arith.constant 5 : i32
        %add3A_670 = arith.addi %mul3A_668, %add3A_669 : i32
        %get3A_671 = arith.index_cast %add3A_670 : i32 to index
        %get3A_672 = arith.constant 64 : index
        %get3A_673 = tpu.vector_load %arg7[%get3A_671, %get3A_672] {strides = array<i32>} : memref<256x128xf32, #tpu.memory_space<vmem>>, vector<1x16xf32>,
        %get3A_674 = vector.shape_cast %get3A_673 : vector<1x16xf32> to vector<16xf32>
        %add3A_675 = arith.addf %add3A_666, %get3A_674 : vector<16xf32>
        %mul3A_676 = arith.constant 8 : i32
        %mul3A_677 = arith.muli %add3A_330, %mul3A_676 : i32
        %add3A_678 = arith.constant 6 : i32
        %add3A_679 = arith.addi %mul3A_677, %add3A_678 : i32
        %get3A_680 = arith.index_cast %add3A_679 : i32 to index
        %get3A_681 = arith.constant 64 : index
        %get3A_682 = tpu.vector_load %arg7[%get3A_680, %get3A_681] {strides = array<i32>} : memref<256x128xf32, #tpu.memory_space<vmem>>, vector<1x16xf32>,
        %get3A_683 = vector.shape_cast %get3A_682 : vector<1x16xf32> to vector<16xf32>
        %add3A_684 = arith.addf %add3A_675, %get3A_683 : vector<16xf32>
        %mul3A_685 = arith.constant 8 : i32
        %mul3A_686 = arith.muli %add3A_330, %mul3A_685 : i32
        %add3A_687 = arith.constant 7 : i32
        %add3A_688 = arith.addi %mul3A_686, %add3A_687 : i32
        %get3A_689 = arith.index_cast %add3A_688 : i32 to index
        %get3A_690 = arith.constant 64 : index
        %get3A_691 = tpu.vector_load %arg7[%get3A_689, %get3A_690] {strides = array<i32>} : memref<256x128xf32, #tpu.memory_space<vmem>>, vector<1x16xf32>,
        %get3A_692 = vector.shape_cast %get3A_691 : vector<1x16xf32> to vector<16xf32>
        %add3A_693 = arith.addf %add3A_684, %get3A_692 : vector<16xf32>
        %swap3A_694 = arith.index_cast %add3A_330 : i32 to index
        %swap3A_695 = arith.constant 64 : index
        %swap3A_696 = tpu.vector_load %arg9[%swap3A_694, %swap3A_695] {strides = array<i32>} : memref<32x128xf32, #tpu.memory_space<vmem>>, vector<1x16xf32>,
        %swap3A_697 = vector.shape_cast %swap3A_696 : vector<1x16xf32> to vector<16xf32>
        %swap3A_698 = vector.shape_cast %add3A_693 : vector<16xf32> to vector<1x16xf32>
        tpu.vector_store %arg9[%swap3A_694, %swap3A_695], %swap3A_698 {strides = array<i32>} : memref<32x128xf32, #tpu.memory_space<vmem>>, vector<1x16xf32>,
        %mul3A_699 = arith.constant 8 : i32
        %mul3A_700 = arith.muli %add3A_330, %mul3A_699 : i32
        %get3A_701 = arith.index_cast %mul3A_700 : i32 to index
        %get3A_702 = arith.constant 80 : index
        %get3A_703 = tpu.vector_load %arg7[%get3A_701, %get3A_702] {strides = array<i32>} : memref<256x128xf32, #tpu.memory_space<vmem>>, vector<1x16xf32>,
        %get3A_704 = vector.shape_cast %get3A_703 : vector<1x16xf32> to vector<16xf32>
        %mul3A_705 = arith.constant 8 : i32
        %mul3A_706 = arith.muli %add3A_330, %mul3A_705 : i32
        %add3A_707 = arith.constant 1 : i32
        %add3A_708 = arith.addi %mul3A_706, %add3A_707 : i32
        %get3A_709 = arith.index_cast %add3A_708 : i32 to index
        %get3A_710 = arith.constant 80 : index
        %get3A_711 = tpu.vector_load %arg7[%get3A_709, %get3A_710] {strides = array<i32>} : memref<256x128xf32, #tpu.memory_space<vmem>>, vector<1x16xf32>,
        %get3A_712 = vector.shape_cast %get3A_711 : vector<1x16xf32> to vector<16xf32>
        %add3A_713 = arith.addf %get3A_704, %get3A_712 : vector<16xf32>
        %mul3A_714 = arith.constant 8 : i32
        %mul3A_715 = arith.muli %add3A_330, %mul3A_714 : i32
        %add3A_716 = arith.constant 2 : i32
        %add3A_717 = arith.addi %mul3A_715, %add3A_716 : i32
        %get3A_718 = arith.index_cast %add3A_717 : i32 to index
        %get3A_719 = arith.constant 80 : index
        %get3A_720 = tpu.vector_load %arg7[%get3A_718, %get3A_719] {strides = array<i32>} : memref<256x128xf32, #tpu.memory_space<vmem>>, vector<1x16xf32>,
        %get3A_721 = vector.shape_cast %get3A_720 : vector<1x16xf32> to vector<16xf32>
        %add3A_722 = arith.addf %add3A_713, %get3A_721 : vector<16xf32>
        %mul3A_723 = arith.constant 8 : i32
        %mul3A_724 = arith.muli %add3A_330, %mul3A_723 : i32
        %add3A_725 = arith.constant 3 : i32
        %add3A_726 = arith.addi %mul3A_724, %add3A_725 : i32
        %get3A_727 = arith.index_cast %add3A_726 : i32 to index
        %get3A_728 = arith.constant 80 : index
        %get3A_729 = tpu.vector_load %arg7[%get3A_727, %get3A_728] {strides = array<i32>} : memref<256x128xf32, #tpu.memory_space<vmem>>, vector<1x16xf32>,
        %get3A_730 = vector.shape_cast %get3A_729 : vector<1x16xf32> to vector<16xf32>
        %add3A_731 = arith.addf %add3A_722, %get3A_730 : vector<16xf32>
        %mul3A_732 = arith.constant 8 : i32
        %mul3A_733 = arith.muli %add3A_330, %mul3A_732 : i32
        %add3A_734 = arith.constant 4 : i32
        %add3A_735 = arith.addi %mul3A_733, %add3A_734 : i32
        %get3A_736 = arith.index_cast %add3A_735 : i32 to index
        %get3A_737 = arith.constant 80 : index
        %get3A_738 = tpu.vector_load %arg7[%get3A_736, %get3A_737] {strides = array<i32>} : memref<256x128xf32, #tpu.memory_space<vmem>>, vector<1x16xf32>,
        %get3A_739 = vector.shape_cast %get3A_738 : vector<1x16xf32> to vector<16xf32>
        %add3A_740 = arith.addf %add3A_731, %get3A_739 : vector<16xf32>
        %mul3A_741 = arith.constant 8 : i32
        %mul3A_742 = arith.muli %add3A_330, %mul3A_741 : i32
        %add3A_743 = arith.constant 5 : i32
        %add3A_744 = arith.addi %mul3A_742, %add3A_743 : i32
        %get3A_745 = arith.index_cast %add3A_744 : i32 to index
        %get3A_746 = arith.constant 80 : index
        %get3A_747 = tpu.vector_load %arg7[%get3A_745, %get3A_746] {strides = array<i32>} : memref<256x128xf32, #tpu.memory_space<vmem>>, vector<1x16xf32>,
        %get3A_748 = vector.shape_cast %get3A_747 : vector<1x16xf32> to vector<16xf32>
        %add3A_749 = arith.addf %add3A_740, %get3A_748 : vector<16xf32>
        %mul3A_750 = arith.constant 8 : i32
        %mul3A_751 = arith.muli %add3A_330, %mul3A_750 : i32
        %add3A_752 = arith.constant 6 : i32
        %add3A_753 = arith.addi %mul3A_751, %add3A_752 : i32
        %get3A_754 = arith.index_cast %add3A_753 : i32 to index
        %get3A_755 = arith.constant 80 : index
        %get3A_756 = tpu.vector_load %arg7[%get3A_754, %get3A_755] {strides = array<i32>} : memref<256x128xf32, #tpu.memory_space<vmem>>, vector<1x16xf32>,
        %get3A_757 = vector.shape_cast %get3A_756 : vector<1x16xf32> to vector<16xf32>
        %add3A_758 = arith.addf %add3A_749, %get3A_757 : vector<16xf32>
        %mul3A_759 = arith.constant 8 : i32
        %mul3A_760 = arith.muli %add3A_330, %mul3A_759 : i32
        %add3A_761 = arith.constant 7 : i32
        %add3A_762 = arith.addi %mul3A_760, %add3A_761 : i32
        %get3A_763 = arith.index_cast %add3A_762 : i32 to index
        %get3A_764 = arith.constant 80 : index
        %get3A_765 = tpu.vector_load %arg7[%get3A_763, %get3A_764] {strides = array<i32>} : memref<256x128xf32, #tpu.memory_space<vmem>>, vector<1x16xf32>,
        %get3A_766 = vector.shape_cast %get3A_765 : vector<1x16xf32> to vector<16xf32>
        %add3A_767 = arith.addf %add3A_758, %get3A_766 : vector<16xf32>
        %swap3A_768 = arith.index_cast %add3A_330 : i32 to index
        %swap3A_769 = arith.constant 80 : index
        %swap3A_770 = tpu.vector_load %arg9[%swap3A_768, %swap3A_769] {strides = array<i32>} : memref<32x128xf32, #tpu.memory_space<vmem>>, vector<1x16xf32>,
        %swap3A_771 = vector.shape_cast %swap3A_770 : vector<1x16xf32> to vector<16xf32>
        %swap3A_772 = vector.shape_cast %add3A_767 : vector<16xf32> to vector<1x16xf32>
        tpu.vector_store %arg9[%swap3A_768, %swap3A_769], %swap3A_772 {strides = array<i32>} : memref<32x128xf32, #tpu.memory_space<vmem>>, vector<1x16xf32>,
        %mul3A_773 = arith.constant 8 : i32
        %mul3A_774 = arith.muli %add3A_330, %mul3A_773 : i32
        %get3A_775 = arith.index_cast %mul3A_774 : i32 to index
        %get3A_776 = arith.constant 96 : index
        %get3A_777 = tpu.vector_load %arg7[%get3A_775, %get3A_776] {strides = array<i32>} : memref<256x128xf32, #tpu.memory_space<vmem>>, vector<1x16xf32>,
        %get3A_778 = vector.shape_cast %get3A_777 : vector<1x16xf32> to vector<16xf32>
        %mul3A_779 = arith.constant 8 : i32
        %mul3A_780 = arith.muli %add3A_330, %mul3A_779 : i32
        %add3A_781 = arith.constant 1 : i32
        %add3A_782 = arith.addi %mul3A_780, %add3A_781 : i32
        %get3A_783 = arith.index_cast %add3A_782 : i32 to index
        %get3A_784 = arith.constant 96 : index
        %get3A_785 = tpu.vector_load %arg7[%get3A_783, %get3A_784] {strides = array<i32>} : memref<256x128xf32, #tpu.memory_space<vmem>>, vector<1x16xf32>,
        %get3A_786 = vector.shape_cast %get3A_785 : vector<1x16xf32> to vector<16xf32>
        %add3A_787 = arith.addf %get3A_778, %get3A_786 : vector<16xf32>
        %mul3A_788 = arith.constant 8 : i32
        %mul3A_789 = arith.muli %add3A_330, %mul3A_788 : i32
        %add3A_790 = arith.constant 2 : i32
        %add3A_791 = arith.addi %mul3A_789, %add3A_790 : i32
        %get3A_792 = arith.index_cast %add3A_791 : i32 to index
        %get3A_793 = arith.constant 96 : index
        %get3A_794 = tpu.vector_load %arg7[%get3A_792, %get3A_793] {strides = array<i32>} : memref<256x128xf32, #tpu.memory_space<vmem>>, vector<1x16xf32>,
        %get3A_795 = vector.shape_cast %get3A_794 : vector<1x16xf32> to vector<16xf32>
        %add3A_796 = arith.addf %add3A_787, %get3A_795 : vector<16xf32>
        %mul3A_797 = arith.constant 8 : i32
        %mul3A_798 = arith.muli %add3A_330, %mul3A_797 : i32
        %add3A_799 = arith.constant 3 : i32
        %add3A_800 = arith.addi %mul3A_798, %add3A_799 : i32
        %get3A_801 = arith.index_cast %add3A_800 : i32 to index
        %get3A_802 = arith.constant 96 : index
        %get3A_803 = tpu.vector_load %arg7[%get3A_801, %get3A_802] {strides = array<i32>} : memref<256x128xf32, #tpu.memory_space<vmem>>, vector<1x16xf32>,
        %get3A_804 = vector.shape_cast %get3A_803 : vector<1x16xf32> to vector<16xf32>
        %add3A_805 = arith.addf %add3A_796, %get3A_804 : vector<16xf32>
        %mul3A_806 = arith.constant 8 : i32
        %mul3A_807 = arith.muli %add3A_330, %mul3A_806 : i32
        %add3A_808 = arith.constant 4 : i32
        %add3A_809 = arith.addi %mul3A_807, %add3A_808 : i32
        %get3A_810 = arith.index_cast %add3A_809 : i32 to index
        %get3A_811 = arith.constant 96 : index
        %get3A_812 = tpu.vector_load %arg7[%get3A_810, %get3A_811] {strides = array<i32>} : memref<256x128xf32, #tpu.memory_space<vmem>>, vector<1x16xf32>,
        %get3A_813 = vector.shape_cast %get3A_812 : vector<1x16xf32> to vector<16xf32>
        %add3A_814 = arith.addf %add3A_805, %get3A_813 : vector<16xf32>
        %mul3A_815 = arith.constant 8 : i32
        %mul3A_816 = arith.muli %add3A_330, %mul3A_815 : i32
        %add3A_817 = arith.constant 5 : i32
        %add3A_818 = arith.addi %mul3A_816, %add3A_817 : i32
        %get3A_819 = arith.index_cast %add3A_818 : i32 to index
        %get3A_820 = arith.constant 96 : index
        %get3A_821 = tpu.vector_load %arg7[%get3A_819, %get3A_820] {strides = array<i32>} : memref<256x128xf32, #tpu.memory_space<vmem>>, vector<1x16xf32>,
        %get3A_822 = vector.shape_cast %get3A_821 : vector<1x16xf32> to vector<16xf32>
        %add3A_823 = arith.addf %add3A_814, %get3A_822 : vector<16xf32>
        %mul3A_824 = arith.constant 8 : i32
        %mul3A_825 = arith.muli %add3A_330, %mul3A_824 : i32
        %add3A_826 = arith.constant 6 : i32
        %add3A_827 = arith.addi %mul3A_825, %add3A_826 : i32
        %get3A_828 = arith.index_cast %add3A_827 : i32 to index
        %get3A_829 = arith.constant 96 : index
        %get3A_830 = tpu.vector_load %arg7[%get3A_828, %get3A_829] {strides = array<i32>} : memref<256x128xf32, #tpu.memory_space<vmem>>, vector<1x16xf32>,
        %get3A_831 = vector.shape_cast %get3A_830 : vector<1x16xf32> to vector<16xf32>
        %add3A_832 = arith.addf %add3A_823, %get3A_831 : vector<16xf32>
        %mul3A_833 = arith.constant 8 : i32
        %mul3A_834 = arith.muli %add3A_330, %mul3A_833 : i32
        %add3A_835 = arith.constant 7 : i32
        %add3A_836 = arith.addi %mul3A_834, %add3A_835 : i32
        %get3A_837 = arith.index_cast %add3A_836 : i32 to index
        %get3A_838 = arith.constant 96 : index
        %get3A_839 = tpu.vector_load %arg7[%get3A_837, %get3A_838] {strides = array<i32>} : memref<256x128xf32, #tpu.memory_space<vmem>>, vector<1x16xf32>,
        %get3A_840 = vector.shape_cast %get3A_839 : vector<1x16xf32> to vector<16xf32>
        %add3A_841 = arith.addf %add3A_832, %get3A_840 : vector<16xf32>
        %swap3A_842 = arith.index_cast %add3A_330 : i32 to index
        %swap3A_843 = arith.constant 96 : index
        %swap3A_844 = tpu.vector_load %arg9[%swap3A_842, %swap3A_843] {strides = array<i32>} : memref<32x128xf32, #tpu.memory_space<vmem>>, vector<1x16xf32>,
        %swap3A_845 = vector.shape_cast %swap3A_844 : vector<1x16xf32> to vector<16xf32>
        %swap3A_846 = vector.shape_cast %add3A_841 : vector<16xf32> to vector<1x16xf32>
        tpu.vector_store %arg9[%swap3A_842, %swap3A_843], %swap3A_846 {strides = array<i32>} : memref<32x128xf32, #tpu.memory_space<vmem>>, vector<1x16xf32>,
        %mul3A_847 = arith.constant 8 : i32
        %mul3A_848 = arith.muli %add3A_330, %mul3A_847 : i32
        %get3A_849 = arith.index_cast %mul3A_848 : i32 to index
        %get3A_850 = arith.constant 112 : index
        %get3A_851 = tpu.vector_load %arg7[%get3A_849, %get3A_850] {strides = array<i32>} : memref<256x128xf32, #tpu.memory_space<vmem>>, vector<1x16xf32>,
        %get3A_852 = vector.shape_cast %get3A_851 : vector<1x16xf32> to vector<16xf32>
        %mul3A_853 = arith.constant 8 : i32
        %mul3A_854 = arith.muli %add3A_330, %mul3A_853 : i32
        %add3A_855 = arith.constant 1 : i32
        %add3A_856 = arith.addi %mul3A_854, %add3A_855 : i32
        %get3A_857 = arith.index_cast %add3A_856 : i32 to index
        %get3A_858 = arith.constant 112 : index
        %get3A_859 = tpu.vector_load %arg7[%get3A_857, %get3A_858] {strides = array<i32>} : memref<256x128xf32, #tpu.memory_space<vmem>>, vector<1x16xf32>,
        %get3A_860 = vector.shape_cast %get3A_859 : vector<1x16xf32> to vector<16xf32>
        %add3A_861 = arith.addf %get3A_852, %get3A_860 : vector<16xf32>
        %mul3A_862 = arith.constant 8 : i32
        %mul3A_863 = arith.muli %add3A_330, %mul3A_862 : i32
        %add3A_864 = arith.constant 2 : i32
        %add3A_865 = arith.addi %mul3A_863, %add3A_864 : i32
        %get3A_866 = arith.index_cast %add3A_865 : i32 to index
        %get3A_867 = arith.constant 112 : index
        %get3A_868 = tpu.vector_load %arg7[%get3A_866, %get3A_867] {strides = array<i32>} : memref<256x128xf32, #tpu.memory_space<vmem>>, vector<1x16xf32>,
        %get3A_869 = vector.shape_cast %get3A_868 : vector<1x16xf32> to vector<16xf32>
        %add3A_870 = arith.addf %add3A_861, %get3A_869 : vector<16xf32>
        %mul3A_871 = arith.constant 8 : i32
        %mul3A_872 = arith.muli %add3A_330, %mul3A_871 : i32
        %add3A_873 = arith.constant 3 : i32
        %add3A_874 = arith.addi %mul3A_872, %add3A_873 : i32
        %get3A_875 = arith.index_cast %add3A_874 : i32 to index
        %get3A_876 = arith.constant 112 : index
        %get3A_877 = tpu.vector_load %arg7[%get3A_875, %get3A_876] {strides = array<i32>} : memref<256x128xf32, #tpu.memory_space<vmem>>, vector<1x16xf32>,
        %get3A_878 = vector.shape_cast %get3A_877 : vector<1x16xf32> to vector<16xf32>
        %add3A_879 = arith.addf %add3A_870, %get3A_878 : vector<16xf32>
        %mul3A_880 = arith.constant 8 : i32
        %mul3A_881 = arith.muli %add3A_330, %mul3A_880 : i32
        %add3A_882 = arith.constant 4 : i32
        %add3A_883 = arith.addi %mul3A_881, %add3A_882 : i32
        %get3A_884 = arith.index_cast %add3A_883 : i32 to index
        %get3A_885 = arith.constant 112 : index
        %get3A_886 = tpu.vector_load %arg7[%get3A_884, %get3A_885] {strides = array<i32>} : memref<256x128xf32, #tpu.memory_space<vmem>>, vector<1x16xf32>,
        %get3A_887 = vector.shape_cast %get3A_886 : vector<1x16xf32> to vector<16xf32>
        %add3A_888 = arith.addf %add3A_879, %get3A_887 : vector<16xf32>
        %mul3A_889 = arith.constant 8 : i32
        %mul3A_890 = arith.muli %add3A_330, %mul3A_889 : i32
        %add3A_891 = arith.constant 5 : i32
        %add3A_892 = arith.addi %mul3A_890, %add3A_891 : i32
        %get3A_893 = arith.index_cast %add3A_892 : i32 to index
        %get3A_894 = arith.constant 112 : index
        %get3A_895 = tpu.vector_load %arg7[%get3A_893, %get3A_894] {strides = array<i32>} : memref<256x128xf32, #tpu.memory_space<vmem>>, vector<1x16xf32>,
        %get3A_896 = vector.shape_cast %get3A_895 : vector<1x16xf32> to vector<16xf32>
        %add3A_897 = arith.addf %add3A_888, %get3A_896 : vector<16xf32>
        %mul3A_898 = arith.constant 8 : i32
        %mul3A_899 = arith.muli %add3A_330, %mul3A_898 : i32
        %add3A_900 = arith.constant 6 : i32
        %add3A_901 = arith.addi %mul3A_899, %add3A_900 : i32
        %get3A_902 = arith.index_cast %add3A_901 : i32 to index
        %get3A_903 = arith.constant 112 : index
        %get3A_904 = tpu.vector_load %arg7[%get3A_902, %get3A_903] {strides = array<i32>} : memref<256x128xf32, #tpu.memory_space<vmem>>, vector<1x16xf32>,
        %get3A_905 = vector.shape_cast %get3A_904 : vector<1x16xf32> to vector<16xf32>
        %add3A_906 = arith.addf %add3A_897, %get3A_905 : vector<16xf32>
        %mul3A_907 = arith.constant 8 : i32
        %mul3A_908 = arith.muli %add3A_330, %mul3A_907 : i32
        %add3A_909 = arith.constant 7 : i32
        %add3A_910 = arith.addi %mul3A_908, %add3A_909 : i32
        %get3A_911 = arith.index_cast %add3A_910 : i32 to index
        %get3A_912 = arith.constant 112 : index
        %get3A_913 = tpu.vector_load %arg7[%get3A_911, %get3A_912] {strides = array<i32>} : memref<256x128xf32, #tpu.memory_space<vmem>>, vector<1x16xf32>,
        %get3A_914 = vector.shape_cast %get3A_913 : vector<1x16xf32> to vector<16xf32>
        %add3A_915 = arith.addf %add3A_906, %get3A_914 : vector<16xf32>
        %swap3A_916 = arith.index_cast %add3A_330 : i32 to index
        %swap3A_917 = arith.constant 112 : index
        %swap3A_918 = tpu.vector_load %arg9[%swap3A_916, %swap3A_917] {strides = array<i32>} : memref<32x128xf32, #tpu.memory_space<vmem>>, vector<1x16xf32>,
        %swap3A_919 = vector.shape_cast %swap3A_918 : vector<1x16xf32> to vector<16xf32>
        %swap3A_920 = vector.shape_cast %add3A_915 : vector<16xf32> to vector<1x16xf32>
        tpu.vector_store %arg9[%swap3A_916, %swap3A_917], %swap3A_920 {strides = array<i32>} : memref<32x128xf32, #tpu.memory_space<vmem>>, vector<1x16xf32>,
        %mul3A_921 = arith.constant 2 : i32
        %mul3A_922 = arith.muli %scan3A_326, %mul3A_921 : i32
        %add3A_923 = arith.constant 1 : i32
        %add3A_924 = arith.addi %mul3A_922, %add3A_923 : i32
        %mul3A_925 = arith.constant 8 : i32
        %mul3A_926 = arith.muli %add3A_924, %mul3A_925 : i32
        %get3A_927 = arith.index_cast %mul3A_926 : i32 to index
        %get3A_928 = arith.constant 0 : index
        %get3A_929 = tpu.vector_load %arg7[%get3A_927, %get3A_928] {strides = array<i32>} : memref<256x128xf32, #tpu.memory_space<vmem>>, vector<1x16xf32>,
        %get3A_930 = vector.shape_cast %get3A_929 : vector<1x16xf32> to vector<16xf32>
        %mul3A_931 = arith.constant 8 : i32
        %mul3A_932 = arith.muli %add3A_924, %mul3A_931 : i32
        %add3A_933 = arith.constant 1 : i32
        %add3A_934 = arith.addi %mul3A_932, %add3A_933 : i32
        %get3A_935 = arith.index_cast %add3A_934 : i32 to index
        %get3A_936 = arith.constant 0 : index
        %get3A_937 = tpu.vector_load %arg7[%get3A_935, %get3A_936] {strides = array<i32>} : memref<256x128xf32, #tpu.memory_space<vmem>>, vector<1x16xf32>,
        %get3A_938 = vector.shape_cast %get3A_937 : vector<1x16xf32> to vector<16xf32>
        %add3A_939 = arith.addf %get3A_930, %get3A_938 : vector<16xf32>
        %mul3A_940 = arith.constant 8 : i32
        %mul3A_941 = arith.muli %add3A_924, %mul3A_940 : i32
        %add3A_942 = arith.constant 2 : i32
        %add3A_943 = arith.addi %mul3A_941, %add3A_942 : i32
        %get3A_944 = arith.index_cast %add3A_943 : i32 to index
        %get3A_945 = arith.constant 0 : index
        %get3A_946 = tpu.vector_load %arg7[%get3A_944, %get3A_945] {strides = array<i32>} : memref<256x128xf32, #tpu.memory_space<vmem>>, vector<1x16xf32>,
        %get3A_947 = vector.shape_cast %get3A_946 : vector<1x16xf32> to vector<16xf32>
        %add3A_948 = arith.addf %add3A_939, %get3A_947 : vector<16xf32>
        %mul3A_949 = arith.constant 8 : i32
        %mul3A_950 = arith.muli %add3A_924, %mul3A_949 : i32
        %add3A_951 = arith.constant 3 : i32
        %add3A_952 = arith.addi %mul3A_950, %add3A_951 : i32
        %get3A_953 = arith.index_cast %add3A_952 : i32 to index
        %get3A_954 = arith.constant 0 : index
        %get3A_955 = tpu.vector_load %arg7[%get3A_953, %get3A_954] {strides = array<i32>} : memref<256x128xf32, #tpu.memory_space<vmem>>, vector<1x16xf32>,
        %get3A_956 = vector.shape_cast %get3A_955 : vector<1x16xf32> to vector<16xf32>
        %add3A_957 = arith.addf %add3A_948, %get3A_956 : vector<16xf32>
        %mul3A_958 = arith.constant 8 : i32
        %mul3A_959 = arith.muli %add3A_924, %mul3A_958 : i32
        %add3A_960 = arith.constant 4 : i32
        %add3A_961 = arith.addi %mul3A_959, %add3A_960 : i32
        %get3A_962 = arith.index_cast %add3A_961 : i32 to index
        %get3A_963 = arith.constant 0 : index
        %get3A_964 = tpu.vector_load %arg7[%get3A_962, %get3A_963] {strides = array<i32>} : memref<256x128xf32, #tpu.memory_space<vmem>>, vector<1x16xf32>,
        %get3A_965 = vector.shape_cast %get3A_964 : vector<1x16xf32> to vector<16xf32>
        %add3A_966 = arith.addf %add3A_957, %get3A_965 : vector<16xf32>
        %mul3A_967 = arith.constant 8 : i32
        %mul3A_968 = arith.muli %add3A_924, %mul3A_967 : i32
        %add3A_969 = arith.constant 5 : i32
        %add3A_970 = arith.addi %mul3A_968, %add3A_969 : i32
        %get3A_971 = arith.index_cast %add3A_970 : i32 to index
        %get3A_972 = arith.constant 0 : index
        %get3A_973 = tpu.vector_load %arg7[%get3A_971, %get3A_972] {strides = array<i32>} : memref<256x128xf32, #tpu.memory_space<vmem>>, vector<1x16xf32>,
        %get3A_974 = vector.shape_cast %get3A_973 : vector<1x16xf32> to vector<16xf32>
        %add3A_975 = arith.addf %add3A_966, %get3A_974 : vector<16xf32>
        %mul3A_976 = arith.constant 8 : i32
        %mul3A_977 = arith.muli %add3A_924, %mul3A_976 : i32
        %add3A_978 = arith.constant 6 : i32
        %add3A_979 = arith.addi %mul3A_977, %add3A_978 : i32
        %get3A_980 = arith.index_cast %add3A_979 : i32 to index
        %get3A_981 = arith.constant 0 : index
        %get3A_982 = tpu.vector_load %arg7[%get3A_980, %get3A_981] {strides = array<i32>} : memref<256x128xf32, #tpu.memory_space<vmem>>, vector<1x16xf32>,
        %get3A_983 = vector.shape_cast %get3A_982 : vector<1x16xf32> to vector<16xf32>
        %add3A_984 = arith.addf %add3A_975, %get3A_983 : vector<16xf32>
        %mul3A_985 = arith.constant 8 : i32
        %mul3A_986 = arith.muli %add3A_924, %mul3A_985 : i32
        %add3A_987 = arith.constant 7 : i32
        %add3A_988 = arith.addi %mul3A_986, %add3A_987 : i32
        %get3A_989 = arith.index_cast %add3A_988 : i32 to index
        %get3A_990 = arith.constant 0 : index
        %get3A_991 = tpu.vector_load %arg7[%get3A_989, %get3A_990] {strides = array<i32>} : memref<256x128xf32, #tpu.memory_space<vmem>>, vector<1x16xf32>,
        %get3A_992 = vector.shape_cast %get3A_991 : vector<1x16xf32> to vector<16xf32>
        %add3A_993 = arith.addf %add3A_984, %get3A_992 : vector<16xf32>
        %swap3A_994 = arith.index_cast %add3A_924 : i32 to index
        %swap3A_995 = arith.constant 0 : index
        %swap3A_996 = tpu.vector_load %arg9[%swap3A_994, %swap3A_995] {strides = array<i32>} : memref<32x128xf32, #tpu.memory_space<vmem>>, vector<1x16xf32>,
        %swap3A_997 = vector.shape_cast %swap3A_996 : vector<1x16xf32> to vector<16xf32>
        %swap3A_998 = vector.shape_cast %add3A_993 : vector<16xf32> to vector<1x16xf32>
        tpu.vector_store %arg9[%swap3A_994, %swap3A_995], %swap3A_998 {strides = array<i32>} : memref<32x128xf32, #tpu.memory_space<vmem>>, vector<1x16xf32>,
        %mul3A_999 = arith.constant 8 : i32
        %mul3A_1000 = arith.muli %add3A_924, %mul3A_999 : i32
        %get3A_1001 = arith.index_cast %mul3A_1000 : i32 to index
        %get3A_1002 = arith.constant 16 : index
        %get3A_1003 = tpu.vector_load %arg7[%get3A_1001, %get3A_1002] {strides = array<i32>} : memref<256x128xf32, #tpu.memory_space<vmem>>, vector<1x16xf32>,
        %get3A_1004 = vector.shape_cast %get3A_1003 : vector<1x16xf32> to vector<16xf32>
        %mul3A_1005 = arith.constant 8 : i32
        %mul3A_1006 = arith.muli %add3A_924, %mul3A_1005 : i32
        %add3A_1007 = arith.constant 1 : i32
        %add3A_1008 = arith.addi %mul3A_1006, %add3A_1007 : i32
        %get3A_1009 = arith.index_cast %add3A_1008 : i32 to index
        %get3A_1010 = arith.constant 16 : index
        %get3A_1011 = tpu.vector_load %arg7[%get3A_1009, %get3A_1010] {strides = array<i32>} : memref<256x128xf32, #tpu.memory_space<vmem>>, vector<1x16xf32>,
        %get3A_1012 = vector.shape_cast %get3A_1011 : vector<1x16xf32> to vector<16xf32>
        %add3A_1013 = arith.addf %get3A_1004, %get3A_1012 : vector<16xf32>
        %mul3A_1014 = arith.constant 8 : i32
        %mul3A_1015 = arith.muli %add3A_924, %mul3A_1014 : i32
        %add3A_1016 = arith.constant 2 : i32
        %add3A_1017 = arith.addi %mul3A_1015, %add3A_1016 : i32
        %get3A_1018 = arith.index_cast %add3A_1017 : i32 to index
        %get3A_1019 = arith.constant 16 : index
        %get3A_1020 = tpu.vector_load %arg7[%get3A_1018, %get3A_1019] {strides = array<i32>} : memref<256x128xf32, #tpu.memory_space<vmem>>, vector<1x16xf32>,
        %get3A_1021 = vector.shape_cast %get3A_1020 : vector<1x16xf32> to vector<16xf32>
        %add3A_1022 = arith.addf %add3A_1013, %get3A_1021 : vector<16xf32>
        %mul3A_1023 = arith.constant 8 : i32
        %mul3A_1024 = arith.muli %add3A_924, %mul3A_1023 : i32
        %add3A_1025 = arith.constant 3 : i32
        %add3A_1026 = arith.addi %mul3A_1024, %add3A_1025 : i32
        %get3A_1027 = arith.index_cast %add3A_1026 : i32 to index
        %get3A_1028 = arith.constant 16 : index
        %get3A_1029 = tpu.vector_load %arg7[%get3A_1027, %get3A_1028] {strides = array<i32>} : memref<256x128xf32, #tpu.memory_space<vmem>>, vector<1x16xf32>,
        %get3A_1030 = vector.shape_cast %get3A_1029 : vector<1x16xf32> to vector<16xf32>
        %add3A_1031 = arith.addf %add3A_1022, %get3A_1030 : vector<16xf32>
        %mul3A_1032 = arith.constant 8 : i32
        %mul3A_1033 = arith.muli %add3A_924, %mul3A_1032 : i32
        %add3A_1034 = arith.constant 4 : i32
        %add3A_1035 = arith.addi %mul3A_1033, %add3A_1034 : i32
        %get3A_1036 = arith.index_cast %add3A_1035 : i32 to index
        %get3A_1037 = arith.constant 16 : index
        %get3A_1038 = tpu.vector_load %arg7[%get3A_1036, %get3A_1037] {strides = array<i32>} : memref<256x128xf32, #tpu.memory_space<vmem>>, vector<1x16xf32>,
        %get3A_1039 = vector.shape_cast %get3A_1038 : vector<1x16xf32> to vector<16xf32>
        %add3A_1040 = arith.addf %add3A_1031, %get3A_1039 : vector<16xf32>
        %mul3A_1041 = arith.constant 8 : i32
        %mul3A_1042 = arith.muli %add3A_924, %mul3A_1041 : i32
        %add3A_1043 = arith.constant 5 : i32
        %add3A_1044 = arith.addi %mul3A_1042, %add3A_1043 : i32
        %get3A_1045 = arith.index_cast %add3A_1044 : i32 to index
        %get3A_1046 = arith.constant 16 : index
        %get3A_1047 = tpu.vector_load %arg7[%get3A_1045, %get3A_1046] {strides = array<i32>} : memref<256x128xf32, #tpu.memory_space<vmem>>, vector<1x16xf32>,
        %get3A_1048 = vector.shape_cast %get3A_1047 : vector<1x16xf32> to vector<16xf32>
        %add3A_1049 = arith.addf %add3A_1040, %get3A_1048 : vector<16xf32>
        %mul3A_1050 = arith.constant 8 : i32
        %mul3A_1051 = arith.muli %add3A_924, %mul3A_1050 : i32
        %add3A_1052 = arith.constant 6 : i32
        %add3A_1053 = arith.addi %mul3A_1051, %add3A_1052 : i32
        %get3A_1054 = arith.index_cast %add3A_1053 : i32 to index
        %get3A_1055 = arith.constant 16 : index
        %get3A_1056 = tpu.vector_load %arg7[%get3A_1054, %get3A_1055] {strides = array<i32>} : memref<256x128xf32, #tpu.memory_space<vmem>>, vector<1x16xf32>,
        %get3A_1057 = vector.shape_cast %get3A_1056 : vector<1x16xf32> to vector<16xf32>
        %add3A_1058 = arith.addf %add3A_1049, %get3A_1057 : vector<16xf32>
        %mul3A_1059 = arith.constant 8 : i32
        %mul3A_1060 = arith.muli %add3A_924, %mul3A_1059 : i32
        %add3A_1061 = arith.constant 7 : i32
        %add3A_1062 = arith.addi %mul3A_1060, %add3A_1061 : i32
        %get3A_1063 = arith.index_cast %add3A_1062 : i32 to index
        %get3A_1064 = arith.constant 16 : index
        %get3A_1065 = tpu.vector_load %arg7[%get3A_1063, %get3A_1064] {strides = array<i32>} : memref<256x128xf32, #tpu.memory_space<vmem>>, vector<1x16xf32>,
        %get3A_1066 = vector.shape_cast %get3A_1065 : vector<1x16xf32> to vector<16xf32>
        %add3A_1067 = arith.addf %add3A_1058, %get3A_1066 : vector<16xf32>
        %swap3A_1068 = arith.index_cast %add3A_924 : i32 to index
        %swap3A_1069 = arith.constant 16 : index
        %swap3A_1070 = tpu.vector_load %arg9[%swap3A_1068, %swap3A_1069] {strides = array<i32>} : memref<32x128xf32, #tpu.memory_space<vmem>>, vector<1x16xf32>,
        %swap3A_1071 = vector.shape_cast %swap3A_1070 : vector<1x16xf32> to vector<16xf32>
        %swap3A_1072 = vector.shape_cast %add3A_1067 : vector<16xf32> to vector<1x16xf32>
        tpu.vector_store %arg9[%swap3A_1068, %swap3A_1069], %swap3A_1072 {strides = array<i32>} : memref<32x128xf32, #tpu.memory_space<vmem>>, vector<1x16xf32>,
        %mul3A_1073 = arith.constant 8 : i32
        %mul3A_1074 = arith.muli %add3A_924, %mul3A_1073 : i32
        %get3A_1075 = arith.index_cast %mul3A_1074 : i32 to index
        %get3A_1076 = arith.constant 32 : index
        %get3A_1077 = tpu.vector_load %arg7[%get3A_1075, %get3A_1076] {strides = array<i32>} : memref<256x128xf32, #tpu.memory_space<vmem>>, vector<1x16xf32>,
        %get3A_1078 = vector.shape_cast %get3A_1077 : vector<1x16xf32> to vector<16xf32>
        %mul3A_1079 = arith.constant 8 : i32
        %mul3A_1080 = arith.muli %add3A_924, %mul3A_1079 : i32
        %add3A_1081 = arith.constant 1 : i32
        %add3A_1082 = arith.addi %mul3A_1080, %add3A_1081 : i32
        %get3A_1083 = arith.index_cast %add3A_1082 : i32 to index
        %get3A_1084 = arith.constant 32 : index
        %get3A_1085 = tpu.vector_load %arg7[%get3A_1083, %get3A_1084] {strides = array<i32>} : memref<256x128xf32, #tpu.memory_space<vmem>>, vector<1x16xf32>,
        %get3A_1086 = vector.shape_cast %get3A_1085 : vector<1x16xf32> to vector<16xf32>
        %add3A_1087 = arith.addf %get3A_1078, %get3A_1086 : vector<16xf32>
        %mul3A_1088 = arith.constant 8 : i32
        %mul3A_1089 = arith.muli %add3A_924, %mul3A_1088 : i32
        %add3A_1090 = arith.constant 2 : i32
        %add3A_1091 = arith.addi %mul3A_1089, %add3A_1090 : i32
        %get3A_1092 = arith.index_cast %add3A_1091 : i32 to index
        %get3A_1093 = arith.constant 32 : index
        %get3A_1094 = tpu.vector_load %arg7[%get3A_1092, %get3A_1093] {strides = array<i32>} : memref<256x128xf32, #tpu.memory_space<vmem>>, vector<1x16xf32>,
        %get3A_1095 = vector.shape_cast %get3A_1094 : vector<1x16xf32> to vector<16xf32>
        %add3A_1096 = arith.addf %add3A_1087, %get3A_1095 : vector<16xf32>
        %mul3A_1097 = arith.constant 8 : i32
        %mul3A_1098 = arith.muli %add3A_924, %mul3A_1097 : i32
        %add3A_1099 = arith.constant 3 : i32
        %add3A_1100 = arith.addi %mul3A_1098, %add3A_1099 : i32
        %get3A_1101 = arith.index_cast %add3A_1100 : i32 to index
        %get3A_1102 = arith.constant 32 : index
        %get3A_1103 = tpu.vector_load %arg7[%get3A_1101, %get3A_1102] {strides = array<i32>} : memref<256x128xf32, #tpu.memory_space<vmem>>, vector<1x16xf32>,
        %get3A_1104 = vector.shape_cast %get3A_1103 : vector<1x16xf32> to vector<16xf32>
        %add3A_1105 = arith.addf %add3A_1096, %get3A_1104 : vector<16xf32>
        %mul3A_1106 = arith.constant 8 : i32
        %mul3A_1107 = arith.muli %add3A_924, %mul3A_1106 : i32
        %add3A_1108 = arith.constant 4 : i32
        %add3A_1109 = arith.addi %mul3A_1107, %add3A_1108 : i32
        %get3A_1110 = arith.index_cast %add3A_1109 : i32 to index
        %get3A_1111 = arith.constant 32 : index
        %get3A_1112 = tpu.vector_load %arg7[%get3A_1110, %get3A_1111] {strides = array<i32>} : memref<256x128xf32, #tpu.memory_space<vmem>>, vector<1x16xf32>,
        %get3A_1113 = vector.shape_cast %get3A_1112 : vector<1x16xf32> to vector<16xf32>
        %add3A_1114 = arith.addf %add3A_1105, %get3A_1113 : vector<16xf32>
        %mul3A_1115 = arith.constant 8 : i32
        %mul3A_1116 = arith.muli %add3A_924, %mul3A_1115 : i32
        %add3A_1117 = arith.constant 5 : i32
        %add3A_1118 = arith.addi %mul3A_1116, %add3A_1117 : i32
        %get3A_1119 = arith.index_cast %add3A_1118 : i32 to index
        %get3A_1120 = arith.constant 32 : index
        %get3A_1121 = tpu.vector_load %arg7[%get3A_1119, %get3A_1120] {strides = array<i32>} : memref<256x128xf32, #tpu.memory_space<vmem>>, vector<1x16xf32>,
        %get3A_1122 = vector.shape_cast %get3A_1121 : vector<1x16xf32> to vector<16xf32>
        %add3A_1123 = arith.addf %add3A_1114, %get3A_1122 : vector<16xf32>
        %mul3A_1124 = arith.constant 8 : i32
        %mul3A_1125 = arith.muli %add3A_924, %mul3A_1124 : i32
        %add3A_1126 = arith.constant 6 : i32
        %add3A_1127 = arith.addi %mul3A_1125, %add3A_1126 : i32
        %get3A_1128 = arith.index_cast %add3A_1127 : i32 to index
        %get3A_1129 = arith.constant 32 : index
        %get3A_1130 = tpu.vector_load %arg7[%get3A_1128, %get3A_1129] {strides = array<i32>} : memref<256x128xf32, #tpu.memory_space<vmem>>, vector<1x16xf32>,
        %get3A_1131 = vector.shape_cast %get3A_1130 : vector<1x16xf32> to vector<16xf32>
        %add3A_1132 = arith.addf %add3A_1123, %get3A_1131 : vector<16xf32>
        %mul3A_1133 = arith.constant 8 : i32
        %mul3A_1134 = arith.muli %add3A_924, %mul3A_1133 : i32
        %add3A_1135 = arith.constant 7 : i32
        %add3A_1136 = arith.addi %mul3A_1134, %add3A_1135 : i32
        %get3A_1137 = arith.index_cast %add3A_1136 : i32 to index
        %get3A_1138 = arith.constant 32 : index
        %get3A_1139 = tpu.vector_load %arg7[%get3A_1137, %get3A_1138] {strides = array<i32>} : memref<256x128xf32, #tpu.memory_space<vmem>>, vector<1x16xf32>,
        %get3A_1140 = vector.shape_cast %get3A_1139 : vector<1x16xf32> to vector<16xf32>
        %add3A_1141 = arith.addf %add3A_1132, %get3A_1140 : vector<16xf32>
        %swap3A_1142 = arith.index_cast %add3A_924 : i32 to index
        %swap3A_1143 = arith.constant 32 : index
        %swap3A_1144 = tpu.vector_load %arg9[%swap3A_1142, %swap3A_1143] {strides = array<i32>} : memref<32x128xf32, #tpu.memory_space<vmem>>, vector<1x16xf32>,
        %swap3A_1145 = vector.shape_cast %swap3A_1144 : vector<1x16xf32> to vector<16xf32>
        %swap3A_1146 = vector.shape_cast %add3A_1141 : vector<16xf32> to vector<1x16xf32>
        tpu.vector_store %arg9[%swap3A_1142, %swap3A_1143], %swap3A_1146 {strides = array<i32>} : memref<32x128xf32, #tpu.memory_space<vmem>>, vector<1x16xf32>,
        %mul3A_1147 = arith.constant 8 : i32
        %mul3A_1148 = arith.muli %add3A_924, %mul3A_1147 : i32
        %get3A_1149 = arith.index_cast %mul3A_1148 : i32 to index
        %get3A_1150 = arith.constant 48 : index
        %get3A_1151 = tpu.vector_load %arg7[%get3A_1149, %get3A_1150] {strides = array<i32>} : memref<256x128xf32, #tpu.memory_space<vmem>>, vector<1x16xf32>,
        %get3A_1152 = vector.shape_cast %get3A_1151 : vector<1x16xf32> to vector<16xf32>
        %mul3A_1153 = arith.constant 8 : i32
        %mul3A_1154 = arith.muli %add3A_924, %mul3A_1153 : i32
        %add3A_1155 = arith.constant 1 : i32
        %add3A_1156 = arith.addi %mul3A_1154, %add3A_1155 : i32
        %get3A_1157 = arith.index_cast %add3A_1156 : i32 to index
        %get3A_1158 = arith.constant 48 : index
        %get3A_1159 = tpu.vector_load %arg7[%get3A_1157, %get3A_1158] {strides = array<i32>} : memref<256x128xf32, #tpu.memory_space<vmem>>, vector<1x16xf32>,
        %get3A_1160 = vector.shape_cast %get3A_1159 : vector<1x16xf32> to vector<16xf32>
        %add3A_1161 = arith.addf %get3A_1152, %get3A_1160 : vector<16xf32>
        %mul3A_1162 = arith.constant 8 : i32
        %mul3A_1163 = arith.muli %add3A_924, %mul3A_1162 : i32
        %add3A_1164 = arith.constant 2 : i32
        %add3A_1165 = arith.addi %mul3A_1163, %add3A_1164 : i32
        %get3A_1166 = arith.index_cast %add3A_1165 : i32 to index
        %get3A_1167 = arith.constant 48 : index
        %get3A_1168 = tpu.vector_load %arg7[%get3A_1166, %get3A_1167] {strides = array<i32>} : memref<256x128xf32, #tpu.memory_space<vmem>>, vector<1x16xf32>,
        %get3A_1169 = vector.shape_cast %get3A_1168 : vector<1x16xf32> to vector<16xf32>
        %add3A_1170 = arith.addf %add3A_1161, %get3A_1169 : vector<16xf32>
        %mul3A_1171 = arith.constant 8 : i32
        %mul3A_1172 = arith.muli %add3A_924, %mul3A_1171 : i32
        %add3A_1173 = arith.constant 3 : i32
        %add3A_1174 = arith.addi %mul3A_1172, %add3A_1173 : i32
        %get3A_1175 = arith.index_cast %add3A_1174 : i32 to index
        %get3A_1176 = arith.constant 48 : index
        %get3A_1177 = tpu.vector_load %arg7[%get3A_1175, %get3A_1176] {strides = array<i32>} : memref<256x128xf32, #tpu.memory_space<vmem>>, vector<1x16xf32>,
        %get3A_1178 = vector.shape_cast %get3A_1177 : vector<1x16xf32> to vector<16xf32>
        %add3A_1179 = arith.addf %add3A_1170, %get3A_1178 : vector<16xf32>
        %mul3A_1180 = arith.constant 8 : i32
        %mul3A_1181 = arith.muli %add3A_924, %mul3A_1180 : i32
        %add3A_1182 = arith.constant 4 : i32
        %add3A_1183 = arith.addi %mul3A_1181, %add3A_1182 : i32
        %get3A_1184 = arith.index_cast %add3A_1183 : i32 to index
        %get3A_1185 = arith.constant 48 : index
        %get3A_1186 = tpu.vector_load %arg7[%get3A_1184, %get3A_1185] {strides = array<i32>} : memref<256x128xf32, #tpu.memory_space<vmem>>, vector<1x16xf32>,
        %get3A_1187 = vector.shape_cast %get3A_1186 : vector<1x16xf32> to vector<16xf32>
        %add3A_1188 = arith.addf %add3A_1179, %get3A_1187 : vector<16xf32>
        %mul3A_1189 = arith.constant 8 : i32
        %mul3A_1190 = arith.muli %add3A_924, %mul3A_1189 : i32
        %add3A_1191 = arith.constant 5 : i32
        %add3A_1192 = arith.addi %mul3A_1190, %add3A_1191 : i32
        %get3A_1193 = arith.index_cast %add3A_1192 : i32 to index
        %get3A_1194 = arith.constant 48 : index
        %get3A_1195 = tpu.vector_load %arg7[%get3A_1193, %get3A_1194] {strides = array<i32>} : memref<256x128xf32, #tpu.memory_space<vmem>>, vector<1x16xf32>,
        %get3A_1196 = vector.shape_cast %get3A_1195 : vector<1x16xf32> to vector<16xf32>
        %add3A_1197 = arith.addf %add3A_1188, %get3A_1196 : vector<16xf32>
        %mul3A_1198 = arith.constant 8 : i32
        %mul3A_1199 = arith.muli %add3A_924, %mul3A_1198 : i32
        %add3A_1200 = arith.constant 6 : i32
        %add3A_1201 = arith.addi %mul3A_1199, %add3A_1200 : i32
        %get3A_1202 = arith.index_cast %add3A_1201 : i32 to index
        %get3A_1203 = arith.constant 48 : index
        %get3A_1204 = tpu.vector_load %arg7[%get3A_1202, %get3A_1203] {strides = array<i32>} : memref<256x128xf32, #tpu.memory_space<vmem>>, vector<1x16xf32>,
        %get3A_1205 = vector.shape_cast %get3A_1204 : vector<1x16xf32> to vector<16xf32>
        %add3A_1206 = arith.addf %add3A_1197, %get3A_1205 : vector<16xf32>
        %mul3A_1207 = arith.constant 8 : i32
        %mul3A_1208 = arith.muli %add3A_924, %mul3A_1207 : i32
        %add3A_1209 = arith.constant 7 : i32
        %add3A_1210 = arith.addi %mul3A_1208, %add3A_1209 : i32
        %get3A_1211 = arith.index_cast %add3A_1210 : i32 to index
        %get3A_1212 = arith.constant 48 : index
        %get3A_1213 = tpu.vector_load %arg7[%get3A_1211, %get3A_1212] {strides = array<i32>} : memref<256x128xf32, #tpu.memory_space<vmem>>, vector<1x16xf32>,
        %get3A_1214 = vector.shape_cast %get3A_1213 : vector<1x16xf32> to vector<16xf32>
        %add3A_1215 = arith.addf %add3A_1206, %get3A_1214 : vector<16xf32>
        %swap3A_1216 = arith.index_cast %add3A_924 : i32 to index
        %swap3A_1217 = arith.constant 48 : index
        %swap3A_1218 = tpu.vector_load %arg9[%swap3A_1216, %swap3A_1217] {strides = array<i32>} : memref<32x128xf32, #tpu.memory_space<vmem>>, vector<1x16xf32>,
        %swap3A_1219 = vector.shape_cast %swap3A_1218 : vector<1x16xf32> to vector<16xf32>
        %swap3A_1220 = vector.shape_cast %add3A_1215 : vector<16xf32> to vector<1x16xf32>
        tpu.vector_store %arg9[%swap3A_1216, %swap3A_1217], %swap3A_1220 {strides = array<i32>} : memref<32x128xf32, #tpu.memory_space<vmem>>, vector<1x16xf32>,
        %mul3A_1221 = arith.constant 8 : i32
        %mul3A_1222 = arith.muli %add3A_924, %mul3A_1221 : i32
        %get3A_1223 = arith.index_cast %mul3A_1222 : i32 to index
        %get3A_1224 = arith.constant 64 : index
        %get3A_1225 = tpu.vector_load %arg7[%get3A_1223, %get3A_1224] {strides = array<i32>} : memref<256x128xf32, #tpu.memory_space<vmem>>, vector<1x16xf32>,
        %get3A_1226 = vector.shape_cast %get3A_1225 : vector<1x16xf32> to vector<16xf32>
        %mul3A_1227 = arith.constant 8 : i32
        %mul3A_1228 = arith.muli %add3A_924, %mul3A_1227 : i32
        %add3A_1229 = arith.constant 1 : i32
        %add3A_1230 = arith.addi %mul3A_1228, %add3A_1229 : i32
        %get3A_1231 = arith.index_cast %add3A_1230 : i32 to index
        %get3A_1232 = arith.constant 64 : index
        %get3A_1233 = tpu.vector_load %arg7[%get3A_1231, %get3A_1232] {strides = array<i32>} : memref<256x128xf32, #tpu.memory_space<vmem>>, vector<1x16xf32>,
        %get3A_1234 = vector.shape_cast %get3A_1233 : vector<1x16xf32> to vector<16xf32>
        %add3A_1235 = arith.addf %get3A_1226, %get3A_1234 : vector<16xf32>
        %mul3A_1236 = arith.constant 8 : i32
        %mul3A_1237 = arith.muli %add3A_924, %mul3A_1236 : i32
        %add3A_1238 = arith.constant 2 : i32
        %add3A_1239 = arith.addi %mul3A_1237, %add3A_1238 : i32
        %get3A_1240 = arith.index_cast %add3A_1239 : i32 to index
        %get3A_1241 = arith.constant 64 : index
        %get3A_1242 = tpu.vector_load %arg7[%get3A_1240, %get3A_1241] {strides = array<i32>} : memref<256x128xf32, #tpu.memory_space<vmem>>, vector<1x16xf32>,
        %get3A_1243 = vector.shape_cast %get3A_1242 : vector<1x16xf32> to vector<16xf32>
        %add3A_1244 = arith.addf %add3A_1235, %get3A_1243 : vector<16xf32>
        %mul3A_1245 = arith.constant 8 : i32
        %mul3A_1246 = arith.muli %add3A_924, %mul3A_1245 : i32
        %add3A_1247 = arith.constant 3 : i32
        %add3A_1248 = arith.addi %mul3A_1246, %add3A_1247 : i32
        %get3A_1249 = arith.index_cast %add3A_1248 : i32 to index
        %get3A_1250 = arith.constant 64 : index
        %get3A_1251 = tpu.vector_load %arg7[%get3A_1249, %get3A_1250] {strides = array<i32>} : memref<256x128xf32, #tpu.memory_space<vmem>>, vector<1x16xf32>,
        %get3A_1252 = vector.shape_cast %get3A_1251 : vector<1x16xf32> to vector<16xf32>
        %add3A_1253 = arith.addf %add3A_1244, %get3A_1252 : vector<16xf32>
        %mul3A_1254 = arith.constant 8 : i32
        %mul3A_1255 = arith.muli %add3A_924, %mul3A_1254 : i32
        %add3A_1256 = arith.constant 4 : i32
        %add3A_1257 = arith.addi %mul3A_1255, %add3A_1256 : i32
        %get3A_1258 = arith.index_cast %add3A_1257 : i32 to index
        %get3A_1259 = arith.constant 64 : index
        %get3A_1260 = tpu.vector_load %arg7[%get3A_1258, %get3A_1259] {strides = array<i32>} : memref<256x128xf32, #tpu.memory_space<vmem>>, vector<1x16xf32>,
        %get3A_1261 = vector.shape_cast %get3A_1260 : vector<1x16xf32> to vector<16xf32>
        %add3A_1262 = arith.addf %add3A_1253, %get3A_1261 : vector<16xf32>
        %mul3A_1263 = arith.constant 8 : i32
        %mul3A_1264 = arith.muli %add3A_924, %mul3A_1263 : i32
        %add3A_1265 = arith.constant 5 : i32
        %add3A_1266 = arith.addi %mul3A_1264, %add3A_1265 : i32
        %get3A_1267 = arith.index_cast %add3A_1266 : i32 to index
        %get3A_1268 = arith.constant 64 : index
        %get3A_1269 = tpu.vector_load %arg7[%get3A_1267, %get3A_1268] {strides = array<i32>} : memref<256x128xf32, #tpu.memory_space<vmem>>, vector<1x16xf32>,
        %get3A_1270 = vector.shape_cast %get3A_1269 : vector<1x16xf32> to vector<16xf32>
        %add3A_1271 = arith.addf %add3A_1262, %get3A_1270 : vector<16xf32>
        %mul3A_1272 = arith.constant 8 : i32
        %mul3A_1273 = arith.muli %add3A_924, %mul3A_1272 : i32
        %add3A_1274 = arith.constant 6 : i32
        %add3A_1275 = arith.addi %mul3A_1273, %add3A_1274 : i32
        %get3A_1276 = arith.index_cast %add3A_1275 : i32 to index
        %get3A_1277 = arith.constant 64 : index
        %get3A_1278 = tpu.vector_load %arg7[%get3A_1276, %get3A_1277] {strides = array<i32>} : memref<256x128xf32, #tpu.memory_space<vmem>>, vector<1x16xf32>,
        %get3A_1279 = vector.shape_cast %get3A_1278 : vector<1x16xf32> to vector<16xf32>
        %add3A_1280 = arith.addf %add3A_1271, %get3A_1279 : vector<16xf32>
        %mul3A_1281 = arith.constant 8 : i32
        %mul3A_1282 = arith.muli %add3A_924, %mul3A_1281 : i32
        %add3A_1283 = arith.constant 7 : i32
        %add3A_1284 = arith.addi %mul3A_1282, %add3A_1283 : i32
        %get3A_1285 = arith.index_cast %add3A_1284 : i32 to index
        %get3A_1286 = arith.constant 64 : index
        %get3A_1287 = tpu.vector_load %arg7[%get3A_1285, %get3A_1286] {strides = array<i32>} : memref<256x128xf32, #tpu.memory_space<vmem>>, vector<1x16xf32>,
        %get3A_1288 = vector.shape_cast %get3A_1287 : vector<1x16xf32> to vector<16xf32>
        %add3A_1289 = arith.addf %add3A_1280, %get3A_1288 : vector<16xf32>
        %swap3A_1290 = arith.index_cast %add3A_924 : i32 to index
        %swap3A_1291 = arith.constant 64 : index
        %swap3A_1292 = tpu.vector_load %arg9[%swap3A_1290, %swap3A_1291] {strides = array<i32>} : memref<32x128xf32, #tpu.memory_space<vmem>>, vector<1x16xf32>,
        %swap3A_1293 = vector.shape_cast %swap3A_1292 : vector<1x16xf32> to vector<16xf32>
        %swap3A_1294 = vector.shape_cast %add3A_1289 : vector<16xf32> to vector<1x16xf32>
        tpu.vector_store %arg9[%swap3A_1290, %swap3A_1291], %swap3A_1294 {strides = array<i32>} : memref<32x128xf32, #tpu.memory_space<vmem>>, vector<1x16xf32>,
        %mul3A_1295 = arith.constant 8 : i32
        %mul3A_1296 = arith.muli %add3A_924, %mul3A_1295 : i32
        %get3A_1297 = arith.index_cast %mul3A_1296 : i32 to index
        %get3A_1298 = arith.constant 80 : index
        %get3A_1299 = tpu.vector_load %arg7[%get3A_1297, %get3A_1298] {strides = array<i32>} : memref<256x128xf32, #tpu.memory_space<vmem>>, vector<1x16xf32>,
        %get3A_1300 = vector.shape_cast %get3A_1299 : vector<1x16xf32> to vector<16xf32>
        %mul3A_1301 = arith.constant 8 : i32
        %mul3A_1302 = arith.muli %add3A_924, %mul3A_1301 : i32
        %add3A_1303 = arith.constant 1 : i32
        %add3A_1304 = arith.addi %mul3A_1302, %add3A_1303 : i32
        %get3A_1305 = arith.index_cast %add3A_1304 : i32 to index
        %get3A_1306 = arith.constant 80 : index
        %get3A_1307 = tpu.vector_load %arg7[%get3A_1305, %get3A_1306] {strides = array<i32>} : memref<256x128xf32, #tpu.memory_space<vmem>>, vector<1x16xf32>,
        %get3A_1308 = vector.shape_cast %get3A_1307 : vector<1x16xf32> to vector<16xf32>
        %add3A_1309 = arith.addf %get3A_1300, %get3A_1308 : vector<16xf32>
        %mul3A_1310 = arith.constant 8 : i32
        %mul3A_1311 = arith.muli %add3A_924, %mul3A_1310 : i32
        %add3A_1312 = arith.constant 2 : i32
        %add3A_1313 = arith.addi %mul3A_1311, %add3A_1312 : i32
        %get3A_1314 = arith.index_cast %add3A_1313 : i32 to index
        %get3A_1315 = arith.constant 80 : index
        %get3A_1316 = tpu.vector_load %arg7[%get3A_1314, %get3A_1315] {strides = array<i32>} : memref<256x128xf32, #tpu.memory_space<vmem>>, vector<1x16xf32>,
        %get3A_1317 = vector.shape_cast %get3A_1316 : vector<1x16xf32> to vector<16xf32>
        %add3A_1318 = arith.addf %add3A_1309, %get3A_1317 : vector<16xf32>
        %mul3A_1319 = arith.constant 8 : i32
        %mul3A_1320 = arith.muli %add3A_924, %mul3A_1319 : i32
        %add3A_1321 = arith.constant 3 : i32
        %add3A_1322 = arith.addi %mul3A_1320, %add3A_1321 : i32
        %get3A_1323 = arith.index_cast %add3A_1322 : i32 to index
        %get3A_1324 = arith.constant 80 : index
        %get3A_1325 = tpu.vector_load %arg7[%get3A_1323, %get3A_1324] {strides = array<i32>} : memref<256x128xf32, #tpu.memory_space<vmem>>, vector<1x16xf32>,
        %get3A_1326 = vector.shape_cast %get3A_1325 : vector<1x16xf32> to vector<16xf32>
        %add3A_1327 = arith.addf %add3A_1318, %get3A_1326 : vector<16xf32>
        %mul3A_1328 = arith.constant 8 : i32
        %mul3A_1329 = arith.muli %add3A_924, %mul3A_1328 : i32
        %add3A_1330 = arith.constant 4 : i32
        %add3A_1331 = arith.addi %mul3A_1329, %add3A_1330 : i32
        %get3A_1332 = arith.index_cast %add3A_1331 : i32 to index
        %get3A_1333 = arith.constant 80 : index
        %get3A_1334 = tpu.vector_load %arg7[%get3A_1332, %get3A_1333] {strides = array<i32>} : memref<256x128xf32, #tpu.memory_space<vmem>>, vector<1x16xf32>,
        %get3A_1335 = vector.shape_cast %get3A_1334 : vector<1x16xf32> to vector<16xf32>
        %add3A_1336 = arith.addf %add3A_1327, %get3A_1335 : vector<16xf32>
        %mul3A_1337 = arith.constant 8 : i32
        %mul3A_1338 = arith.muli %add3A_924, %mul3A_1337 : i32
        %add3A_1339 = arith.constant 5 : i32
        %add3A_1340 = arith.addi %mul3A_1338, %add3A_1339 : i32
        %get3A_1341 = arith.index_cast %add3A_1340 : i32 to index
        %get3A_1342 = arith.constant 80 : index
        %get3A_1343 = tpu.vector_load %arg7[%get3A_1341, %get3A_1342] {strides = array<i32>} : memref<256x128xf32, #tpu.memory_space<vmem>>, vector<1x16xf32>,
        %get3A_1344 = vector.shape_cast %get3A_1343 : vector<1x16xf32> to vector<16xf32>
        %add3A_1345 = arith.addf %add3A_1336, %get3A_1344 : vector<16xf32>
        %mul3A_1346 = arith.constant 8 : i32
        %mul3A_1347 = arith.muli %add3A_924, %mul3A_1346 : i32
        %add3A_1348 = arith.constant 6 : i32
        %add3A_1349 = arith.addi %mul3A_1347, %add3A_1348 : i32
        %get3A_1350 = arith.index_cast %add3A_1349 : i32 to index
        %get3A_1351 = arith.constant 80 : index
        %get3A_1352 = tpu.vector_load %arg7[%get3A_1350, %get3A_1351] {strides = array<i32>} : memref<256x128xf32, #tpu.memory_space<vmem>>, vector<1x16xf32>,
        %get3A_1353 = vector.shape_cast %get3A_1352 : vector<1x16xf32> to vector<16xf32>
        %add3A_1354 = arith.addf %add3A_1345, %get3A_1353 : vector<16xf32>
        %mul3A_1355 = arith.constant 8 : i32
        %mul3A_1356 = arith.muli %add3A_924, %mul3A_1355 : i32
        %add3A_1357 = arith.constant 7 : i32
        %add3A_1358 = arith.addi %mul3A_1356, %add3A_1357 : i32
        %get3A_1359 = arith.index_cast %add3A_1358 : i32 to index
        %get3A_1360 = arith.constant 80 : index
        %get3A_1361 = tpu.vector_load %arg7[%get3A_1359, %get3A_1360] {strides = array<i32>} : memref<256x128xf32, #tpu.memory_space<vmem>>, vector<1x16xf32>,
        %get3A_1362 = vector.shape_cast %get3A_1361 : vector<1x16xf32> to vector<16xf32>
        %add3A_1363 = arith.addf %add3A_1354, %get3A_1362 : vector<16xf32>
        %swap3A_1364 = arith.index_cast %add3A_924 : i32 to index
        %swap3A_1365 = arith.constant 80 : index
        %swap3A_1366 = tpu.vector_load %arg9[%swap3A_1364, %swap3A_1365] {strides = array<i32>} : memref<32x128xf32, #tpu.memory_space<vmem>>, vector<1x16xf32>,
        %swap3A_1367 = vector.shape_cast %swap3A_1366 : vector<1x16xf32> to vector<16xf32>
        %swap3A_1368 = vector.shape_cast %add3A_1363 : vector<16xf32> to vector<1x16xf32>
        tpu.vector_store %arg9[%swap3A_1364, %swap3A_1365], %swap3A_1368 {strides = array<i32>} : memref<32x128xf32, #tpu.memory_space<vmem>>, vector<1x16xf32>,
        %mul3A_1369 = arith.constant 8 : i32
        %mul3A_1370 = arith.muli %add3A_924, %mul3A_1369 : i32
        %get3A_1371 = arith.index_cast %mul3A_1370 : i32 to index
        %get3A_1372 = arith.constant 96 : index
        %get3A_1373 = tpu.vector_load %arg7[%get3A_1371, %get3A_1372] {strides = array<i32>} : memref<256x128xf32, #tpu.memory_space<vmem>>, vector<1x16xf32>,
        %get3A_1374 = vector.shape_cast %get3A_1373 : vector<1x16xf32> to vector<16xf32>
        %mul3A_1375 = arith.constant 8 : i32
        %mul3A_1376 = arith.muli %add3A_924, %mul3A_1375 : i32
        %add3A_1377 = arith.constant 1 : i32
        %add3A_1378 = arith.addi %mul3A_1376, %add3A_1377 : i32
        %get3A_1379 = arith.index_cast %add3A_1378 : i32 to index
        %get3A_1380 = arith.constant 96 : index
        %get3A_1381 = tpu.vector_load %arg7[%get3A_1379, %get3A_1380] {strides = array<i32>} : memref<256x128xf32, #tpu.memory_space<vmem>>, vector<1x16xf32>,
        %get3A_1382 = vector.shape_cast %get3A_1381 : vector<1x16xf32> to vector<16xf32>
        %add3A_1383 = arith.addf %get3A_1374, %get3A_1382 : vector<16xf32>
        %mul3A_1384 = arith.constant 8 : i32
        %mul3A_1385 = arith.muli %add3A_924, %mul3A_1384 : i32
        %add3A_1386 = arith.constant 2 : i32
        %add3A_1387 = arith.addi %mul3A_1385, %add3A_1386 : i32
        %get3A_1388 = arith.index_cast %add3A_1387 : i32 to index
        %get3A_1389 = arith.constant 96 : index
        %get3A_1390 = tpu.vector_load %arg7[%get3A_1388, %get3A_1389] {strides = array<i32>} : memref<256x128xf32, #tpu.memory_space<vmem>>, vector<1x16xf32>,
        %get3A_1391 = vector.shape_cast %get3A_1390 : vector<1x16xf32> to vector<16xf32>
        %add3A_1392 = arith.addf %add3A_1383, %get3A_1391 : vector<16xf32>
        %mul3A_1393 = arith.constant 8 : i32
        %mul3A_1394 = arith.muli %add3A_924, %mul3A_1393 : i32
        %add3A_1395 = arith.constant 3 : i32
        %add3A_1396 = arith.addi %mul3A_1394, %add3A_1395 : i32
        %get3A_1397 = arith.index_cast %add3A_1396 : i32 to index
        %get3A_1398 = arith.constant 96 : index
        %get3A_1399 = tpu.vector_load %arg7[%get3A_1397, %get3A_1398] {strides = array<i32>} : memref<256x128xf32, #tpu.memory_space<vmem>>, vector<1x16xf32>,
        %get3A_1400 = vector.shape_cast %get3A_1399 : vector<1x16xf32> to vector<16xf32>
        %add3A_1401 = arith.addf %add3A_1392, %get3A_1400 : vector<16xf32>
        %mul3A_1402 = arith.constant 8 : i32
        %mul3A_1403 = arith.muli %add3A_924, %mul3A_1402 : i32
        %add3A_1404 = arith.constant 4 : i32
        %add3A_1405 = arith.addi %mul3A_1403, %add3A_1404 : i32
        %get3A_1406 = arith.index_cast %add3A_1405 : i32 to index
        %get3A_1407 = arith.constant 96 : index
        %get3A_1408 = tpu.vector_load %arg7[%get3A_1406, %get3A_1407] {strides = array<i32>} : memref<256x128xf32, #tpu.memory_space<vmem>>, vector<1x16xf32>,
        %get3A_1409 = vector.shape_cast %get3A_1408 : vector<1x16xf32> to vector<16xf32>
        %add3A_1410 = arith.addf %add3A_1401, %get3A_1409 : vector<16xf32>
        %mul3A_1411 = arith.constant 8 : i32
        %mul3A_1412 = arith.muli %add3A_924, %mul3A_1411 : i32
        %add3A_1413 = arith.constant 5 : i32
        %add3A_1414 = arith.addi %mul3A_1412, %add3A_1413 : i32
        %get3A_1415 = arith.index_cast %add3A_1414 : i32 to index
        %get3A_1416 = arith.constant 96 : index
        %get3A_1417 = tpu.vector_load %arg7[%get3A_1415, %get3A_1416] {strides = array<i32>} : memref<256x128xf32, #tpu.memory_space<vmem>>, vector<1x16xf32>,
        %get3A_1418 = vector.shape_cast %get3A_1417 : vector<1x16xf32> to vector<16xf32>
        %add3A_1419 = arith.addf %add3A_1410, %get3A_1418 : vector<16xf32>
        %mul3A_1420 = arith.constant 8 : i32
        %mul3A_1421 = arith.muli %add3A_924, %mul3A_1420 : i32
        %add3A_1422 = arith.constant 6 : i32
        %add3A_1423 = arith.addi %mul3A_1421, %add3A_1422 : i32
        %get3A_1424 = arith.index_cast %add3A_1423 : i32 to index
        %get3A_1425 = arith.constant 96 : index
        %get3A_1426 = tpu.vector_load %arg7[%get3A_1424, %get3A_1425] {strides = array<i32>} : memref<256x128xf32, #tpu.memory_space<vmem>>, vector<1x16xf32>,
        %get3A_1427 = vector.shape_cast %get3A_1426 : vector<1x16xf32> to vector<16xf32>
        %add3A_1428 = arith.addf %add3A_1419, %get3A_1427 : vector<16xf32>
        %mul3A_1429 = arith.constant 8 : i32
        %mul3A_1430 = arith.muli %add3A_924, %mul3A_1429 : i32
        %add3A_1431 = arith.constant 7 : i32
        %add3A_1432 = arith.addi %mul3A_1430, %add3A_1431 : i32
        %get3A_1433 = arith.index_cast %add3A_1432 : i32 to index
        %get3A_1434 = arith.constant 96 : index
        %get3A_1435 = tpu.vector_load %arg7[%get3A_1433, %get3A_1434] {strides = array<i32>} : memref<256x128xf32, #tpu.memory_space<vmem>>, vector<1x16xf32>,
        %get3A_1436 = vector.shape_cast %get3A_1435 : vector<1x16xf32> to vector<16xf32>
        %add3A_1437 = arith.addf %add3A_1428, %get3A_1436 : vector<16xf32>
        %swap3A_1438 = arith.index_cast %add3A_924 : i32 to index
        %swap3A_1439 = arith.constant 96 : index
        %swap3A_1440 = tpu.vector_load %arg9[%swap3A_1438, %swap3A_1439] {strides = array<i32>} : memref<32x128xf32, #tpu.memory_space<vmem>>, vector<1x16xf32>,
        %swap3A_1441 = vector.shape_cast %swap3A_1440 : vector<1x16xf32> to vector<16xf32>
        %swap3A_1442 = vector.shape_cast %add3A_1437 : vector<16xf32> to vector<1x16xf32>
        tpu.vector_store %arg9[%swap3A_1438, %swap3A_1439], %swap3A_1442 {strides = array<i32>} : memref<32x128xf32, #tpu.memory_space<vmem>>, vector<1x16xf32>,
        %mul3A_1443 = arith.constant 8 : i32
        %mul3A_1444 = arith.muli %add3A_924, %mul3A_1443 : i32
        %get3A_1445 = arith.index_cast %mul3A_1444 : i32 to index
        %get3A_1446 = arith.constant 112 : index
        %get3A_1447 = tpu.vector_load %arg7[%get3A_1445, %get3A_1446] {strides = array<i32>} : memref<256x128xf32, #tpu.memory_space<vmem>>, vector<1x16xf32>,
        %get3A_1448 = vector.shape_cast %get3A_1447 : vector<1x16xf32> to vector<16xf32>
        %mul3A_1449 = arith.constant 8 : i32
        %mul3A_1450 = arith.muli %add3A_924, %mul3A_1449 : i32
        %add3A_1451 = arith.constant 1 : i32
        %add3A_1452 = arith.addi %mul3A_1450, %add3A_1451 : i32
        %get3A_1453 = arith.index_cast %add3A_1452 : i32 to index
        %get3A_1454 = arith.constant 112 : index
        %get3A_1455 = tpu.vector_load %arg7[%get3A_1453, %get3A_1454] {strides = array<i32>} : memref<256x128xf32, #tpu.memory_space<vmem>>, vector<1x16xf32>,
        %get3A_1456 = vector.shape_cast %get3A_1455 : vector<1x16xf32> to vector<16xf32>
        %add3A_1457 = arith.addf %get3A_1448, %get3A_1456 : vector<16xf32>
        %mul3A_1458 = arith.constant 8 : i32
        %mul3A_1459 = arith.muli %add3A_924, %mul3A_1458 : i32
        %add3A_1460 = arith.constant 2 : i32
        %add3A_1461 = arith.addi %mul3A_1459, %add3A_1460 : i32
        %get3A_1462 = arith.index_cast %add3A_1461 : i32 to index
        %get3A_1463 = arith.constant 112 : index
        %get3A_1464 = tpu.vector_load %arg7[%get3A_1462, %get3A_1463] {strides = array<i32>} : memref<256x128xf32, #tpu.memory_space<vmem>>, vector<1x16xf32>,
        %get3A_1465 = vector.shape_cast %get3A_1464 : vector<1x16xf32> to vector<16xf32>
        %add3A_1466 = arith.addf %add3A_1457, %get3A_1465 : vector<16xf32>
        %mul3A_1467 = arith.constant 8 : i32
        %mul3A_1468 = arith.muli %add3A_924, %mul3A_1467 : i32
        %add3A_1469 = arith.constant 3 : i32
        %add3A_1470 = arith.addi %mul3A_1468, %add3A_1469 : i32
        %get3A_1471 = arith.index_cast %add3A_1470 : i32 to index
        %get3A_1472 = arith.constant 112 : index
        %get3A_1473 = tpu.vector_load %arg7[%get3A_1471, %get3A_1472] {strides = array<i32>} : memref<256x128xf32, #tpu.memory_space<vmem>>, vector<1x16xf32>,
        %get3A_1474 = vector.shape_cast %get3A_1473 : vector<1x16xf32> to vector<16xf32>
        %add3A_1475 = arith.addf %add3A_1466, %get3A_1474 : vector<16xf32>
        %mul3A_1476 = arith.constant 8 : i32
        %mul3A_1477 = arith.muli %add3A_924, %mul3A_1476 : i32
        %add3A_1478 = arith.constant 4 : i32
        %add3A_1479 = arith.addi %mul3A_1477, %add3A_1478 : i32
        %get3A_1480 = arith.index_cast %add3A_1479 : i32 to index
        %get3A_1481 = arith.constant 112 : index
        %get3A_1482 = tpu.vector_load %arg7[%get3A_1480, %get3A_1481] {strides = array<i32>} : memref<256x128xf32, #tpu.memory_space<vmem>>, vector<1x16xf32>,
        %get3A_1483 = vector.shape_cast %get3A_1482 : vector<1x16xf32> to vector<16xf32>
        %add3A_1484 = arith.addf %add3A_1475, %get3A_1483 : vector<16xf32>
        %mul3A_1485 = arith.constant 8 : i32
        %mul3A_1486 = arith.muli %add3A_924, %mul3A_1485 : i32
        %add3A_1487 = arith.constant 5 : i32
        %add3A_1488 = arith.addi %mul3A_1486, %add3A_1487 : i32
        %get3A_1489 = arith.index_cast %add3A_1488 : i32 to index
        %get3A_1490 = arith.constant 112 : index
        %get3A_1491 = tpu.vector_load %arg7[%get3A_1489, %get3A_1490] {strides = array<i32>} : memref<256x128xf32, #tpu.memory_space<vmem>>, vector<1x16xf32>,
        %get3A_1492 = vector.shape_cast %get3A_1491 : vector<1x16xf32> to vector<16xf32>
        %add3A_1493 = arith.addf %add3A_1484, %get3A_1492 : vector<16xf32>
        %mul3A_1494 = arith.constant 8 : i32
        %mul3A_1495 = arith.muli %add3A_924, %mul3A_1494 : i32
        %add3A_1496 = arith.constant 6 : i32
        %add3A_1497 = arith.addi %mul3A_1495, %add3A_1496 : i32
        %get3A_1498 = arith.index_cast %add3A_1497 : i32 to index
        %get3A_1499 = arith.constant 112 : index
        %get3A_1500 = tpu.vector_load %arg7[%get3A_1498, %get3A_1499] {strides = array<i32>} : memref<256x128xf32, #tpu.memory_space<vmem>>, vector<1x16xf32>,
        %get3A_1501 = vector.shape_cast %get3A_1500 : vector<1x16xf32> to vector<16xf32>
        %add3A_1502 = arith.addf %add3A_1493, %get3A_1501 : vector<16xf32>
        %mul3A_1503 = arith.constant 8 : i32
        %mul3A_1504 = arith.muli %add3A_924, %mul3A_1503 : i32
        %add3A_1505 = arith.constant 7 : i32
        %add3A_1506 = arith.addi %mul3A_1504, %add3A_1505 : i32
        %get3A_1507 = arith.index_cast %add3A_1506 : i32 to index
        %get3A_1508 = arith.constant 112 : index
        %get3A_1509 = tpu.vector_load %arg7[%get3A_1507, %get3A_1508] {strides = array<i32>} : memref<256x128xf32, #tpu.memory_space<vmem>>, vector<1x16xf32>,
        %get3A_1510 = vector.shape_cast %get3A_1509 : vector<1x16xf32> to vector<16xf32>
        %add3A_1511 = arith.addf %add3A_1502, %get3A_1510 : vector<16xf32>
        %swap3A_1512 = arith.index_cast %add3A_924 : i32 to index
        %swap3A_1513 = arith.constant 112 : index
        %swap3A_1514 = tpu.vector_load %arg9[%swap3A_1512, %swap3A_1513] {strides = array<i32>} : memref<32x128xf32, #tpu.memory_space<vmem>>, vector<1x16xf32>,
        %swap3A_1515 = vector.shape_cast %swap3A_1514 : vector<1x16xf32> to vector<16xf32>
        %swap3A_1516 = vector.shape_cast %add3A_1511 : vector<16xf32> to vector<1x16xf32>
        tpu.vector_store %arg9[%swap3A_1512, %swap3A_1513], %swap3A_1516 {strides = array<i32>} : memref<32x128xf32, #tpu.memory_space<vmem>>, vector<1x16xf32>,
      }
      %scan3A_292 = arith.constant 16 : i32
      %mul3A_293 = arith.constant 32 : i32
      %mul3A_294 = arith.muli %add3A_251, %mul3A_293 : i32
      %add3A_295 = arith.addi %multiple_of3A, %mul3A_294 : i32
      %dma_start3A_296 = arith.constant 0 : i32
      %dma_start3A_297 = tpu.memref_slice %arg4[%add3A_295, %dma_start3A_296] : memref<51200x128xf32, #tpu.memory_space<hbm>> -> memref<32x128xf32, #tpu.memory_space<hbm>>
      %dma_start3A_298 = arith.constant 0 : i32
      %dma_start3A_299 = tpu.memref_slice %arg4[%add3A_295, %dma_start3A_298] : memref<51200x128xf32, #tpu.memory_space<hbm>> -> memref<32x128xf32, #tpu.memory_space<hbm>>
      tpu.enqueue_dma source(%arg9 : memref<32x128xf32, #tpu.memory_space<vmem>>) target(%dma_start3A_299 : memref<32x128xf32, #tpu.memory_space<hbm>>) target_semaphore(%arg13 : memref<!tpu.dma_semaphore, #tpu.memory_space<semaphore_mem>>)
      %mul3A_300 = arith.constant 2 : i32
      %mul3A_301 = arith.muli %min3A_256, %mul3A_300 : i32
      %add3A_302 = arith.constant 0 : i32
      %add3A_303 = arith.addi %mul3A_301, %add3A_302 : i32
      %dma_start3A_304 = arith.constant 0 : i32
      %dma_start3A_305 = arith.constant 0 : i32
      %dma_start3A_306 = tpu.memref_slice %arg7[%dma_start3A_304, %dma_start3A_305] : memref<256x128xf32, #tpu.memory_space<vmem>> -> memref<128x128xf32, #tpu.memory_space<vmem>>
      %dma_start3A_307 = arith.constant 0 : i32
      %dma_start3A_308 = tpu.memref_slice %arg5[%add3A_303, %dma_start3A_307] : memref<160x128xi32, #tpu.memory_space<vmem>> -> memref<1x128xi32, #tpu.memory_space<vmem>>
      %dma_start3A_309 = tpu.memref_squeeze %dma_start3A_308 : memref<1x128xi32, #tpu.memory_space<vmem>> -> memref<128xi32, #tpu.memory_space<vmem>>
      %dma_start3A_310 = arith.constant 0 : i32
      %dma_start3A_311 = arith.constant 0 : i32
      %dma_start3A_312 = tpu.memref_slice %arg2[%dma_start3A_310, %dma_start3A_311] : memref<50000x128xf32, #tpu.memory_space<hbm>> -> memref<50000x128xf32, #tpu.memory_space<hbm>>
      tpu.enqueue_indirect_dma source(%dma_start3A_312 : memref<50000x128xf32, #tpu.memory_space<hbm>>) target(%dma_start3A_306 : memref<128x128xf32, #tpu.memory_space<vmem>>) offsets(%dma_start3A_309 : memref<128xi32, #tpu.memory_space<vmem>>) semaphore(%arg11 : memref<!tpu.dma_semaphore, #tpu.memory_space<semaphore_mem>>)
      %mul3A_313 = arith.constant 2 : i32
      %mul3A_314 = arith.muli %min3A_256, %mul3A_313 : i32
      %add3A_315 = arith.constant 1 : i32
      %add3A_316 = arith.addi %mul3A_314, %add3A_315 : i32
      %dma_start3A_317 = arith.constant 128 : i32
      %dma_start3A_318 = arith.constant 0 : i32
      %dma_start3A_319 = tpu.memref_slice %arg7[%dma_start3A_317, %dma_start3A_318] : memref<256x128xf32, #tpu.memory_space<vmem>> -> memref<128x128xf32, #tpu.memory_space<vmem>>
      %dma_start3A_320 = arith.constant 0 : i32
      %dma_start3A_321 = tpu.memref_slice %arg5[%add3A_316, %dma_start3A_320] : memref<160x128xi32, #tpu.memory_space<vmem>> -> memref<1x128xi32, #tpu.memory_space<vmem>>
      %dma_start3A_322 = tpu.memref_squeeze %dma_start3A_321 : memref<1x128xi32, #tpu.memory_space<vmem>> -> memref<128xi32, #tpu.memory_space<vmem>>
      %dma_start3A_323 = arith.constant 0 : i32
      %dma_start3A_324 = arith.constant 0 : i32
      %dma_start3A_325 = tpu.memref_slice %arg2[%dma_start3A_323, %dma_start3A_324] : memref<50000x128xf32, #tpu.memory_space<hbm>> -> memref<50000x128xf32, #tpu.memory_space<hbm>>
      tpu.enqueue_indirect_dma source(%dma_start3A_325 : memref<50000x128xf32, #tpu.memory_space<hbm>>) target(%dma_start3A_319 : memref<128x128xf32, #tpu.memory_space<vmem>>) offsets(%dma_start3A_322 : memref<128xi32, #tpu.memory_space<vmem>>) semaphore(%arg11 : memref<!tpu.dma_semaphore, #tpu.memory_space<semaphore_mem>>)
    }
    %dma_wait3A = arith.constant 0 : i32
    %dma_wait3A_112 = arith.constant 0 : i32
    %dma_wait3A_113 = tpu.memref_slice %arg6[%dma_wait3A, %dma_wait3A_112] : memref<256x128xf32, #tpu.memory_space<vmem>> -> memref<128x128xf32, #tpu.memory_space<vmem>>
    %dma_wait3A_114 = arith.constant 0 : i32
    %dma_wait3A_115 = arith.constant 0 : i32
    %dma_wait3A_116 = tpu.memref_slice %arg2[%dma_wait3A_114, %dma_wait3A_115] : memref<50000x128xf32, #tpu.memory_space<hbm>> -> memref<128x128xf32, #tpu.memory_space<hbm>>
    %dma_wait3A_117 = arith.constant 0 : i32
    %dma_wait3A_118 = arith.constant 0 : i32
    %dma_wait3A_119 = tpu.memref_slice %arg6[%dma_wait3A_117, %dma_wait3A_118] : memref<256x128xf32, #tpu.memory_space<vmem>> -> memref<128x128xf32, #tpu.memory_space<vmem>>
    %dma_wait3A_120 = arith.constant 0 : i32
    %dma_wait3A_121 = arith.constant 0 : i32
    %dma_wait3A_122 = tpu.memref_slice %arg2[%dma_wait3A_120, %dma_wait3A_121] : memref<50000x128xf32, #tpu.memory_space<hbm>> -> memref<128x128xf32, #tpu.memory_space<hbm>>
    tpu.wait_dma2 semaphore(%arg10 : memref<!tpu.dma_semaphore, #tpu.memory_space<semaphore_mem>>) src(%dma_wait3A_122 : memref<128x128xf32, #tpu.memory_space<hbm>>) dst(%dma_wait3A_119 : memref<128x128xf32, #tpu.memory_space<vmem>>)
    %dma_wait3A_123 = arith.constant 128 : i32
    %dma_wait3A_124 = arith.constant 0 : i32
    %dma_wait3A_125 = tpu.memref_slice %arg6[%dma_wait3A_123, %dma_wait3A_124] : memref<256x128xf32, #tpu.memory_space<vmem>> -> memref<128x128xf32, #tpu.memory_space<vmem>>
    %dma_wait3A_126 = arith.constant 0 : i32
    %dma_wait3A_127 = arith.constant 0 : i32
    %dma_wait3A_128 = tpu.memref_slice %arg2[%dma_wait3A_126, %dma_wait3A_127] : memref<50000x128xf32, #tpu.memory_space<hbm>> -> memref<128x128xf32, #tpu.memory_space<hbm>>
    %dma_wait3A_129 = arith.constant 128 : i32
    %dma_wait3A_130 = arith.constant 0 : i32
    %dma_wait3A_131 = tpu.memref_slice %arg6[%dma_wait3A_129, %dma_wait3A_130] : memref<256x128xf32, #tpu.memory_space<vmem>> -> memref<128x128xf32, #tpu.memory_space<vmem>>
    %dma_wait3A_132 = arith.constant 0 : i32
    %dma_wait3A_133 = arith.constant 0 : i32
    %dma_wait3A_134 = tpu.memref_slice %arg2[%dma_wait3A_132, %dma_wait3A_133] : memref<50000x128xf32, #tpu.memory_space<hbm>> -> memref<128x128xf32, #tpu.memory_space<hbm>>
    tpu.wait_dma2 semaphore(%arg10 : memref<!tpu.dma_semaphore, #tpu.memory_space<semaphore_mem>>) src(%dma_wait3A_134 : memref<128x128xf32, #tpu.memory_space<hbm>>) dst(%dma_wait3A_131 : memref<128x128xf32, #tpu.memory_space<vmem>>)
    %dma_wait3A_135 = arith.constant 0 : i32
    %dma_wait3A_136 = arith.constant 0 : i32
    %dma_wait3A_137 = tpu.memref_slice %arg4[%dma_wait3A_135, %dma_wait3A_136] : memref<51200x128xf32, #tpu.memory_space<hbm>> -> memref<32x128xf32, #tpu.memory_space<hbm>>
    %dma_wait3A_138 = arith.constant 0 : i32
    %dma_wait3A_139 = arith.constant 0 : i32
    %dma_wait3A_140 = tpu.memref_slice %arg4[%dma_wait3A_138, %dma_wait3A_139] : memref<51200x128xf32, #tpu.memory_space<hbm>> -> memref<32x128xf32, #tpu.memory_space<hbm>>
    tpu.wait_dma2 semaphore(%arg12 : memref<!tpu.dma_semaphore, #tpu.memory_space<semaphore_mem>>) src(%arg8 : memref<32x128xf32, #tpu.memory_space<vmem>>) dst(%dma_wait3A_140 : memref<32x128xf32, #tpu.memory_space<hbm>>)
    %dma_wait3A_141 = arith.constant 0 : i32
    %dma_wait3A_142 = arith.constant 0 : i32
    %dma_wait3A_143 = tpu.memref_slice %arg7[%dma_wait3A_141, %dma_wait3A_142] : memref<256x128xf32, #tpu.memory_space<vmem>> -> memref<128x128xf32, #tpu.memory_space<vmem>>
    %dma_wait3A_144 = arith.constant 0 : i32
    %dma_wait3A_145 = arith.constant 0 : i32
    %dma_wait3A_146 = tpu.memref_slice %arg2[%dma_wait3A_144, %dma_wait3A_145] : memref<50000x128xf32, #tpu.memory_space<hbm>> -> memref<128x128xf32, #tpu.memory_space<hbm>>
    %dma_wait3A_147 = arith.constant 0 : i32
    %dma_wait3A_148 = arith.constant 0 : i32
    %dma_wait3A_149 = tpu.memref_slice %arg7[%dma_wait3A_147, %dma_wait3A_148] : memref<256x128xf32, #tpu.memory_space<vmem>> -> memref<128x128xf32, #tpu.memory_space<vmem>>
    %dma_wait3A_150 = arith.constant 0 : i32
    %dma_wait3A_151 = arith.constant 0 : i32
    %dma_wait3A_152 = tpu.memref_slice %arg2[%dma_wait3A_150, %dma_wait3A_151] : memref<50000x128xf32, #tpu.memory_space<hbm>> -> memref<128x128xf32, #tpu.memory_space<hbm>>
    tpu.wait_dma2 semaphore(%arg11 : memref<!tpu.dma_semaphore, #tpu.memory_space<semaphore_mem>>) src(%dma_wait3A_152 : memref<128x128xf32, #tpu.memory_space<hbm>>) dst(%dma_wait3A_149 : memref<128x128xf32, #tpu.memory_space<vmem>>)
    %dma_wait3A_153 = arith.constant 128 : i32
    %dma_wait3A_154 = arith.constant 0 : i32
    %dma_wait3A_155 = tpu.memref_slice %arg7[%dma_wait3A_153, %dma_wait3A_154] : memref<256x128xf32, #tpu.memory_space<vmem>> -> memref<128x128xf32, #tpu.memory_space<vmem>>
    %dma_wait3A_156 = arith.constant 0 : i32
    %dma_wait3A_157 = arith.constant 0 : i32
    %dma_wait3A_158 = tpu.memref_slice %arg2[%dma_wait3A_156, %dma_wait3A_157] : memref<50000x128xf32, #tpu.memory_space<hbm>> -> memref<128x128xf32, #tpu.memory_space<hbm>>
    %dma_wait3A_159 = arith.constant 128 : i32
    %dma_wait3A_160 = arith.constant 0 : i32
    %dma_wait3A_161 = tpu.memref_slice %arg7[%dma_wait3A_159, %dma_wait3A_160] : memref<256x128xf32, #tpu.memory_space<vmem>> -> memref<128x128xf32, #tpu.memory_space<vmem>>
    %dma_wait3A_162 = arith.constant 0 : i32
    %dma_wait3A_163 = arith.constant 0 : i32
    %dma_wait3A_164 = tpu.memref_slice %arg2[%dma_wait3A_162, %dma_wait3A_163] : memref<50000x128xf32, #tpu.memory_space<hbm>> -> memref<128x128xf32, #tpu.memory_space<hbm>>
    tpu.wait_dma2 semaphore(%arg11 : memref<!tpu.dma_semaphore, #tpu.memory_space<semaphore_mem>>) src(%dma_wait3A_164 : memref<128x128xf32, #tpu.memory_space<hbm>>) dst(%dma_wait3A_161 : memref<128x128xf32, #tpu.memory_space<vmem>>)
    %dma_wait3A_165 = arith.constant 0 : i32
    %dma_wait3A_166 = arith.constant 0 : i32
    %dma_wait3A_167 = tpu.memref_slice %arg4[%dma_wait3A_165, %dma_wait3A_166] : memref<51200x128xf32, #tpu.memory_space<hbm>> -> memref<32x128xf32, #tpu.memory_space<hbm>>
    %dma_wait3A_168 = arith.constant 0 : i32
    %dma_wait3A_169 = arith.constant 0 : i32
    %dma_wait3A_170 = tpu.memref_slice %arg4[%dma_wait3A_168, %dma_wait3A_169] : memref<51200x128xf32, #tpu.memory_space<hbm>> -> memref<32x128xf32, #tpu.memory_space<hbm>>
    tpu.wait_dma2 semaphore(%arg13 : memref<!tpu.dma_semaphore, #tpu.memory_space<semaphore_mem>>) src(%arg9 : memref<32x128xf32, #tpu.memory_space<vmem>>) dst(%dma_wait3A_170 : memref<32x128xf32, #tpu.memory_space<hbm>>)
    return
  }
}

module attributes {stable_mosaic.version = 14 : i64} {
  func.func @_stage1_body(%arg0: i32, %arg1: memref<1000x128xf32, #tpu.memory_space<vmem>>, %arg2: memref<128x640xf32, #tpu.memory_space<vmem>>, %arg3: memref<1x640xf32, #tpu.memory_space<vmem>>, %arg4: memref<1x128xf32, #tpu.memory_space<vmem>>, %arg5: memref<1x128xf32, #tpu.memory_space<vmem>>, %arg6: memref<1000x128xf32, #tpu.memory_space<vmem>>, %arg7: memref<1000x128xf32, #tpu.memory_space<vmem>>, %arg8: memref<1000x128xf32, #tpu.memory_space<vmem>>) attributes {dimension_semantics = [#tpu.dimension_semantics<arbitrary>], iteration_bounds = array<i64: 50>, scalar_prefetch = 0 : i64, scratch_operands = 0 : i64, tpu.core_type = #tpu.core_type<tc>, window_params = [{transform_indices = @transform_0, window_bounds = array<i64: 1000, 128>}, {pipeline_mode = #tpu.pipeline_mode<synchronous>, transform_indices = @transform_1, window_bounds = array<i64: 128, 640>}, {pipeline_mode = #tpu.pipeline_mode<synchronous>, transform_indices = @transform_2, window_bounds = array<i64: 1, 640>}, {pipeline_mode = #tpu.pipeline_mode<synchronous>, transform_indices = @transform_3, window_bounds = array<i64: 1, 128>}, {pipeline_mode = #tpu.pipeline_mode<synchronous>, transform_indices = @transform_4, window_bounds = array<i64: 1, 128>}, {transform_indices = @transform_5, window_bounds = array<i64: 1000, 128>}, {transform_indices = @transform_6, window_bounds = array<i64: 1000, 128>}, {transform_indices = @transform_7, window_bounds = array<i64: 1000, 128>}]} {
    %get3A = arith.constant 0 : index
    %get3A_0 = arith.constant 0 : index
    %get3A_1 = vector.load %arg1[%get3A, %get3A_0] : memref<1000x128xf32, #tpu.memory_space<vmem>>, vector<1000x128xf32>
    %reduce_sum3A = arith.constant dense<0.000000e+00> : vector<1000xf32>
    %reduce_sum3A_2 = vector.multi_reduction <add>, %get3A_1, %reduce_sum3A [1] : vector<1000x128xf32> to vector<1000xf32>
    %broadcast_in_dim3A = vector.shape_cast %reduce_sum3A_2 : vector<1000xf32> to vector<1000x1xf32>
    %div3A = arith.constant 1.280000e+02 : f32
    %div3A_3 = vector.broadcast %div3A : f32 to vector<1000x1xf32>
    %div3A_4 = arith.divf %broadcast_in_dim3A, %div3A_3 : vector<1000x1xf32>
    %sub3A = vector.broadcast %div3A_4 : vector<1000x1xf32> to vector<1000x128xf32>
    %sub3A_5 = arith.subf %get3A_1, %sub3A : vector<1000x128xf32>
    %sub3A_6 = vector.broadcast %div3A_4 : vector<1000x1xf32> to vector<1000x128xf32>
    %sub3A_7 = arith.subf %get3A_1, %sub3A_6 : vector<1000x128xf32>
    %mul3A = arith.mulf %sub3A_5, %sub3A_7 : vector<1000x128xf32>
    %reduce_sum3A_8 = arith.constant dense<0.000000e+00> : vector<1000xf32>
    %reduce_sum3A_9 = vector.multi_reduction <add>, %mul3A, %reduce_sum3A_8 [1] : vector<1000x128xf32> to vector<1000xf32>
    %broadcast_in_dim3A_10 = vector.shape_cast %reduce_sum3A_9 : vector<1000xf32> to vector<1000x1xf32>
    %div3A_11 = arith.constant 1.280000e+02 : f32
    %div3A_12 = vector.broadcast %div3A_11 : f32 to vector<1000x1xf32>
    %div3A_13 = arith.divf %broadcast_in_dim3A_10, %div3A_12 : vector<1000x1xf32>
    %sub3A_14 = vector.broadcast %div3A_4 : vector<1000x1xf32> to vector<1000x128xf32>
    %sub3A_15 = arith.subf %get3A_1, %sub3A_14 : vector<1000x128xf32>
    %add3A = arith.constant 9.99999974E-6 : f32
    %add3A_16 = vector.broadcast %add3A : f32 to vector<1000x1xf32>
    %add3A_17 = arith.addf %div3A_13, %add3A_16 : vector<1000x1xf32>
    %rsqrt3A = math.rsqrt %add3A_17 : vector<1000x1xf32>
    %mul3A_18 = vector.broadcast %rsqrt3A : vector<1000x1xf32> to vector<1000x128xf32>
    %mul3A_19 = arith.mulf %sub3A_15, %mul3A_18 : vector<1000x128xf32>
    %get3A_20 = arith.constant 0 : index
    %get3A_21 = arith.constant 0 : index
    %get3A_22 = vector.load %arg4[%get3A_20, %get3A_21] : memref<1x128xf32, #tpu.memory_space<vmem>>, vector<1x128xf32>
    %mul3A_23 = vector.broadcast %get3A_22 : vector<1x128xf32> to vector<1000x128xf32>
    %mul3A_24 = arith.mulf %mul3A_19, %mul3A_23 : vector<1000x128xf32>
    %get3A_25 = arith.constant 0 : index
    %get3A_26 = arith.constant 0 : index
    %get3A_27 = vector.load %arg5[%get3A_25, %get3A_26] : memref<1x128xf32, #tpu.memory_space<vmem>>, vector<1x128xf32>
    %add3A_28 = vector.broadcast %get3A_27 : vector<1x128xf32> to vector<1000x128xf32>
    %add3A_29 = arith.addf %mul3A_24, %add3A_28 : vector<1000x128xf32>
    %get3A_30 = arith.constant 0 : index
    %get3A_31 = arith.constant 0 : index
    %get3A_32 = vector.load %arg2[%get3A_30, %get3A_31] : memref<128x640xf32, #tpu.memory_space<vmem>>, vector<128x640xf32>
    %dot_general3A = arith.constant dense<0.000000e+00> : vector<1000x640xf32>
    %dot_general3A_33 = tpu.matmul %add3A_29, %get3A_32, %dot_general3A {dimension_numbers = #tpu.dot_dimension_numbers<[1], [0], [0], [1], [0, 0, 1, 1], [], []>, transpose_lhs_hint = false} : vector<1000x128xf32>, vector<128x640xf32>, vector<1000x640xf32> -> vector<1000x640xf32>
    %get3A_34 = arith.constant 0 : index
    %get3A_35 = arith.constant 0 : index
    %get3A_36 = vector.load %arg3[%get3A_34, %get3A_35] : memref<1x640xf32, #tpu.memory_space<vmem>>, vector<1x640xf32>
    %add3A_37 = vector.broadcast %get3A_36 : vector<1x640xf32> to vector<1000x640xf32>
    %add3A_38 = arith.addf %dot_general3A_33, %add3A_37 : vector<1000x640xf32>
    %slice3A = vector.extract_strided_slice %add3A_38 {offsets = [0, 0], sizes = [1000, 128], strides = [1, 1]} : vector<1000x640xf32> to vector<1000x128xf32>
    %logistic3A = arith.negf %slice3A : vector<1000x128xf32>
    %logistic3A_39 = math.exp %logistic3A : vector<1000x128xf32>
    %logistic3A_40 = arith.constant 1.000000e+00 : f32
    %logistic3A_41 = vector.broadcast %logistic3A_40 : f32 to vector<1000x128xf32>
    %logistic3A_42 = arith.addf %logistic3A_41, %logistic3A_39 : vector<1000x128xf32>
    %logistic3A_43 = arith.divf %logistic3A_41, %logistic3A_42 : vector<1000x128xf32>
    %slice3A_44 = vector.extract_strided_slice %add3A_38 {offsets = [0, 128], sizes = [1000, 128], strides = [1, 1]} : vector<1000x640xf32> to vector<1000x128xf32>
    %mul3A_45 = arith.mulf %logistic3A_43, %slice3A_44 : vector<1000x128xf32>
    %swap3A = arith.constant 0 : index
    %swap3A_46 = arith.constant 0 : index
    %swap3A_47 = vector.load %arg6[%swap3A, %swap3A_46] : memref<1000x128xf32, #tpu.memory_space<vmem>>, vector<1000x128xf32>
    tpu.vector_store %arg6[%swap3A, %swap3A_46], %mul3A_45 {strides = array<i32>} : memref<1000x128xf32, #tpu.memory_space<vmem>>, vector<1000x128xf32>,
    %slice3A_48 = vector.extract_strided_slice %add3A_38 {offsets = [0, 256], sizes = [1000, 128], strides = [1, 1]} : vector<1000x640xf32> to vector<1000x128xf32>
    %logistic3A_49 = arith.negf %slice3A_48 : vector<1000x128xf32>
    %logistic3A_50 = math.exp %logistic3A_49 : vector<1000x128xf32>
    %logistic3A_51 = arith.constant 1.000000e+00 : f32
    %logistic3A_52 = vector.broadcast %logistic3A_51 : f32 to vector<1000x128xf32>
    %logistic3A_53 = arith.addf %logistic3A_52, %logistic3A_50 : vector<1000x128xf32>
    %logistic3A_54 = arith.divf %logistic3A_52, %logistic3A_53 : vector<1000x128xf32>
    %slice3A_55 = vector.extract_strided_slice %add3A_38 {offsets = [0, 384], sizes = [1000, 128], strides = [1, 1]} : vector<1000x640xf32> to vector<1000x128xf32>
    %mul3A_56 = arith.mulf %logistic3A_54, %slice3A_55 : vector<1000x128xf32>
    %swap3A_57 = arith.constant 0 : index
    %swap3A_58 = arith.constant 0 : index
    %swap3A_59 = vector.load %arg7[%swap3A_57, %swap3A_58] : memref<1000x128xf32, #tpu.memory_space<vmem>>, vector<1000x128xf32>
    tpu.vector_store %arg7[%swap3A_57, %swap3A_58], %mul3A_56 {strides = array<i32>} : memref<1000x128xf32, #tpu.memory_space<vmem>>, vector<1000x128xf32>,
    %slice3A_60 = vector.extract_strided_slice %add3A_38 {offsets = [0, 512], sizes = [1000, 128], strides = [1, 1]} : vector<1000x640xf32> to vector<1000x128xf32>
    %logistic3A_61 = arith.negf %slice3A_60 : vector<1000x128xf32>
    %logistic3A_62 = math.exp %logistic3A_61 : vector<1000x128xf32>
    %logistic3A_63 = arith.constant 1.000000e+00 : f32
    %logistic3A_64 = vector.broadcast %logistic3A_63 : f32 to vector<1000x128xf32>
    %logistic3A_65 = arith.addf %logistic3A_64, %logistic3A_62 : vector<1000x128xf32>
    %logistic3A_66 = arith.divf %logistic3A_64, %logistic3A_65 : vector<1000x128xf32>
    %swap3A_67 = arith.constant 0 : index
    %swap3A_68 = arith.constant 0 : index
    %swap3A_69 = vector.load %arg8[%swap3A_67, %swap3A_68] : memref<1000x128xf32, #tpu.memory_space<vmem>>, vector<1000x128xf32>
    tpu.vector_store %arg8[%swap3A_67, %swap3A_68], %logistic3A_66 {strides = array<i32>} : memref<1000x128xf32, #tpu.memory_space<vmem>>, vector<1000x128xf32>,
    return
  }
  func.func @transform_0(%arg0: i32) -> (i32, i32) {
    %c0_i32 = arith.constant 0 : i32
    %c0_i32_0 = arith.constant 0 : i32
    return %arg0, %c0_i32 : i32, i32
  }
  func.func @transform_1(%arg0: i32) -> (i32, i32) {
    %c0_i32 = arith.constant 0 : i32
    %c0_i32_0 = arith.constant 0 : i32
    %c0_i32_1 = arith.constant 0 : i32
    return %c0_i32, %c0_i32_0 : i32, i32
  }
  func.func @transform_2(%arg0: i32) -> (i32, i32) {
    %c0_i32 = arith.constant 0 : i32
    %c0_i32_0 = arith.constant 0 : i32
    %c0_i32_1 = arith.constant 0 : i32
    return %c0_i32, %c0_i32_0 : i32, i32
  }
  func.func @transform_3(%arg0: i32) -> (i32, i32) {
    %c0_i32 = arith.constant 0 : i32
    %c0_i32_0 = arith.constant 0 : i32
    %c0_i32_1 = arith.constant 0 : i32
    return %c0_i32, %c0_i32_0 : i32, i32
  }
  func.func @transform_4(%arg0: i32) -> (i32, i32) {
    %c0_i32 = arith.constant 0 : i32
    %c0_i32_0 = arith.constant 0 : i32
    %c0_i32_1 = arith.constant 0 : i32
    return %c0_i32, %c0_i32_0 : i32, i32
  }
  func.func @transform_5(%arg0: i32) -> (i32, i32) {
    %c0_i32 = arith.constant 0 : i32
    %c0_i32_0 = arith.constant 0 : i32
    return %arg0, %c0_i32 : i32, i32
  }
  func.func @transform_6(%arg0: i32) -> (i32, i32) {
    %c0_i32 = arith.constant 0 : i32
    %c0_i32_0 = arith.constant 0 : i32
    return %arg0, %c0_i32 : i32, i32
  }
  func.func @transform_7(%arg0: i32) -> (i32, i32) {
    %c0_i32 = arith.constant 0 : i32
    %c0_i32_0 = arith.constant 0 : i32
    return %arg0, %c0_i32 : i32, i32
  }
}

module attributes {stable_mosaic.version = 14 : i64} {
  func.func @_stage3_body(%arg0: i32, %arg1: memref<1000x128xf32, #tpu.memory_space<vmem>>, %arg2: memref<1000x128xf32, #tpu.memory_space<vmem>>, %arg3: memref<1000x128xf32, #tpu.memory_space<vmem>>, %arg4: memref<128x128xf32, #tpu.memory_space<vmem>>, %arg5: memref<1x128xf32, #tpu.memory_space<vmem>>, %arg6: memref<1x128xf32, #tpu.memory_space<vmem>>, %arg7: memref<1x128xf32, #tpu.memory_space<vmem>>, %arg8: memref<1000x128xf32, #tpu.memory_space<vmem>>) attributes {dimension_semantics = [#tpu.dimension_semantics<arbitrary>], iteration_bounds = array<i64: 50>, scalar_prefetch = 0 : i64, scratch_operands = 0 : i64, tpu.core_type = #tpu.core_type<tc>, window_params = [{transform_indices = @transform_0, window_bounds = array<i64: 1000, 128>}, {transform_indices = @transform_1, window_bounds = array<i64: 1000, 128>}, {transform_indices = @transform_2, window_bounds = array<i64: 1000, 128>}, {pipeline_mode = #tpu.pipeline_mode<synchronous>, transform_indices = @transform_3, window_bounds = array<i64: 128, 128>}, {pipeline_mode = #tpu.pipeline_mode<synchronous>, transform_indices = @transform_4, window_bounds = array<i64: 1, 128>}, {pipeline_mode = #tpu.pipeline_mode<synchronous>, transform_indices = @transform_5, window_bounds = array<i64: 1, 128>}, {pipeline_mode = #tpu.pipeline_mode<synchronous>, transform_indices = @transform_6, window_bounds = array<i64: 1, 128>}, {transform_indices = @transform_7, window_bounds = array<i64: 1000, 128>}]} {
    %get3A = arith.constant 0 : index
    %get3A_0 = arith.constant 0 : index
    %get3A_1 = vector.load %arg1[%get3A, %get3A_0] : memref<1000x128xf32, #tpu.memory_space<vmem>>, vector<1000x128xf32>
    %get3A_2 = arith.constant 0 : index
    %get3A_3 = arith.constant 0 : index
    %get3A_4 = vector.load %arg2[%get3A_2, %get3A_3] : memref<1000x128xf32, #tpu.memory_space<vmem>>, vector<1000x128xf32>
    %mul3A = arith.mulf %get3A_1, %get3A_4 : vector<1000x128xf32>
    %reduce_sum3A = arith.constant dense<0.000000e+00> : vector<1000xf32>
    %reduce_sum3A_5 = vector.multi_reduction <add>, %mul3A, %reduce_sum3A [1] : vector<1000x128xf32> to vector<1000xf32>
    %broadcast_in_dim3A = vector.shape_cast %reduce_sum3A_5 : vector<1000xf32> to vector<1000x1xf32>
    %div3A = arith.constant 1.280000e+02 : f32
    %div3A_6 = vector.broadcast %div3A : f32 to vector<1000x1xf32>
    %div3A_7 = arith.divf %broadcast_in_dim3A, %div3A_6 : vector<1000x1xf32>
    %sub3A = vector.broadcast %div3A_7 : vector<1000x1xf32> to vector<1000x128xf32>
    %sub3A_8 = arith.subf %mul3A, %sub3A : vector<1000x128xf32>
    %sub3A_9 = vector.broadcast %div3A_7 : vector<1000x1xf32> to vector<1000x128xf32>
    %sub3A_10 = arith.subf %mul3A, %sub3A_9 : vector<1000x128xf32>
    %mul3A_11 = arith.mulf %sub3A_8, %sub3A_10 : vector<1000x128xf32>
    %reduce_sum3A_12 = arith.constant dense<0.000000e+00> : vector<1000xf32>
    %reduce_sum3A_13 = vector.multi_reduction <add>, %mul3A_11, %reduce_sum3A_12 [1] : vector<1000x128xf32> to vector<1000xf32>
    %broadcast_in_dim3A_14 = vector.shape_cast %reduce_sum3A_13 : vector<1000xf32> to vector<1000x1xf32>
    %div3A_15 = arith.constant 1.280000e+02 : f32
    %div3A_16 = vector.broadcast %div3A_15 : f32 to vector<1000x1xf32>
    %div3A_17 = arith.divf %broadcast_in_dim3A_14, %div3A_16 : vector<1000x1xf32>
    %sub3A_18 = vector.broadcast %div3A_7 : vector<1000x1xf32> to vector<1000x128xf32>
    %sub3A_19 = arith.subf %mul3A, %sub3A_18 : vector<1000x128xf32>
    %add3A = arith.constant 9.99999974E-6 : f32
    %add3A_20 = vector.broadcast %add3A : f32 to vector<1000x1xf32>
    %add3A_21 = arith.addf %div3A_17, %add3A_20 : vector<1000x1xf32>
    %rsqrt3A = math.rsqrt %add3A_21 : vector<1000x1xf32>
    %mul3A_22 = vector.broadcast %rsqrt3A : vector<1000x1xf32> to vector<1000x128xf32>
    %mul3A_23 = arith.mulf %sub3A_19, %mul3A_22 : vector<1000x128xf32>
    %get3A_24 = arith.constant 0 : index
    %get3A_25 = arith.constant 0 : index
    %get3A_26 = vector.load %arg6[%get3A_24, %get3A_25] : memref<1x128xf32, #tpu.memory_space<vmem>>, vector<1x128xf32>
    %mul3A_27 = vector.broadcast %get3A_26 : vector<1x128xf32> to vector<1000x128xf32>
    %mul3A_28 = arith.mulf %mul3A_23, %mul3A_27 : vector<1000x128xf32>
    %get3A_29 = arith.constant 0 : index
    %get3A_30 = arith.constant 0 : index
    %get3A_31 = vector.load %arg7[%get3A_29, %get3A_30] : memref<1x128xf32, #tpu.memory_space<vmem>>, vector<1x128xf32>
    %add3A_32 = vector.broadcast %get3A_31 : vector<1x128xf32> to vector<1000x128xf32>
    %add3A_33 = arith.addf %mul3A_28, %add3A_32 : vector<1000x128xf32>
    %get3A_34 = arith.constant 0 : index
    %get3A_35 = arith.constant 0 : index
    %get3A_36 = vector.load %arg4[%get3A_34, %get3A_35] : memref<128x128xf32, #tpu.memory_space<vmem>>, vector<128x128xf32>
    %dot_general3A = arith.constant dense<0.000000e+00> : vector<1000x128xf32>
    %dot_general3A_37 = tpu.matmul %add3A_33, %get3A_36, %dot_general3A {dimension_numbers = #tpu.dot_dimension_numbers<[1], [0], [0], [1], [0, 0, 1, 1], [], []>, transpose_lhs_hint = false} : vector<1000x128xf32>, vector<128x128xf32>, vector<1000x128xf32> -> vector<1000x128xf32>
    %get3A_38 = arith.constant 0 : index
    %get3A_39 = arith.constant 0 : index
    %get3A_40 = vector.load %arg5[%get3A_38, %get3A_39] : memref<1x128xf32, #tpu.memory_space<vmem>>, vector<1x128xf32>
    %add3A_41 = vector.broadcast %get3A_40 : vector<1x128xf32> to vector<1000x128xf32>
    %add3A_42 = arith.addf %dot_general3A_37, %add3A_41 : vector<1000x128xf32>
    %get3A_43 = arith.constant 0 : index
    %get3A_44 = arith.constant 0 : index
    %get3A_45 = vector.load %arg3[%get3A_43, %get3A_44] : memref<1000x128xf32, #tpu.memory_space<vmem>>, vector<1000x128xf32>
    %mul3A_46 = arith.mulf %get3A_45, %add3A_42 : vector<1000x128xf32>
    %swap3A = arith.constant 0 : index
    %swap3A_47 = arith.constant 0 : index
    %swap3A_48 = vector.load %arg8[%swap3A, %swap3A_47] : memref<1000x128xf32, #tpu.memory_space<vmem>>, vector<1000x128xf32>
    tpu.vector_store %arg8[%swap3A, %swap3A_47], %mul3A_46 {strides = array<i32>} : memref<1000x128xf32, #tpu.memory_space<vmem>>, vector<1000x128xf32>,
    return
  }
  func.func @transform_0(%arg0: i32) -> (i32, i32) {
    %c0_i32 = arith.constant 0 : i32
    %c0_i32_0 = arith.constant 0 : i32
    return %arg0, %c0_i32 : i32, i32
  }
  func.func @transform_1(%arg0: i32) -> (i32, i32) {
    %c0_i32 = arith.constant 0 : i32
    %c0_i32_0 = arith.constant 0 : i32
    return %arg0, %c0_i32 : i32, i32
  }
  func.func @transform_2(%arg0: i32) -> (i32, i32) {
    %c0_i32 = arith.constant 0 : i32
    %c0_i32_0 = arith.constant 0 : i32
    return %arg0, %c0_i32 : i32, i32
  }
  func.func @transform_3(%arg0: i32) -> (i32, i32) {
    %c0_i32 = arith.constant 0 : i32
    %c0_i32_0 = arith.constant 0 : i32
    %c0_i32_1 = arith.constant 0 : i32
    return %c0_i32, %c0_i32_0 : i32, i32
  }
  func.func @transform_4(%arg0: i32) -> (i32, i32) {
    %c0_i32 = arith.constant 0 : i32
    %c0_i32_0 = arith.constant 0 : i32
    %c0_i32_1 = arith.constant 0 : i32
    return %c0_i32, %c0_i32_0 : i32, i32
  }
  func.func @transform_5(%arg0: i32) -> (i32, i32) {
    %c0_i32 = arith.constant 0 : i32
    %c0_i32_0 = arith.constant 0 : i32
    %c0_i32_1 = arith.constant 0 : i32
    return %c0_i32, %c0_i32_0 : i32, i32
  }
  func.func @transform_6(%arg0: i32) -> (i32, i32) {
    %c0_i32 = arith.constant 0 : i32
    %c0_i32_0 = arith.constant 0 : i32
    %c0_i32_1 = arith.constant 0 : i32
    return %c0_i32, %c0_i32_0 : i32, i32
  }
  func.func @transform_7(%arg0: i32) -> (i32, i32) {
    %c0_i32 = arith.constant 0 : i32
    %c0_i32_0 = arith.constant 0 : i32
    return %arg0, %c0_i32 : i32, i32
  }
}

</mosaic_0001>

<sc_bundles>
// kernel: kernel.5.cloned.1.call-start
scs
__scs_entry_jumppad:
0x0: {  	(pc) =	sbr.rel $0x88, $3  }
0x1: {  	(tag) =	ssettag $0x0;
	lr =	simm.s32 $0x1  }
0x2: {  	[smem:$0x3F8F] =	sst lr;
	_ =	strace $0xD0000000  }
0x3: {  	_ = 	snop  }
0x4: {  	_ = 	snop  }
0x5: {  	_ = 	snop  }
0x6: {  	_ = 	snop  }
0x7: {  	_ = 	snop  }
__scs_overlays_trampoline_lowered:
0x8: {  	[smem:$0x3F9E] =	sst s0  }
0x9: {  	[smem:$0x3F9F] =	sst s1  }
0xa: {  	[smem:$0x3FA0] =	sst s2  }
0xb: {  	[smem:$0x3FA1] =	sst s3  }
0xc: {  	[smem:$0x3FA2] =	sst s4  }
0xd: {  	[smem:$0x3FA3] =	sst s5  }
0xe: {  	[smem:$0x3FA4] =	sst s6  }
0xf: {  	[smem:$0x3FA5] =	sst s7  }
0x10: {  	[smem:$0x3FA6] =	sst s8  }
0x11: {  	[smem:$0x3FA7] =	sst s9;
	s0 =	simm.s32 @!p0 $0x0  }
0x12: {  	s1 =	sld [smem:$0x3F8D];
	s0 =	simm.s32 @p0 $0x1  }
0x13: {  	[smem:$0x3FA8] =	sst s0;
	s0 =	simm.s32 @!p1 $0x0  }
0x14: {  	s2 =	sld [smem:$0x3F8C];
	s0 =	simm.s32 @p1 $0x1  }
0x15: {  	[smem:$0x3FA9] =	sst s0;
	s0 =	simm.s32 @!p2 $0x0  }
0x16: {  	s3 =	sld [smem:$0x3FDB];
	s0 =	simm.s32 @p2 $0x1  }
0x17: {  	s4 =	simm.s32 $0x1BF5;
	[smem:$0x3FAB] =	sst s0  }
0x18: {  	s0 =	sld [smem:$0x3F8E];
	_ =	swait.ge [sflag:s4], $0x0  }
0x19: {  	s7 =	sld [smem:$0x3F8F]  }
0x1a: {  	s8 =	sadd.s32 $0xFFFFE003, lr  }
0x1b: {  	s9 =	sadd.s32 $0xFFFFFEF7, lr;
	s5 =	simm.s32 $0xFFFFFFFF;
	p2 =	slt.u32 s8, $0xFFFFF086  }
0x1c: {  	p1 =	slt.u32 s9, $0xF7A;
	s5 =	simm.s32 @!p2 $0x0  }
0x1d: {  	s5 =	simm.s32 @p1 $0x1;
	p0 =	seq.s32 s7, s2  }
0x1e: {  	s7 =	smul.u32 @!p0 $0xF7A, s2;
	p2 =	seq.s32 @!p0 s5, $0x0  }
0x1f: {  	s9 =	smul.u32 $0xF7A, s1;
	s8 =	simm.s32 @!p0 $0x1BF5;
	p2 =	por !p2, p0  }
0x20: {  	[sflag:s8] =	ssyncset.s32 @!p0 $0xFFFFF086;
	s6 =	sadd.s32 @!p0 s3, s7;
	s7 =	simm.s32 @!p0 $0x108  }
0x21: {  	s3 =	sadd.s32 s3, s9;
	s6 =	sadd.s32 @!p0 $0x88, s6;
	s7 =	simm.s32 @p2 $0x1082  }
0x22: {  	[simem:s7], [sflag:s8] =	dma.local @!p0 [hbm:s6], $0xF7A  }
0x23: {  	s9 =	sor.u32 $0xD0000000, s2;
	s6 =	simm.s32 $0x108;
	_ =	swait.ge @!p0 [sflag:s8], $0x0  }
0x24: {  	s3 =	sadd.s32 $0x88, s3;
	s6 =	simm.s32 @!p1 $0x1082;
	[sflag:s4] =	ssyncset.s32 $0xFFFFF086  }
0x25: {  	[simem:s6], [sflag:s4] =	dma.local [hbm:s3], $0xF7A  }
0x26: {  	[smem:$0x3F8F] =	sst s1;
	(tag) =	ssettag s2;
	_ =	strace s9  }
0x27: {  	s1 =	sld [smem:$0x3F9F]  }
0x28: {  	s2 =	sld [smem:$0x3FA0]  }
0x29: {  	s4 =	sld [smem:$0x3FA2]  }
0x2a: {  	p0 =	seq.s32 s5, $0x0;
	s5 =	sld [smem:$0x3FA3]  }
0x2b: {  	s6 =	sld [smem:$0x3FA4]  }
0x2c: {  	s7 =	sld [smem:$0x3FA5]  }
0x2d: {  	s3 =	simm.s32 $0x108;
	s8 =	sld [smem:$0x3FA6]  }
0x2e: {  	s3 =	simm.s32 @!p0 $0x1082;
	s9 =	sld [smem:$0x3FA7]  }
0x2f: {  	lr =	sadd.s32 s0, s3;
	s0 =	sld [smem:$0x3F9E]  }
0x30: {  	s3 =	sld [smem:$0x3FA1]  }
0x31: {  	[smem:$0x3FAA] =	sst s10  }
0x32: {  	s10 =	sld [smem:$0x3FA8];
	_ =	sdelay $0x3  }
0x33: {  	p0 =	seq.s32 s10, $0x1;
	s10 =	sld [smem:$0x3FAA];
	_ =	sdelay $0x3  }
0x34: {  	[smem:$0x3FAA] =	sst s10  }
0x35: {  	s10 =	sld [smem:$0x3FA9];
	_ =	sdelay $0x3  }
0x36: {  	p1 =	seq.s32 s10, $0x1;
	s10 =	sld [smem:$0x3FAA];
	_ =	sdelay $0x3  }
0x37: {  	[smem:$0x3FAA] =	sst s10  }
0x38: {  	s10 =	sld [smem:$0x3FAB]  }
0x39: {  	_ = 	snop;
	(pc) =	sbr.ind lr, $3  }
0x3a: {  	_ = 	snop  }
0x3b: {  	_ = 	snop  }
0x3c: {  	p2 =	seq.s32 s10, $0x1;
	s10 =	sld [smem:$0x3FAA]  }
0x3d: {  	_ =	shalt  }
0x3e: {  	_ =	shalt  }
0x3f: {  	_ =	shalt  }
0x40: {  	_ =	shalt  }
0x41: {  	_ =	shalt  }
0x42: {  	_ =	shalt  }
0x43: {  	_ =	shalt  }
0x44: {  	_ =	shalt  }
0x45: {  	_ =	shalt  }
0x46: {  	_ =	shalt  }
0x47: {  	_ =	shalt  }
0x48: {  	_ =	shalt  }
0x49: {  	_ =	shalt  }
0x4a: {  	_ =	shalt  }
0x4b: {  	_ =	shalt  }
0x4c: {  	_ =	shalt  }
0x4d: {  	_ =	shalt  }
0x4e: {  	_ =	shalt  }
0x4f: {  	_ =	shalt  }
0x50: {  	_ =	shalt  }
0x51: {  	_ =	shalt  }
0x52: {  	_ =	shalt  }
0x53: {  	_ =	shalt  }
0x54: {  	_ =	shalt  }
0x55: {  	_ =	shalt  }
0x56: {  	_ =	shalt  }
0x57: {  	_ =	shalt  }
0x58: {  	_ =	shalt  }
0x59: {  	_ =	shalt  }
0x5a: {  	_ =	shalt  }
0x5b: {  	_ =	shalt  }
0x5c: {  	_ =	shalt  }
0x5d: {  	_ =	shalt  }
0x5e: {  	_ =	shalt  }
0x5f: {  	_ =	shalt  }
0x60: {  	_ =	shalt  }
0x61: {  	_ =	shalt  }
0x62: {  	_ =	shalt  }
0x63: {  	_ =	shalt  }
0x64: {  	_ =	shalt  }
0x65: {  	_ =	shalt  }
0x66: {  	_ =	shalt  }
0x67: {  	_ =	shalt  }
0x68: {  	_ =	shalt  }
0x69: {  	_ =	shalt  }
0x6a: {  	_ =	shalt  }
0x6b: {  	_ =	shalt  }
0x6c: {  	_ =	shalt  }
0x6d: {  	_ =	shalt  }
0x6e: {  	_ =	shalt  }
0x6f: {  	_ =	shalt  }
0x70: {  	_ =	shalt  }
0x71: {  	_ =	shalt  }
0x72: {  	_ =	shalt  }
0x73: {  	_ =	shalt  }
0x74: {  	_ =	shalt  }
0x75: {  	_ =	shalt  }
0x76: {  	_ =	shalt  }
0x77: {  	_ =	shalt  }
0x78: {  	_ =	shalt  }
0x79: {  	_ =	shalt  }
0x7a: {  	_ =	shalt  }
0x7b: {  	_ =	shalt  }
0x7c: {  	_ =	shalt  }
0x7d: {  	_ =	shalt  }
0x7e: {  	_ =	shalt  }
0x7f: {  	_ =	shalt  }
0x80: {  	_ =	shalt  }
0x81: {  	_ =	shalt  }
0x82: {  	_ =	shalt  }
0x83: {  	_ =	shalt  }
0x84: {  	_ =	shalt  }
0x85: {  	_ =	shalt  }
0x86: {  	_ =	shalt  }
0x87: {  	_ =	shalt  }
.Lfunc_end0:
.L_simem_size_0:
called_computation_lowered:
.L_overlay_start_0:
0x88: {  	s2 =	sld [smem:$0x3FD9]  }
0x89: {  	s3 =	sld [smem:$0x3FFE];
	_ =	sdelay $0x1  }
0x8a: {  	s1 =	srdreg.scid  }
0x8b: {  	s0 =	sand.u32 $0x1, s1  }
0x8c: {  	s17 =	sshll.u32 s0, $0xA;
	s2 =	sadd.s32 s3, s2  }
0x8d: {  	s2 =	sadd.s32 s2, s17  }
0x8e: {  	[smem:$0x3FB6] =	sst s2  }
0x8f: {  	_ = 	snop  }
0x90: {  	s2 =	sld [smem:$0x3FD0];
	(tm) =	ssettm $0x1  }
0x91: {  	s18 =	sld [smem:$0x3FFB];
	_ =	sdelay $0x3  }
0x92: {  	_ =	strace s18  }
0x93: {  	s3 =	sld [smem:$0x3FFC];
	_ =	sdelay $0x3  }
0x94: {  	_ =	strace s3  }
0x95: {  	s3 =	sld [smem:$0x3FFD];
	_ =	sdelay $0x3  }
0x96: {  	_ =	strace s3  }
0x97: {  	_ =	strace $0x8FFFFFFF  }
0x98: {  	s19 =	sld [smem:$0x3FDB];
	_ =	sdelay $0x1  }
0x99: {  	s4 =	simm.s32 $_scs_section_size  }
0x9a: {  	s5 =	simm.s32 $_size__tile_overlayer_lowered;
	s6 =	simm.s32 $_tile_overlayer_lowered  }
0x9b: {  	s22 =	simm.s32 $0x1BFF;
	s21 =	sshll.u32 s6, $0x1;
	s3 =	sadd.s32 s4, s19  }
0x9c: {  	s7 =	simm.s32 $0x0;
	s20 =	sshll.u32 s5, $0x1;
	s5 =	sadd.s32 s21, s3  }
0x9d: {  	[timem:s7], [sflag:s22] =	dma.local [hbm:s5], s20  }
0x9e: {  	_ =	swait.ge [sflag:s22], s20  }
0x9f: {  	s4 =	ssub.s32 $0x0, s20;
	[sflag:s22] =	ssyncset.done $0x0  }
0xa0: {  	[sflag:s22] =	ssyncadd.s32 s4;
	_ =	sdelay $0x1  }
0xa1: {  	s23 =	simm.s32 $0x1B8B  }
0xa2: {  	_ =	swait.ge [sflag:s23], $0x1  }
0xa3: {  	[sflag:s23] =	ssyncset.done $0x0  }
0xa4: {  	s25 =	simm.s32 $0x1B8E;
	s24 =	sld [smem:$0x3FFE];
	[sflag:s23] =	ssyncadd.s32 $0xFFFFFFFF  }
0xa5: {  	s26 =	simm.s32 $execute0_lowered;
	[smem:$0x3FD2] =	sst s25  }
0xa6: {  	s5 =	sshll.u32 s26, $0x1;
	_ =	strace $0x80000046;
	[dreg:$0x1] =	wrdreg $0xFFFFFFFF  }
0xa7: {  	s28 =	simm.s32 $_size_execute0_lowered;
	s3 =	sadd.s32 s3, s5;
	[dreg:$0x0] =	wrdreg $0x0  }
0xa8: {  	s5 =	sshll.u32 s28, $0x1;
	[dreg:$0x2] =	wrdreg s3  }
0xa9: {  	[dreg:$0x3] =	wrdreg s5  }
0xaa: {  	[dreg:$0x4] =	wrdreg $0xC0  }
0xab: {  	_ =	task [dreg:s7], $0x5FFFF  }
0xac: {  	[dreg:$0x1] =	wrdreg $0xFFFFFFFF  }
0xad: {  	[dreg:$0x0] =	wrdreg $0x60  }
0xae: {  	[dreg:$0x2] =	wrdreg s2  }
0xaf: {  	[dreg:$0x3] =	wrdreg s24  }
0xb0: {  	[dreg:$0x4] =	wrdreg $0x9  }
0xb1: {  	_ =	task.clear_ibuf [dreg:s7], $0x5FFFF;
	_ =	strace $0x90000046  }
0xb2: {  	s29 =	simm.s32 $0x9;
	_ =	strace $0x80000048  }
0xb3: {  	_ =	swait.ge [sflag:s29], $0x1  }
0xb4: {  	[sflag:s29] =	ssyncadd.s32 $0xFFFFFFFF  }
0xb5: {  	_ =	strace $0x90000048  }
0xb6: {  	_ =	sfence  }
0xb7: {  	s30 =	sld [smem:$0x0];
	_ =	sdelay $0x2  }
0xb8: {  	s31 =	sshll.u32 s1, $0xD;
	s1 =	sshrl.u32 s1, $0x2  }
0xb9: {  	s3 =	sand.u32 $0x4000, s31;
	s1 =	sadd.s32 s1, s30  }
0xba: {  	s0 =	sor.u32 s3, s0;
	s1 =	sshll.u32 s1, $0x11  }
0xbb: {  	s0 =	sor.u32 s1, s0  }
0xbc: {  	s0 =	sadd.s32 $0x8F2B, s0  }
0xbd: {  	[sflag:s0] =	ssyncadd.remote.s32 $0x1  }
0xbe: {  	_ =	sfence.sel $0xFFFF  }
0xbf: {  	[dreg:$0x0] =	wrdreg $0xFFFFFFFF;
	(pc) =	sbr.abs _section_cstart, $3  }
0xc0: {  	[dreg:$0x1] =	wrdreg $0xFFFFFFFF  }
0xc1: {  	_ =	task.clear_ibuf [dreg:s7], $0x2FFFF;
	_ =	strace $0x9FFFFFFF  }
0xc2: {  	(tm) =	ssettm $0x7FFFFFFF  }
0xc3: {  	_ =	shalt  }
tec
execute0_lowered:
.L_overlay_start_1:
0x0: {  	(tag) =	ssettag $0x1  }
0x1: {  	s2 =	rddreg [dreg:$0x0]  }
0x2: {  	s0 =	rddreg [dreg:$0x1]  }
0x3: {  	s3 =	stileid.u32;
	s1 =	srdreg.scid  }
0x4: {  	s11 =	simm.s32 $0x5;
	s12 =	simm.s32 $0x15000;
	s13 =	simm.s32 $0x80  }
0x5: {  	s14 =	simm.s32 $0x5000;
	s15 =	simm.s32 $0x9000;
	s16 =	simm.s32 $0x16000  }
0x6: {  	s17 =	simm.s32 $0x100;
	s18 =	simm.s32 $0xD000;
	s19 =	simm.s32 $0x180  }
0x7: {  	s20 =	simm.s32 $0x11000;
	s21 =	simm.s32 $0x1;
	s22 =	simm.s32 $0x3  }
0x8: {  	s23 =	simm.s32 $0x2;
	s24 =	simm.s32 $0x4;
	s4 =	smul.u32 $0x280, s3  }
0x9: {  	s1 =	sand.u32 $0x1, s1;
	s5 =	smul.u32 $0xA00, s3;
	s3 =	simm.s32 $0x0  }
0xa: {  	s25 =	simm.s32 $0x0;
	p0 =	seq.s32 s1, $0x0;
	[smem:$0x7FF] =	sst s3  }
0xb: {  	s1 =	ssub.s32 $0x2, s1;
	s8 =	sadd.s32 $0xA000, s4;
	_ =	strace $0x80000047  }
0xc: {  	s6 =	sshrl.u32 s1, $0x1;
	s4 =	sadd.s32 $0x263A00, s0;
	s8 =	smov.u32 @p0 s5  }
0xd: {  	s30 =	ssub.s32 s1, s6;
	s1 =	simm.s32 $0x50;
	s5 =	sadd.s32 s8, s0  }
0xe: {  	s1 =	simm.s32 @!p0 $0x14;
	s9 =	sshll.u32 s8, $0x4;
	s8 =	sshll.u32 s8, $0x7  }
0xf: {  	s5 =	sadd.s32 $0x187C00, s5;
	s6 =	sshrl.u32 s1, $0x1;
	s31 =	sadd.s32 s9, s4  }
0x10: {  	s7 =	sadd.s32 $0xFFFFFFFF, s1;
	s9 =	smax.u32 s30, $0x1;
	s10 =	sadd.s32 $0x200, s31  }
.LBB2_1:
0x11: {  	[tilespmem:s3], [sflag:$0x5] =	stream.linear.gather [hbm4b:s5+s3], $0x5000, $0x38;
	[tilespmem:$0x17000] =	vst v63  }
0x12: {  	_ =	swait.ge [sflag:s11], $0x5000  }
0x13: {  	[sflag:s11] =	ssyncset.done $0x0  }
0x14: {  	[sflag:s11] =	ssyncadd.s32 $0xFFFFB000  }
0x15: {  	[tilespmem:s12], [sflag:$0x3] =	stream.linear.gather [hbm4b:s2+s3], $0x1000, $0x38;
	[tilespmem:$0x17000] =	vst v63  }
0x16: {  	_ = 	snop  }
0x17: {  	[tilespmem:s14], [sflag:$0x1] =	stream.indirect.gather [hbm4b:s2+s13], $0x80, s3, s13, $0xb8;
	[tilespmem:$0x17000] =	vst v63  }
0x18: {  	_ = 	snop  }
0x19: {  	[tilespmem:s15], [sflag:$0x1] =	stream.indirect.gather [hbm4b:s2+s13], $0x80, s13, s13, $0xb8;
	[tilespmem:$0x17000] =	vst v63  }
0x1a: {  	_ = 	snop  }
0x1b: {  	[tilespmem:s16], [sflag:$0x4] =	stream.linear.gather [hbm4b:s2+s3], $0x1000, $0x38;
	[tilespmem:$0x17000] =	vst v63  }
0x1c: {  	_ = 	snop  }
0x1d: {  	[tilespmem:s18], [sflag:$0x2] =	stream.indirect.gather [hbm4b:s2+s13], $0x80, s17, s13, $0xb8;
	[tilespmem:$0x17000] =	vst v63  }
0x1e: {  	s26 =	simm.s32 $0x0  }
0x1f: {  	[tilespmem:s20], [sflag:$0x2] =	stream.indirect.gather [hbm4b:s2+s13], $0x80, s19, s13, $0xb8;
	[tilespmem:$0x17000] =	vst v63  }
.LBB2_2:
0x20: {  	_ =	swait.ge [sflag:s21], $0x4000  }
0x21: {  	[sflag:s21] =	ssyncset.done $0x0  }
0x22: {  	[sflag:s21] =	ssyncadd.s32 $0xFFFFC000  }
0x23: {  	_ =	swait.ge [sflag:s21], $0x4000  }
0x24: {  	[sflag:s21] =	ssyncset.done $0x0  }
0x25: {  	[sflag:s21] =	ssyncadd.s32 $0xFFFFC000  }
0x26: {  	_ =	swait.ge [sflag:s22], $0x1000  }
0x27: {  	[sflag:s22] =	ssyncset.done $0x0  }
0x28: {  	s28 =	simm.s32 $0x5400;
	[sflag:s22] =	ssyncadd.s32 $0xFFFFF000  }
0x29: {  	v0 =	vld [tilespmem:s28+$0xFFFFFC80]  }
0x2a: {  	v1 =	vld [tilespmem:s28+$0xFFFFFC00];
	_ =	sdelay $0x1  }
0x2b: {  	v2 =	vld [tilespmem:s28+$0xFFFFFD00];
	_ =	sdelay $0x1  }
0x2c: {  	v3 =	vld [tilespmem:s28+$0xFFFFFD80]  }
0x2d: {  	v0 =	vadd.f32 v0, v1  }
0x2e: {  	v1 =	vld [tilespmem:s28+$0xFFFFFE00]  }
0x2f: {  	v0 =	vadd.f32 v2, v0  }
0x30: {  	v2 =	vld [tilespmem:s28+$0xFFFFFE80]  }
0x31: {  	v0 =	vadd.f32 v3, v0  }
0x32: {  	v3 =	vld [tilespmem:s28+$0xFFFFFF00]  }
0x33: {  	v0 =	vadd.f32 v1, v0  }
0x34: {  	v1 =	vld [tilespmem:s28+$0xFFFFFF80]  }
0x35: {  	v0 =	vadd.f32 v2, v0;
	_ =	sdelay $0x1  }
0x36: {  	v0 =	vadd.f32 v3, v0;
	_ =	sdelay $0x1  }
0x37: {  	v0 =	vadd.f32 v1, v0  }
0x38: {  	s29 =	simm.s32 $0x0  }
0x39: {  	[tilespmem:s29+$0x15000] =	vst v0  }
0x3a: {  	v0 =	vld [tilespmem:s28+$0xFFFFFC10]  }
0x3b: {  	v1 =	vld [tilespmem:s28+$0xFFFFFC90];
	_ =	sdelay $0x1  }
0x3c: {  	v2 =	vld [tilespmem:s28+$0xFFFFFD10];
	_ =	sdelay $0x1  }
0x3d: {  	v3 =	vld [tilespmem:s28+$0xFFFFFD90]  }
0x3e: {  	v0 =	vadd.f32 v1, v0  }
0x3f: {  	v1 =	vld [tilespmem:s28+$0xFFFFFE10]  }
0x40: {  	v0 =	vadd.f32 v2, v0  }
0x41: {  	v2 =	vld [tilespmem:s28+$0xFFFFFE90]  }
0x42: {  	v0 =	vadd.f32 v3, v0  }
0x43: {  	v3 =	vld [tilespmem:s28+$0xFFFFFF10]  }
0x44: {  	v0 =	vadd.f32 v1, v0  }
0x45: {  	v1 =	vld [tilespmem:s28+$0xFFFFFF90]  }
0x46: {  	v0 =	vadd.f32 v2, v0;
	_ =	sdelay $0x1  }
0x47: {  	v0 =	vadd.f32 v3, v0;
	_ =	sdelay $0x1  }
0x48: {  	v0 =	vadd.f32 v1, v0;
	_ =	sdelay $0x1  }
0x49: {  	[tilespmem:s29+$0x15010] =	vst v0  }
0x4a: {  	v0 =	vld [tilespmem:s28+$0xFFFFFC20]  }
0x4b: {  	v1 =	vld [tilespmem:s28+$0xFFFFFCA0];
	_ =	sdelay $0x1  }
0x4c: {  	v2 =	vld [tilespmem:s28+$0xFFFFFD20];
	_ =	sdelay $0x1  }
0x4d: {  	v3 =	vld [tilespmem:s28+$0xFFFFFDA0]  }
0x4e: {  	v0 =	vadd.f32 v1, v0  }
0x4f: {  	v1 =	vld [tilespmem:s28+$0xFFFFFE20]  }
0x50: {  	v0 =	vadd.f32 v2, v0  }
0x51: {  	v2 =	vld [tilespmem:s28+$0xFFFFFEA0]  }
0x52: {  	v0 =	vadd.f32 v3, v0  }
0x53: {  	v3 =	vld [tilespmem:s28+$0xFFFFFF20]  }
0x54: {  	v0 =	vadd.f32 v1, v0  }
0x55: {  	v1 =	vld [tilespmem:s28+$0xFFFFFFA0]  }
0x56: {  	v0 =	vadd.f32 v2, v0;
	_ =	sdelay $0x1  }
0x57: {  	v0 =	vadd.f32 v3, v0;
	_ =	sdelay $0x1  }
0x58: {  	v0 =	vadd.f32 v1, v0;
	_ =	sdelay $0x1  }
0x59: {  	[tilespmem:s29+$0x15020] =	vst v0  }
0x5a: {  	v0 =	vld [tilespmem:s28+$0xFFFFFC30]  }
0x5b: {  	v1 =	vld [tilespmem:s28+$0xFFFFFCB0];
	_ =	sdelay $0x1  }
0x5c: {  	v2 =	vld [tilespmem:s28+$0xFFFFFD30];
	_ =	sdelay $0x1  }
0x5d: {  	v3 =	vld [tilespmem:s28+$0xFFFFFDB0]  }
0x5e: {  	v0 =	vadd.f32 v1, v0  }
0x5f: {  	v1 =	vld [tilespmem:s28+$0xFFFFFE30]  }
0x60: {  	v0 =	vadd.f32 v2, v0  }
0x61: {  	v2 =	vld [tilespmem:s28+$0xFFFFFEB0]  }
0x62: {  	v0 =	vadd.f32 v3, v0  }
0x63: {  	v3 =	vld [tilespmem:s28+$0xFFFFFF30]  }
0x64: {  	v0 =	vadd.f32 v1, v0  }
0x65: {  	v1 =	vld [tilespmem:s28+$0xFFFFFFB0]  }
0x66: {  	v0 =	vadd.f32 v2, v0;
	_ =	sdelay $0x1  }
0x67: {  	v0 =	vadd.f32 v3, v0;
	_ =	sdelay $0x1  }
0x68: {  	v0 =	vadd.f32 v1, v0;
	_ =	sdelay $0x1  }
0x69: {  	[tilespmem:s29+$0x15030] =	vst v0  }
0x6a: {  	v0 =	vld [tilespmem:s28+$0xFFFFFC40]  }
0x6b: {  	v1 =	vld [tilespmem:s28+$0xFFFFFCC0];
	_ =	sdelay $0x1  }
0x6c: {  	v2 =	vld [tilespmem:s28+$0xFFFFFD40];
	_ =	sdelay $0x1  }
0x6d: {  	v3 =	vld [tilespmem:s28+$0xFFFFFDC0]  }
0x6e: {  	v0 =	vadd.f32 v1, v0  }
0x6f: {  	v1 =	vld [tilespmem:s28+$0xFFFFFE40]  }
0x70: {  	v0 =	vadd.f32 v2, v0  }
0x71: {  	v2 =	vld [tilespmem:s28+$0xFFFFFEC0]  }
0x72: {  	v0 =	vadd.f32 v3, v0  }
0x73: {  	v3 =	vld [tilespmem:s28+$0xFFFFFF40]  }
0x74: {  	v0 =	vadd.f32 v1, v0  }
0x75: {  	v1 =	vld [tilespmem:s28+$0xFFFFFFC0]  }
0x76: {  	v0 =	vadd.f32 v2, v0;
	_ =	sdelay $0x1  }
0x77: {  	v0 =	vadd.f32 v3, v0;
	_ =	sdelay $0x1  }
0x78: {  	v0 =	vadd.f32 v1, v0;
	_ =	sdelay $0x1  }
0x79: {  	[tilespmem:s29+$0x15040] =	vst v0  }
0x7a: {  	v0 =	vld [tilespmem:s28+$0xFFFFFC50]  }
0x7b: {  	v1 =	vld [tilespmem:s28+$0xFFFFFCD0];
	_ =	sdelay $0x1  }
0x7c: {  	v2 =	vld [tilespmem:s28+$0xFFFFFD50];
	_ =	sdelay $0x1  }
0x7d: {  	v3 =	vld [tilespmem:s28+$0xFFFFFDD0]  }
0x7e: {  	v0 =	vadd.f32 v1, v0  }
0x7f: {  	v1 =	vld [tilespmem:s28+$0xFFFFFE50]  }
0x80: {  	v0 =	vadd.f32 v2, v0  }
0x81: {  	v2 =	vld [tilespmem:s28+$0xFFFFFED0]  }
0x82: {  	v0 =	vadd.f32 v3, v0  }
0x83: {  	v3 =	vld [tilespmem:s28+$0xFFFFFF50]  }
0x84: {  	v0 =	vadd.f32 v1, v0  }
0x85: {  	v1 =	vld [tilespmem:s28+$0xFFFFFFD0]  }
0x86: {  	v0 =	vadd.f32 v2, v0;
	_ =	sdelay $0x1  }
0x87: {  	v0 =	vadd.f32 v3, v0;
	_ =	sdelay $0x1  }
0x88: {  	v0 =	vadd.f32 v1, v0;
	_ =	sdelay $0x1  }
0x89: {  	[tilespmem:s29+$0x15050] =	vst v0  }
0x8a: {  	v0 =	vld [tilespmem:s28+$0xFFFFFC60]  }
0x8b: {  	v1 =	vld [tilespmem:s28+$0xFFFFFCE0];
	_ =	sdelay $0x1  }
0x8c: {  	v2 =	vld [tilespmem:s28+$0xFFFFFD60];
	_ =	sdelay $0x1  }
0x8d: {  	v3 =	vld [tilespmem:s28+$0xFFFFFDE0]  }
0x8e: {  	v0 =	vadd.f32 v1, v0  }
0x8f: {  	v1 =	vld [tilespmem:s28+$0xFFFFFE60]  }
0x90: {  	v0 =	vadd.f32 v2, v0  }
0x91: {  	v2 =	vld [tilespmem:s28+$0xFFFFFEE0]  }
0x92: {  	v0 =	vadd.f32 v3, v0  }
0x93: {  	v3 =	vld [tilespmem:s28+$0xFFFFFF60]  }
0x94: {  	v0 =	vadd.f32 v1, v0  }
0x95: {  	v1 =	vld [tilespmem:s28+$0xFFFFFFE0]  }
0x96: {  	v0 =	vadd.f32 v2, v0;
	_ =	sdelay $0x1  }
0x97: {  	v0 =	vadd.f32 v3, v0;
	_ =	sdelay $0x1  }
0x98: {  	v0 =	vadd.f32 v1, v0;
	_ =	sdelay $0x1  }
0x99: {  	[tilespmem:s29+$0x15060] =	vst v0  }
0x9a: {  	v0 =	vld [tilespmem:s28+$0xFFFFFC70]  }
0x9b: {  	v1 =	vld [tilespmem:s28+$0xFFFFFCF0];
	_ =	sdelay $0x1  }
0x9c: {  	v2 =	vld [tilespmem:s28+$0xFFFFFD70];
	_ =	sdelay $0x1  }
0x9d: {  	v3 =	vld [tilespmem:s28+$0xFFFFFDF0]  }
0x9e: {  	v0 =	vadd.f32 v1, v0  }
0x9f: {  	v1 =	vld [tilespmem:s28+$0xFFFFFE70]  }
0xa0: {  	v0 =	vadd.f32 v2, v0  }
0xa1: {  	v2 =	vld [tilespmem:s28+$0xFFFFFEF0]  }
0xa2: {  	v0 =	vadd.f32 v3, v0  }
0xa3: {  	v3 =	vld [tilespmem:s28+$0xFFFFFF70]  }
0xa4: {  	v0 =	vadd.f32 v1, v0  }
0xa5: {  	v1 =	vld [tilespmem:s28+$0xFFFFFFF0]  }
0xa6: {  	v0 =	vadd.f32 v2, v0;
	_ =	sdelay $0x1  }
0xa7: {  	v0 =	vadd.f32 v3, v0;
	_ =	sdelay $0x1  }
0xa8: {  	v0 =	vadd.f32 v1, v0;
	_ =	sdelay $0x1  }
0xa9: {  	[tilespmem:s29+$0x15070] =	vst v0  }
0xaa: {  	v0 =	vld [tilespmem:s28+$0x0]  }
0xab: {  	v1 =	vld [tilespmem:s28+$0x80];
	_ =	sdelay $0x1  }
0xac: {  	v2 =	vld [tilespmem:s28+$0x100];
	_ =	sdelay $0x1  }
0xad: {  	v3 =	vld [tilespmem:s28+$0x180]  }
0xae: {  	v0 =	vadd.f32 v1, v0  }
0xaf: {  	v1 =	vld [tilespmem:s28+$0x200]  }
0xb0: {  	v0 =	vadd.f32 v2, v0  }
0xb1: {  	v2 =	vld [tilespmem:s28+$0x280]  }
0xb2: {  	v0 =	vadd.f32 v3, v0  }
0xb3: {  	v3 =	vld [tilespmem:s28+$0x300]  }
0xb4: {  	v0 =	vadd.f32 v1, v0  }
0xb5: {  	v1 =	vld [tilespmem:s28+$0x380]  }
0xb6: {  	v0 =	vadd.f32 v2, v0;
	_ =	sdelay $0x1  }
0xb7: {  	v0 =	vadd.f32 v3, v0;
	_ =	sdelay $0x1  }
0xb8: {  	v0 =	vadd.f32 v1, v0;
	_ =	sdelay $0x1  }
0xb9: {  	[tilespmem:s29+$0x15080] =	vst v0  }
0xba: {  	v0 =	vld [tilespmem:s28+$0x10]  }
0xbb: {  	v1 =	vld [tilespmem:s28+$0x90];
	_ =	sdelay $0x1  }
0xbc: {  	v2 =	vld [tilespmem:s28+$0x110];
	_ =	sdelay $0x1  }
0xbd: {  	v3 =	vld [tilespmem:s28+$0x190]  }
0xbe: {  	v0 =	vadd.f32 v1, v0  }
0xbf: {  	v1 =	vld [tilespmem:s28+$0x210]  }
0xc0: {  	v0 =	vadd.f32 v2, v0  }
0xc1: {  	v2 =	vld [tilespmem:s28+$0x290]  }
0xc2: {  	v0 =	vadd.f32 v3, v0  }
0xc3: {  	v3 =	vld [tilespmem:s28+$0x310]  }
0xc4: {  	v0 =	vadd.f32 v1, v0  }
0xc5: {  	v1 =	vld [tilespmem:s28+$0x390]  }
0xc6: {  	v0 =	vadd.f32 v2, v0;
	_ =	sdelay $0x1  }
0xc7: {  	v0 =	vadd.f32 v3, v0;
	_ =	sdelay $0x1  }
0xc8: {  	v0 =	vadd.f32 v1, v0;
	_ =	sdelay $0x1  }
0xc9: {  	[tilespmem:s29+$0x15090] =	vst v0  }
0xca: {  	v0 =	vld [tilespmem:s28+$0x20]  }
0xcb: {  	v1 =	vld [tilespmem:s28+$0xA0];
	_ =	sdelay $0x1  }
0xcc: {  	v2 =	vld [tilespmem:s28+$0x120];
	_ =	sdelay $0x1  }
0xcd: {  	v3 =	vld [tilespmem:s28+$0x1A0]  }
0xce: {  	v0 =	vadd.f32 v1, v0  }
0xcf: {  	v1 =	vld [tilespmem:s28+$0x220]  }
0xd0: {  	v0 =	vadd.f32 v2, v0  }
0xd1: {  	v2 =	vld [tilespmem:s28+$0x2A0]  }
0xd2: {  	v0 =	vadd.f32 v3, v0  }
0xd3: {  	v3 =	vld [tilespmem:s28+$0x320]  }
0xd4: {  	v0 =	vadd.f32 v1, v0  }
0xd5: {  	v1 =	vld [tilespmem:s28+$0x3A0]  }
0xd6: {  	v0 =	vadd.f32 v2, v0;
	_ =	sdelay $0x1  }
0xd7: {  	v0 =	vadd.f32 v3, v0;
	_ =	sdelay $0x1  }
0xd8: {  	v0 =	vadd.f32 v1, v0;
	_ =	sdelay $0x1  }
0xd9: {  	[tilespmem:s29+$0x150A0] =	vst v0  }
0xda: {  	v0 =	vld [tilespmem:s28+$0x30]  }
0xdb: {  	v1 =	vld [tilespmem:s28+$0xB0];
	_ =	sdelay $0x1  }
0xdc: {  	v2 =	vld [tilespmem:s28+$0x130];
	_ =	sdelay $0x1  }
0xdd: {  	v3 =	vld [tilespmem:s28+$0x1B0]  }
0xde: {  	v0 =	vadd.f32 v1, v0  }
0xdf: {  	v1 =	vld [tilespmem:s28+$0x230]  }
0xe0: {  	v0 =	vadd.f32 v2, v0  }
0xe1: {  	v2 =	vld [tilespmem:s28+$0x2B0]  }
0xe2: {  	v0 =	vadd.f32 v3, v0  }
0xe3: {  	v3 =	vld [tilespmem:s28+$0x330]  }
0xe4: {  	v0 =	vadd.f32 v1, v0  }
0xe5: {  	v1 =	vld [tilespmem:s28+$0x3B0]  }
0xe6: {  	v0 =	vadd.f32 v2, v0;
	_ =	sdelay $0x1  }
0xe7: {  	v0 =	vadd.f32 v3, v0;
	_ =	sdelay $0x1  }
0xe8: {  	v0 =	vadd.f32 v1, v0;
	_ =	sdelay $0x1  }
0xe9: {  	[tilespmem:s29+$0x150B0] =	vst v0  }
0xea: {  	v0 =	vld [tilespmem:s28+$0x40]  }
0xeb: {  	v1 =	vld [tilespmem:s28+$0xC0];
	_ =	sdelay $0x1  }
0xec: {  	v2 =	vld [tilespmem:s28+$0x140];
	_ =	sdelay $0x1  }
0xed: {  	v3 =	vld [tilespmem:s28+$0x1C0]  }
0xee: {  	v0 =	vadd.f32 v1, v0  }
0xef: {  	v1 =	vld [tilespmem:s28+$0x240]  }
0xf0: {  	v0 =	vadd.f32 v2, v0  }
0xf1: {  	v2 =	vld [tilespmem:s28+$0x2C0]  }
0xf2: {  	v0 =	vadd.f32 v3, v0  }
0xf3: {  	v3 =	vld [tilespmem:s28+$0x340]  }
0xf4: {  	v0 =	vadd.f32 v1, v0  }
0xf5: {  	v1 =	vld [tilespmem:s28+$0x3C0]  }
0xf6: {  	v0 =	vadd.f32 v2, v0;
	_ =	sdelay $0x1  }
0xf7: {  	v0 =	vadd.f32 v3, v0;
	_ =	sdelay $0x1  }
0xf8: {  	v0 =	vadd.f32 v1, v0;
	_ =	sdelay $0x1  }
0xf9: {  	[tilespmem:s29+$0x150C0] =	vst v0  }
0xfa: {  	v0 =	vld [tilespmem:s28+$0x50]  }
0xfb: {  	v1 =	vld [tilespmem:s28+$0xD0];
	_ =	sdelay $0x1  }
0xfc: {  	v2 =	vld [tilespmem:s28+$0x150];
	_ =	sdelay $0x1  }
0xfd: {  	v3 =	vld [tilespmem:s28+$0x1D0]  }
0xfe: {  	v0 =	vadd.f32 v1, v0  }
0xff: {  	v1 =	vld [tilespmem:s28+$0x250]  }
0x100: {  	v0 =	vadd.f32 v2, v0  }
0x101: {  	v2 =	vld [tilespmem:s28+$0x2D0]  }
0x102: {  	v0 =	vadd.f32 v3, v0  }
0x103: {  	v3 =	vld [tilespmem:s28+$0x350]  }
0x104: {  	v0 =	vadd.f32 v1, v0  }
0x105: {  	v1 =	vld [tilespmem:s28+$0x3D0]  }
0x106: {  	v0 =	vadd.f32 v2, v0;
	_ =	sdelay $0x1  }
0x107: {  	v0 =	vadd.f32 v3, v0;
	_ =	sdelay $0x1  }
0x108: {  	v0 =	vadd.f32 v1, v0;
	_ =	sdelay $0x1  }
0x109: {  	[tilespmem:s29+$0x150D0] =	vst v0  }
0x10a: {  	v0 =	vld [tilespmem:s28+$0x60]  }
0x10b: {  	v1 =	vld [tilespmem:s28+$0xE0];
	_ =	sdelay $0x1  }
0x10c: {  	v2 =	vld [tilespmem:s28+$0x160];
	_ =	sdelay $0x1  }
0x10d: {  	v3 =	vld [tilespmem:s28+$0x1E0]  }
0x10e: {  	v0 =	vadd.f32 v1, v0  }
0x10f: {  	v1 =	vld [tilespmem:s28+$0x260]  }
0x110: {  	v0 =	vadd.f32 v2, v0  }
0x111: {  	v2 =	vld [tilespmem:s28+$0x2E0]  }
0x112: {  	v0 =	vadd.f32 v3, v0  }
0x113: {  	v3 =	vld [tilespmem:s28+$0x360]  }
0x114: {  	v0 =	vadd.f32 v1, v0  }
0x115: {  	v1 =	vld [tilespmem:s28+$0x3E0]  }
0x116: {  	v0 =	vadd.f32 v2, v0;
	_ =	sdelay $0x1  }
0x117: {  	v0 =	vadd.f32 v3, v0;
	_ =	sdelay $0x1  }
0x118: {  	v0 =	vadd.f32 v1, v0;
	_ =	sdelay $0x1  }
0x119: {  	[tilespmem:s29+$0x150E0] =	vst v0  }
0x11a: {  	v2 =	vld [tilespmem:s28+$0x70]  }
0x11b: {  	v3 =	vld [tilespmem:s28+$0xF0]  }
0x11c: {  	v1 =	vld [tilespmem:s28+$0x170]  }
0x11d: {  	s30 =	simm.s32 $0x400;
	s31 =	simm.s32 $0x5400;
	v0 =	vld [tilespmem:s28+$0x270]  }
.LBB2_3:
0x11e: {  	p0 =	sne.s32 s30, $0x3C00  }
0x11f: {  	v4 =	vld [tilespmem:s28+$0x1F0];
	s31 =	sadd.s32 $0x800, s31;
	s1 =	smov.u32 s30;
	s30 =	sadd.s32 $0x400, s30  }
0x120: {  	v5 =	vld [tilespmem:s28+$0x2F0]  }
0x121: {  	v2 =	vadd.f32 v3, v2;
	v3 =	vld [tilespmem:s28+$0x370]  }
0x122: {  	v6 =	vld [tilespmem:s28+$0x3F0];
	s28 =	smov.u32 s31  }
0x123: {  	v1 =	vadd.f32 v1, v2;
	_ =	sdelay $0x1  }
0x124: {  	v1 =	vadd.f32 v4, v1;
	_ =	sdelay $0x1  }
0x125: {  	v0 =	vadd.f32 v0, v1;
	_ =	sdelay $0x1  }
0x126: {  	v0 =	vadd.f32 v5, v0;
	_ =	sdelay $0x1  }
0x127: {  	v0 =	vadd.f32 v3, v0;
	_ =	sdelay $0x1  }
0x128: {  	v0 =	vadd.f32 v6, v0;
	_ =	sdelay $0x1  }
0x129: {  	[tilespmem:s29+$0x150F0] =	vst v0  }
0x12a: {  	v0 =	vld [tilespmem:s31+$0xFFFFFC80]  }
0x12b: {  	v1 =	vld [tilespmem:s31+$0xFFFFFC00]  }
0x12c: {  	v2 =	vld [tilespmem:s31+$0xFFFFFD00];
	_ =	sdelay $0x1  }
0x12d: {  	v3 =	vld [tilespmem:s31+$0xFFFFFD80];
	_ =	sdelay $0x1  }
0x12e: {  	v0 =	vadd.f32 v0, v1;
	v1 =	vld [tilespmem:s31+$0xFFFFFE00];
	_ =	sdelay $0x1  }
0x12f: {  	v0 =	vadd.f32 v2, v0;
	v2 =	vld [tilespmem:s31+$0xFFFFFE80];
	_ =	sdelay $0x1  }
0x130: {  	v0 =	vadd.f32 v3, v0;
	v3 =	vld [tilespmem:s31+$0xFFFFFF00];
	_ =	sdelay $0x1  }
0x131: {  	v0 =	vadd.f32 v1, v0  }
0x132: {  	v1 =	vld [tilespmem:s31+$0xFFFFFF80]  }
0x133: {  	v0 =	vadd.f32 v2, v0;
	_ =	sdelay $0x1  }
0x134: {  	v0 =	vadd.f32 v3, v0;
	_ =	sdelay $0x1  }
0x135: {  	v0 =	vadd.f32 v1, v0  }
0x136: {  	s29 =	sshra.s32 s1, $0x2  }
0x137: {  	[tilespmem:s29+$0x15000] =	vst v0  }
0x138: {  	v0 =	vld [tilespmem:s31+$0xFFFFFC10]  }
0x139: {  	v1 =	vld [tilespmem:s31+$0xFFFFFC90];
	_ =	sdelay $0x1  }
0x13a: {  	v2 =	vld [tilespmem:s31+$0xFFFFFD10];
	_ =	sdelay $0x1  }
0x13b: {  	v3 =	vld [tilespmem:s31+$0xFFFFFD90]  }
0x13c: {  	v0 =	vadd.f32 v1, v0  }
0x13d: {  	v1 =	vld [tilespmem:s31+$0xFFFFFE10]  }
0x13e: {  	v0 =	vadd.f32 v2, v0  }
0x13f: {  	v2 =	vld [tilespmem:s31+$0xFFFFFE90]  }
0x140: {  	v0 =	vadd.f32 v3, v0  }
0x141: {  	v3 =	vld [tilespmem:s31+$0xFFFFFF10]  }
0x142: {  	v0 =	vadd.f32 v1, v0  }
0x143: {  	v1 =	vld [tilespmem:s31+$0xFFFFFF90]  }
0x144: {  	v0 =	vadd.f32 v2, v0;
	_ =	sdelay $0x1  }
0x145: {  	v0 =	vadd.f32 v3, v0;
	_ =	sdelay $0x1  }
0x146: {  	v0 =	vadd.f32 v1, v0;
	_ =	sdelay $0x1  }
0x147: {  	[tilespmem:s29+$0x15010] =	vst v0  }
0x148: {  	v0 =	vld [tilespmem:s31+$0xFFFFFC20]  }
0x149: {  	v1 =	vld [tilespmem:s31+$0xFFFFFCA0];
	_ =	sdelay $0x1  }
0x14a: {  	v2 =	vld [tilespmem:s31+$0xFFFFFD20];
	_ =	sdelay $0x1  }
0x14b: {  	v3 =	vld [tilespmem:s31+$0xFFFFFDA0]  }
0x14c: {  	v0 =	vadd.f32 v1, v0  }
0x14d: {  	v1 =	vld [tilespmem:s31+$0xFFFFFE20]  }
0x14e: {  	v0 =	vadd.f32 v2, v0  }
0x14f: {  	v2 =	vld [tilespmem:s31+$0xFFFFFEA0]  }
0x150: {  	v0 =	vadd.f32 v3, v0  }
0x151: {  	v3 =	vld [tilespmem:s31+$0xFFFFFF20]  }
0x152: {  	v0 =	vadd.f32 v1, v0  }
0x153: {  	v1 =	vld [tilespmem:s31+$0xFFFFFFA0]  }
0x154: {  	v0 =	vadd.f32 v2, v0;
	_ =	sdelay $0x1  }
0x155: {  	v0 =	vadd.f32 v3, v0;
	_ =	sdelay $0x1  }
0x156: {  	v0 =	vadd.f32 v1, v0;
	_ =	sdelay $0x1  }
0x157: {  	[tilespmem:s29+$0x15020] =	vst v0  }
0x158: {  	v0 =	vld [tilespmem:s31+$0xFFFFFC30]  }
0x159: {  	v1 =	vld [tilespmem:s31+$0xFFFFFCB0]  }
0x15a: {  	v2 =	vld [tilespmem:s31+$0xFFFFFF30]  }
0x15b: {  	v3 =	vld [tilespmem:s31+$0xFFFFFD30];
	_ =	sdelay $0x1  }
0x15c: {  	v4 =	vld [tilespmem:s31+$0xFFFFFDB0]  }
0x15d: {  	v0 =	vadd.f32 v1, v0  }
0x15e: {  	v1 =	vld [tilespmem:s31+$0xFFFFFE30]  }
0x15f: {  	v0 =	vadd.f32 v3, v0  }
0x160: {  	v3 =	vld [tilespmem:s31+$0xFFFFFEB0]  }
0x161: {  	v0 =	vadd.f32 v4, v0;
	_ =	sdelay $0x1  }
0x162: {  	v0 =	vadd.f32 v1, v0  }
0x163: {  	v1 =	vld [tilespmem:s31+$0xFFFFFFB0]  }
0x164: {  	v0 =	vadd.f32 v3, v0;
	_ =	sdelay $0x1  }
0x165: {  	v0 =	vadd.f32 v2, v0;
	_ =	sdelay $0x1  }
0x166: {  	v0 =	vadd.f32 v1, v0;
	_ =	sdelay $0x1  }
0x167: {  	[tilespmem:s29+$0x15030] =	vst v0  }
0x168: {  	v0 =	vld [tilespmem:s31+$0xFFFFFC40]  }
0x169: {  	v1 =	vld [tilespmem:s31+$0xFFFFFCC0];
	_ =	sdelay $0x1  }
0x16a: {  	v2 =	vld [tilespmem:s31+$0xFFFFFD40];
	_ =	sdelay $0x1  }
0x16b: {  	v3 =	vld [tilespmem:s31+$0xFFFFFDC0]  }
0x16c: {  	v0 =	vadd.f32 v1, v0  }
0x16d: {  	v1 =	vld [tilespmem:s31+$0xFFFFFE40]  }
0x16e: {  	v0 =	vadd.f32 v2, v0  }
0x16f: {  	v2 =	vld [tilespmem:s31+$0xFFFFFEC0]  }
0x170: {  	v0 =	vadd.f32 v3, v0  }
0x171: {  	v3 =	vld [tilespmem:s31+$0xFFFFFF40]  }
0x172: {  	v0 =	vadd.f32 v1, v0  }
0x173: {  	v1 =	vld [tilespmem:s31+$0xFFFFFFC0]  }
0x174: {  	v0 =	vadd.f32 v2, v0;
	_ =	sdelay $0x1  }
0x175: {  	v0 =	vadd.f32 v3, v0;
	_ =	sdelay $0x1  }
0x176: {  	v0 =	vadd.f32 v1, v0;
	_ =	sdelay $0x1  }
0x177: {  	[tilespmem:s29+$0x15040] =	vst v0  }
0x178: {  	v0 =	vld [tilespmem:s31+$0xFFFFFC50]  }
0x179: {  	v1 =	vld [tilespmem:s31+$0xFFFFFCD0]  }
0x17a: {  	v2 =	vld [tilespmem:s31+$0xFFFFFE50]  }
0x17b: {  	v3 =	vld [tilespmem:s31+$0xFFFFFD50];
	_ =	sdelay $0x1  }
0x17c: {  	v4 =	vld [tilespmem:s31+$0xFFFFFDD0]  }
0x17d: {  	v0 =	vadd.f32 v1, v0;
	_ =	sdelay $0x1  }
0x17e: {  	v0 =	vadd.f32 v3, v0  }
0x17f: {  	v1 =	vld [tilespmem:s31+$0xFFFFFED0]  }
0x180: {  	v0 =	vadd.f32 v4, v0  }
0x181: {  	v3 =	vld [tilespmem:s31+$0xFFFFFF50]  }
0x182: {  	v0 =	vadd.f32 v2, v0  }
0x183: {  	v2 =	vld [tilespmem:s31+$0xFFFFFFD0]  }
0x184: {  	v0 =	vadd.f32 v1, v0;
	_ =	sdelay $0x1  }
0x185: {  	v0 =	vadd.f32 v3, v0;
	_ =	sdelay $0x1  }
0x186: {  	v0 =	vadd.f32 v2, v0;
	_ =	sdelay $0x1  }
0x187: {  	[tilespmem:s29+$0x15050] =	vst v0  }
0x188: {  	v0 =	vld [tilespmem:s31+$0xFFFFFC60]  }
0x189: {  	v1 =	vld [tilespmem:s31+$0xFFFFFCE0]  }
0x18a: {  	v2 =	vld [tilespmem:s31+$0xFFFFFD60];
	_ =	sdelay $0x2  }
0x18b: {  	v3 =	vld [tilespmem:s31+$0xFFFFFDE0]  }
0x18c: {  	v0 =	vadd.f32 v1, v0  }
0x18d: {  	v1 =	vld [tilespmem:s31+$0xFFFFFE60]  }
0x18e: {  	v0 =	vadd.f32 v2, v0  }
0x18f: {  	v2 =	vld [tilespmem:s31+$0xFFFFFEE0]  }
0x190: {  	v0 =	vadd.f32 v3, v0  }
0x191: {  	v3 =	vld [tilespmem:s31+$0xFFFFFF60]  }
0x192: {  	v0 =	vadd.f32 v1, v0  }
0x193: {  	v1 =	vld [tilespmem:s31+$0xFFFFFFE0]  }
0x194: {  	v0 =	vadd.f32 v2, v0;
	_ =	sdelay $0x1  }
0x195: {  	v0 =	vadd.f32 v3, v0;
	_ =	sdelay $0x1  }
0x196: {  	v0 =	vadd.f32 v1, v0;
	_ =	sdelay $0x1  }
0x197: {  	[tilespmem:s29+$0x15060] =	vst v0  }
0x198: {  	v0 =	vld [tilespmem:s31+$0xFFFFFC70]  }
0x199: {  	v1 =	vld [tilespmem:s31+$0xFFFFFCF0];
	_ =	sdelay $0x1  }
0x19a: {  	v2 =	vld [tilespmem:s31+$0xFFFFFD70];
	_ =	sdelay $0x1  }
0x19b: {  	v3 =	vld [tilespmem:s31+$0xFFFFFDF0]  }
0x19c: {  	v0 =	vadd.f32 v1, v0  }
0x19d: {  	v1 =	vld [tilespmem:s31+$0xFFFFFE70]  }
0x19e: {  	v0 =	vadd.f32 v2, v0  }
0x19f: {  	v2 =	vld [tilespmem:s31+$0xFFFFFEF0]  }
0x1a0: {  	v0 =	vadd.f32 v3, v0  }
0x1a1: {  	v3 =	vld [tilespmem:s31+$0xFFFFFF70]  }
0x1a2: {  	v0 =	vadd.f32 v1, v0  }
0x1a3: {  	v1 =	vld [tilespmem:s31+$0xFFFFFFF0]  }
0x1a4: {  	v0 =	vadd.f32 v2, v0;
	_ =	sdelay $0x1  }
0x1a5: {  	v0 =	vadd.f32 v3, v0;
	_ =	sdelay $0x1  }
0x1a6: {  	v0 =	vadd.f32 v1, v0;
	_ =	sdelay $0x1  }
0x1a7: {  	[tilespmem:s29+$0x15070] =	vst v0  }
0x1a8: {  	v0 =	vld [tilespmem:s31+$0x0]  }
0x1a9: {  	v1 =	vld [tilespmem:s31+$0x80]  }
0x1aa: {  	v2 =	vld [tilespmem:s31+$0x100];
	_ =	sdelay $0x2  }
0x1ab: {  	v3 =	vld [tilespmem:s31+$0x180]  }
0x1ac: {  	v0 =	vadd.f32 v1, v0  }
0x1ad: {  	v1 =	vld [tilespmem:s31+$0x200]  }
0x1ae: {  	v0 =	vadd.f32 v2, v0  }
0x1af: {  	v2 =	vld [tilespmem:s31+$0x280]  }
0x1b0: {  	v0 =	vadd.f32 v3, v0  }
0x1b1: {  	v3 =	vld [tilespmem:s31+$0x300]  }
0x1b2: {  	v0 =	vadd.f32 v1, v0  }
0x1b3: {  	v1 =	vld [tilespmem:s31+$0x380]  }
0x1b4: {  	v0 =	vadd.f32 v2, v0;
	_ =	sdelay $0x1  }
0x1b5: {  	v0 =	vadd.f32 v3, v0;
	_ =	sdelay $0x1  }
0x1b6: {  	v0 =	vadd.f32 v1, v0;
	_ =	sdelay $0x1  }
0x1b7: {  	[tilespmem:s29+$0x15080] =	vst v0  }
0x1b8: {  	v0 =	vld [tilespmem:s31+$0x10]  }
0x1b9: {  	v1 =	vld [tilespmem:s31+$0x90]  }
0x1ba: {  	v2 =	vld [tilespmem:s31+$0x110]  }
0x1bb: {  	v3 =	vld [tilespmem:s31+$0x190]  }
0x1bc: {  	v4 =	vld [tilespmem:s31+$0x210]  }
0x1bd: {  	v5 =	vld [tilespmem:s31+$0x290]  }
0x1be: {  	v0 =	vadd.f32 v1, v0;
	v1 =	vld [tilespmem:s31+$0x310]  }
0x1bf: {  	v6 =	vld [tilespmem:s31+$0x390]  }
0x1c0: {  	v0 =	vadd.f32 v2, v0;
	_ =	sdelay $0x1  }
0x1c1: {  	v0 =	vadd.f32 v3, v0;
	_ =	sdelay $0x1  }
0x1c2: {  	v0 =	vadd.f32 v4, v0;
	_ =	sdelay $0x1  }
0x1c3: {  	v0 =	vadd.f32 v5, v0;
	_ =	sdelay $0x1  }
0x1c4: {  	v0 =	vadd.f32 v1, v0;
	_ =	sdelay $0x1  }
0x1c5: {  	v0 =	vadd.f32 v6, v0;
	_ =	sdelay $0x1  }
0x1c6: {  	[tilespmem:s29+$0x15090] =	vst v0  }
0x1c7: {  	v0 =	vld [tilespmem:s31+$0x20]  }
0x1c8: {  	v1 =	vld [tilespmem:s31+$0xA0]  }
0x1c9: {  	v2 =	vld [tilespmem:s31+$0x120]  }
0x1ca: {  	v3 =	vld [tilespmem:s31+$0x220]  }
0x1cb: {  	v4 =	vld [tilespmem:s31+$0x1A0]  }
0x1cc: {  	v5 =	vld [tilespmem:s31+$0x2A0]  }
0x1cd: {  	v0 =	vadd.f32 v1, v0;
	v1 =	vld [tilespmem:s31+$0x320]  }
0x1ce: {  	v6 =	vld [tilespmem:s31+$0x3A0]  }
0x1cf: {  	v0 =	vadd.f32 v2, v0;
	_ =	sdelay $0x1  }
0x1d0: {  	v0 =	vadd.f32 v4, v0;
	_ =	sdelay $0x1  }
0x1d1: {  	v0 =	vadd.f32 v3, v0;
	_ =	sdelay $0x1  }
0x1d2: {  	v0 =	vadd.f32 v5, v0;
	_ =	sdelay $0x1  }
0x1d3: {  	v0 =	vadd.f32 v1, v0;
	_ =	sdelay $0x1  }
0x1d4: {  	v0 =	vadd.f32 v6, v0;
	_ =	sdelay $0x1  }
0x1d5: {  	[tilespmem:s29+$0x150A0] =	vst v0  }
0x1d6: {  	v0 =	vld [tilespmem:s31+$0x30]  }
0x1d7: {  	v1 =	vld [tilespmem:s31+$0xB0]  }
0x1d8: {  	v2 =	vld [tilespmem:s31+$0x130]  }
0x1d9: {  	v3 =	vld [tilespmem:s31+$0x1B0]  }
0x1da: {  	v4 =	vld [tilespmem:s31+$0x230]  }
0x1db: {  	v5 =	vld [tilespmem:s31+$0x2B0]  }
0x1dc: {  	v0 =	vadd.f32 v1, v0;
	v1 =	vld [tilespmem:s31+$0x330]  }
0x1dd: {  	v6 =	vld [tilespmem:s31+$0x3B0]  }
0x1de: {  	v0 =	vadd.f32 v2, v0;
	_ =	sdelay $0x1  }
0x1df: {  	v0 =	vadd.f32 v3, v0;
	_ =	sdelay $0x1  }
0x1e0: {  	v0 =	vadd.f32 v4, v0;
	_ =	sdelay $0x1  }
0x1e1: {  	v0 =	vadd.f32 v5, v0;
	_ =	sdelay $0x1  }
0x1e2: {  	v0 =	vadd.f32 v1, v0;
	_ =	sdelay $0x1  }
0x1e3: {  	v0 =	vadd.f32 v6, v0;
	_ =	sdelay $0x1  }
0x1e4: {  	[tilespmem:s29+$0x150B0] =	vst v0  }
0x1e5: {  	v0 =	vld [tilespmem:s31+$0x40]  }
0x1e6: {  	v1 =	vld [tilespmem:s31+$0xC0]  }
0x1e7: {  	v2 =	vld [tilespmem:s31+$0x1C0]  }
0x1e8: {  	v3 =	vld [tilespmem:s31+$0x140]  }
0x1e9: {  	v4 =	vld [tilespmem:s31+$0x240]  }
0x1ea: {  	v5 =	vld [tilespmem:s31+$0x2C0]  }
0x1eb: {  	v0 =	vadd.f32 v1, v0;
	v1 =	vld [tilespmem:s31+$0x340]  }
0x1ec: {  	v6 =	vld [tilespmem:s31+$0x3C0]  }
0x1ed: {  	v0 =	vadd.f32 v3, v0;
	_ =	sdelay $0x1  }
0x1ee: {  	v0 =	vadd.f32 v2, v0;
	_ =	sdelay $0x1  }
0x1ef: {  	v0 =	vadd.f32 v4, v0;
	_ =	sdelay $0x1  }
0x1f0: {  	v0 =	vadd.f32 v5, v0;
	_ =	sdelay $0x1  }
0x1f1: {  	v0 =	vadd.f32 v1, v0;
	_ =	sdelay $0x1  }
0x1f2: {  	v0 =	vadd.f32 v6, v0;
	_ =	sdelay $0x1  }
0x1f3: {  	[tilespmem:s29+$0x150C0] =	vst v0  }
0x1f4: {  	v0 =	vld [tilespmem:s31+$0x50]  }
0x1f5: {  	v1 =	vld [tilespmem:s31+$0xD0]  }
0x1f6: {  	v2 =	vld [tilespmem:s31+$0x150]  }
0x1f7: {  	v3 =	vld [tilespmem:s31+$0x1D0]  }
0x1f8: {  	v4 =	vld [tilespmem:s31+$0x250]  }
0x1f9: {  	v5 =	vld [tilespmem:s31+$0x2D0]  }
0x1fa: {  	v0 =	vadd.f32 v1, v0;
	v1 =	vld [tilespmem:s31+$0x350]  }
0x1fb: {  	v6 =	vld [tilespmem:s31+$0x3D0]  }
0x1fc: {  	v0 =	vadd.f32 v2, v0;
	_ =	sdelay $0x1  }
0x1fd: {  	v0 =	vadd.f32 v3, v0;
	_ =	sdelay $0x1  }
0x1fe: {  	v0 =	vadd.f32 v4, v0;
	_ =	sdelay $0x1  }
0x1ff: {  	v0 =	vadd.f32 v5, v0;
	_ =	sdelay $0x1  }
0x200: {  	v0 =	vadd.f32 v1, v0;
	_ =	sdelay $0x1  }
0x201: {  	v0 =	vadd.f32 v6, v0;
	_ =	sdelay $0x1  }
0x202: {  	[tilespmem:s29+$0x150D0] =	vst v0  }
0x203: {  	v0 =	vld [tilespmem:s31+$0x60]  }
0x204: {  	v1 =	vld [tilespmem:s31+$0xE0]  }
0x205: {  	v2 =	vld [tilespmem:s31+$0x160]  }
0x206: {  	v3 =	vld [tilespmem:s31+$0x1E0]  }
0x207: {  	v4 =	vld [tilespmem:s31+$0x260]  }
0x208: {  	v5 =	vld [tilespmem:s31+$0x2E0]  }
0x209: {  	v0 =	vadd.f32 v1, v0;
	v1 =	vld [tilespmem:s31+$0x360]  }
0x20a: {  	v6 =	vld [tilespmem:s31+$0x3E0]  }
0x20b: {  	v0 =	vadd.f32 v2, v0;
	_ =	sdelay $0x1  }
0x20c: {  	v0 =	vadd.f32 v3, v0;
	_ =	sdelay $0x1  }
0x20d: {  	v0 =	vadd.f32 v4, v0;
	_ =	sdelay $0x1  }
0x20e: {  	v0 =	vadd.f32 v5, v0;
	_ =	sdelay $0x1  }
0x20f: {  	v0 =	vadd.f32 v1, v0;
	_ =	sdelay $0x1  }
0x210: {  	v0 =	vadd.f32 v6, v0;
	_ =	sdelay $0x1  }
.Ltmp0:
0x211: {  	[tilespmem:s29+$0x150E0] =	vst v0;
	(pc) =	sbr.rel @p0 .LBB2_3-.Ltmp0, $4  }
0x212: {  	v2 =	vld [tilespmem:s31+$0x70]  }
0x213: {  	v3 =	vld [tilespmem:s31+$0xF0]  }
0x214: {  	v1 =	vld [tilespmem:s31+$0x170]  }
0x215: {  	v0 =	vld [tilespmem:s31+$0x270]  }
0x216: {  	_ = 	snop  }
0x217: {  	v4 =	vld [tilespmem:s28+$0x1F0]  }
0x218: {  	v2 =	vadd.f32 v3, v2;
	_ =	sdelay $0x1  }
0x219: {  	v1 =	vadd.f32 v1, v2  }
0x21a: {  	v2 =	vld [tilespmem:s28+$0x2F0]  }
0x21b: {  	v1 =	vadd.f32 v4, v1  }
0x21c: {  	v3 =	vld [tilespmem:s28+$0x370]  }
0x21d: {  	v0 =	vadd.f32 v0, v1  }
0x21e: {  	v1 =	vld [tilespmem:s28+$0x3F0]  }
0x21f: {  	v0 =	vadd.f32 v2, v0;
	_ =	sdelay $0x1  }
0x220: {  	v0 =	vadd.f32 v3, v0  }
0x221: {  	s0 =	sshll.u32 s26, $0xD;
	s28 =	sshll.u32 s26, $0x1  }
0x222: {  	s0 =	sadd.s32 s8, s0;
	s1 =	sadd.s32 $0x2, s28;
	v0 =	vadd.f32 v1, v0  }
0x223: {  	s30 =	smov.u32 s7;
	s0 =	sshrl.u32 s0, $0x3;
	p0 =	slt.s32 s1, s7  }
0x224: {  	s0 =	sadd.s32 s4, s0;
	s30 =	smov.u32 @p0 s1;
	s1 =	simm.s32 $0x0;
	[tilespmem:s29+$0x150F0] =	vst v0  }
0x225: {  	[hbm4b:s0+s1] =	stream.linear.scatter [tilespmem:s12], [sflag:$0x3], $0x1000, $0x38;
	[tilespmem:$0x17000] =	vst v63  }
0x226: {  	s1 =	sshll.u32 s30, $0xA  }
0x227: {  	s0 =	sshra.s32 s1, $0x2  }
0x228: {  	[tilespmem:s14], [sflag:$0x1] =	stream.indirect.gather [hbm4b:s2+s13], $0x80, s0, s13, $0xb8;
	[tilespmem:$0x17000] =	vst v63  }
0x229: {  	s0 =	sor.u32 $0x80, s0  }
0x22a: {  	[tilespmem:s15], [sflag:$0x1] =	stream.indirect.gather [hbm4b:s2+s13], $0x80, s0, s13, $0xb8;
	[tilespmem:$0x17000] =	vst v63  }
0x22b: {  	_ =	swait.ge [sflag:s23], $0x4000  }
0x22c: {  	[sflag:s23] =	ssyncset.done $0x0  }
0x22d: {  	[sflag:s23] =	ssyncadd.s32 $0xFFFFC000  }
0x22e: {  	_ =	swait.ge [sflag:s23], $0x4000  }
0x22f: {  	[sflag:s23] =	ssyncset.done $0x0  }
0x230: {  	[sflag:s23] =	ssyncadd.s32 $0xFFFFC000  }
0x231: {  	_ =	swait.ge [sflag:s24], $0x1000  }
0x232: {  	[sflag:s24] =	ssyncset.done $0x0  }
0x233: {  	s29 =	simm.s32 $0xD400;
	[sflag:s24] =	ssyncadd.s32 $0xFFFFF000  }
0x234: {  	v0 =	vld [tilespmem:s29+$0xFFFFFC80]  }
0x235: {  	v1 =	vld [tilespmem:s29+$0xFFFFFC00];
	_ =	sdelay $0x1  }
0x236: {  	v2 =	vld [tilespmem:s29+$0xFFFFFD00];
	_ =	sdelay $0x1  }
0x237: {  	v3 =	vld [tilespmem:s29+$0xFFFFFD80]  }
0x238: {  	v0 =	vadd.f32 v0, v1  }
0x239: {  	v1 =	vld [tilespmem:s29+$0xFFFFFE00]  }
0x23a: {  	v0 =	vadd.f32 v2, v0  }
0x23b: {  	v2 =	vld [tilespmem:s29+$0xFFFFFE80]  }
0x23c: {  	v0 =	vadd.f32 v3, v0  }
0x23d: {  	v3 =	vld [tilespmem:s29+$0xFFFFFF00]  }
0x23e: {  	v0 =	vadd.f32 v1, v0  }
0x23f: {  	v1 =	vld [tilespmem:s29+$0xFFFFFF80]  }
0x240: {  	v0 =	vadd.f32 v2, v0;
	_ =	sdelay $0x1  }
0x241: {  	v0 =	vadd.f32 v3, v0;
	_ =	sdelay $0x1  }
0x242: {  	v0 =	vadd.f32 v1, v0  }
0x243: {  	s30 =	simm.s32 $0x0  }
0x244: {  	[tilespmem:s30+$0x16000] =	vst v0  }
0x245: {  	v0 =	vld [tilespmem:s29+$0xFFFFFC10]  }
0x246: {  	v1 =	vld [tilespmem:s29+$0xFFFFFC90];
	_ =	sdelay $0x1  }
0x247: {  	v2 =	vld [tilespmem:s29+$0xFFFFFD10];
	_ =	sdelay $0x1  }
0x248: {  	v3 =	vld [tilespmem:s29+$0xFFFFFD90]  }
0x249: {  	v0 =	vadd.f32 v1, v0  }
0x24a: {  	v1 =	vld [tilespmem:s29+$0xFFFFFE10]  }
0x24b: {  	v0 =	vadd.f32 v2, v0  }
0x24c: {  	v2 =	vld [tilespmem:s29+$0xFFFFFE90]  }
0x24d: {  	v0 =	vadd.f32 v3, v0  }
0x24e: {  	v3 =	vld [tilespmem:s29+$0xFFFFFF10]  }
0x24f: {  	v0 =	vadd.f32 v1, v0  }
0x250: {  	v1 =	vld [tilespmem:s29+$0xFFFFFF90]  }
0x251: {  	v0 =	vadd.f32 v2, v0;
	_ =	sdelay $0x1  }
0x252: {  	v0 =	vadd.f32 v3, v0;
	_ =	sdelay $0x1  }
0x253: {  	v0 =	vadd.f32 v1, v0;
	_ =	sdelay $0x1  }
0x254: {  	[tilespmem:s30+$0x16010] =	vst v0  }
0x255: {  	v0 =	vld [tilespmem:s29+$0xFFFFFC20]  }
0x256: {  	v1 =	vld [tilespmem:s29+$0xFFFFFCA0];
	_ =	sdelay $0x1  }
0x257: {  	v2 =	vld [tilespmem:s29+$0xFFFFFD20];
	_ =	sdelay $0x1  }
0x258: {  	v3 =	vld [tilespmem:s29+$0xFFFFFDA0]  }
0x259: {  	v0 =	vadd.f32 v1, v0  }
0x25a: {  	v1 =	vld [tilespmem:s29+$0xFFFFFE20]  }
0x25b: {  	v0 =	vadd.f32 v2, v0  }
0x25c: {  	v2 =	vld [tilespmem:s29+$0xFFFFFEA0]  }
0x25d: {  	v0 =	vadd.f32 v3, v0  }
0x25e: {  	v3 =	vld [tilespmem:s29+$0xFFFFFF20]  }
0x25f: {  	v0 =	vadd.f32 v1, v0  }
0x260: {  	v1 =	vld [tilespmem:s29+$0xFFFFFFA0]  }
0x261: {  	v0 =	vadd.f32 v2, v0;
	_ =	sdelay $0x1  }
0x262: {  	v0 =	vadd.f32 v3, v0;
	_ =	sdelay $0x1  }
0x263: {  	v0 =	vadd.f32 v1, v0;
	_ =	sdelay $0x1  }
0x264: {  	[tilespmem:s30+$0x16020] =	vst v0  }
0x265: {  	v0 =	vld [tilespmem:s29+$0xFFFFFC30]  }
0x266: {  	v1 =	vld [tilespmem:s29+$0xFFFFFCB0];
	_ =	sdelay $0x1  }
0x267: {  	v2 =	vld [tilespmem:s29+$0xFFFFFD30];
	_ =	sdelay $0x1  }
0x268: {  	v3 =	vld [tilespmem:s29+$0xFFFFFDB0]  }
0x269: {  	v0 =	vadd.f32 v1, v0  }
0x26a: {  	v1 =	vld [tilespmem:s29+$0xFFFFFE30]  }
0x26b: {  	v0 =	vadd.f32 v2, v0  }
0x26c: {  	v2 =	vld [tilespmem:s29+$0xFFFFFEB0]  }
0x26d: {  	v0 =	vadd.f32 v3, v0  }
0x26e: {  	v3 =	vld [tilespmem:s29+$0xFFFFFF30]  }
0x26f: {  	v0 =	vadd.f32 v1, v0  }
0x270: {  	v1 =	vld [tilespmem:s29+$0xFFFFFFB0]  }
0x271: {  	v0 =	vadd.f32 v2, v0;
	_ =	sdelay $0x1  }
0x272: {  	v0 =	vadd.f32 v3, v0;
	_ =	sdelay $0x1  }
0x273: {  	v0 =	vadd.f32 v1, v0;
	_ =	sdelay $0x1  }
0x274: {  	[tilespmem:s30+$0x16030] =	vst v0  }
0x275: {  	v0 =	vld [tilespmem:s29+$0xFFFFFC40]  }
0x276: {  	v1 =	vld [tilespmem:s29+$0xFFFFFCC0];
	_ =	sdelay $0x1  }
0x277: {  	v2 =	vld [tilespmem:s29+$0xFFFFFD40];
	_ =	sdelay $0x1  }
0x278: {  	v3 =	vld [tilespmem:s29+$0xFFFFFDC0]  }
0x279: {  	v0 =	vadd.f32 v1, v0  }
0x27a: {  	v1 =	vld [tilespmem:s29+$0xFFFFFE40]  }
0x27b: {  	v0 =	vadd.f32 v2, v0  }
0x27c: {  	v2 =	vld [tilespmem:s29+$0xFFFFFEC0]  }
0x27d: {  	v0 =	vadd.f32 v3, v0  }
0x27e: {  	v3 =	vld [tilespmem:s29+$0xFFFFFF40]  }
0x27f: {  	v0 =	vadd.f32 v1, v0  }
0x280: {  	v1 =	vld [tilespmem:s29+$0xFFFFFFC0]  }
0x281: {  	v0 =	vadd.f32 v2, v0;
	_ =	sdelay $0x1  }
0x282: {  	v0 =	vadd.f32 v3, v0;
	_ =	sdelay $0x1  }
0x283: {  	v0 =	vadd.f32 v1, v0;
	_ =	sdelay $0x1  }
0x284: {  	[tilespmem:s30+$0x16040] =	vst v0  }
0x285: {  	v0 =	vld [tilespmem:s29+$0xFFFFFC50]  }
0x286: {  	v1 =	vld [tilespmem:s29+$0xFFFFFCD0];
	_ =	sdelay $0x1  }
0x287: {  	v2 =	vld [tilespmem:s29+$0xFFFFFD50];
	_ =	sdelay $0x1  }
0x288: {  	v3 =	vld [tilespmem:s29+$0xFFFFFDD0]  }
0x289: {  	v0 =	vadd.f32 v1, v0  }
0x28a: {  	v1 =	vld [tilespmem:s29+$0xFFFFFE50]  }
0x28b: {  	v0 =	vadd.f32 v2, v0  }
0x28c: {  	v2 =	vld [tilespmem:s29+$0xFFFFFED0]  }
0x28d: {  	v0 =	vadd.f32 v3, v0  }
0x28e: {  	v3 =	vld [tilespmem:s29+$0xFFFFFF50]  }
0x28f: {  	v0 =	vadd.f32 v1, v0  }
0x290: {  	v1 =	vld [tilespmem:s29+$0xFFFFFFD0]  }
0x291: {  	v0 =	vadd.f32 v2, v0;
	_ =	sdelay $0x1  }
0x292: {  	v0 =	vadd.f32 v3, v0;
	_ =	sdelay $0x1  }
0x293: {  	v0 =	vadd.f32 v1, v0;
	_ =	sdelay $0x1  }
0x294: {  	[tilespmem:s30+$0x16050] =	vst v0  }
0x295: {  	v0 =	vld [tilespmem:s29+$0xFFFFFC60]  }
0x296: {  	v1 =	vld [tilespmem:s29+$0xFFFFFCE0];
	_ =	sdelay $0x1  }
0x297: {  	v2 =	vld [tilespmem:s29+$0xFFFFFD60];
	_ =	sdelay $0x1  }
0x298: {  	v3 =	vld [tilespmem:s29+$0xFFFFFDE0]  }
0x299: {  	v0 =	vadd.f32 v1, v0  }
0x29a: {  	v1 =	vld [tilespmem:s29+$0xFFFFFE60]  }
0x29b: {  	v0 =	vadd.f32 v2, v0  }
0x29c: {  	v2 =	vld [tilespmem:s29+$0xFFFFFEE0]  }
0x29d: {  	v0 =	vadd.f32 v3, v0  }
0x29e: {  	v3 =	vld [tilespmem:s29+$0xFFFFFF60]  }
0x29f: {  	v0 =	vadd.f32 v1, v0  }
0x2a0: {  	v1 =	vld [tilespmem:s29+$0xFFFFFFE0]  }
0x2a1: {  	v0 =	vadd.f32 v2, v0;
	_ =	sdelay $0x1  }
0x2a2: {  	v0 =	vadd.f32 v3, v0;
	_ =	sdelay $0x1  }
0x2a3: {  	v0 =	vadd.f32 v1, v0;
	_ =	sdelay $0x1  }
0x2a4: {  	[tilespmem:s30+$0x16060] =	vst v0  }
0x2a5: {  	v0 =	vld [tilespmem:s29+$0xFFFFFC70]  }
0x2a6: {  	v1 =	vld [tilespmem:s29+$0xFFFFFCF0];
	_ =	sdelay $0x1  }
0x2a7: {  	v2 =	vld [tilespmem:s29+$0xFFFFFD70];
	_ =	sdelay $0x1  }
0x2a8: {  	v3 =	vld [tilespmem:s29+$0xFFFFFDF0]  }
0x2a9: {  	v0 =	vadd.f32 v1, v0  }
0x2aa: {  	v1 =	vld [tilespmem:s29+$0xFFFFFE70]  }
0x2ab: {  	v0 =	vadd.f32 v2, v0  }
0x2ac: {  	v2 =	vld [tilespmem:s29+$0xFFFFFEF0]  }
0x2ad: {  	v0 =	vadd.f32 v3, v0  }
0x2ae: {  	v3 =	vld [tilespmem:s29+$0xFFFFFF70]  }
0x2af: {  	v0 =	vadd.f32 v1, v0  }
0x2b0: {  	v1 =	vld [tilespmem:s29+$0xFFFFFFF0]  }
0x2b1: {  	v0 =	vadd.f32 v2, v0;
	_ =	sdelay $0x1  }
0x2b2: {  	v0 =	vadd.f32 v3, v0;
	_ =	sdelay $0x1  }
0x2b3: {  	v0 =	vadd.f32 v1, v0;
	_ =	sdelay $0x1  }
0x2b4: {  	[tilespmem:s30+$0x16070] =	vst v0  }
0x2b5: {  	v0 =	vld [tilespmem:s29+$0x0]  }
0x2b6: {  	v1 =	vld [tilespmem:s29+$0x80];
	_ =	sdelay $0x1  }
0x2b7: {  	v2 =	vld [tilespmem:s29+$0x100];
	_ =	sdelay $0x1  }
0x2b8: {  	v3 =	vld [tilespmem:s29+$0x180]  }
0x2b9: {  	v0 =	vadd.f32 v1, v0  }
0x2ba: {  	v1 =	vld [tilespmem:s29+$0x200]  }
0x2bb: {  	v0 =	vadd.f32 v2, v0  }
0x2bc: {  	v2 =	vld [tilespmem:s29+$0x280]  }
0x2bd: {  	v0 =	vadd.f32 v3, v0  }
0x2be: {  	v3 =	vld [tilespmem:s29+$0x300]  }
0x2bf: {  	v0 =	vadd.f32 v1, v0  }
0x2c0: {  	v1 =	vld [tilespmem:s29+$0x380]  }
0x2c1: {  	v0 =	vadd.f32 v2, v0;
	_ =	sdelay $0x1  }
0x2c2: {  	v0 =	vadd.f32 v3, v0;
	_ =	sdelay $0x1  }
0x2c3: {  	v0 =	vadd.f32 v1, v0;
	_ =	sdelay $0x1  }
0x2c4: {  	[tilespmem:s30+$0x16080] =	vst v0  }
0x2c5: {  	v0 =	vld [tilespmem:s29+$0x10]  }
0x2c6: {  	v1 =	vld [tilespmem:s29+$0x90];
	_ =	sdelay $0x1  }
0x2c7: {  	v2 =	vld [tilespmem:s29+$0x110];
	_ =	sdelay $0x1  }
0x2c8: {  	v3 =	vld [tilespmem:s29+$0x190]  }
0x2c9: {  	v0 =	vadd.f32 v1, v0  }
0x2ca: {  	v1 =	vld [tilespmem:s29+$0x210]  }
0x2cb: {  	v0 =	vadd.f32 v2, v0  }
0x2cc: {  	v2 =	vld [tilespmem:s29+$0x290]  }
0x2cd: {  	v0 =	vadd.f32 v3, v0  }
0x2ce: {  	v3 =	vld [tilespmem:s29+$0x310]  }
0x2cf: {  	v0 =	vadd.f32 v1, v0  }
0x2d0: {  	v1 =	vld [tilespmem:s29+$0x390]  }
0x2d1: {  	v0 =	vadd.f32 v2, v0;
	_ =	sdelay $0x1  }
0x2d2: {  	v0 =	vadd.f32 v3, v0;
	_ =	sdelay $0x1  }
0x2d3: {  	v0 =	vadd.f32 v1, v0;
	_ =	sdelay $0x1  }
0x2d4: {  	[tilespmem:s30+$0x16090] =	vst v0  }
0x2d5: {  	v0 =	vld [tilespmem:s29+$0x20]  }
0x2d6: {  	v1 =	vld [tilespmem:s29+$0xA0];
	_ =	sdelay $0x1  }
0x2d7: {  	v2 =	vld [tilespmem:s29+$0x120];
	_ =	sdelay $0x1  }
0x2d8: {  	v3 =	vld [tilespmem:s29+$0x1A0]  }
0x2d9: {  	v0 =	vadd.f32 v1, v0  }
0x2da: {  	v1 =	vld [tilespmem:s29+$0x220]  }
0x2db: {  	v0 =	vadd.f32 v2, v0  }
0x2dc: {  	v2 =	vld [tilespmem:s29+$0x2A0]  }
0x2dd: {  	v0 =	vadd.f32 v3, v0  }
0x2de: {  	v3 =	vld [tilespmem:s29+$0x320]  }
0x2df: {  	v0 =	vadd.f32 v1, v0  }
0x2e0: {  	v1 =	vld [tilespmem:s29+$0x3A0]  }
0x2e1: {  	v0 =	vadd.f32 v2, v0;
	_ =	sdelay $0x1  }
0x2e2: {  	v0 =	vadd.f32 v3, v0;
	_ =	sdelay $0x1  }
0x2e3: {  	v0 =	vadd.f32 v1, v0;
	_ =	sdelay $0x1  }
0x2e4: {  	[tilespmem:s30+$0x160A0] =	vst v0  }
0x2e5: {  	v0 =	vld [tilespmem:s29+$0x30]  }
0x2e6: {  	v1 =	vld [tilespmem:s29+$0xB0];
	_ =	sdelay $0x1  }
0x2e7: {  	v2 =	vld [tilespmem:s29+$0x130];
	_ =	sdelay $0x1  }
0x2e8: {  	v3 =	vld [tilespmem:s29+$0x1B0]  }
0x2e9: {  	v0 =	vadd.f32 v1, v0  }
0x2ea: {  	v1 =	vld [tilespmem:s29+$0x230]  }
0x2eb: {  	v0 =	vadd.f32 v2, v0  }
0x2ec: {  	v2 =	vld [tilespmem:s29+$0x2B0]  }
0x2ed: {  	v0 =	vadd.f32 v3, v0  }
0x2ee: {  	v3 =	vld [tilespmem:s29+$0x330]  }
0x2ef: {  	v0 =	vadd.f32 v1, v0  }
0x2f0: {  	v1 =	vld [tilespmem:s29+$0x3B0]  }
0x2f1: {  	v0 =	vadd.f32 v2, v0;
	_ =	sdelay $0x1  }
0x2f2: {  	v0 =	vadd.f32 v3, v0;
	_ =	sdelay $0x1  }
0x2f3: {  	v0 =	vadd.f32 v1, v0;
	_ =	sdelay $0x1  }
0x2f4: {  	[tilespmem:s30+$0x160B0] =	vst v0  }
0x2f5: {  	v0 =	vld [tilespmem:s29+$0x40]  }
0x2f6: {  	v1 =	vld [tilespmem:s29+$0xC0];
	_ =	sdelay $0x1  }
0x2f7: {  	v2 =	vld [tilespmem:s29+$0x140];
	_ =	sdelay $0x1  }
0x2f8: {  	v3 =	vld [tilespmem:s29+$0x1C0]  }
0x2f9: {  	v0 =	vadd.f32 v1, v0  }
0x2fa: {  	v1 =	vld [tilespmem:s29+$0x240]  }
0x2fb: {  	v0 =	vadd.f32 v2, v0  }
0x2fc: {  	v2 =	vld [tilespmem:s29+$0x2C0]  }
0x2fd: {  	v0 =	vadd.f32 v3, v0  }
0x2fe: {  	v3 =	vld [tilespmem:s29+$0x340]  }
0x2ff: {  	v0 =	vadd.f32 v1, v0  }
0x300: {  	v1 =	vld [tilespmem:s29+$0x3C0]  }
0x301: {  	v0 =	vadd.f32 v2, v0;
	_ =	sdelay $0x1  }
0x302: {  	v0 =	vadd.f32 v3, v0;
	_ =	sdelay $0x1  }
0x303: {  	v0 =	vadd.f32 v1, v0;
	_ =	sdelay $0x1  }
0x304: {  	[tilespmem:s30+$0x160C0] =	vst v0  }
0x305: {  	v0 =	vld [tilespmem:s29+$0x50]  }
0x306: {  	v1 =	vld [tilespmem:s29+$0xD0];
	_ =	sdelay $0x1  }
0x307: {  	v2 =	vld [tilespmem:s29+$0x150];
	_ =	sdelay $0x1  }
0x308: {  	v3 =	vld [tilespmem:s29+$0x1D0]  }
0x309: {  	v0 =	vadd.f32 v1, v0  }
0x30a: {  	v1 =	vld [tilespmem:s29+$0x250]  }
0x30b: {  	v0 =	vadd.f32 v2, v0  }
0x30c: {  	v2 =	vld [tilespmem:s29+$0x2D0]  }
0x30d: {  	v0 =	vadd.f32 v3, v0  }
0x30e: {  	v3 =	vld [tilespmem:s29+$0x350]  }
0x30f: {  	v0 =	vadd.f32 v1, v0  }
0x310: {  	v1 =	vld [tilespmem:s29+$0x3D0]  }
0x311: {  	v0 =	vadd.f32 v2, v0;
	_ =	sdelay $0x1  }
0x312: {  	v0 =	vadd.f32 v3, v0;
	_ =	sdelay $0x1  }
0x313: {  	v0 =	vadd.f32 v1, v0;
	_ =	sdelay $0x1  }
0x314: {  	[tilespmem:s30+$0x160D0] =	vst v0  }
0x315: {  	v0 =	vld [tilespmem:s29+$0x60]  }
0x316: {  	v1 =	vld [tilespmem:s29+$0xE0];
	_ =	sdelay $0x1  }
0x317: {  	v2 =	vld [tilespmem:s29+$0x160];
	_ =	sdelay $0x1  }
0x318: {  	v3 =	vld [tilespmem:s29+$0x1E0]  }
0x319: {  	v0 =	vadd.f32 v1, v0  }
0x31a: {  	v1 =	vld [tilespmem:s29+$0x260]  }
0x31b: {  	v0 =	vadd.f32 v2, v0  }
0x31c: {  	v2 =	vld [tilespmem:s29+$0x2E0]  }
0x31d: {  	v0 =	vadd.f32 v3, v0  }
0x31e: {  	v3 =	vld [tilespmem:s29+$0x360]  }
0x31f: {  	v0 =	vadd.f32 v1, v0  }
0x320: {  	v1 =	vld [tilespmem:s29+$0x3E0]  }
0x321: {  	v0 =	vadd.f32 v2, v0;
	_ =	sdelay $0x1  }
0x322: {  	v0 =	vadd.f32 v3, v0;
	_ =	sdelay $0x1  }
0x323: {  	v0 =	vadd.f32 v1, v0;
	_ =	sdelay $0x1  }
0x324: {  	[tilespmem:s30+$0x160E0] =	vst v0  }
0x325: {  	v2 =	vld [tilespmem:s29+$0x70]  }
0x326: {  	v3 =	vld [tilespmem:s29+$0xF0]  }
0x327: {  	v1 =	vld [tilespmem:s29+$0x170]  }
0x328: {  	s31 =	simm.s32 $0x400;
	s1 =	simm.s32 $0xD400;
	v0 =	vld [tilespmem:s29+$0x270]  }
.LBB2_5:
0x329: {  	p0 =	sne.s32 s31, $0x3C00  }
0x32a: {  	v4 =	vld [tilespmem:s29+$0x1F0];
	s1 =	sadd.s32 $0x800, s1;
	s0 =	smov.u32 s31;
	s31 =	sadd.s32 $0x400, s31  }
0x32b: {  	v5 =	vld [tilespmem:s29+$0x2F0]  }
0x32c: {  	v2 =	vadd.f32 v3, v2;
	v3 =	vld [tilespmem:s29+$0x370]  }
0x32d: {  	v6 =	vld [tilespmem:s29+$0x3F0];
	s29 =	smov.u32 s1  }
0x32e: {  	v1 =	vadd.f32 v1, v2;
	_ =	sdelay $0x1  }
0x32f: {  	v1 =	vadd.f32 v4, v1;
	_ =	sdelay $0x1  }
0x330: {  	v0 =	vadd.f32 v0, v1;
	_ =	sdelay $0x1  }
0x331: {  	v0 =	vadd.f32 v5, v0;
	_ =	sdelay $0x1  }
0x332: {  	v0 =	vadd.f32 v3, v0;
	_ =	sdelay $0x1  }
0x333: {  	v0 =	vadd.f32 v6, v0;
	_ =	sdelay $0x1  }
0x334: {  	[tilespmem:s30+$0x160F0] =	vst v0  }
0x335: {  	v0 =	vld [tilespmem:s1+$0xFFFFFC80]  }
0x336: {  	v1 =	vld [tilespmem:s1+$0xFFFFFC00]  }
0x337: {  	v2 =	vld [tilespmem:s1+$0xFFFFFD00];
	_ =	sdelay $0x1  }
0x338: {  	v3 =	vld [tilespmem:s1+$0xFFFFFD80];
	_ =	sdelay $0x1  }
0x339: {  	v0 =	vadd.f32 v0, v1;
	v1 =	vld [tilespmem:s1+$0xFFFFFE00];
	_ =	sdelay $0x1  }
0x33a: {  	v0 =	vadd.f32 v2, v0;
	v2 =	vld [tilespmem:s1+$0xFFFFFE80];
	_ =	sdelay $0x1  }
0x33b: {  	v0 =	vadd.f32 v3, v0;
	v3 =	vld [tilespmem:s1+$0xFFFFFF00];
	_ =	sdelay $0x1  }
0x33c: {  	v0 =	vadd.f32 v1, v0  }
0x33d: {  	v1 =	vld [tilespmem:s1+$0xFFFFFF80]  }
0x33e: {  	v0 =	vadd.f32 v2, v0;
	_ =	sdelay $0x1  }
0x33f: {  	v0 =	vadd.f32 v3, v0;
	_ =	sdelay $0x1  }
0x340: {  	v0 =	vadd.f32 v1, v0  }
0x341: {  	s30 =	sshra.s32 s0, $0x2  }
0x342: {  	[tilespmem:s30+$0x16000] =	vst v0  }
0x343: {  	v0 =	vld [tilespmem:s1+$0xFFFFFC10]  }
0x344: {  	v1 =	vld [tilespmem:s1+$0xFFFFFC90];
	_ =	sdelay $0x1  }
0x345: {  	v2 =	vld [tilespmem:s1+$0xFFFFFD10];
	_ =	sdelay $0x1  }
0x346: {  	v3 =	vld [tilespmem:s1+$0xFFFFFD90]  }
0x347: {  	v0 =	vadd.f32 v1, v0  }
0x348: {  	v1 =	vld [tilespmem:s1+$0xFFFFFE10]  }
0x349: {  	v0 =	vadd.f32 v2, v0  }
0x34a: {  	v2 =	vld [tilespmem:s1+$0xFFFFFE90]  }
0x34b: {  	v0 =	vadd.f32 v3, v0  }
0x34c: {  	v3 =	vld [tilespmem:s1+$0xFFFFFF10]  }
0x34d: {  	v0 =	vadd.f32 v1, v0  }
0x34e: {  	v1 =	vld [tilespmem:s1+$0xFFFFFF90]  }
0x34f: {  	v0 =	vadd.f32 v2, v0;
	_ =	sdelay $0x1  }
0x350: {  	v0 =	vadd.f32 v3, v0;
	_ =	sdelay $0x1  }
0x351: {  	v0 =	vadd.f32 v1, v0;
	_ =	sdelay $0x1  }
0x352: {  	[tilespmem:s30+$0x16010] =	vst v0  }
0x353: {  	v0 =	vld [tilespmem:s1+$0xFFFFFC20]  }
0x354: {  	v1 =	vld [tilespmem:s1+$0xFFFFFCA0];
	_ =	sdelay $0x1  }
0x355: {  	v2 =	vld [tilespmem:s1+$0xFFFFFD20];
	_ =	sdelay $0x1  }
0x356: {  	v3 =	vld [tilespmem:s1+$0xFFFFFDA0]  }
0x357: {  	v0 =	vadd.f32 v1, v0  }
0x358: {  	v1 =	vld [tilespmem:s1+$0xFFFFFE20]  }
0x359: {  	v0 =	vadd.f32 v2, v0  }
0x35a: {  	v2 =	vld [tilespmem:s1+$0xFFFFFEA0]  }
0x35b: {  	v0 =	vadd.f32 v3, v0  }
0x35c: {  	v3 =	vld [tilespmem:s1+$0xFFFFFF20]  }
0x35d: {  	v0 =	vadd.f32 v1, v0  }
0x35e: {  	v1 =	vld [tilespmem:s1+$0xFFFFFFA0]  }
0x35f: {  	v0 =	vadd.f32 v2, v0;
	_ =	sdelay $0x1  }
0x360: {  	v0 =	vadd.f32 v3, v0;
	_ =	sdelay $0x1  }
0x361: {  	v0 =	vadd.f32 v1, v0;
	_ =	sdelay $0x1  }
0x362: {  	[tilespmem:s30+$0x16020] =	vst v0  }
0x363: {  	v0 =	vld [tilespmem:s1+$0xFFFFFC30]  }
0x364: {  	v1 =	vld [tilespmem:s1+$0xFFFFFCB0]  }
0x365: {  	v2 =	vld [tilespmem:s1+$0xFFFFFF30]  }
0x366: {  	v3 =	vld [tilespmem:s1+$0xFFFFFD30];
	_ =	sdelay $0x1  }
0x367: {  	v4 =	vld [tilespmem:s1+$0xFFFFFDB0]  }
0x368: {  	v0 =	vadd.f32 v1, v0  }
0x369: {  	v1 =	vld [tilespmem:s1+$0xFFFFFE30]  }
0x36a: {  	v0 =	vadd.f32 v3, v0  }
0x36b: {  	v3 =	vld [tilespmem:s1+$0xFFFFFEB0]  }
0x36c: {  	v0 =	vadd.f32 v4, v0;
	_ =	sdelay $0x1  }
0x36d: {  	v0 =	vadd.f32 v1, v0  }
0x36e: {  	v1 =	vld [tilespmem:s1+$0xFFFFFFB0]  }
0x36f: {  	v0 =	vadd.f32 v3, v0;
	_ =	sdelay $0x1  }
0x370: {  	v0 =	vadd.f32 v2, v0;
	_ =	sdelay $0x1  }
0x371: {  	v0 =	vadd.f32 v1, v0;
	_ =	sdelay $0x1  }
0x372: {  	[tilespmem:s30+$0x16030] =	vst v0  }
0x373: {  	v0 =	vld [tilespmem:s1+$0xFFFFFC40]  }
0x374: {  	v1 =	vld [tilespmem:s1+$0xFFFFFCC0];
	_ =	sdelay $0x1  }
0x375: {  	v2 =	vld [tilespmem:s1+$0xFFFFFD40];
	_ =	sdelay $0x1  }
0x376: {  	v3 =	vld [tilespmem:s1+$0xFFFFFDC0]  }
0x377: {  	v0 =	vadd.f32 v1, v0  }
0x378: {  	v1 =	vld [tilespmem:s1+$0xFFFFFE40]  }
0x379: {  	v0 =	vadd.f32 v2, v0  }
0x37a: {  	v2 =	vld [tilespmem:s1+$0xFFFFFEC0]  }
0x37b: {  	v0 =	vadd.f32 v3, v0  }
0x37c: {  	v3 =	vld [tilespmem:s1+$0xFFFFFF40]  }
0x37d: {  	v0 =	vadd.f32 v1, v0  }
0x37e: {  	v1 =	vld [tilespmem:s1+$0xFFFFFFC0]  }
0x37f: {  	v0 =	vadd.f32 v2, v0;
	_ =	sdelay $0x1  }
0x380: {  	v0 =	vadd.f32 v3, v0;
	_ =	sdelay $0x1  }
0x381: {  	v0 =	vadd.f32 v1, v0;
	_ =	sdelay $0x1  }
0x382: {  	[tilespmem:s30+$0x16040] =	vst v0  }
0x383: {  	v0 =	vld [tilespmem:s1+$0xFFFFFC50]  }
0x384: {  	v1 =	vld [tilespmem:s1+$0xFFFFFCD0]  }
0x385: {  	v2 =	vld [tilespmem:s1+$0xFFFFFE50]  }
0x386: {  	v3 =	vld [tilespmem:s1+$0xFFFFFD50];
	_ =	sdelay $0x1  }
0x387: {  	v4 =	vld [tilespmem:s1+$0xFFFFFDD0]  }
0x388: {  	v0 =	vadd.f32 v1, v0;
	_ =	sdelay $0x1  }
0x389: {  	v0 =	vadd.f32 v3, v0  }
0x38a: {  	v1 =	vld [tilespmem:s1+$0xFFFFFED0]  }
0x38b: {  	v0 =	vadd.f32 v4, v0  }
0x38c: {  	v3 =	vld [tilespmem:s1+$0xFFFFFF50]  }
0x38d: {  	v0 =	vadd.f32 v2, v0  }
0x38e: {  	v2 =	vld [tilespmem:s1+$0xFFFFFFD0]  }
0x38f: {  	v0 =	vadd.f32 v1, v0;
	_ =	sdelay $0x1  }
0x390: {  	v0 =	vadd.f32 v3, v0;
	_ =	sdelay $0x1  }
0x391: {  	v0 =	vadd.f32 v2, v0;
	_ =	sdelay $0x1  }
0x392: {  	[tilespmem:s30+$0x16050] =	vst v0  }
0x393: {  	v0 =	vld [tilespmem:s1+$0xFFFFFC60]  }
0x394: {  	v1 =	vld [tilespmem:s1+$0xFFFFFCE0]  }
0x395: {  	v2 =	vld [tilespmem:s1+$0xFFFFFD60];
	_ =	sdelay $0x2  }
0x396: {  	v3 =	vld [tilespmem:s1+$0xFFFFFDE0]  }
0x397: {  	v0 =	vadd.f32 v1, v0  }
0x398: {  	v1 =	vld [tilespmem:s1+$0xFFFFFE60]  }
0x399: {  	v0 =	vadd.f32 v2, v0  }
0x39a: {  	v2 =	vld [tilespmem:s1+$0xFFFFFEE0]  }
0x39b: {  	v0 =	vadd.f32 v3, v0  }
0x39c: {  	v3 =	vld [tilespmem:s1+$0xFFFFFF60]  }
0x39d: {  	v0 =	vadd.f32 v1, v0  }
0x39e: {  	v1 =	vld [tilespmem:s1+$0xFFFFFFE0]  }
0x39f: {  	v0 =	vadd.f32 v2, v0;
	_ =	sdelay $0x1  }
0x3a0: {  	v0 =	vadd.f32 v3, v0;
	_ =	sdelay $0x1  }
0x3a1: {  	v0 =	vadd.f32 v1, v0;
	_ =	sdelay $0x1  }
0x3a2: {  	[tilespmem:s30+$0x16060] =	vst v0  }
0x3a3: {  	v0 =	vld [tilespmem:s1+$0xFFFFFC70]  }
0x3a4: {  	v1 =	vld [tilespmem:s1+$0xFFFFFCF0];
	_ =	sdelay $0x1  }
0x3a5: {  	v2 =	vld [tilespmem:s1+$0xFFFFFD70];
	_ =	sdelay $0x1  }
0x3a6: {  	v3 =	vld [tilespmem:s1+$0xFFFFFDF0]  }
0x3a7: {  	v0 =	vadd.f32 v1, v0  }
0x3a8: {  	v1 =	vld [tilespmem:s1+$0xFFFFFE70]  }
0x3a9: {  	v0 =	vadd.f32 v2, v0  }
0x3aa: {  	v2 =	vld [tilespmem:s1+$0xFFFFFEF0]  }
0x3ab: {  	v0 =	vadd.f32 v3, v0  }
0x3ac: {  	v3 =	vld [tilespmem:s1+$0xFFFFFF70]  }
0x3ad: {  	v0 =	vadd.f32 v1, v0  }
0x3ae: {  	v1 =	vld [tilespmem:s1+$0xFFFFFFF0]  }
0x3af: {  	v0 =	vadd.f32 v2, v0;
	_ =	sdelay $0x1  }
0x3b0: {  	v0 =	vadd.f32 v3, v0;
	_ =	sdelay $0x1  }
0x3b1: {  	v0 =	vadd.f32 v1, v0;
	_ =	sdelay $0x1  }
0x3b2: {  	[tilespmem:s30+$0x16070] =	vst v0  }
0x3b3: {  	v0 =	vld [tilespmem:s1+$0x0]  }
0x3b4: {  	v1 =	vld [tilespmem:s1+$0x80]  }
0x3b5: {  	v2 =	vld [tilespmem:s1+$0x100];
	_ =	sdelay $0x2  }
0x3b6: {  	v3 =	vld [tilespmem:s1+$0x180]  }
0x3b7: {  	v0 =	vadd.f32 v1, v0  }
0x3b8: {  	v1 =	vld [tilespmem:s1+$0x200]  }
0x3b9: {  	v0 =	vadd.f32 v2, v0  }
0x3ba: {  	v2 =	vld [tilespmem:s1+$0x280]  }
0x3bb: {  	v0 =	vadd.f32 v3, v0  }
0x3bc: {  	v3 =	vld [tilespmem:s1+$0x300]  }
0x3bd: {  	v0 =	vadd.f32 v1, v0  }
0x3be: {  	v1 =	vld [tilespmem:s1+$0x380]  }
0x3bf: {  	v0 =	vadd.f32 v2, v0;
	_ =	sdelay $0x1  }
0x3c0: {  	v0 =	vadd.f32 v3, v0;
	_ =	sdelay $0x1  }
0x3c1: {  	v0 =	vadd.f32 v1, v0;
	_ =	sdelay $0x1  }
0x3c2: {  	[tilespmem:s30+$0x16080] =	vst v0  }
0x3c3: {  	v0 =	vld [tilespmem:s1+$0x10]  }
0x3c4: {  	v1 =	vld [tilespmem:s1+$0x90]  }
0x3c5: {  	v2 =	vld [tilespmem:s1+$0x110]  }
0x3c6: {  	v3 =	vld [tilespmem:s1+$0x190]  }
0x3c7: {  	v4 =	vld [tilespmem:s1+$0x210]  }
0x3c8: {  	v5 =	vld [tilespmem:s1+$0x290]  }
0x3c9: {  	v0 =	vadd.f32 v1, v0;
	v1 =	vld [tilespmem:s1+$0x310]  }
0x3ca: {  	v6 =	vld [tilespmem:s1+$0x390]  }
0x3cb: {  	v0 =	vadd.f32 v2, v0;
	_ =	sdelay $0x1  }
0x3cc: {  	v0 =	vadd.f32 v3, v0;
	_ =	sdelay $0x1  }
0x3cd: {  	v0 =	vadd.f32 v4, v0;
	_ =	sdelay $0x1  }
0x3ce: {  	v0 =	vadd.f32 v5, v0;
	_ =	sdelay $0x1  }
0x3cf: {  	v0 =	vadd.f32 v1, v0;
	_ =	sdelay $0x1  }
0x3d0: {  	v0 =	vadd.f32 v6, v0;
	_ =	sdelay $0x1  }
0x3d1: {  	[tilespmem:s30+$0x16090] =	vst v0  }
0x3d2: {  	v0 =	vld [tilespmem:s1+$0x20]  }
0x3d3: {  	v1 =	vld [tilespmem:s1+$0xA0]  }
0x3d4: {  	v2 =	vld [tilespmem:s1+$0x120]  }
0x3d5: {  	v3 =	vld [tilespmem:s1+$0x220]  }
0x3d6: {  	v4 =	vld [tilespmem:s1+$0x1A0]  }
0x3d7: {  	v5 =	vld [tilespmem:s1+$0x2A0]  }
0x3d8: {  	v0 =	vadd.f32 v1, v0;
	v1 =	vld [tilespmem:s1+$0x320]  }
0x3d9: {  	v6 =	vld [tilespmem:s1+$0x3A0]  }
0x3da: {  	v0 =	vadd.f32 v2, v0;
	_ =	sdelay $0x1  }
0x3db: {  	v0 =	vadd.f32 v4, v0;
	_ =	sdelay $0x1  }
0x3dc: {  	v0 =	vadd.f32 v3, v0;
	_ =	sdelay $0x1  }
0x3dd: {  	v0 =	vadd.f32 v5, v0;
	_ =	sdelay $0x1  }
0x3de: {  	v0 =	vadd.f32 v1, v0;
	_ =	sdelay $0x1  }
0x3df: {  	v0 =	vadd.f32 v6, v0;
	_ =	sdelay $0x1  }
0x3e0: {  	[tilespmem:s30+$0x160A0] =	vst v0  }
0x3e1: {  	v0 =	vld [tilespmem:s1+$0x30]  }
0x3e2: {  	v1 =	vld [tilespmem:s1+$0xB0]  }
0x3e3: {  	v2 =	vld [tilespmem:s1+$0x130]  }
0x3e4: {  	v3 =	vld [tilespmem:s1+$0x1B0]  }
0x3e5: {  	v4 =	vld [tilespmem:s1+$0x230]  }
0x3e6: {  	v5 =	vld [tilespmem:s1+$0x2B0]  }
0x3e7: {  	v0 =	vadd.f32 v1, v0;
	v1 =	vld [tilespmem:s1+$0x330]  }
0x3e8: {  	v6 =	vld [tilespmem:s1+$0x3B0]  }
0x3e9: {  	v0 =	vadd.f32 v2, v0;
	_ =	sdelay $0x1  }
0x3ea: {  	v0 =	vadd.f32 v3, v0;
	_ =	sdelay $0x1  }
0x3eb: {  	v0 =	vadd.f32 v4, v0;
	_ =	sdelay $0x1  }
0x3ec: {  	v0 =	vadd.f32 v5, v0;
	_ =	sdelay $0x1  }
0x3ed: {  	v0 =	vadd.f32 v1, v0;
	_ =	sdelay $0x1  }
0x3ee: {  	v0 =	vadd.f32 v6, v0;
	_ =	sdelay $0x1  }
0x3ef: {  	[tilespmem:s30+$0x160B0] =	vst v0  }
0x3f0: {  	v0 =	vld [tilespmem:s1+$0x40]  }
0x3f1: {  	v1 =	vld [tilespmem:s1+$0xC0]  }
0x3f2: {  	v2 =	vld [tilespmem:s1+$0x1C0]  }
0x3f3: {  	v3 =	vld [tilespmem:s1+$0x140]  }
0x3f4: {  	v4 =	vld [tilespmem:s1+$0x240]  }
0x3f5: {  	v5 =	vld [tilespmem:s1+$0x2C0]  }
0x3f6: {  	v0 =	vadd.f32 v1, v0;
	v1 =	vld [tilespmem:s1+$0x340]  }
0x3f7: {  	v6 =	vld [tilespmem:s1+$0x3C0]  }
0x3f8: {  	v0 =	vadd.f32 v3, v0;
	_ =	sdelay $0x1  }
0x3f9: {  	v0 =	vadd.f32 v2, v0;
	_ =	sdelay $0x1  }
0x3fa: {  	v0 =	vadd.f32 v4, v0;
	_ =	sdelay $0x1  }
0x3fb: {  	v0 =	vadd.f32 v5, v0;
	_ =	sdelay $0x1  }
0x3fc: {  	v0 =	vadd.f32 v1, v0;
	_ =	sdelay $0x1  }
0x3fd: {  	v0 =	vadd.f32 v6, v0;
	_ =	sdelay $0x1  }
0x3fe: {  	[tilespmem:s30+$0x160C0] =	vst v0  }
0x3ff: {  	v0 =	vld [tilespmem:s1+$0x50]  }
0x400: {  	v1 =	vld [tilespmem:s1+$0xD0]  }
0x401: {  	v2 =	vld [tilespmem:s1+$0x150]  }
0x402: {  	v3 =	vld [tilespmem:s1+$0x1D0]  }
0x403: {  	v4 =	vld [tilespmem:s1+$0x250]  }
0x404: {  	v5 =	vld [tilespmem:s1+$0x2D0]  }
0x405: {  	v0 =	vadd.f32 v1, v0;
	v1 =	vld [tilespmem:s1+$0x350]  }
0x406: {  	v6 =	vld [tilespmem:s1+$0x3D0]  }
0x407: {  	v0 =	vadd.f32 v2, v0;
	_ =	sdelay $0x1  }
0x408: {  	v0 =	vadd.f32 v3, v0;
	_ =	sdelay $0x1  }
0x409: {  	v0 =	vadd.f32 v4, v0;
	_ =	sdelay $0x1  }
0x40a: {  	v0 =	vadd.f32 v5, v0;
	_ =	sdelay $0x1  }
0x40b: {  	v0 =	vadd.f32 v1, v0;
	_ =	sdelay $0x1  }
0x40c: {  	v0 =	vadd.f32 v6, v0;
	_ =	sdelay $0x1  }
0x40d: {  	[tilespmem:s30+$0x160D0] =	vst v0  }
0x40e: {  	v0 =	vld [tilespmem:s1+$0x60]  }
0x40f: {  	v1 =	vld [tilespmem:s1+$0xE0]  }
0x410: {  	v2 =	vld [tilespmem:s1+$0x160]  }
0x411: {  	v3 =	vld [tilespmem:s1+$0x1E0]  }
0x412: {  	v4 =	vld [tilespmem:s1+$0x260]  }
0x413: {  	v5 =	vld [tilespmem:s1+$0x2E0]  }
0x414: {  	v0 =	vadd.f32 v1, v0;
	v1 =	vld [tilespmem:s1+$0x360]  }
0x415: {  	v6 =	vld [tilespmem:s1+$0x3E0]  }
0x416: {  	v0 =	vadd.f32 v2, v0;
	_ =	sdelay $0x1  }
0x417: {  	v0 =	vadd.f32 v3, v0;
	_ =	sdelay $0x1  }
0x418: {  	v0 =	vadd.f32 v4, v0;
	_ =	sdelay $0x1  }
0x419: {  	v0 =	vadd.f32 v5, v0;
	_ =	sdelay $0x1  }
0x41a: {  	v0 =	vadd.f32 v1, v0;
	_ =	sdelay $0x1  }
0x41b: {  	v0 =	vadd.f32 v6, v0;
	_ =	sdelay $0x1  }
.Ltmp1:
0x41c: {  	[tilespmem:s30+$0x160E0] =	vst v0;
	(pc) =	sbr.rel @p0 .LBB2_5-.Ltmp1, $4  }
0x41d: {  	v2 =	vld [tilespmem:s1+$0x70]  }
0x41e: {  	v3 =	vld [tilespmem:s1+$0xF0]  }
0x41f: {  	v1 =	vld [tilespmem:s1+$0x170]  }
0x420: {  	v0 =	vld [tilespmem:s1+$0x270]  }
0x421: {  	_ = 	snop  }
0x422: {  	v4 =	vld [tilespmem:s29+$0x1F0]  }
0x423: {  	v2 =	vadd.f32 v3, v2;
	_ =	sdelay $0x1  }
0x424: {  	v1 =	vadd.f32 v1, v2  }
0x425: {  	v61 =	vld [tilespmem:s29+$0x2F0]  }
0x426: {  	v1 =	vadd.f32 v4, v1  }
0x427: {  	v62 =	vld [tilespmem:s29+$0x370]  }
0x428: {  	v0 =	vadd.f32 v0, v1  }
0x429: {  	v63 =	vld [tilespmem:s29+$0x3F0]  }
0x42a: {  	v0 =	vadd.f32 v61, v0;
	_ =	sdelay $0x1  }
0x42b: {  	v0 =	vadd.f32 v62, v0;
	_ =	sdelay $0x1  }
0x42c: {  	s0 =	sadd.s32 $0x3, s28;
	s1 =	smov.u32 s7;
	v0 =	vadd.f32 v63, v0  }
0x42d: {  	s29 =	sshll.u32 s26, $0xA;
	s26 =	sadd.s32 $0x1, s26;
	p0 =	slt.s32 s0, s7  }
0x42e: {  	s1 =	smov.u32 @p0 s0;
	p0 =	sne.s32 s26, s6;
	[tilespmem:s30+$0x160F0] =	vst v0;
	s30 =	sadd.s32 s10, s29  }
0x42f: {  	[hbm4b:s30+s3] =	stream.linear.scatter [tilespmem:s16], [sflag:$0x4], $0x1000, $0x38;
	[tilespmem:$0x17000] =	vst v63  }
.Ltmp2:
0x430: {  	s31 =	sshll.u32 s1, $0xA;
	(pc) =	sbr.rel @p0 .LBB2_2-.Ltmp2, $4  }
0x431: {  	s0 =	sshra.s32 s31, $0x2  }
0x432: {  	[tilespmem:s18], [sflag:$0x2] =	stream.indirect.gather [hbm4b:s2+s13], $0x80, s0, s13, $0xb8;
	[tilespmem:$0x17000] =	vst v63  }
0x433: {  	s0 =	sor.u32 $0x80, s0  }
0x434: {  	[tilespmem:s20], [sflag:$0x2] =	stream.indirect.gather [hbm4b:s2+s13], $0x80, s0, s13, $0xb8;
	[tilespmem:$0x17000] =	vst v63  }
0x435: {  	_ =	swait.ge [sflag:s21], $0x4000  }
0x436: {  	[sflag:s21] =	ssyncset.done $0x0  }
0x437: {  	[sflag:s21] =	ssyncadd.s32 $0xFFFFC000  }
0x438: {  	_ =	swait.ge [sflag:s21], $0x4000  }
0x439: {  	[sflag:s21] =	ssyncset.done $0x0  }
0x43a: {  	[sflag:s21] =	ssyncadd.s32 $0xFFFFC000  }
0x43b: {  	_ =	swait.ge [sflag:s22], $0x1000  }
0x43c: {  	[sflag:s22] =	ssyncset.done $0x0  }
0x43d: {  	[sflag:s22] =	ssyncadd.s32 $0xFFFFF000  }
0x43e: {  	_ =	swait.ge [sflag:s23], $0x4000  }
0x43f: {  	[sflag:s23] =	ssyncset.done $0x0  }
0x440: {  	s25 =	sadd.s32 $0x1, s25;
	[sflag:s23] =	ssyncadd.s32 $0xFFFFC000  }
0x441: {  	p0 =	sne.s32 s25, s9;
	_ =	swait.ge [sflag:s23], $0x4000  }
.Ltmp3:
0x442: {  	[sflag:s23] =	ssyncset.done $0x0;
	(pc) =	sbr.rel @p0 .LBB2_1-.Ltmp3, $4  }
0x443: {  	[sflag:s23] =	ssyncadd.s32 $0xFFFFC000  }
0x444: {  	_ =	swait.ge [sflag:s24], $0x1000  }
0x445: {  	[sflag:s24] =	ssyncset.done $0x0  }
0x446: {  	[sflag:s24] =	ssyncadd.s32 $0xFFFFF000  }
0x447: {  	_ =	sfence.sel $0x180000  }
0x448: {  	[bflag:$0x0] =	sbarrier.arrive $0xFFFF  }
0x449: {  	_ =	strace $0x90000047  }
0x44a: {  	s0 =	stileid.u32;
	[bflag:$0x2] =	sbarrier.arrive $0xFFFF  }
0x44b: {  	p0 =	sne.s32 s0, $0x0;
	s0 =	rddreg [dreg:$0x2]  }
0x44c: {  	s0 =	sadd.s32 @!p0 $0x100000, s0  }
0x44d: {  	[sflag:s0] =	ssyncadd.tile.s32 @!p0 $0x1;
	_ =	shalt  }
.Lfunc_end2:
_tile_overlayer_lowered:
.L_overlay_start_2:
0x44e: {  	(tag) =	ssettag $0x2  }
0x44f: {  	s0 =	rddreg [dreg:$0x0];
	s2 =	stileid.u32  }
0x450: {  	s1 =	rddreg [dreg:$0x1];
	p0 =	sne.s32 s2, $0x0  }
0x451: {  	s3 =	rddreg [dreg:$0x2];
	[bflag:$0x3] =	sbarrier.arrive $0xFFFF;
	s2 =	simm.s32 @!p0 $0x1C05  }
0x452: {  	[timem:s3], [sflag:s2] =	dma.local @!p0 [hbm:s0], s1  }
0x453: {  	s0 =	simm.s32 @!p0 $0x5  }
0x454: {  	_ =	swait.ge @!p0 [sflag:s0], s1  }
0x455: {  	s1 =	ssub.s32 @!p0 $0x0, s1;
	[sflag:s0] =	ssyncset.done @!p0 $0x0  }
0x456: {  	[sflag:s0] =	ssyncadd.s32 @!p0 s1  }
0x457: {  	[bflag:$0x3] =	sbarrier.arrive $0xFFFF  }
0x458: {  	_ =	shalt  }

</sc_bundles>
